<compile_context>
chip_gen: v7x
topology: tpu7x:2x2x1
jax: 0.10.2.dev20260603
libtpu: 0.0.44.dev20260713+nightly
codegen_flags: <defaults>
</compile_context>

<pallas_src>
import functools

import jax
import jax.numpy as jnp
from jax import lax
from jax.experimental import pallas as pl
from jax.experimental.pallas import tpu as pltpu
from jax.experimental.pallas import tpu_sc as plsc

_EPS = 1e-5


def _gn(x, g, b):
    m = jnp.mean(x, axis=-1, keepdims=True)
    v = jnp.mean((x - m) ** 2, axis=-1, keepdims=True)
    return (x - m) * jax.lax.rsqrt(v + _EPS) * g + b


def _node_pre_body(agts_ref, ctx_ref, actr_ref, cctr_ref, qWT_ref, qg_ref,
                   qb_ref, WqT_ref, WcT_ref, aWT_ref, d0WT_ref,
                   th_ref, tw_ref, a0_ref):
    agts = agts_ref[...]
    ctx = ctx_ref[...]
    q = jax.nn.relu(_gn(jnp.dot(agts, qWT_ref[...],
                                preferred_element_type=jnp.float32),
                        qg_ref[...], qb_ref[...]))

    def pack(feat, proj):
        fb = jax.lax.bitcast_convert_type(
            feat.astype(jnp.bfloat16).astype(jnp.float32), jnp.uint32)
        pb = jax.lax.bitcast_convert_type(
            proj.astype(jnp.bfloat16).astype(jnp.float32), jnp.uint32)
        return jax.lax.bitcast_convert_type(
            pb | jax.lax.shift_right_logical(fb, jnp.uint32(16)), jnp.int32)

    th_ref[...] = pack(
        jnp.dot(q, WqT_ref[...], preferred_element_type=jnp.float32),
        jnp.dot(actr_ref[...], d0WT_ref[...],
                preferred_element_type=jnp.float32))
    tw_ref[...] = pack(
        jnp.dot(ctx, WcT_ref[...], preferred_element_type=jnp.float32),
        jnp.dot(cctr_ref[...], d0WT_ref[...],
                preferred_element_type=jnp.float32))
    a0_ref[...] = jnp.dot(agts, aWT_ref[...], preferred_element_type=jnp.float32)


def _edge_body(gh_ref, gw_ref, d0b_ref, d1WT_ref, d1g_ref, d1b_ref,
               WdT_ref, c0g_ref, c0b_ref, c1WT_ref, msg_ref):
    gh = gh_ref[...]
    gw = gw_ref[...]
    _f32 = lambda x: jax.lax.bitcast_convert_type(x, jnp.float32)
    feat = lambda g: _f32(jax.lax.shift_left(g, 16))
    proj = lambda g: _f32(g & jnp.int32(-65536))
    bf = lambda x: x.astype(jnp.bfloat16)
    d0 = jax.nn.relu(proj(gh) - proj(gw) + d0b_ref[...])
    d1 = jax.nn.relu(_gn(jnp.dot(bf(d0), d1WT_ref[...],
                                 preferred_element_type=jnp.float32),
                         d1g_ref[...], d1b_ref[...]))
    pre = (jnp.dot(bf(d1), WdT_ref[...], preferred_element_type=jnp.float32)
           + feat(gh) + feat(gw))
    h = jax.nn.relu(_gn(pre, c0g_ref[...], c0b_ref[...]))
    msg_ref[...] = jnp.dot(bf(h), c1WT_ref[...],
                           preferred_element_type=jnp.float32)


def _remap_body(hi_ref, hi0_ref, hi1_ref, *, n2):
    v = hi_ref[...]
    hi0_ref[...] = jnp.where(v < n2, v, n2)
    hi1_ref[...] = jnp.where(v >= n2, v - n2, n2)


def _final_body(a0_ref, p0_ref, p1_ref, p2_ref, p3_ref, p4_ref, res_ref,
                ng_ref, nb_ref, lWT_ref, lg_ref, lb_ref, out_ref):
    a = (a0_ref[...] + p0_ref[...] + p1_ref[...] + p2_ref[...]
         + p3_ref[...] + p4_ref[...])
    a = jax.nn.relu(_gn(a, ng_ref[...], nb_ref[...]))
    a = _gn(jnp.dot(a, lWT_ref[...], preferred_element_type=jnp.float32),
            lg_ref[...], lb_ref[...])
    out_ref[...] = jax.nn.relu(a + res_ref[...])


def _make_gather(N, E, D):
    info = plsc.get_sparse_core_info()
    NC, NS = info.num_cores, info.num_subcores
    NW = NC * NS
    EP = E // NW
    CE = 200
    ITERS = EP // CE
    assert EP % CE == 0 and E % NW == 0

    assert ITERS % 2 == 0
    mesh = plsc.VectorSubcoreMesh(core_axis_name="c", subcore_axis_name="s")
    bshape = jax.ShapeDtypeStruct((E, D), jnp.int32)

    @functools.partial(
        pl.kernel, mesh=mesh,
        out_type=[bshape, bshape],
        scratch_types=[
            pltpu.VMEM((EP,), jnp.int32),
            pltpu.VMEM((EP,), jnp.int32),
            pltpu.VMEM((CE, D), jnp.int32),
            pltpu.VMEM((CE, D), jnp.int32),
            pltpu.VMEM((CE, D), jnp.int32),
            pltpu.VMEM((CE, D), jnp.int32),
            pltpu.SemaphoreType.DMA,
            pltpu.SemaphoreType.DMA,
            pltpu.SemaphoreType.DMA,
            pltpu.SemaphoreType.DMA,
        ],
    )
    def gather(th_hbm, tw_hbm, hi_hbm, wi_hbm, oh_hbm, ow_hbm,
               idxh_v, idxw_v, rhA, rwA, rhB, rwB, sHA, sWA, sHB, sWB):
        wid = lax.axis_index("s") * NC + lax.axis_index("c")
        base0 = wid * EP

        pltpu.sync_copy(hi_hbm.at[pl.ds(base0, EP)], idxh_v)
        pltpu.sync_copy(wi_hbm.at[pl.ds(base0, EP)], idxw_v)

        def start_gA(loc):
            pltpu.async_copy(th_hbm.at[idxh_v.at[pl.ds(loc, CE)]], rhA, sHA)
            pltpu.async_copy(tw_hbm.at[idxw_v.at[pl.ds(loc, CE)]], rwA, sWA)

        def start_gB(loc):
            pltpu.async_copy(th_hbm.at[idxh_v.at[pl.ds(loc, CE)]], rhB, sHB)
            pltpu.async_copy(tw_hbm.at[idxw_v.at[pl.ds(loc, CE)]], rwB, sWB)

        start_gA(0)
        start_gB(CE)

        def body(k, carry):
            locA = pl.multiple_of(2 * k * CE, 8)
            locB = locA + CE
            pltpu.make_async_copy(th_hbm.at[idxh_v.at[pl.ds(locA, CE)]],
                                  rhA, sHA).wait()
            pltpu.make_async_copy(tw_hbm.at[idxw_v.at[pl.ds(locA, CE)]],
                                  rwA, sWA).wait()
            w1 = pltpu.async_copy(rhA, oh_hbm.at[pl.ds(base0 + locA, CE)], sHA)
            w2 = pltpu.async_copy(rwA, ow_hbm.at[pl.ds(base0 + locA, CE)], sWA)
            pltpu.make_async_copy(th_hbm.at[idxh_v.at[pl.ds(locB, CE)]],
                                  rhB, sHB).wait()
            pltpu.make_async_copy(tw_hbm.at[idxw_v.at[pl.ds(locB, CE)]],
                                  rwB, sWB).wait()
            w3 = pltpu.async_copy(rhB, oh_hbm.at[pl.ds(base0 + locB, CE)], sHB)
            w4 = pltpu.async_copy(rwB, ow_hbm.at[pl.ds(base0 + locB, CE)], sWB)
            w1.wait()
            w2.wait()

            @pl.when(locA + 2 * CE < EP)
            def _():
                start_gA(pl.multiple_of(locA + 2 * CE, 8))

            w3.wait()
            w4.wait()

            @pl.when(locB + 2 * CE < EP)
            def _():
                start_gB(pl.multiple_of(locB + 2 * CE, 8))

            return carry

        lax.fori_loop(0, ITERS // 2, body, 0)

    return gather


def _make_scatter(N, E, D):
    info = plsc.get_sparse_core_info()
    NC, NS = info.num_cores, info.num_subcores
    assert NC == 2
    N2 = N // NC
    NR = N2 + 8
    EP = E // NS
    CS = 200
    ITERS = EP // CS
    RT = (NR // NS) // 8 * 8
    TAIL = NR - NS * RT
    assert EP % CS == 0 and CS % 8 == 0 and TAIL % 8 == 0 and N % (2 * 8) == 0

    mesh = plsc.VectorSubcoreMesh(core_axis_name="c", subcore_axis_name="s")

    assert ITERS % 2 == 0

    @functools.partial(
        pl.kernel, mesh=mesh,
        out_type=jax.ShapeDtypeStruct((NC * NR, D), jnp.float32),
        scratch_types=[
            pltpu.VMEM((CS,), jnp.int32),
            pltpu.VMEM((CS,), jnp.int32),
            pltpu.VMEM((CS, D), jnp.float32),
            pltpu.VMEM((CS, D), jnp.float32),
            pltpu.VMEM_SHARED((NR, D), jnp.float32),
            pltpu.SemaphoreType.DMA,
            pltpu.SemaphoreType.DMA,
            pltpu.SemaphoreType.DMA,
            pltpu.SemaphoreType.DMA,
        ],
    )
    def scatter(msg_hbm, hic_hbm, zeros_hbm, out_hbm,
                idxA, idxB, bufA, bufB, acc_sh, sIA, sIB, sMA, sMB):
        cid = lax.axis_index("c")
        sid = lax.axis_index("s")
        base0 = sid * EP

        def start_A(loc):
            pltpu.async_copy(hic_hbm.at[pl.ds(cid * E + loc, CS)], idxA, sIA)
            pltpu.async_copy(msg_hbm.at[pl.ds(loc, CS)], bufA, sMA)

        def start_B(loc):
            pltpu.async_copy(hic_hbm.at[pl.ds(cid * E + loc, CS)], idxB, sIB)
            pltpu.async_copy(msg_hbm.at[pl.ds(loc, CS)], bufB, sMB)

        start_A(pl.multiple_of(base0, 8))
        start_B(pl.multiple_of(base0 + CS, 8))

        pltpu.sync_copy(zeros_hbm.at[pl.ds(sid * RT, RT)],
                        acc_sh.at[pl.ds(sid * RT, RT)])
        if TAIL:
            @pl.when(sid == 0)
            def _():
                pltpu.sync_copy(zeros_hbm.at[pl.ds(NS * RT, TAIL)],
                                acc_sh.at[pl.ds(NS * RT, TAIL)])
        plsc.subcore_barrier()

        def body(k, carry):
            locA = pl.multiple_of(base0 + 2 * k * CS, 8)
            locB = locA + CS
            pltpu.make_async_copy(hic_hbm.at[pl.ds(locA, CS)], idxA, sIA).wait()
            pltpu.make_async_copy(msg_hbm.at[pl.ds(locA, CS)], bufA, sMA).wait()
            pltpu.sync_copy(bufA, acc_sh.at[idxA], add=True)

            @pl.when(2 * k + 2 < ITERS)
            def _():
                start_A(pl.multiple_of(locA + 2 * CS, 8))

            pltpu.make_async_copy(hic_hbm.at[pl.ds(locB, CS)], idxB, sIB).wait()
            pltpu.make_async_copy(msg_hbm.at[pl.ds(locB, CS)], bufB, sMB).wait()
            pltpu.sync_copy(bufB, acc_sh.at[idxB], add=True)

            @pl.when(2 * k + 3 < ITERS)
            def _():
                start_B(pl.multiple_of(locB + 2 * CS, 8))

            return carry

        lax.fori_loop(0, ITERS // 2, body, 0)
        plsc.subcore_barrier()
        pltpu.sync_copy(acc_sh.at[pl.ds(sid * RT, RT)],
                        out_hbm.at[pl.ds(cid * NR + sid * RT, RT)])
        if TAIL:
            @pl.when(sid == 0)
            def _():
                pltpu.sync_copy(acc_sh.at[pl.ds(NS * RT, TAIL)],
                                out_hbm.at[pl.ds(cid * NR + NS * RT, TAIL)])

    return scatter


def kernel(agts, agt_ctrs, ctx, ctx_ctrs, hi, wi,
           dist0_W, dist0_b, dist1_W, dist1_g, dist1_b,
           query_W, query_g, query_b,
           ctx0_W, ctx0_g, ctx0_b, ctx1_W,
           agt_W, norm_g, norm_b, lin_W, lin_g, lin_b):
    N, D = agts.shape
    E = hi.shape[0]

    r2 = lambda v: v.reshape(1, D)
    hi = hi.astype(jnp.int32)
    wi = wi.astype(jnp.int32)

    BN = 2000
    grid_n = N // BN
    row_spec = pl.BlockSpec((BN, D), lambda i: (i, 0))
    tab_spec = pl.BlockSpec((BN, D), lambda i: (i, 0))
    ctr_spec = pl.BlockSpec((BN, 2), lambda i: (i, 0))
    full = lambda s: pl.BlockSpec(s, lambda i: tuple(0 for _ in s))
    table_h, table_w, a0 = pl.pallas_call(
        _node_pre_body,
        grid=(grid_n,),
        in_specs=[row_spec, row_spec, ctr_spec, ctr_spec, full((D, D)),
                  full((1, D)), full((1, D)), full((D, D)), full((D, D)),
                  full((D, D)), full((2, D))],
        out_specs=[tab_spec, tab_spec, row_spec],
        out_shape=[jax.ShapeDtypeStruct((N, D), jnp.int32),
                   jax.ShapeDtypeStruct((N, D), jnp.int32),
                   jax.ShapeDtypeStruct((N, D), jnp.float32)],
    )(agts, ctx, agt_ctrs, ctx_ctrs, query_W.T, r2(query_g), r2(query_b),
      ctx0_W[:, D:2 * D].T, ctx0_W[:, 2 * D:].T, agt_W.T, dist0_W.T)

    BE = 2000
    NR = N // 2 + 8
    zeros = jnp.zeros((NR, D), jnp.float32)
    ps = []
    step = 64000 * E // 320000
    for e0 in range(0, E, step):
        e1 = e0 + step
        Es = e1 - e0
        his, wis = hi[e0:e1], wi[e0:e1]

        gh, gw = _make_gather(N, Es, D)(table_h, table_w, his, wis)

        grid_e = Es // BE
        espec = pl.BlockSpec((BE, D), lambda i: (i, 0))
        mspec = pl.BlockSpec((BE, D), lambda i: (i, 0))
        msg = pl.pallas_call(
            _edge_body,
            grid=(grid_e,),
            in_specs=[espec, espec, full((1, D)), full((D, D)),
                      full((1, D)), full((1, D)), full((D, D)), full((1, D)),
                      full((1, D)), full((D, D))],
            out_specs=mspec,
            out_shape=jax.ShapeDtypeStruct((Es, D), jnp.float32),
        )(gh, gw, r2(dist0_b), dist1_W.T.astype(jnp.bfloat16), r2(dist1_g),
          r2(dist1_b), ctx0_W[:, :D].T.astype(jnp.bfloat16), r2(ctx0_g),
          r2(ctx0_b), ctx1_W.T.astype(jnp.bfloat16))

        hi2d = his.reshape(Es // D, D)
        ispec = pl.BlockSpec((Es // D, D), lambda: (0, 0))
        hi0, hi1 = pl.pallas_call(
            functools.partial(_remap_body, n2=N // 2),
            in_specs=[ispec],
            out_specs=[ispec, ispec],
            out_shape=[jax.ShapeDtypeStruct((Es // D, D), jnp.int32)] * 2,
        )(hi2d)
        hic = jnp.concatenate([hi0.reshape(Es), hi1.reshape(Es)])

        parts = _make_scatter(N, Es, D)(msg, hic, zeros)
        ps.append(jnp.concatenate([parts[:N // 2], parts[NR:NR + N // 2]],
                                  axis=0))

    out = pl.pallas_call(
        _final_body,
        grid=(grid_n,),
        in_specs=[row_spec] * 6 + [row_spec, full((1, D)), full((1, D)),
                  full((D, D)), full((1, D)), full((1, D))],
        out_specs=row_spec,
        out_shape=jax.ShapeDtypeStruct((N, D), jnp.float32),
    )(a0, *ps, agts, r2(norm_g), r2(norm_b), lin_W.T,
      r2(lin_g), r2(lin_b))
    return out

# --- scband reference (transcript-rebuilt; emitter-appended) ---
"""Pipeline reference for scband-net-33646773797613 (READ-ONLY COPY).

The authoritative reference and input builder live on the scoring server;
editing this copy changes nothing except your own understanding.
"""

import jax, jax.numpy as jnp
import numpy as np

N, E, D = 10000, 320000, 128

def group_norm(x, g, b, eps=1e-5):
    m = jnp.mean(x, axis=-1, keepdims=True)
    v = jnp.mean((x - m) ** 2, axis=-1, keepdims=True)
    return (x - m) / jnp.sqrt(v + eps) * g + b

def setup_inputs(seed: int = 0) -> dict:
    key = jax.random.key(seed)
    ks = jax.random.split(key, 16)
    def w(k, shape, fan_in):
        return jax.random.normal(k, shape, dtype=jnp.float32) / np.sqrt(fan_in)
    return {
        "agts": jax.random.normal(ks[0], (N, D), dtype=jnp.float32),
        "agt_ctrs": jax.random.normal(ks[1], (N, 2), dtype=jnp.float32),
        "ctx": jax.random.normal(ks[2], (N, D), dtype=jnp.float32),
        "ctx_ctrs": jax.random.normal(ks[3], (N, 2), dtype=jnp.float32),
        "hi": jax.random.randint(ks[4], (E,), 0, N),
        "wi": jax.random.randint(ks[5], (E,), 0, N),
        "dist0_W": w(ks[6], (D, 2), 2), "dist0_b": jnp.zeros((D,), jnp.float32),
        "dist1_W": w(ks[7], (D, D), D), "dist1_g": jnp.ones((D,), jnp.float32), "dist1_b": jnp.zeros((D,), jnp.float32),
        "query_W": w(ks[8], (D, D), D), "query_g": jnp.ones((D,), jnp.float32), "query_b": jnp.zeros((D,), jnp.float32),
        "ctx0_W": w(ks[9], (D, 3 * D), 3 * D), "ctx0_g": jnp.ones((D,), jnp.float32), "ctx0_b": jnp.zeros((D,), jnp.float32),
        "ctx1_W": w(ks[10], (D, D), D),
        "agt_W": w(ks[11], (D, D), D),
        "norm_g": jnp.ones((D,), jnp.float32), "norm_b": jnp.zeros((D,), jnp.float32),
        "lin_W": w(ks[12], (D, D), D), "lin_g": jnp.ones((D,), jnp.float32), "lin_b": jnp.zeros((D,), jnp.float32),
    }

def reference(agts, agt_ctrs, ctx, ctx_ctrs, hi, wi,
              dist0_W, dist0_b, dist1_W, dist1_g, dist1_b,
              query_W, query_g, query_b,
              ctx0_W, ctx0_g, ctx0_b, ctx1_W,
              agt_W, norm_g, norm_b, lin_W, lin_g, lin_b):
    res = agts
    # edge geometric features: gather centers by edge endpoints
    d = jnp.take(agt_ctrs, hi, axis=0) - jnp.take(ctx_ctrs, wi, axis=0)
    d = jax.nn.relu(d @ dist0_W.T + dist0_b)
    d = jax.nn.relu(group_norm(d @ dist1_W.T, dist1_g, dist1_b))
    # query: gather target-node features per edge
    q = jax.nn.relu(group_norm(jnp.take(agts, hi, axis=0) @ query_W.T, query_g, query_b))
    # context: gather source-node features per edge
    c = jnp.take(ctx, wi, axis=0)
    c = jnp.concatenate((d, q, c), axis=1)
    c = jax.nn.relu(group_norm(c @ ctx0_W.T, ctx0_g, ctx0_b))
    c = c @ ctx1_W.T
    # aggregate messages into target nodes (scatter-add)
    a = agts @ agt_W.T
    a = a.at[hi].add(c)
    a = jax.nn.relu(group_norm(a, norm_g, norm_b))
    a = group_norm(a @ lin_W.T, lin_g, lin_b)
    a = a + res
    return jax.nn.relu(a)

if __name__ == "__main__":
    import jax
    _d = setup_inputs()
    print(jax.jit(kernel)(*tuple(_d.values())))

</pallas_src>

<mosaic_0001>
#map = affine_map<(d0, d1) -> (0, 0)>
#map1 = affine_map<(d0, d1) -> (0)>
module attributes {stable_mosaic.version = 14 : i64} {
  func.func @gather(%arg0: i32, %arg1: i32, %arg2: memref<10000x128xi32, #tpu.memory_space<hbm>>, %arg3: memref<10000x128xi32, #tpu.memory_space<hbm>>, %arg4: memref<64000xi32, #tpu.memory_space<hbm>>, %arg5: memref<64000xi32, #tpu.memory_space<hbm>>, %arg6: memref<64000x128xi32, #tpu.memory_space<hbm>>, %arg7: memref<64000x128xi32, #tpu.memory_space<hbm>>, %arg8: memref<2000xi32, #tpu.memory_space<vmem>>, %arg9: memref<2000xi32, #tpu.memory_space<vmem>>, %arg10: memref<200x128xi32, #tpu.memory_space<vmem>>, %arg11: memref<200x128xi32, #tpu.memory_space<vmem>>, %arg12: memref<200x128xi32, #tpu.memory_space<vmem>>, %arg13: memref<200x128xi32, #tpu.memory_space<vmem>>, %arg14: memref<!tpu.dma_semaphore, #tpu.memory_space<semaphore_mem>>, %arg15: memref<!tpu.dma_semaphore, #tpu.memory_space<semaphore_mem>>, %arg16: memref<!tpu.dma_semaphore, #tpu.memory_space<semaphore_mem>>, %arg17: memref<!tpu.dma_semaphore, #tpu.memory_space<semaphore_mem>>) attributes {dimension_semantics = [#tpu.dimension_semantics<core_parallel>, #tpu.dimension_semantics<subcore_parallel>], iteration_bounds = array<i64: 2, 16>, scalar_prefetch = 0 : i64, scratch_operands = 10 : i64, tpu.core_type = #tpu.core_type<sc_vector_subcore>, window_params = [{transform_indices = #map}, {transform_indices = #map}, {transform_indices = #map1}, {transform_indices = #map1}, {transform_indices = #map}, {transform_indices = #map}]} {
    %mul3A = arith.constant 2 : i32
    %mul3A_0 = arith.muli %arg1, %mul3A : i32
    %add3A = arith.addi %mul3A_0, %arg0 : i32
    %mul3A_1 = arith.constant 2000 : i32
    %mul3A_2 = arith.muli %add3A, %mul3A_1 : i32
    "tpu.region"() ({
      %run_scoped3A = tpu.sem_alloc : memref<!tpu.dma_semaphore, #tpu.memory_space<semaphore_mem>>
      %dma_start3A_27 = tpu.memref_slice %arg4[%mul3A_2] : memref<64000xi32, #tpu.memory_space<hbm>> -> memref<2000xi32, #tpu.memory_space<hbm>>
      %dma_start3A_28 = tpu.memref_slice %arg4[%mul3A_2] : memref<64000xi32, #tpu.memory_space<hbm>> -> memref<2000xi32, #tpu.memory_space<hbm>>
      tpu.enqueue_dma source(%dma_start3A_28 : memref<2000xi32, #tpu.memory_space<hbm>>) target(%arg8 : memref<2000xi32, #tpu.memory_space<vmem>>) target_semaphore(%run_scoped3A : memref<!tpu.dma_semaphore, #tpu.memory_space<semaphore_mem>>)
      %dma_wait3A = tpu.memref_slice %arg4[%mul3A_2] : memref<64000xi32, #tpu.memory_space<hbm>> -> memref<2000xi32, #tpu.memory_space<hbm>>
      %dma_wait3A_29 = tpu.memref_slice %arg4[%mul3A_2] : memref<64000xi32, #tpu.memory_space<hbm>> -> memref<2000xi32, #tpu.memory_space<hbm>>
      tpu.wait_dma2 semaphore(%run_scoped3A : memref<!tpu.dma_semaphore, #tpu.memory_space<semaphore_mem>>) src(%dma_wait3A_29 : memref<2000xi32, #tpu.memory_space<hbm>>) dst(%arg8 : memref<2000xi32, #tpu.memory_space<vmem>>)
      tpu.yield
    }) : () -> ()
    "tpu.region"() ({
      %run_scoped3A = tpu.sem_alloc : memref<!tpu.dma_semaphore, #tpu.memory_space<semaphore_mem>>
      %dma_start3A_27 = tpu.memref_slice %arg5[%mul3A_2] : memref<64000xi32, #tpu.memory_space<hbm>> -> memref<2000xi32, #tpu.memory_space<hbm>>
      %dma_start3A_28 = tpu.memref_slice %arg5[%mul3A_2] : memref<64000xi32, #tpu.memory_space<hbm>> -> memref<2000xi32, #tpu.memory_space<hbm>>
      tpu.enqueue_dma source(%dma_start3A_28 : memref<2000xi32, #tpu.memory_space<hbm>>) target(%arg9 : memref<2000xi32, #tpu.memory_space<vmem>>) target_semaphore(%run_scoped3A : memref<!tpu.dma_semaphore, #tpu.memory_space<semaphore_mem>>)
      %dma_wait3A = tpu.memref_slice %arg5[%mul3A_2] : memref<64000xi32, #tpu.memory_space<hbm>> -> memref<2000xi32, #tpu.memory_space<hbm>>
      %dma_wait3A_29 = tpu.memref_slice %arg5[%mul3A_2] : memref<64000xi32, #tpu.memory_space<hbm>> -> memref<2000xi32, #tpu.memory_space<hbm>>
      tpu.wait_dma2 semaphore(%run_scoped3A : memref<!tpu.dma_semaphore, #tpu.memory_space<semaphore_mem>>) src(%dma_wait3A_29 : memref<2000xi32, #tpu.memory_space<hbm>>) dst(%arg9 : memref<2000xi32, #tpu.memory_space<vmem>>)
      tpu.yield
    }) : () -> ()
    %dma_start3A = arith.constant 0 : i32
    %dma_start3A_3 = tpu.memref_slice %arg8[%dma_start3A] : memref<2000xi32, #tpu.memory_space<vmem>> -> memref<200xi32, #tpu.memory_space<vmem>>
    %dma_start3A_4 = arith.constant 0 : i32
    %dma_start3A_5 = arith.constant 0 : i32
    %dma_start3A_6 = tpu.memref_slice %arg2[%dma_start3A_4, %dma_start3A_5] : memref<10000x128xi32, #tpu.memory_space<hbm>> -> memref<10000x128xi32, #tpu.memory_space<hbm>>
    tpu.enqueue_indirect_dma source(%dma_start3A_6 : memref<10000x128xi32, #tpu.memory_space<hbm>>) target(%arg10 : memref<200x128xi32, #tpu.memory_space<vmem>>) offsets(%dma_start3A_3 : memref<200xi32, #tpu.memory_space<vmem>>) semaphore(%arg14 : memref<!tpu.dma_semaphore, #tpu.memory_space<semaphore_mem>>)
    %dma_start3A_7 = arith.constant 0 : i32
    %dma_start3A_8 = tpu.memref_slice %arg9[%dma_start3A_7] : memref<2000xi32, #tpu.memory_space<vmem>> -> memref<200xi32, #tpu.memory_space<vmem>>
    %dma_start3A_9 = arith.constant 0 : i32
    %dma_start3A_10 = arith.constant 0 : i32
    %dma_start3A_11 = tpu.memref_slice %arg3[%dma_start3A_9, %dma_start3A_10] : memref<10000x128xi32, #tpu.memory_space<hbm>> -> memref<10000x128xi32, #tpu.memory_space<hbm>>
    tpu.enqueue_indirect_dma source(%dma_start3A_11 : memref<10000x128xi32, #tpu.memory_space<hbm>>) target(%arg11 : memref<200x128xi32, #tpu.memory_space<vmem>>) offsets(%dma_start3A_8 : memref<200xi32, #tpu.memory_space<vmem>>) semaphore(%arg15 : memref<!tpu.dma_semaphore, #tpu.memory_space<semaphore_mem>>)
    %dma_start3A_12 = arith.constant 200 : i32
    %dma_start3A_13 = tpu.memref_slice %arg8[%dma_start3A_12] : memref<2000xi32, #tpu.memory_space<vmem>> -> memref<200xi32, #tpu.memory_space<vmem>>
    %dma_start3A_14 = arith.constant 0 : i32
    %dma_start3A_15 = arith.constant 0 : i32
    %dma_start3A_16 = tpu.memref_slice %arg2[%dma_start3A_14, %dma_start3A_15] : memref<10000x128xi32, #tpu.memory_space<hbm>> -> memref<10000x128xi32, #tpu.memory_space<hbm>>
    tpu.enqueue_indirect_dma source(%dma_start3A_16 : memref<10000x128xi32, #tpu.memory_space<hbm>>) target(%arg12 : memref<200x128xi32, #tpu.memory_space<vmem>>) offsets(%dma_start3A_13 : memref<200xi32, #tpu.memory_space<vmem>>) semaphore(%arg16 : memref<!tpu.dma_semaphore, #tpu.memory_space<semaphore_mem>>)
    %dma_start3A_17 = arith.constant 200 : i32
    %dma_start3A_18 = tpu.memref_slice %arg9[%dma_start3A_17] : memref<2000xi32, #tpu.memory_space<vmem>> -> memref<200xi32, #tpu.memory_space<vmem>>
    %dma_start3A_19 = arith.constant 0 : i32
    %dma_start3A_20 = arith.constant 0 : i32
    %dma_start3A_21 = tpu.memref_slice %arg3[%dma_start3A_19, %dma_start3A_20] : memref<10000x128xi32, #tpu.memory_space<hbm>> -> memref<10000x128xi32, #tpu.memory_space<hbm>>
    tpu.enqueue_indirect_dma source(%dma_start3A_21 : memref<10000x128xi32, #tpu.memory_space<hbm>>) target(%arg13 : memref<200x128xi32, #tpu.memory_space<vmem>>) offsets(%dma_start3A_18 : memref<200xi32, #tpu.memory_space<vmem>>) semaphore(%arg17 : memref<!tpu.dma_semaphore, #tpu.memory_space<semaphore_mem>>)
    %scan3A = arith.constant 0 : i32
    %scan3A_22 = arith.constant 0 : i32
    %scan3A_23 = arith.constant 5 : i32
    %scan3A_24 = arith.addi %scan3A_22, %scan3A_23 : i32
    %scan3A_25 = arith.constant 1 : i32
    scf.for %scan3A_27 = %scan3A_22 to %scan3A_24 step %scan3A_25  : i32 {
      %mul3A_28 = arith.constant 2 : i32
      %mul3A_29 = arith.muli %mul3A_28, %scan3A_27 : i32
      %mul3A_30 = arith.constant 200 : i32
      %mul3A_31 = arith.muli %mul3A_29, %mul3A_30 : i32
      %multiple_of3A = tpu.assume_multiple %mul3A_31, 8 : i32
      %add3A_32 = arith.constant 200 : i32
      %add3A_33 = arith.addi %multiple_of3A, %add3A_32 : i32
      %dma_wait3A = tpu.memref_slice %arg8[%multiple_of3A] : memref<2000xi32, #tpu.memory_space<vmem>> -> memref<200xi32, #tpu.memory_space<vmem>>
      %dma_wait3A_34 = arith.constant 0 : i32
      %dma_wait3A_35 = arith.constant 0 : i32
      %dma_wait3A_36 = tpu.memref_slice %arg2[%dma_wait3A_34, %dma_wait3A_35] : memref<10000x128xi32, #tpu.memory_space<hbm>> -> memref<10000x128xi32, #tpu.memory_space<hbm>>
      tpu.wait_indirect_dma semaphore(%arg14 : memref<!tpu.dma_semaphore, #tpu.memory_space<semaphore_mem>>) src(%dma_wait3A_36 : memref<10000x128xi32, #tpu.memory_space<hbm>>) dst(%arg10 : memref<200x128xi32, #tpu.memory_space<vmem>>)
      %dma_wait3A_37 = tpu.memref_slice %arg9[%multiple_of3A] : memref<2000xi32, #tpu.memory_space<vmem>> -> memref<200xi32, #tpu.memory_space<vmem>>
      %dma_wait3A_38 = arith.constant 0 : i32
      %dma_wait3A_39 = arith.constant 0 : i32
      %dma_wait3A_40 = tpu.memref_slice %arg3[%dma_wait3A_38, %dma_wait3A_39] : memref<10000x128xi32, #tpu.memory_space<hbm>> -> memref<10000x128xi32, #tpu.memory_space<hbm>>
      tpu.wait_indirect_dma semaphore(%arg15 : memref<!tpu.dma_semaphore, #tpu.memory_space<semaphore_mem>>) src(%dma_wait3A_40 : memref<10000x128xi32, #tpu.memory_space<hbm>>) dst(%arg11 : memref<200x128xi32, #tpu.memory_space<vmem>>)
      %add3A_41 = arith.addi %mul3A_2, %multiple_of3A : i32
      %dma_start3A_42 = arith.constant 0 : i32
      %dma_start3A_43 = tpu.memref_slice %arg6[%add3A_41, %dma_start3A_42] : memref<64000x128xi32, #tpu.memory_space<hbm>> -> memref<200x128xi32, #tpu.memory_space<hbm>>
      %dma_start3A_44 = arith.constant 0 : i32
      %dma_start3A_45 = tpu.memref_slice %arg6[%add3A_41, %dma_start3A_44] : memref<64000x128xi32, #tpu.memory_space<hbm>> -> memref<200x128xi32, #tpu.memory_space<hbm>>
      tpu.enqueue_dma source(%arg10 : memref<200x128xi32, #tpu.memory_space<vmem>>) target(%dma_start3A_45 : memref<200x128xi32, #tpu.memory_space<hbm>>) target_semaphore(%arg14 : memref<!tpu.dma_semaphore, #tpu.memory_space<semaphore_mem>>)
      %add3A_46 = arith.addi %mul3A_2, %multiple_of3A : i32
      %dma_start3A_47 = arith.constant 0 : i32
      %dma_start3A_48 = tpu.memref_slice %arg7[%add3A_46, %dma_start3A_47] : memref<64000x128xi32, #tpu.memory_space<hbm>> -> memref<200x128xi32, #tpu.memory_space<hbm>>
      %dma_start3A_49 = arith.constant 0 : i32
      %dma_start3A_50 = tpu.memref_slice %arg7[%add3A_46, %dma_start3A_49] : memref<64000x128xi32, #tpu.memory_space<hbm>> -> memref<200x128xi32, #tpu.memory_space<hbm>>
      tpu.enqueue_dma source(%arg11 : memref<200x128xi32, #tpu.memory_space<vmem>>) target(%dma_start3A_50 : memref<200x128xi32, #tpu.memory_space<hbm>>) target_semaphore(%arg15 : memref<!tpu.dma_semaphore, #tpu.memory_space<semaphore_mem>>)
      %dma_wait3A_51 = tpu.memref_slice %arg8[%add3A_33] : memref<2000xi32, #tpu.memory_space<vmem>> -> memref<200xi32, #tpu.memory_space<vmem>>
      %dma_wait3A_52 = arith.constant 0 : i32
      %dma_wait3A_53 = arith.constant 0 : i32
      %dma_wait3A_54 = tpu.memref_slice %arg2[%dma_wait3A_52, %dma_wait3A_53] : memref<10000x128xi32, #tpu.memory_space<hbm>> -> memref<10000x128xi32, #tpu.memory_space<hbm>>
      tpu.wait_indirect_dma semaphore(%arg16 : memref<!tpu.dma_semaphore, #tpu.memory_space<semaphore_mem>>) src(%dma_wait3A_54 : memref<10000x128xi32, #tpu.memory_space<hbm>>) dst(%arg12 : memref<200x128xi32, #tpu.memory_space<vmem>>)
      %dma_wait3A_55 = tpu.memref_slice %arg9[%add3A_33] : memref<2000xi32, #tpu.memory_space<vmem>> -> memref<200xi32, #tpu.memory_space<vmem>>
      %dma_wait3A_56 = arith.constant 0 : i32
      %dma_wait3A_57 = arith.constant 0 : i32
      %dma_wait3A_58 = tpu.memref_slice %arg3[%dma_wait3A_56, %dma_wait3A_57] : memref<10000x128xi32, #tpu.memory_space<hbm>> -> memref<10000x128xi32, #tpu.memory_space<hbm>>
      tpu.wait_indirect_dma semaphore(%arg17 : memref<!tpu.dma_semaphore, #tpu.memory_space<semaphore_mem>>) src(%dma_wait3A_58 : memref<10000x128xi32, #tpu.memory_space<hbm>>) dst(%arg13 : memref<200x128xi32, #tpu.memory_space<vmem>>)
      %add3A_59 = arith.addi %mul3A_2, %add3A_33 : i32
      %dma_start3A_60 = arith.constant 0 : i32
      %dma_start3A_61 = tpu.memref_slice %arg6[%add3A_59, %dma_start3A_60] : memref<64000x128xi32, #tpu.memory_space<hbm>> -> memref<200x128xi32, #tpu.memory_space<hbm>>
      %dma_start3A_62 = arith.constant 0 : i32
      %dma_start3A_63 = tpu.memref_slice %arg6[%add3A_59, %dma_start3A_62] : memref<64000x128xi32, #tpu.memory_space<hbm>> -> memref<200x128xi32, #tpu.memory_space<hbm>>
      tpu.enqueue_dma source(%arg12 : memref<200x128xi32, #tpu.memory_space<vmem>>) target(%dma_start3A_63 : memref<200x128xi32, #tpu.memory_space<hbm>>) target_semaphore(%arg16 : memref<!tpu.dma_semaphore, #tpu.memory_space<semaphore_mem>>)
      %add3A_64 = arith.addi %mul3A_2, %add3A_33 : i32
      %dma_start3A_65 = arith.constant 0 : i32
      %dma_start3A_66 = tpu.memref_slice %arg7[%add3A_64, %dma_start3A_65] : memref<64000x128xi32, #tpu.memory_space<hbm>> -> memref<200x128xi32, #tpu.memory_space<hbm>>
      %dma_start3A_67 = arith.constant 0 : i32
      %dma_start3A_68 = tpu.memref_slice %arg7[%add3A_64, %dma_start3A_67] : memref<64000x128xi32, #tpu.memory_space<hbm>> -> memref<200x128xi32, #tpu.memory_space<hbm>>
      tpu.enqueue_dma source(%arg13 : memref<200x128xi32, #tpu.memory_space<vmem>>) target(%dma_start3A_68 : memref<200x128xi32, #tpu.memory_space<hbm>>) target_semaphore(%arg17 : memref<!tpu.dma_semaphore, #tpu.memory_space<semaphore_mem>>)
      %dma_wait3A_69 = arith.constant 0 : i32
      %dma_wait3A_70 = tpu.memref_slice %arg6[%add3A_41, %dma_wait3A_69] : memref<64000x128xi32, #tpu.memory_space<hbm>> -> memref<200x128xi32, #tpu.memory_space<hbm>>
      %dma_wait3A_71 = arith.constant 0 : i32
      %dma_wait3A_72 = tpu.memref_slice %arg6[%add3A_41, %dma_wait3A_71] : memref<64000x128xi32, #tpu.memory_space<hbm>> -> memref<200x128xi32, #tpu.memory_space<hbm>>
      tpu.wait_dma2 semaphore(%arg14 : memref<!tpu.dma_semaphore, #tpu.memory_space<semaphore_mem>>) src(%arg10 : memref<200x128xi32, #tpu.memory_space<vmem>>) dst(%dma_wait3A_72 : memref<200x128xi32, #tpu.memory_space<hbm>>)
      %dma_wait3A_73 = arith.constant 0 : i32
      %dma_wait3A_74 = tpu.memref_slice %arg7[%add3A_46, %dma_wait3A_73] : memref<64000x128xi32, #tpu.memory_space<hbm>> -> memref<200x128xi32, #tpu.memory_space<hbm>>
      %dma_wait3A_75 = arith.constant 0 : i32
      %dma_wait3A_76 = tpu.memref_slice %arg7[%add3A_46, %dma_wait3A_75] : memref<64000x128xi32, #tpu.memory_space<hbm>> -> memref<200x128xi32, #tpu.memory_space<hbm>>
      tpu.wait_dma2 semaphore(%arg15 : memref<!tpu.dma_semaphore, #tpu.memory_space<semaphore_mem>>) src(%arg11 : memref<200x128xi32, #tpu.memory_space<vmem>>) dst(%dma_wait3A_76 : memref<200x128xi32, #tpu.memory_space<hbm>>)
      %add3A_77 = arith.constant 400 : i32
      %add3A_78 = arith.addi %multiple_of3A, %add3A_77 : i32
      %lt3A = arith.constant 2000 : i32
      %lt3A_79 = arith.cmpi slt, %add3A_78, %lt3A : i32
      %convert_element_type3A = arith.extui %lt3A_79 : i1 to i32
      %cond3A = arith.constant 0 : i32
      %cond3A_80 = arith.cmpi ne, %convert_element_type3A, %cond3A : i32
      scf.if %cond3A_80 {
        %add3A_96 = arith.constant 400 : i32
        %add3A_97 = arith.addi %multiple_of3A, %add3A_96 : i32
        %multiple_of3A_98 = tpu.assume_multiple %add3A_97, 8 : i32
        %dma_start3A_99 = tpu.memref_slice %arg8[%multiple_of3A_98] : memref<2000xi32, #tpu.memory_space<vmem>> -> memref<200xi32, #tpu.memory_space<vmem>>
        %dma_start3A_100 = arith.constant 0 : i32
        %dma_start3A_101 = arith.constant 0 : i32
        %dma_start3A_102 = tpu.memref_slice %arg2[%dma_start3A_100, %dma_start3A_101] : memref<10000x128xi32, #tpu.memory_space<hbm>> -> memref<10000x128xi32, #tpu.memory_space<hbm>>
        tpu.enqueue_indirect_dma source(%dma_start3A_102 : memref<10000x128xi32, #tpu.memory_space<hbm>>) target(%arg10 : memref<200x128xi32, #tpu.memory_space<vmem>>) offsets(%dma_start3A_99 : memref<200xi32, #tpu.memory_space<vmem>>) semaphore(%arg14 : memref<!tpu.dma_semaphore, #tpu.memory_space<semaphore_mem>>)
        %dma_start3A_103 = tpu.memref_slice %arg9[%multiple_of3A_98] : memref<2000xi32, #tpu.memory_space<vmem>> -> memref<200xi32, #tpu.memory_space<vmem>>
        %dma_start3A_104 = arith.constant 0 : i32
        %dma_start3A_105 = arith.constant 0 : i32
        %dma_start3A_106 = tpu.memref_slice %arg3[%dma_start3A_104, %dma_start3A_105] : memref<10000x128xi32, #tpu.memory_space<hbm>> -> memref<10000x128xi32, #tpu.memory_space<hbm>>
        tpu.enqueue_indirect_dma source(%dma_start3A_106 : memref<10000x128xi32, #tpu.memory_space<hbm>>) target(%arg11 : memref<200x128xi32, #tpu.memory_space<vmem>>) offsets(%dma_start3A_103 : memref<200xi32, #tpu.memory_space<vmem>>) semaphore(%arg15 : memref<!tpu.dma_semaphore, #tpu.memory_space<semaphore_mem>>)
      } else {
      }
      %dma_wait3A_81 = arith.constant 0 : i32
      %dma_wait3A_82 = tpu.memref_slice %arg6[%add3A_59, %dma_wait3A_81] : memref<64000x128xi32, #tpu.memory_space<hbm>> -> memref<200x128xi32, #tpu.memory_space<hbm>>
      %dma_wait3A_83 = arith.constant 0 : i32
      %dma_wait3A_84 = tpu.memref_slice %arg6[%add3A_59, %dma_wait3A_83] : memref<64000x128xi32, #tpu.memory_space<hbm>> -> memref<200x128xi32, #tpu.memory_space<hbm>>
      tpu.wait_dma2 semaphore(%arg16 : memref<!tpu.dma_semaphore, #tpu.memory_space<semaphore_mem>>) src(%arg12 : memref<200x128xi32, #tpu.memory_space<vmem>>) dst(%dma_wait3A_84 : memref<200x128xi32, #tpu.memory_space<hbm>>)
      %dma_wait3A_85 = arith.constant 0 : i32
      %dma_wait3A_86 = tpu.memref_slice %arg7[%add3A_64, %dma_wait3A_85] : memref<64000x128xi32, #tpu.memory_space<hbm>> -> memref<200x128xi32, #tpu.memory_space<hbm>>
      %dma_wait3A_87 = arith.constant 0 : i32
      %dma_wait3A_88 = tpu.memref_slice %arg7[%add3A_64, %dma_wait3A_87] : memref<64000x128xi32, #tpu.memory_space<hbm>> -> memref<200x128xi32, #tpu.memory_space<hbm>>
      tpu.wait_dma2 semaphore(%arg17 : memref<!tpu.dma_semaphore, #tpu.memory_space<semaphore_mem>>) src(%arg13 : memref<200x128xi32, #tpu.memory_space<vmem>>) dst(%dma_wait3A_88 : memref<200x128xi32, #tpu.memory_space<hbm>>)
      %add3A_89 = arith.constant 400 : i32
      %add3A_90 = arith.addi %add3A_33, %add3A_89 : i32
      %lt3A_91 = arith.constant 2000 : i32
      %lt3A_92 = arith.cmpi slt, %add3A_90, %lt3A_91 : i32
      %convert_element_type3A_93 = arith.extui %lt3A_92 : i1 to i32
      %cond3A_94 = arith.constant 0 : i32
      %cond3A_95 = arith.cmpi ne, %convert_element_type3A_93, %cond3A_94 : i32
      scf.if %cond3A_95 {
        %add3A_96 = arith.constant 400 : i32
        %add3A_97 = arith.addi %add3A_33, %add3A_96 : i32
        %multiple_of3A_98 = tpu.assume_multiple %add3A_97, 8 : i32
        %dma_start3A_99 = tpu.memref_slice %arg8[%multiple_of3A_98] : memref<2000xi32, #tpu.memory_space<vmem>> -> memref<200xi32, #tpu.memory_space<vmem>>
        %dma_start3A_100 = arith.constant 0 : i32
        %dma_start3A_101 = arith.constant 0 : i32
        %dma_start3A_102 = tpu.memref_slice %arg2[%dma_start3A_100, %dma_start3A_101] : memref<10000x128xi32, #tpu.memory_space<hbm>> -> memref<10000x128xi32, #tpu.memory_space<hbm>>
        tpu.enqueue_indirect_dma source(%dma_start3A_102 : memref<10000x128xi32, #tpu.memory_space<hbm>>) target(%arg12 : memref<200x128xi32, #tpu.memory_space<vmem>>) offsets(%dma_start3A_99 : memref<200xi32, #tpu.memory_space<vmem>>) semaphore(%arg16 : memref<!tpu.dma_semaphore, #tpu.memory_space<semaphore_mem>>)
        %dma_start3A_103 = tpu.memref_slice %arg9[%multiple_of3A_98] : memref<2000xi32, #tpu.memory_space<vmem>> -> memref<200xi32, #tpu.memory_space<vmem>>
        %dma_start3A_104 = arith.constant 0 : i32
        %dma_start3A_105 = arith.constant 0 : i32
        %dma_start3A_106 = tpu.memref_slice %arg3[%dma_start3A_104, %dma_start3A_105] : memref<10000x128xi32, #tpu.memory_space<hbm>> -> memref<10000x128xi32, #tpu.memory_space<hbm>>
        tpu.enqueue_indirect_dma source(%dma_start3A_106 : memref<10000x128xi32, #tpu.memory_space<hbm>>) target(%arg13 : memref<200x128xi32, #tpu.memory_space<vmem>>) offsets(%dma_start3A_103 : memref<200xi32, #tpu.memory_space<vmem>>) semaphore(%arg17 : memref<!tpu.dma_semaphore, #tpu.memory_space<semaphore_mem>>)
      } else {
      }
    }
    %scan3A_26 = arith.constant 5 : i32
    return
  }
}

#map = affine_map<(d0, d1) -> (0, 0)>
#map1 = affine_map<(d0, d1) -> (0)>
module attributes {stable_mosaic.version = 14 : i64} {
  func.func @gather(%arg0: i32, %arg1: i32, %arg2: memref<10000x128xi32, #tpu.memory_space<hbm>>, %arg3: memref<10000x128xi32, #tpu.memory_space<hbm>>, %arg4: memref<64000xi32, #tpu.memory_space<hbm>>, %arg5: memref<64000xi32, #tpu.memory_space<hbm>>, %arg6: memref<64000x128xi32, #tpu.memory_space<hbm>>, %arg7: memref<64000x128xi32, #tpu.memory_space<hbm>>, %arg8: memref<2000xi32, #tpu.memory_space<vmem>>, %arg9: memref<2000xi32, #tpu.memory_space<vmem>>, %arg10: memref<200x128xi32, #tpu.memory_space<vmem>>, %arg11: memref<200x128xi32, #tpu.memory_space<vmem>>, %arg12: memref<200x128xi32, #tpu.memory_space<vmem>>, %arg13: memref<200x128xi32, #tpu.memory_space<vmem>>, %arg14: memref<!tpu.dma_semaphore, #tpu.memory_space<semaphore_mem>>, %arg15: memref<!tpu.dma_semaphore, #tpu.memory_space<semaphore_mem>>, %arg16: memref<!tpu.dma_semaphore, #tpu.memory_space<semaphore_mem>>, %arg17: memref<!tpu.dma_semaphore, #tpu.memory_space<semaphore_mem>>) attributes {dimension_semantics = [#tpu.dimension_semantics<core_parallel>, #tpu.dimension_semantics<subcore_parallel>], iteration_bounds = array<i64: 2, 16>, scalar_prefetch = 0 : i64, scratch_operands = 10 : i64, tpu.core_type = #tpu.core_type<sc_vector_subcore>, window_params = [{transform_indices = #map}, {transform_indices = #map}, {transform_indices = #map1}, {transform_indices = #map1}, {transform_indices = #map}, {transform_indices = #map}]} {
    %mul3A = arith.constant 2 : i32
    %mul3A_0 = arith.muli %arg1, %mul3A : i32
    %add3A = arith.addi %mul3A_0, %arg0 : i32
    %mul3A_1 = arith.constant 2000 : i32
    %mul3A_2 = arith.muli %add3A, %mul3A_1 : i32
    "tpu.region"() ({
      %run_scoped3A = tpu.sem_alloc : memref<!tpu.dma_semaphore, #tpu.memory_space<semaphore_mem>>
      %dma_start3A_27 = tpu.memref_slice %arg4[%mul3A_2] : memref<64000xi32, #tpu.memory_space<hbm>> -> memref<2000xi32, #tpu.memory_space<hbm>>
      %dma_start3A_28 = tpu.memref_slice %arg4[%mul3A_2] : memref<64000xi32, #tpu.memory_space<hbm>> -> memref<2000xi32, #tpu.memory_space<hbm>>
      tpu.enqueue_dma source(%dma_start3A_28 : memref<2000xi32, #tpu.memory_space<hbm>>) target(%arg8 : memref<2000xi32, #tpu.memory_space<vmem>>) target_semaphore(%run_scoped3A : memref<!tpu.dma_semaphore, #tpu.memory_space<semaphore_mem>>)
      %dma_wait3A = tpu.memref_slice %arg4[%mul3A_2] : memref<64000xi32, #tpu.memory_space<hbm>> -> memref<2000xi32, #tpu.memory_space<hbm>>
      %dma_wait3A_29 = tpu.memref_slice %arg4[%mul3A_2] : memref<64000xi32, #tpu.memory_space<hbm>> -> memref<2000xi32, #tpu.memory_space<hbm>>
      tpu.wait_dma2 semaphore(%run_scoped3A : memref<!tpu.dma_semaphore, #tpu.memory_space<semaphore_mem>>) src(%dma_wait3A_29 : memref<2000xi32, #tpu.memory_space<hbm>>) dst(%arg8 : memref<2000xi32, #tpu.memory_space<vmem>>)
      tpu.yield
    }) : () -> ()
    "tpu.region"() ({
      %run_scoped3A = tpu.sem_alloc : memref<!tpu.dma_semaphore, #tpu.memory_space<semaphore_mem>>
      %dma_start3A_27 = tpu.memref_slice %arg5[%mul3A_2] : memref<64000xi32, #tpu.memory_space<hbm>> -> memref<2000xi32, #tpu.memory_space<hbm>>
      %dma_start3A_28 = tpu.memref_slice %arg5[%mul3A_2] : memref<64000xi32, #tpu.memory_space<hbm>> -> memref<2000xi32, #tpu.memory_space<hbm>>
      tpu.enqueue_dma source(%dma_start3A_28 : memref<2000xi32, #tpu.memory_space<hbm>>) target(%arg9 : memref<2000xi32, #tpu.memory_space<vmem>>) target_semaphore(%run_scoped3A : memref<!tpu.dma_semaphore, #tpu.memory_space<semaphore_mem>>)
      %dma_wait3A = tpu.memref_slice %arg5[%mul3A_2] : memref<64000xi32, #tpu.memory_space<hbm>> -> memref<2000xi32, #tpu.memory_space<hbm>>
      %dma_wait3A_29 = tpu.memref_slice %arg5[%mul3A_2] : memref<64000xi32, #tpu.memory_space<hbm>> -> memref<2000xi32, #tpu.memory_space<hbm>>
      tpu.wait_dma2 semaphore(%run_scoped3A : memref<!tpu.dma_semaphore, #tpu.memory_space<semaphore_mem>>) src(%dma_wait3A_29 : memref<2000xi32, #tpu.memory_space<hbm>>) dst(%arg9 : memref<2000xi32, #tpu.memory_space<vmem>>)
      tpu.yield
    }) : () -> ()
    %dma_start3A = arith.constant 0 : i32
    %dma_start3A_3 = tpu.memref_slice %arg8[%dma_start3A] : memref<2000xi32, #tpu.memory_space<vmem>> -> memref<200xi32, #tpu.memory_space<vmem>>
    %dma_start3A_4 = arith.constant 0 : i32
    %dma_start3A_5 = arith.constant 0 : i32
    %dma_start3A_6 = tpu.memref_slice %arg2[%dma_start3A_4, %dma_start3A_5] : memref<10000x128xi32, #tpu.memory_space<hbm>> -> memref<10000x128xi32, #tpu.memory_space<hbm>>
    tpu.enqueue_indirect_dma source(%dma_start3A_6 : memref<10000x128xi32, #tpu.memory_space<hbm>>) target(%arg10 : memref<200x128xi32, #tpu.memory_space<vmem>>) offsets(%dma_start3A_3 : memref<200xi32, #tpu.memory_space<vmem>>) semaphore(%arg14 : memref<!tpu.dma_semaphore, #tpu.memory_space<semaphore_mem>>)
    %dma_start3A_7 = arith.constant 0 : i32
    %dma_start3A_8 = tpu.memref_slice %arg9[%dma_start3A_7] : memref<2000xi32, #tpu.memory_space<vmem>> -> memref<200xi32, #tpu.memory_space<vmem>>
    %dma_start3A_9 = arith.constant 0 : i32
    %dma_start3A_10 = arith.constant 0 : i32
    %dma_start3A_11 = tpu.memref_slice %arg3[%dma_start3A_9, %dma_start3A_10] : memref<10000x128xi32, #tpu.memory_space<hbm>> -> memref<10000x128xi32, #tpu.memory_space<hbm>>
    tpu.enqueue_indirect_dma source(%dma_start3A_11 : memref<10000x128xi32, #tpu.memory_space<hbm>>) target(%arg11 : memref<200x128xi32, #tpu.memory_space<vmem>>) offsets(%dma_start3A_8 : memref<200xi32, #tpu.memory_space<vmem>>) semaphore(%arg15 : memref<!tpu.dma_semaphore, #tpu.memory_space<semaphore_mem>>)
    %dma_start3A_12 = arith.constant 200 : i32
    %dma_start3A_13 = tpu.memref_slice %arg8[%dma_start3A_12] : memref<2000xi32, #tpu.memory_space<vmem>> -> memref<200xi32, #tpu.memory_space<vmem>>
    %dma_start3A_14 = arith.constant 0 : i32
    %dma_start3A_15 = arith.constant 0 : i32
    %dma_start3A_16 = tpu.memref_slice %arg2[%dma_start3A_14, %dma_start3A_15] : memref<10000x128xi32, #tpu.memory_space<hbm>> -> memref<10000x128xi32, #tpu.memory_space<hbm>>
    tpu.enqueue_indirect_dma source(%dma_start3A_16 : memref<10000x128xi32, #tpu.memory_space<hbm>>) target(%arg12 : memref<200x128xi32, #tpu.memory_space<vmem>>) offsets(%dma_start3A_13 : memref<200xi32, #tpu.memory_space<vmem>>) semaphore(%arg16 : memref<!tpu.dma_semaphore, #tpu.memory_space<semaphore_mem>>)
    %dma_start3A_17 = arith.constant 200 : i32
    %dma_start3A_18 = tpu.memref_slice %arg9[%dma_start3A_17] : memref<2000xi32, #tpu.memory_space<vmem>> -> memref<200xi32, #tpu.memory_space<vmem>>
    %dma_start3A_19 = arith.constant 0 : i32
    %dma_start3A_20 = arith.constant 0 : i32
    %dma_start3A_21 = tpu.memref_slice %arg3[%dma_start3A_19, %dma_start3A_20] : memref<10000x128xi32, #tpu.memory_space<hbm>> -> memref<10000x128xi32, #tpu.memory_space<hbm>>
    tpu.enqueue_indirect_dma source(%dma_start3A_21 : memref<10000x128xi32, #tpu.memory_space<hbm>>) target(%arg13 : memref<200x128xi32, #tpu.memory_space<vmem>>) offsets(%dma_start3A_18 : memref<200xi32, #tpu.memory_space<vmem>>) semaphore(%arg17 : memref<!tpu.dma_semaphore, #tpu.memory_space<semaphore_mem>>)
    %scan3A = arith.constant 0 : i32
    %scan3A_22 = arith.constant 0 : i32
    %scan3A_23 = arith.constant 5 : i32
    %scan3A_24 = arith.addi %scan3A_22, %scan3A_23 : i32
    %scan3A_25 = arith.constant 1 : i32
    scf.for %scan3A_27 = %scan3A_22 to %scan3A_24 step %scan3A_25  : i32 {
      %mul3A_28 = arith.constant 2 : i32
      %mul3A_29 = arith.muli %mul3A_28, %scan3A_27 : i32
      %mul3A_30 = arith.constant 200 : i32
      %mul3A_31 = arith.muli %mul3A_29, %mul3A_30 : i32
      %multiple_of3A = tpu.assume_multiple %mul3A_31, 8 : i32
      %add3A_32 = arith.constant 200 : i32
      %add3A_33 = arith.addi %multiple_of3A, %add3A_32 : i32
      %dma_wait3A = tpu.memref_slice %arg8[%multiple_of3A] : memref<2000xi32, #tpu.memory_space<vmem>> -> memref<200xi32, #tpu.memory_space<vmem>>
      %dma_wait3A_34 = arith.constant 0 : i32
      %dma_wait3A_35 = arith.constant 0 : i32
      %dma_wait3A_36 = tpu.memref_slice %arg2[%dma_wait3A_34, %dma_wait3A_35] : memref<10000x128xi32, #tpu.memory_space<hbm>> -> memref<10000x128xi32, #tpu.memory_space<hbm>>
      tpu.wait_indirect_dma semaphore(%arg14 : memref<!tpu.dma_semaphore, #tpu.memory_space<semaphore_mem>>) src(%dma_wait3A_36 : memref<10000x128xi32, #tpu.memory_space<hbm>>) dst(%arg10 : memref<200x128xi32, #tpu.memory_space<vmem>>)
      %dma_wait3A_37 = tpu.memref_slice %arg9[%multiple_of3A] : memref<2000xi32, #tpu.memory_space<vmem>> -> memref<200xi32, #tpu.memory_space<vmem>>
      %dma_wait3A_38 = arith.constant 0 : i32
      %dma_wait3A_39 = arith.constant 0 : i32
      %dma_wait3A_40 = tpu.memref_slice %arg3[%dma_wait3A_38, %dma_wait3A_39] : memref<10000x128xi32, #tpu.memory_space<hbm>> -> memref<10000x128xi32, #tpu.memory_space<hbm>>
      tpu.wait_indirect_dma semaphore(%arg15 : memref<!tpu.dma_semaphore, #tpu.memory_space<semaphore_mem>>) src(%dma_wait3A_40 : memref<10000x128xi32, #tpu.memory_space<hbm>>) dst(%arg11 : memref<200x128xi32, #tpu.memory_space<vmem>>)
      %add3A_41 = arith.addi %mul3A_2, %multiple_of3A : i32
      %dma_start3A_42 = arith.constant 0 : i32
      %dma_start3A_43 = tpu.memref_slice %arg6[%add3A_41, %dma_start3A_42] : memref<64000x128xi32, #tpu.memory_space<hbm>> -> memref<200x128xi32, #tpu.memory_space<hbm>>
      %dma_start3A_44 = arith.constant 0 : i32
      %dma_start3A_45 = tpu.memref_slice %arg6[%add3A_41, %dma_start3A_44] : memref<64000x128xi32, #tpu.memory_space<hbm>> -> memref<200x128xi32, #tpu.memory_space<hbm>>
      tpu.enqueue_dma source(%arg10 : memref<200x128xi32, #tpu.memory_space<vmem>>) target(%dma_start3A_45 : memref<200x128xi32, #tpu.memory_space<hbm>>) target_semaphore(%arg14 : memref<!tpu.dma_semaphore, #tpu.memory_space<semaphore_mem>>)
      %add3A_46 = arith.addi %mul3A_2, %multiple_of3A : i32
      %dma_start3A_47 = arith.constant 0 : i32
      %dma_start3A_48 = tpu.memref_slice %arg7[%add3A_46, %dma_start3A_47] : memref<64000x128xi32, #tpu.memory_space<hbm>> -> memref<200x128xi32, #tpu.memory_space<hbm>>
      %dma_start3A_49 = arith.constant 0 : i32
      %dma_start3A_50 = tpu.memref_slice %arg7[%add3A_46, %dma_start3A_49] : memref<64000x128xi32, #tpu.memory_space<hbm>> -> memref<200x128xi32, #tpu.memory_space<hbm>>
      tpu.enqueue_dma source(%arg11 : memref<200x128xi32, #tpu.memory_space<vmem>>) target(%dma_start3A_50 : memref<200x128xi32, #tpu.memory_space<hbm>>) target_semaphore(%arg15 : memref<!tpu.dma_semaphore, #tpu.memory_space<semaphore_mem>>)
      %dma_wait3A_51 = tpu.memref_slice %arg8[%add3A_33] : memref<2000xi32, #tpu.memory_space<vmem>> -> memref<200xi32, #tpu.memory_space<vmem>>
      %dma_wait3A_52 = arith.constant 0 : i32
      %dma_wait3A_53 = arith.constant 0 : i32
      %dma_wait3A_54 = tpu.memref_slice %arg2[%dma_wait3A_52, %dma_wait3A_53] : memref<10000x128xi32, #tpu.memory_space<hbm>> -> memref<10000x128xi32, #tpu.memory_space<hbm>>
      tpu.wait_indirect_dma semaphore(%arg16 : memref<!tpu.dma_semaphore, #tpu.memory_space<semaphore_mem>>) src(%dma_wait3A_54 : memref<10000x128xi32, #tpu.memory_space<hbm>>) dst(%arg12 : memref<200x128xi32, #tpu.memory_space<vmem>>)
      %dma_wait3A_55 = tpu.memref_slice %arg9[%add3A_33] : memref<2000xi32, #tpu.memory_space<vmem>> -> memref<200xi32, #tpu.memory_space<vmem>>
      %dma_wait3A_56 = arith.constant 0 : i32
      %dma_wait3A_57 = arith.constant 0 : i32
      %dma_wait3A_58 = tpu.memref_slice %arg3[%dma_wait3A_56, %dma_wait3A_57] : memref<10000x128xi32, #tpu.memory_space<hbm>> -> memref<10000x128xi32, #tpu.memory_space<hbm>>
      tpu.wait_indirect_dma semaphore(%arg17 : memref<!tpu.dma_semaphore, #tpu.memory_space<semaphore_mem>>) src(%dma_wait3A_58 : memref<10000x128xi32, #tpu.memory_space<hbm>>) dst(%arg13 : memref<200x128xi32, #tpu.memory_space<vmem>>)
      %add3A_59 = arith.addi %mul3A_2, %add3A_33 : i32
      %dma_start3A_60 = arith.constant 0 : i32
      %dma_start3A_61 = tpu.memref_slice %arg6[%add3A_59, %dma_start3A_60] : memref<64000x128xi32, #tpu.memory_space<hbm>> -> memref<200x128xi32, #tpu.memory_space<hbm>>
      %dma_start3A_62 = arith.constant 0 : i32
      %dma_start3A_63 = tpu.memref_slice %arg6[%add3A_59, %dma_start3A_62] : memref<64000x128xi32, #tpu.memory_space<hbm>> -> memref<200x128xi32, #tpu.memory_space<hbm>>
      tpu.enqueue_dma source(%arg12 : memref<200x128xi32, #tpu.memory_space<vmem>>) target(%dma_start3A_63 : memref<200x128xi32, #tpu.memory_space<hbm>>) target_semaphore(%arg16 : memref<!tpu.dma_semaphore, #tpu.memory_space<semaphore_mem>>)
      %add3A_64 = arith.addi %mul3A_2, %add3A_33 : i32
      %dma_start3A_65 = arith.constant 0 : i32
      %dma_start3A_66 = tpu.memref_slice %arg7[%add3A_64, %dma_start3A_65] : memref<64000x128xi32, #tpu.memory_space<hbm>> -> memref<200x128xi32, #tpu.memory_space<hbm>>
      %dma_start3A_67 = arith.constant 0 : i32
      %dma_start3A_68 = tpu.memref_slice %arg7[%add3A_64, %dma_start3A_67] : memref<64000x128xi32, #tpu.memory_space<hbm>> -> memref<200x128xi32, #tpu.memory_space<hbm>>
      tpu.enqueue_dma source(%arg13 : memref<200x128xi32, #tpu.memory_space<vmem>>) target(%dma_start3A_68 : memref<200x128xi32, #tpu.memory_space<hbm>>) target_semaphore(%arg17 : memref<!tpu.dma_semaphore, #tpu.memory_space<semaphore_mem>>)
      %dma_wait3A_69 = arith.constant 0 : i32
      %dma_wait3A_70 = tpu.memref_slice %arg6[%add3A_41, %dma_wait3A_69] : memref<64000x128xi32, #tpu.memory_space<hbm>> -> memref<200x128xi32, #tpu.memory_space<hbm>>
      %dma_wait3A_71 = arith.constant 0 : i32
      %dma_wait3A_72 = tpu.memref_slice %arg6[%add3A_41, %dma_wait3A_71] : memref<64000x128xi32, #tpu.memory_space<hbm>> -> memref<200x128xi32, #tpu.memory_space<hbm>>
      tpu.wait_dma2 semaphore(%arg14 : memref<!tpu.dma_semaphore, #tpu.memory_space<semaphore_mem>>) src(%arg10 : memref<200x128xi32, #tpu.memory_space<vmem>>) dst(%dma_wait3A_72 : memref<200x128xi32, #tpu.memory_space<hbm>>)
      %dma_wait3A_73 = arith.constant 0 : i32
      %dma_wait3A_74 = tpu.memref_slice %arg7[%add3A_46, %dma_wait3A_73] : memref<64000x128xi32, #tpu.memory_space<hbm>> -> memref<200x128xi32, #tpu.memory_space<hbm>>
      %dma_wait3A_75 = arith.constant 0 : i32
      %dma_wait3A_76 = tpu.memref_slice %arg7[%add3A_46, %dma_wait3A_75] : memref<64000x128xi32, #tpu.memory_space<hbm>> -> memref<200x128xi32, #tpu.memory_space<hbm>>
      tpu.wait_dma2 semaphore(%arg15 : memref<!tpu.dma_semaphore, #tpu.memory_space<semaphore_mem>>) src(%arg11 : memref<200x128xi32, #tpu.memory_space<vmem>>) dst(%dma_wait3A_76 : memref<200x128xi32, #tpu.memory_space<hbm>>)
      %add3A_77 = arith.constant 400 : i32
      %add3A_78 = arith.addi %multiple_of3A, %add3A_77 : i32
      %lt3A = arith.constant 2000 : i32
      %lt3A_79 = arith.cmpi slt, %add3A_78, %lt3A : i32
      %convert_element_type3A = arith.extui %lt3A_79 : i1 to i32
      %cond3A = arith.constant 0 : i32
      %cond3A_80 = arith.cmpi ne, %convert_element_type3A, %cond3A : i32
      scf.if %cond3A_80 {
        %add3A_96 = arith.constant 400 : i32
        %add3A_97 = arith.addi %multiple_of3A, %add3A_96 : i32
        %multiple_of3A_98 = tpu.assume_multiple %add3A_97, 8 : i32
        %dma_start3A_99 = tpu.memref_slice %arg8[%multiple_of3A_98] : memref<2000xi32, #tpu.memory_space<vmem>> -> memref<200xi32, #tpu.memory_space<vmem>>
        %dma_start3A_100 = arith.constant 0 : i32
        %dma_start3A_101 = arith.constant 0 : i32
        %dma_start3A_102 = tpu.memref_slice %arg2[%dma_start3A_100, %dma_start3A_101] : memref<10000x128xi32, #tpu.memory_space<hbm>> -> memref<10000x128xi32, #tpu.memory_space<hbm>>
        tpu.enqueue_indirect_dma source(%dma_start3A_102 : memref<10000x128xi32, #tpu.memory_space<hbm>>) target(%arg10 : memref<200x128xi32, #tpu.memory_space<vmem>>) offsets(%dma_start3A_99 : memref<200xi32, #tpu.memory_space<vmem>>) semaphore(%arg14 : memref<!tpu.dma_semaphore, #tpu.memory_space<semaphore_mem>>)
        %dma_start3A_103 = tpu.memref_slice %arg9[%multiple_of3A_98] : memref<2000xi32, #tpu.memory_space<vmem>> -> memref<200xi32, #tpu.memory_space<vmem>>
        %dma_start3A_104 = arith.constant 0 : i32
        %dma_start3A_105 = arith.constant 0 : i32
        %dma_start3A_106 = tpu.memref_slice %arg3[%dma_start3A_104, %dma_start3A_105] : memref<10000x128xi32, #tpu.memory_space<hbm>> -> memref<10000x128xi32, #tpu.memory_space<hbm>>
        tpu.enqueue_indirect_dma source(%dma_start3A_106 : memref<10000x128xi32, #tpu.memory_space<hbm>>) target(%arg11 : memref<200x128xi32, #tpu.memory_space<vmem>>) offsets(%dma_start3A_103 : memref<200xi32, #tpu.memory_space<vmem>>) semaphore(%arg15 : memref<!tpu.dma_semaphore, #tpu.memory_space<semaphore_mem>>)
      } else {
      }
      %dma_wait3A_81 = arith.constant 0 : i32
      %dma_wait3A_82 = tpu.memref_slice %arg6[%add3A_59, %dma_wait3A_81] : memref<64000x128xi32, #tpu.memory_space<hbm>> -> memref<200x128xi32, #tpu.memory_space<hbm>>
      %dma_wait3A_83 = arith.constant 0 : i32
      %dma_wait3A_84 = tpu.memref_slice %arg6[%add3A_59, %dma_wait3A_83] : memref<64000x128xi32, #tpu.memory_space<hbm>> -> memref<200x128xi32, #tpu.memory_space<hbm>>
      tpu.wait_dma2 semaphore(%arg16 : memref<!tpu.dma_semaphore, #tpu.memory_space<semaphore_mem>>) src(%arg12 : memref<200x128xi32, #tpu.memory_space<vmem>>) dst(%dma_wait3A_84 : memref<200x128xi32, #tpu.memory_space<hbm>>)
      %dma_wait3A_85 = arith.constant 0 : i32
      %dma_wait3A_86 = tpu.memref_slice %arg7[%add3A_64, %dma_wait3A_85] : memref<64000x128xi32, #tpu.memory_space<hbm>> -> memref<200x128xi32, #tpu.memory_space<hbm>>
      %dma_wait3A_87 = arith.constant 0 : i32
      %dma_wait3A_88 = tpu.memref_slice %arg7[%add3A_64, %dma_wait3A_87] : memref<64000x128xi32, #tpu.memory_space<hbm>> -> memref<200x128xi32, #tpu.memory_space<hbm>>
      tpu.wait_dma2 semaphore(%arg17 : memref<!tpu.dma_semaphore, #tpu.memory_space<semaphore_mem>>) src(%arg13 : memref<200x128xi32, #tpu.memory_space<vmem>>) dst(%dma_wait3A_88 : memref<200x128xi32, #tpu.memory_space<hbm>>)
      %add3A_89 = arith.constant 400 : i32
      %add3A_90 = arith.addi %add3A_33, %add3A_89 : i32
      %lt3A_91 = arith.constant 2000 : i32
      %lt3A_92 = arith.cmpi slt, %add3A_90, %lt3A_91 : i32
      %convert_element_type3A_93 = arith.extui %lt3A_92 : i1 to i32
      %cond3A_94 = arith.constant 0 : i32
      %cond3A_95 = arith.cmpi ne, %convert_element_type3A_93, %cond3A_94 : i32
      scf.if %cond3A_95 {
        %add3A_96 = arith.constant 400 : i32
        %add3A_97 = arith.addi %add3A_33, %add3A_96 : i32
        %multiple_of3A_98 = tpu.assume_multiple %add3A_97, 8 : i32
        %dma_start3A_99 = tpu.memref_slice %arg8[%multiple_of3A_98] : memref<2000xi32, #tpu.memory_space<vmem>> -> memref<200xi32, #tpu.memory_space<vmem>>
        %dma_start3A_100 = arith.constant 0 : i32
        %dma_start3A_101 = arith.constant 0 : i32
        %dma_start3A_102 = tpu.memref_slice %arg2[%dma_start3A_100, %dma_start3A_101] : memref<10000x128xi32, #tpu.memory_space<hbm>> -> memref<10000x128xi32, #tpu.memory_space<hbm>>
        tpu.enqueue_indirect_dma source(%dma_start3A_102 : memref<10000x128xi32, #tpu.memory_space<hbm>>) target(%arg12 : memref<200x128xi32, #tpu.memory_space<vmem>>) offsets(%dma_start3A_99 : memref<200xi32, #tpu.memory_space<vmem>>) semaphore(%arg16 : memref<!tpu.dma_semaphore, #tpu.memory_space<semaphore_mem>>)
        %dma_start3A_103 = tpu.memref_slice %arg9[%multiple_of3A_98] : memref<2000xi32, #tpu.memory_space<vmem>> -> memref<200xi32, #tpu.memory_space<vmem>>
        %dma_start3A_104 = arith.constant 0 : i32
        %dma_start3A_105 = arith.constant 0 : i32
        %dma_start3A_106 = tpu.memref_slice %arg3[%dma_start3A_104, %dma_start3A_105] : memref<10000x128xi32, #tpu.memory_space<hbm>> -> memref<10000x128xi32, #tpu.memory_space<hbm>>
        tpu.enqueue_indirect_dma source(%dma_start3A_106 : memref<10000x128xi32, #tpu.memory_space<hbm>>) target(%arg13 : memref<200x128xi32, #tpu.memory_space<vmem>>) offsets(%dma_start3A_103 : memref<200xi32, #tpu.memory_space<vmem>>) semaphore(%arg17 : memref<!tpu.dma_semaphore, #tpu.memory_space<semaphore_mem>>)
      } else {
      }
    }
    %scan3A_26 = arith.constant 5 : i32
    return
  }
}

#map = affine_map<(d0, d1) -> (0, 0)>
#map1 = affine_map<(d0, d1) -> (0)>
module attributes {stable_mosaic.version = 14 : i64} {
  func.func @gather(%arg0: i32, %arg1: i32, %arg2: memref<10000x128xi32, #tpu.memory_space<hbm>>, %arg3: memref<10000x128xi32, #tpu.memory_space<hbm>>, %arg4: memref<64000xi32, #tpu.memory_space<hbm>>, %arg5: memref<64000xi32, #tpu.memory_space<hbm>>, %arg6: memref<64000x128xi32, #tpu.memory_space<hbm>>, %arg7: memref<64000x128xi32, #tpu.memory_space<hbm>>, %arg8: memref<2000xi32, #tpu.memory_space<vmem>>, %arg9: memref<2000xi32, #tpu.memory_space<vmem>>, %arg10: memref<200x128xi32, #tpu.memory_space<vmem>>, %arg11: memref<200x128xi32, #tpu.memory_space<vmem>>, %arg12: memref<200x128xi32, #tpu.memory_space<vmem>>, %arg13: memref<200x128xi32, #tpu.memory_space<vmem>>, %arg14: memref<!tpu.dma_semaphore, #tpu.memory_space<semaphore_mem>>, %arg15: memref<!tpu.dma_semaphore, #tpu.memory_space<semaphore_mem>>, %arg16: memref<!tpu.dma_semaphore, #tpu.memory_space<semaphore_mem>>, %arg17: memref<!tpu.dma_semaphore, #tpu.memory_space<semaphore_mem>>) attributes {dimension_semantics = [#tpu.dimension_semantics<core_parallel>, #tpu.dimension_semantics<subcore_parallel>], iteration_bounds = array<i64: 2, 16>, scalar_prefetch = 0 : i64, scratch_operands = 10 : i64, tpu.core_type = #tpu.core_type<sc_vector_subcore>, window_params = [{transform_indices = #map}, {transform_indices = #map}, {transform_indices = #map1}, {transform_indices = #map1}, {transform_indices = #map}, {transform_indices = #map}]} {
    %mul3A = arith.constant 2 : i32
    %mul3A_0 = arith.muli %arg1, %mul3A : i32
    %add3A = arith.addi %mul3A_0, %arg0 : i32
    %mul3A_1 = arith.constant 2000 : i32
    %mul3A_2 = arith.muli %add3A, %mul3A_1 : i32
    "tpu.region"() ({
      %run_scoped3A = tpu.sem_alloc : memref<!tpu.dma_semaphore, #tpu.memory_space<semaphore_mem>>
      %dma_start3A_27 = tpu.memref_slice %arg4[%mul3A_2] : memref<64000xi32, #tpu.memory_space<hbm>> -> memref<2000xi32, #tpu.memory_space<hbm>>
      %dma_start3A_28 = tpu.memref_slice %arg4[%mul3A_2] : memref<64000xi32, #tpu.memory_space<hbm>> -> memref<2000xi32, #tpu.memory_space<hbm>>
      tpu.enqueue_dma source(%dma_start3A_28 : memref<2000xi32, #tpu.memory_space<hbm>>) target(%arg8 : memref<2000xi32, #tpu.memory_space<vmem>>) target_semaphore(%run_scoped3A : memref<!tpu.dma_semaphore, #tpu.memory_space<semaphore_mem>>)
      %dma_wait3A = tpu.memref_slice %arg4[%mul3A_2] : memref<64000xi32, #tpu.memory_space<hbm>> -> memref<2000xi32, #tpu.memory_space<hbm>>
      %dma_wait3A_29 = tpu.memref_slice %arg4[%mul3A_2] : memref<64000xi32, #tpu.memory_space<hbm>> -> memref<2000xi32, #tpu.memory_space<hbm>>
      tpu.wait_dma2 semaphore(%run_scoped3A : memref<!tpu.dma_semaphore, #tpu.memory_space<semaphore_mem>>) src(%dma_wait3A_29 : memref<2000xi32, #tpu.memory_space<hbm>>) dst(%arg8 : memref<2000xi32, #tpu.memory_space<vmem>>)
      tpu.yield
    }) : () -> ()
    "tpu.region"() ({
      %run_scoped3A = tpu.sem_alloc : memref<!tpu.dma_semaphore, #tpu.memory_space<semaphore_mem>>
      %dma_start3A_27 = tpu.memref_slice %arg5[%mul3A_2] : memref<64000xi32, #tpu.memory_space<hbm>> -> memref<2000xi32, #tpu.memory_space<hbm>>
      %dma_start3A_28 = tpu.memref_slice %arg5[%mul3A_2] : memref<64000xi32, #tpu.memory_space<hbm>> -> memref<2000xi32, #tpu.memory_space<hbm>>
      tpu.enqueue_dma source(%dma_start3A_28 : memref<2000xi32, #tpu.memory_space<hbm>>) target(%arg9 : memref<2000xi32, #tpu.memory_space<vmem>>) target_semaphore(%run_scoped3A : memref<!tpu.dma_semaphore, #tpu.memory_space<semaphore_mem>>)
      %dma_wait3A = tpu.memref_slice %arg5[%mul3A_2] : memref<64000xi32, #tpu.memory_space<hbm>> -> memref<2000xi32, #tpu.memory_space<hbm>>
      %dma_wait3A_29 = tpu.memref_slice %arg5[%mul3A_2] : memref<64000xi32, #tpu.memory_space<hbm>> -> memref<2000xi32, #tpu.memory_space<hbm>>
      tpu.wait_dma2 semaphore(%run_scoped3A : memref<!tpu.dma_semaphore, #tpu.memory_space<semaphore_mem>>) src(%dma_wait3A_29 : memref<2000xi32, #tpu.memory_space<hbm>>) dst(%arg9 : memref<2000xi32, #tpu.memory_space<vmem>>)
      tpu.yield
    }) : () -> ()
    %dma_start3A = arith.constant 0 : i32
    %dma_start3A_3 = tpu.memref_slice %arg8[%dma_start3A] : memref<2000xi32, #tpu.memory_space<vmem>> -> memref<200xi32, #tpu.memory_space<vmem>>
    %dma_start3A_4 = arith.constant 0 : i32
    %dma_start3A_5 = arith.constant 0 : i32
    %dma_start3A_6 = tpu.memref_slice %arg2[%dma_start3A_4, %dma_start3A_5] : memref<10000x128xi32, #tpu.memory_space<hbm>> -> memref<10000x128xi32, #tpu.memory_space<hbm>>
    tpu.enqueue_indirect_dma source(%dma_start3A_6 : memref<10000x128xi32, #tpu.memory_space<hbm>>) target(%arg10 : memref<200x128xi32, #tpu.memory_space<vmem>>) offsets(%dma_start3A_3 : memref<200xi32, #tpu.memory_space<vmem>>) semaphore(%arg14 : memref<!tpu.dma_semaphore, #tpu.memory_space<semaphore_mem>>)
    %dma_start3A_7 = arith.constant 0 : i32
    %dma_start3A_8 = tpu.memref_slice %arg9[%dma_start3A_7] : memref<2000xi32, #tpu.memory_space<vmem>> -> memref<200xi32, #tpu.memory_space<vmem>>
    %dma_start3A_9 = arith.constant 0 : i32
    %dma_start3A_10 = arith.constant 0 : i32
    %dma_start3A_11 = tpu.memref_slice %arg3[%dma_start3A_9, %dma_start3A_10] : memref<10000x128xi32, #tpu.memory_space<hbm>> -> memref<10000x128xi32, #tpu.memory_space<hbm>>
    tpu.enqueue_indirect_dma source(%dma_start3A_11 : memref<10000x128xi32, #tpu.memory_space<hbm>>) target(%arg11 : memref<200x128xi32, #tpu.memory_space<vmem>>) offsets(%dma_start3A_8 : memref<200xi32, #tpu.memory_space<vmem>>) semaphore(%arg15 : memref<!tpu.dma_semaphore, #tpu.memory_space<semaphore_mem>>)
    %dma_start3A_12 = arith.constant 200 : i32
    %dma_start3A_13 = tpu.memref_slice %arg8[%dma_start3A_12] : memref<2000xi32, #tpu.memory_space<vmem>> -> memref<200xi32, #tpu.memory_space<vmem>>
    %dma_start3A_14 = arith.constant 0 : i32
    %dma_start3A_15 = arith.constant 0 : i32
    %dma_start3A_16 = tpu.memref_slice %arg2[%dma_start3A_14, %dma_start3A_15] : memref<10000x128xi32, #tpu.memory_space<hbm>> -> memref<10000x128xi32, #tpu.memory_space<hbm>>
    tpu.enqueue_indirect_dma source(%dma_start3A_16 : memref<10000x128xi32, #tpu.memory_space<hbm>>) target(%arg12 : memref<200x128xi32, #tpu.memory_space<vmem>>) offsets(%dma_start3A_13 : memref<200xi32, #tpu.memory_space<vmem>>) semaphore(%arg16 : memref<!tpu.dma_semaphore, #tpu.memory_space<semaphore_mem>>)
    %dma_start3A_17 = arith.constant 200 : i32
    %dma_start3A_18 = tpu.memref_slice %arg9[%dma_start3A_17] : memref<2000xi32, #tpu.memory_space<vmem>> -> memref<200xi32, #tpu.memory_space<vmem>>
    %dma_start3A_19 = arith.constant 0 : i32
    %dma_start3A_20 = arith.constant 0 : i32
    %dma_start3A_21 = tpu.memref_slice %arg3[%dma_start3A_19, %dma_start3A_20] : memref<10000x128xi32, #tpu.memory_space<hbm>> -> memref<10000x128xi32, #tpu.memory_space<hbm>>
    tpu.enqueue_indirect_dma source(%dma_start3A_21 : memref<10000x128xi32, #tpu.memory_space<hbm>>) target(%arg13 : memref<200x128xi32, #tpu.memory_space<vmem>>) offsets(%dma_start3A_18 : memref<200xi32, #tpu.memory_space<vmem>>) semaphore(%arg17 : memref<!tpu.dma_semaphore, #tpu.memory_space<semaphore_mem>>)
    %scan3A = arith.constant 0 : i32
    %scan3A_22 = arith.constant 0 : i32
    %scan3A_23 = arith.constant 5 : i32
    %scan3A_24 = arith.addi %scan3A_22, %scan3A_23 : i32
    %scan3A_25 = arith.constant 1 : i32
    scf.for %scan3A_27 = %scan3A_22 to %scan3A_24 step %scan3A_25  : i32 {
      %mul3A_28 = arith.constant 2 : i32
      %mul3A_29 = arith.muli %mul3A_28, %scan3A_27 : i32
      %mul3A_30 = arith.constant 200 : i32
      %mul3A_31 = arith.muli %mul3A_29, %mul3A_30 : i32
      %multiple_of3A = tpu.assume_multiple %mul3A_31, 8 : i32
      %add3A_32 = arith.constant 200 : i32
      %add3A_33 = arith.addi %multiple_of3A, %add3A_32 : i32
      %dma_wait3A = tpu.memref_slice %arg8[%multiple_of3A] : memref<2000xi32, #tpu.memory_space<vmem>> -> memref<200xi32, #tpu.memory_space<vmem>>
      %dma_wait3A_34 = arith.constant 0 : i32
      %dma_wait3A_35 = arith.constant 0 : i32
      %dma_wait3A_36 = tpu.memref_slice %arg2[%dma_wait3A_34, %dma_wait3A_35] : memref<10000x128xi32, #tpu.memory_space<hbm>> -> memref<10000x128xi32, #tpu.memory_space<hbm>>
      tpu.wait_indirect_dma semaphore(%arg14 : memref<!tpu.dma_semaphore, #tpu.memory_space<semaphore_mem>>) src(%dma_wait3A_36 : memref<10000x128xi32, #tpu.memory_space<hbm>>) dst(%arg10 : memref<200x128xi32, #tpu.memory_space<vmem>>)
      %dma_wait3A_37 = tpu.memref_slice %arg9[%multiple_of3A] : memref<2000xi32, #tpu.memory_space<vmem>> -> memref<200xi32, #tpu.memory_space<vmem>>
      %dma_wait3A_38 = arith.constant 0 : i32
      %dma_wait3A_39 = arith.constant 0 : i32
      %dma_wait3A_40 = tpu.memref_slice %arg3[%dma_wait3A_38, %dma_wait3A_39] : memref<10000x128xi32, #tpu.memory_space<hbm>> -> memref<10000x128xi32, #tpu.memory_space<hbm>>
      tpu.wait_indirect_dma semaphore(%arg15 : memref<!tpu.dma_semaphore, #tpu.memory_space<semaphore_mem>>) src(%dma_wait3A_40 : memref<10000x128xi32, #tpu.memory_space<hbm>>) dst(%arg11 : memref<200x128xi32, #tpu.memory_space<vmem>>)
      %add3A_41 = arith.addi %mul3A_2, %multiple_of3A : i32
      %dma_start3A_42 = arith.constant 0 : i32
      %dma_start3A_43 = tpu.memref_slice %arg6[%add3A_41, %dma_start3A_42] : memref<64000x128xi32, #tpu.memory_space<hbm>> -> memref<200x128xi32, #tpu.memory_space<hbm>>
      %dma_start3A_44 = arith.constant 0 : i32
      %dma_start3A_45 = tpu.memref_slice %arg6[%add3A_41, %dma_start3A_44] : memref<64000x128xi32, #tpu.memory_space<hbm>> -> memref<200x128xi32, #tpu.memory_space<hbm>>
      tpu.enqueue_dma source(%arg10 : memref<200x128xi32, #tpu.memory_space<vmem>>) target(%dma_start3A_45 : memref<200x128xi32, #tpu.memory_space<hbm>>) target_semaphore(%arg14 : memref<!tpu.dma_semaphore, #tpu.memory_space<semaphore_mem>>)
      %add3A_46 = arith.addi %mul3A_2, %multiple_of3A : i32
      %dma_start3A_47 = arith.constant 0 : i32
      %dma_start3A_48 = tpu.memref_slice %arg7[%add3A_46, %dma_start3A_47] : memref<64000x128xi32, #tpu.memory_space<hbm>> -> memref<200x128xi32, #tpu.memory_space<hbm>>
      %dma_start3A_49 = arith.constant 0 : i32
      %dma_start3A_50 = tpu.memref_slice %arg7[%add3A_46, %dma_start3A_49] : memref<64000x128xi32, #tpu.memory_space<hbm>> -> memref<200x128xi32, #tpu.memory_space<hbm>>
      tpu.enqueue_dma source(%arg11 : memref<200x128xi32, #tpu.memory_space<vmem>>) target(%dma_start3A_50 : memref<200x128xi32, #tpu.memory_space<hbm>>) target_semaphore(%arg15 : memref<!tpu.dma_semaphore, #tpu.memory_space<semaphore_mem>>)
      %dma_wait3A_51 = tpu.memref_slice %arg8[%add3A_33] : memref<2000xi32, #tpu.memory_space<vmem>> -> memref<200xi32, #tpu.memory_space<vmem>>
      %dma_wait3A_52 = arith.constant 0 : i32
      %dma_wait3A_53 = arith.constant 0 : i32
      %dma_wait3A_54 = tpu.memref_slice %arg2[%dma_wait3A_52, %dma_wait3A_53] : memref<10000x128xi32, #tpu.memory_space<hbm>> -> memref<10000x128xi32, #tpu.memory_space<hbm>>
      tpu.wait_indirect_dma semaphore(%arg16 : memref<!tpu.dma_semaphore, #tpu.memory_space<semaphore_mem>>) src(%dma_wait3A_54 : memref<10000x128xi32, #tpu.memory_space<hbm>>) dst(%arg12 : memref<200x128xi32, #tpu.memory_space<vmem>>)
      %dma_wait3A_55 = tpu.memref_slice %arg9[%add3A_33] : memref<2000xi32, #tpu.memory_space<vmem>> -> memref<200xi32, #tpu.memory_space<vmem>>
      %dma_wait3A_56 = arith.constant 0 : i32
      %dma_wait3A_57 = arith.constant 0 : i32
      %dma_wait3A_58 = tpu.memref_slice %arg3[%dma_wait3A_56, %dma_wait3A_57] : memref<10000x128xi32, #tpu.memory_space<hbm>> -> memref<10000x128xi32, #tpu.memory_space<hbm>>
      tpu.wait_indirect_dma semaphore(%arg17 : memref<!tpu.dma_semaphore, #tpu.memory_space<semaphore_mem>>) src(%dma_wait3A_58 : memref<10000x128xi32, #tpu.memory_space<hbm>>) dst(%arg13 : memref<200x128xi32, #tpu.memory_space<vmem>>)
      %add3A_59 = arith.addi %mul3A_2, %add3A_33 : i32
      %dma_start3A_60 = arith.constant 0 : i32
      %dma_start3A_61 = tpu.memref_slice %arg6[%add3A_59, %dma_start3A_60] : memref<64000x128xi32, #tpu.memory_space<hbm>> -> memref<200x128xi32, #tpu.memory_space<hbm>>
      %dma_start3A_62 = arith.constant 0 : i32
      %dma_start3A_63 = tpu.memref_slice %arg6[%add3A_59, %dma_start3A_62] : memref<64000x128xi32, #tpu.memory_space<hbm>> -> memref<200x128xi32, #tpu.memory_space<hbm>>
      tpu.enqueue_dma source(%arg12 : memref<200x128xi32, #tpu.memory_space<vmem>>) target(%dma_start3A_63 : memref<200x128xi32, #tpu.memory_space<hbm>>) target_semaphore(%arg16 : memref<!tpu.dma_semaphore, #tpu.memory_space<semaphore_mem>>)
      %add3A_64 = arith.addi %mul3A_2, %add3A_33 : i32
      %dma_start3A_65 = arith.constant 0 : i32
      %dma_start3A_66 = tpu.memref_slice %arg7[%add3A_64, %dma_start3A_65] : memref<64000x128xi32, #tpu.memory_space<hbm>> -> memref<200x128xi32, #tpu.memory_space<hbm>>
      %dma_start3A_67 = arith.constant 0 : i32
      %dma_start3A_68 = tpu.memref_slice %arg7[%add3A_64, %dma_start3A_67] : memref<64000x128xi32, #tpu.memory_space<hbm>> -> memref<200x128xi32, #tpu.memory_space<hbm>>
      tpu.enqueue_dma source(%arg13 : memref<200x128xi32, #tpu.memory_space<vmem>>) target(%dma_start3A_68 : memref<200x128xi32, #tpu.memory_space<hbm>>) target_semaphore(%arg17 : memref<!tpu.dma_semaphore, #tpu.memory_space<semaphore_mem>>)
      %dma_wait3A_69 = arith.constant 0 : i32
      %dma_wait3A_70 = tpu.memref_slice %arg6[%add3A_41, %dma_wait3A_69] : memref<64000x128xi32, #tpu.memory_space<hbm>> -> memref<200x128xi32, #tpu.memory_space<hbm>>
      %dma_wait3A_71 = arith.constant 0 : i32
      %dma_wait3A_72 = tpu.memref_slice %arg6[%add3A_41, %dma_wait3A_71] : memref<64000x128xi32, #tpu.memory_space<hbm>> -> memref<200x128xi32, #tpu.memory_space<hbm>>
      tpu.wait_dma2 semaphore(%arg14 : memref<!tpu.dma_semaphore, #tpu.memory_space<semaphore_mem>>) src(%arg10 : memref<200x128xi32, #tpu.memory_space<vmem>>) dst(%dma_wait3A_72 : memref<200x128xi32, #tpu.memory_space<hbm>>)
      %dma_wait3A_73 = arith.constant 0 : i32
      %dma_wait3A_74 = tpu.memref_slice %arg7[%add3A_46, %dma_wait3A_73] : memref<64000x128xi32, #tpu.memory_space<hbm>> -> memref<200x128xi32, #tpu.memory_space<hbm>>
      %dma_wait3A_75 = arith.constant 0 : i32
      %dma_wait3A_76 = tpu.memref_slice %arg7[%add3A_46, %dma_wait3A_75] : memref<64000x128xi32, #tpu.memory_space<hbm>> -> memref<200x128xi32, #tpu.memory_space<hbm>>
      tpu.wait_dma2 semaphore(%arg15 : memref<!tpu.dma_semaphore, #tpu.memory_space<semaphore_mem>>) src(%arg11 : memref<200x128xi32, #tpu.memory_space<vmem>>) dst(%dma_wait3A_76 : memref<200x128xi32, #tpu.memory_space<hbm>>)
      %add3A_77 = arith.constant 400 : i32
      %add3A_78 = arith.addi %multiple_of3A, %add3A_77 : i32
      %lt3A = arith.constant 2000 : i32
      %lt3A_79 = arith.cmpi slt, %add3A_78, %lt3A : i32
      %convert_element_type3A = arith.extui %lt3A_79 : i1 to i32
      %cond3A = arith.constant 0 : i32
      %cond3A_80 = arith.cmpi ne, %convert_element_type3A, %cond3A : i32
      scf.if %cond3A_80 {
        %add3A_96 = arith.constant 400 : i32
        %add3A_97 = arith.addi %multiple_of3A, %add3A_96 : i32
        %multiple_of3A_98 = tpu.assume_multiple %add3A_97, 8 : i32
        %dma_start3A_99 = tpu.memref_slice %arg8[%multiple_of3A_98] : memref<2000xi32, #tpu.memory_space<vmem>> -> memref<200xi32, #tpu.memory_space<vmem>>
        %dma_start3A_100 = arith.constant 0 : i32
        %dma_start3A_101 = arith.constant 0 : i32
        %dma_start3A_102 = tpu.memref_slice %arg2[%dma_start3A_100, %dma_start3A_101] : memref<10000x128xi32, #tpu.memory_space<hbm>> -> memref<10000x128xi32, #tpu.memory_space<hbm>>
        tpu.enqueue_indirect_dma source(%dma_start3A_102 : memref<10000x128xi32, #tpu.memory_space<hbm>>) target(%arg10 : memref<200x128xi32, #tpu.memory_space<vmem>>) offsets(%dma_start3A_99 : memref<200xi32, #tpu.memory_space<vmem>>) semaphore(%arg14 : memref<!tpu.dma_semaphore, #tpu.memory_space<semaphore_mem>>)
        %dma_start3A_103 = tpu.memref_slice %arg9[%multiple_of3A_98] : memref<2000xi32, #tpu.memory_space<vmem>> -> memref<200xi32, #tpu.memory_space<vmem>>
        %dma_start3A_104 = arith.constant 0 : i32
        %dma_start3A_105 = arith.constant 0 : i32
        %dma_start3A_106 = tpu.memref_slice %arg3[%dma_start3A_104, %dma_start3A_105] : memref<10000x128xi32, #tpu.memory_space<hbm>> -> memref<10000x128xi32, #tpu.memory_space<hbm>>
        tpu.enqueue_indirect_dma source(%dma_start3A_106 : memref<10000x128xi32, #tpu.memory_space<hbm>>) target(%arg11 : memref<200x128xi32, #tpu.memory_space<vmem>>) offsets(%dma_start3A_103 : memref<200xi32, #tpu.memory_space<vmem>>) semaphore(%arg15 : memref<!tpu.dma_semaphore, #tpu.memory_space<semaphore_mem>>)
      } else {
      }
      %dma_wait3A_81 = arith.constant 0 : i32
      %dma_wait3A_82 = tpu.memref_slice %arg6[%add3A_59, %dma_wait3A_81] : memref<64000x128xi32, #tpu.memory_space<hbm>> -> memref<200x128xi32, #tpu.memory_space<hbm>>
      %dma_wait3A_83 = arith.constant 0 : i32
      %dma_wait3A_84 = tpu.memref_slice %arg6[%add3A_59, %dma_wait3A_83] : memref<64000x128xi32, #tpu.memory_space<hbm>> -> memref<200x128xi32, #tpu.memory_space<hbm>>
      tpu.wait_dma2 semaphore(%arg16 : memref<!tpu.dma_semaphore, #tpu.memory_space<semaphore_mem>>) src(%arg12 : memref<200x128xi32, #tpu.memory_space<vmem>>) dst(%dma_wait3A_84 : memref<200x128xi32, #tpu.memory_space<hbm>>)
      %dma_wait3A_85 = arith.constant 0 : i32
      %dma_wait3A_86 = tpu.memref_slice %arg7[%add3A_64, %dma_wait3A_85] : memref<64000x128xi32, #tpu.memory_space<hbm>> -> memref<200x128xi32, #tpu.memory_space<hbm>>
      %dma_wait3A_87 = arith.constant 0 : i32
      %dma_wait3A_88 = tpu.memref_slice %arg7[%add3A_64, %dma_wait3A_87] : memref<64000x128xi32, #tpu.memory_space<hbm>> -> memref<200x128xi32, #tpu.memory_space<hbm>>
      tpu.wait_dma2 semaphore(%arg17 : memref<!tpu.dma_semaphore, #tpu.memory_space<semaphore_mem>>) src(%arg13 : memref<200x128xi32, #tpu.memory_space<vmem>>) dst(%dma_wait3A_88 : memref<200x128xi32, #tpu.memory_space<hbm>>)
      %add3A_89 = arith.constant 400 : i32
      %add3A_90 = arith.addi %add3A_33, %add3A_89 : i32
      %lt3A_91 = arith.constant 2000 : i32
      %lt3A_92 = arith.cmpi slt, %add3A_90, %lt3A_91 : i32
      %convert_element_type3A_93 = arith.extui %lt3A_92 : i1 to i32
      %cond3A_94 = arith.constant 0 : i32
      %cond3A_95 = arith.cmpi ne, %convert_element_type3A_93, %cond3A_94 : i32
      scf.if %cond3A_95 {
        %add3A_96 = arith.constant 400 : i32
        %add3A_97 = arith.addi %add3A_33, %add3A_96 : i32
        %multiple_of3A_98 = tpu.assume_multiple %add3A_97, 8 : i32
        %dma_start3A_99 = tpu.memref_slice %arg8[%multiple_of3A_98] : memref<2000xi32, #tpu.memory_space<vmem>> -> memref<200xi32, #tpu.memory_space<vmem>>
        %dma_start3A_100 = arith.constant 0 : i32
        %dma_start3A_101 = arith.constant 0 : i32
        %dma_start3A_102 = tpu.memref_slice %arg2[%dma_start3A_100, %dma_start3A_101] : memref<10000x128xi32, #tpu.memory_space<hbm>> -> memref<10000x128xi32, #tpu.memory_space<hbm>>
        tpu.enqueue_indirect_dma source(%dma_start3A_102 : memref<10000x128xi32, #tpu.memory_space<hbm>>) target(%arg12 : memref<200x128xi32, #tpu.memory_space<vmem>>) offsets(%dma_start3A_99 : memref<200xi32, #tpu.memory_space<vmem>>) semaphore(%arg16 : memref<!tpu.dma_semaphore, #tpu.memory_space<semaphore_mem>>)
        %dma_start3A_103 = tpu.memref_slice %arg9[%multiple_of3A_98] : memref<2000xi32, #tpu.memory_space<vmem>> -> memref<200xi32, #tpu.memory_space<vmem>>
        %dma_start3A_104 = arith.constant 0 : i32
        %dma_start3A_105 = arith.constant 0 : i32
        %dma_start3A_106 = tpu.memref_slice %arg3[%dma_start3A_104, %dma_start3A_105] : memref<10000x128xi32, #tpu.memory_space<hbm>> -> memref<10000x128xi32, #tpu.memory_space<hbm>>
        tpu.enqueue_indirect_dma source(%dma_start3A_106 : memref<10000x128xi32, #tpu.memory_space<hbm>>) target(%arg13 : memref<200x128xi32, #tpu.memory_space<vmem>>) offsets(%dma_start3A_103 : memref<200xi32, #tpu.memory_space<vmem>>) semaphore(%arg17 : memref<!tpu.dma_semaphore, #tpu.memory_space<semaphore_mem>>)
      } else {
      }
    }
    %scan3A_26 = arith.constant 5 : i32
    return
  }
}

#map = affine_map<(d0, d1) -> (0, 0)>
#map1 = affine_map<(d0, d1) -> (0)>
module attributes {stable_mosaic.version = 14 : i64} {
  func.func @gather(%arg0: i32, %arg1: i32, %arg2: memref<10000x128xi32, #tpu.memory_space<hbm>>, %arg3: memref<10000x128xi32, #tpu.memory_space<hbm>>, %arg4: memref<64000xi32, #tpu.memory_space<hbm>>, %arg5: memref<64000xi32, #tpu.memory_space<hbm>>, %arg6: memref<64000x128xi32, #tpu.memory_space<hbm>>, %arg7: memref<64000x128xi32, #tpu.memory_space<hbm>>, %arg8: memref<2000xi32, #tpu.memory_space<vmem>>, %arg9: memref<2000xi32, #tpu.memory_space<vmem>>, %arg10: memref<200x128xi32, #tpu.memory_space<vmem>>, %arg11: memref<200x128xi32, #tpu.memory_space<vmem>>, %arg12: memref<200x128xi32, #tpu.memory_space<vmem>>, %arg13: memref<200x128xi32, #tpu.memory_space<vmem>>, %arg14: memref<!tpu.dma_semaphore, #tpu.memory_space<semaphore_mem>>, %arg15: memref<!tpu.dma_semaphore, #tpu.memory_space<semaphore_mem>>, %arg16: memref<!tpu.dma_semaphore, #tpu.memory_space<semaphore_mem>>, %arg17: memref<!tpu.dma_semaphore, #tpu.memory_space<semaphore_mem>>) attributes {dimension_semantics = [#tpu.dimension_semantics<core_parallel>, #tpu.dimension_semantics<subcore_parallel>], iteration_bounds = array<i64: 2, 16>, scalar_prefetch = 0 : i64, scratch_operands = 10 : i64, tpu.core_type = #tpu.core_type<sc_vector_subcore>, window_params = [{transform_indices = #map}, {transform_indices = #map}, {transform_indices = #map1}, {transform_indices = #map1}, {transform_indices = #map}, {transform_indices = #map}]} {
    %mul3A = arith.constant 2 : i32
    %mul3A_0 = arith.muli %arg1, %mul3A : i32
    %add3A = arith.addi %mul3A_0, %arg0 : i32
    %mul3A_1 = arith.constant 2000 : i32
    %mul3A_2 = arith.muli %add3A, %mul3A_1 : i32
    "tpu.region"() ({
      %run_scoped3A = tpu.sem_alloc : memref<!tpu.dma_semaphore, #tpu.memory_space<semaphore_mem>>
      %dma_start3A_27 = tpu.memref_slice %arg4[%mul3A_2] : memref<64000xi32, #tpu.memory_space<hbm>> -> memref<2000xi32, #tpu.memory_space<hbm>>
      %dma_start3A_28 = tpu.memref_slice %arg4[%mul3A_2] : memref<64000xi32, #tpu.memory_space<hbm>> -> memref<2000xi32, #tpu.memory_space<hbm>>
      tpu.enqueue_dma source(%dma_start3A_28 : memref<2000xi32, #tpu.memory_space<hbm>>) target(%arg8 : memref<2000xi32, #tpu.memory_space<vmem>>) target_semaphore(%run_scoped3A : memref<!tpu.dma_semaphore, #tpu.memory_space<semaphore_mem>>)
      %dma_wait3A = tpu.memref_slice %arg4[%mul3A_2] : memref<64000xi32, #tpu.memory_space<hbm>> -> memref<2000xi32, #tpu.memory_space<hbm>>
      %dma_wait3A_29 = tpu.memref_slice %arg4[%mul3A_2] : memref<64000xi32, #tpu.memory_space<hbm>> -> memref<2000xi32, #tpu.memory_space<hbm>>
      tpu.wait_dma2 semaphore(%run_scoped3A : memref<!tpu.dma_semaphore, #tpu.memory_space<semaphore_mem>>) src(%dma_wait3A_29 : memref<2000xi32, #tpu.memory_space<hbm>>) dst(%arg8 : memref<2000xi32, #tpu.memory_space<vmem>>)
      tpu.yield
    }) : () -> ()
    "tpu.region"() ({
      %run_scoped3A = tpu.sem_alloc : memref<!tpu.dma_semaphore, #tpu.memory_space<semaphore_mem>>
      %dma_start3A_27 = tpu.memref_slice %arg5[%mul3A_2] : memref<64000xi32, #tpu.memory_space<hbm>> -> memref<2000xi32, #tpu.memory_space<hbm>>
      %dma_start3A_28 = tpu.memref_slice %arg5[%mul3A_2] : memref<64000xi32, #tpu.memory_space<hbm>> -> memref<2000xi32, #tpu.memory_space<hbm>>
      tpu.enqueue_dma source(%dma_start3A_28 : memref<2000xi32, #tpu.memory_space<hbm>>) target(%arg9 : memref<2000xi32, #tpu.memory_space<vmem>>) target_semaphore(%run_scoped3A : memref<!tpu.dma_semaphore, #tpu.memory_space<semaphore_mem>>)
      %dma_wait3A = tpu.memref_slice %arg5[%mul3A_2] : memref<64000xi32, #tpu.memory_space<hbm>> -> memref<2000xi32, #tpu.memory_space<hbm>>
      %dma_wait3A_29 = tpu.memref_slice %arg5[%mul3A_2] : memref<64000xi32, #tpu.memory_space<hbm>> -> memref<2000xi32, #tpu.memory_space<hbm>>
      tpu.wait_dma2 semaphore(%run_scoped3A : memref<!tpu.dma_semaphore, #tpu.memory_space<semaphore_mem>>) src(%dma_wait3A_29 : memref<2000xi32, #tpu.memory_space<hbm>>) dst(%arg9 : memref<2000xi32, #tpu.memory_space<vmem>>)
      tpu.yield
    }) : () -> ()
    %dma_start3A = arith.constant 0 : i32
    %dma_start3A_3 = tpu.memref_slice %arg8[%dma_start3A] : memref<2000xi32, #tpu.memory_space<vmem>> -> memref<200xi32, #tpu.memory_space<vmem>>
    %dma_start3A_4 = arith.constant 0 : i32
    %dma_start3A_5 = arith.constant 0 : i32
    %dma_start3A_6 = tpu.memref_slice %arg2[%dma_start3A_4, %dma_start3A_5] : memref<10000x128xi32, #tpu.memory_space<hbm>> -> memref<10000x128xi32, #tpu.memory_space<hbm>>
    tpu.enqueue_indirect_dma source(%dma_start3A_6 : memref<10000x128xi32, #tpu.memory_space<hbm>>) target(%arg10 : memref<200x128xi32, #tpu.memory_space<vmem>>) offsets(%dma_start3A_3 : memref<200xi32, #tpu.memory_space<vmem>>) semaphore(%arg14 : memref<!tpu.dma_semaphore, #tpu.memory_space<semaphore_mem>>)
    %dma_start3A_7 = arith.constant 0 : i32
    %dma_start3A_8 = tpu.memref_slice %arg9[%dma_start3A_7] : memref<2000xi32, #tpu.memory_space<vmem>> -> memref<200xi32, #tpu.memory_space<vmem>>
    %dma_start3A_9 = arith.constant 0 : i32
    %dma_start3A_10 = arith.constant 0 : i32
    %dma_start3A_11 = tpu.memref_slice %arg3[%dma_start3A_9, %dma_start3A_10] : memref<10000x128xi32, #tpu.memory_space<hbm>> -> memref<10000x128xi32, #tpu.memory_space<hbm>>
    tpu.enqueue_indirect_dma source(%dma_start3A_11 : memref<10000x128xi32, #tpu.memory_space<hbm>>) target(%arg11 : memref<200x128xi32, #tpu.memory_space<vmem>>) offsets(%dma_start3A_8 : memref<200xi32, #tpu.memory_space<vmem>>) semaphore(%arg15 : memref<!tpu.dma_semaphore, #tpu.memory_space<semaphore_mem>>)
    %dma_start3A_12 = arith.constant 200 : i32
    %dma_start3A_13 = tpu.memref_slice %arg8[%dma_start3A_12] : memref<2000xi32, #tpu.memory_space<vmem>> -> memref<200xi32, #tpu.memory_space<vmem>>
    %dma_start3A_14 = arith.constant 0 : i32
    %dma_start3A_15 = arith.constant 0 : i32
    %dma_start3A_16 = tpu.memref_slice %arg2[%dma_start3A_14, %dma_start3A_15] : memref<10000x128xi32, #tpu.memory_space<hbm>> -> memref<10000x128xi32, #tpu.memory_space<hbm>>
    tpu.enqueue_indirect_dma source(%dma_start3A_16 : memref<10000x128xi32, #tpu.memory_space<hbm>>) target(%arg12 : memref<200x128xi32, #tpu.memory_space<vmem>>) offsets(%dma_start3A_13 : memref<200xi32, #tpu.memory_space<vmem>>) semaphore(%arg16 : memref<!tpu.dma_semaphore, #tpu.memory_space<semaphore_mem>>)
    %dma_start3A_17 = arith.constant 200 : i32
    %dma_start3A_18 = tpu.memref_slice %arg9[%dma_start3A_17] : memref<2000xi32, #tpu.memory_space<vmem>> -> memref<200xi32, #tpu.memory_space<vmem>>
    %dma_start3A_19 = arith.constant 0 : i32
    %dma_start3A_20 = arith.constant 0 : i32
    %dma_start3A_21 = tpu.memref_slice %arg3[%dma_start3A_19, %dma_start3A_20] : memref<10000x128xi32, #tpu.memory_space<hbm>> -> memref<10000x128xi32, #tpu.memory_space<hbm>>
    tpu.enqueue_indirect_dma source(%dma_start3A_21 : memref<10000x128xi32, #tpu.memory_space<hbm>>) target(%arg13 : memref<200x128xi32, #tpu.memory_space<vmem>>) offsets(%dma_start3A_18 : memref<200xi32, #tpu.memory_space<vmem>>) semaphore(%arg17 : memref<!tpu.dma_semaphore, #tpu.memory_space<semaphore_mem>>)
    %scan3A = arith.constant 0 : i32
    %scan3A_22 = arith.constant 0 : i32
    %scan3A_23 = arith.constant 5 : i32
    %scan3A_24 = arith.addi %scan3A_22, %scan3A_23 : i32
    %scan3A_25 = arith.constant 1 : i32
    scf.for %scan3A_27 = %scan3A_22 to %scan3A_24 step %scan3A_25  : i32 {
      %mul3A_28 = arith.constant 2 : i32
      %mul3A_29 = arith.muli %mul3A_28, %scan3A_27 : i32
      %mul3A_30 = arith.constant 200 : i32
      %mul3A_31 = arith.muli %mul3A_29, %mul3A_30 : i32
      %multiple_of3A = tpu.assume_multiple %mul3A_31, 8 : i32
      %add3A_32 = arith.constant 200 : i32
      %add3A_33 = arith.addi %multiple_of3A, %add3A_32 : i32
      %dma_wait3A = tpu.memref_slice %arg8[%multiple_of3A] : memref<2000xi32, #tpu.memory_space<vmem>> -> memref<200xi32, #tpu.memory_space<vmem>>
      %dma_wait3A_34 = arith.constant 0 : i32
      %dma_wait3A_35 = arith.constant 0 : i32
      %dma_wait3A_36 = tpu.memref_slice %arg2[%dma_wait3A_34, %dma_wait3A_35] : memref<10000x128xi32, #tpu.memory_space<hbm>> -> memref<10000x128xi32, #tpu.memory_space<hbm>>
      tpu.wait_indirect_dma semaphore(%arg14 : memref<!tpu.dma_semaphore, #tpu.memory_space<semaphore_mem>>) src(%dma_wait3A_36 : memref<10000x128xi32, #tpu.memory_space<hbm>>) dst(%arg10 : memref<200x128xi32, #tpu.memory_space<vmem>>)
      %dma_wait3A_37 = tpu.memref_slice %arg9[%multiple_of3A] : memref<2000xi32, #tpu.memory_space<vmem>> -> memref<200xi32, #tpu.memory_space<vmem>>
      %dma_wait3A_38 = arith.constant 0 : i32
      %dma_wait3A_39 = arith.constant 0 : i32
      %dma_wait3A_40 = tpu.memref_slice %arg3[%dma_wait3A_38, %dma_wait3A_39] : memref<10000x128xi32, #tpu.memory_space<hbm>> -> memref<10000x128xi32, #tpu.memory_space<hbm>>
      tpu.wait_indirect_dma semaphore(%arg15 : memref<!tpu.dma_semaphore, #tpu.memory_space<semaphore_mem>>) src(%dma_wait3A_40 : memref<10000x128xi32, #tpu.memory_space<hbm>>) dst(%arg11 : memref<200x128xi32, #tpu.memory_space<vmem>>)
      %add3A_41 = arith.addi %mul3A_2, %multiple_of3A : i32
      %dma_start3A_42 = arith.constant 0 : i32
      %dma_start3A_43 = tpu.memref_slice %arg6[%add3A_41, %dma_start3A_42] : memref<64000x128xi32, #tpu.memory_space<hbm>> -> memref<200x128xi32, #tpu.memory_space<hbm>>
      %dma_start3A_44 = arith.constant 0 : i32
      %dma_start3A_45 = tpu.memref_slice %arg6[%add3A_41, %dma_start3A_44] : memref<64000x128xi32, #tpu.memory_space<hbm>> -> memref<200x128xi32, #tpu.memory_space<hbm>>
      tpu.enqueue_dma source(%arg10 : memref<200x128xi32, #tpu.memory_space<vmem>>) target(%dma_start3A_45 : memref<200x128xi32, #tpu.memory_space<hbm>>) target_semaphore(%arg14 : memref<!tpu.dma_semaphore, #tpu.memory_space<semaphore_mem>>)
      %add3A_46 = arith.addi %mul3A_2, %multiple_of3A : i32
      %dma_start3A_47 = arith.constant 0 : i32
      %dma_start3A_48 = tpu.memref_slice %arg7[%add3A_46, %dma_start3A_47] : memref<64000x128xi32, #tpu.memory_space<hbm>> -> memref<200x128xi32, #tpu.memory_space<hbm>>
      %dma_start3A_49 = arith.constant 0 : i32
      %dma_start3A_50 = tpu.memref_slice %arg7[%add3A_46, %dma_start3A_49] : memref<64000x128xi32, #tpu.memory_space<hbm>> -> memref<200x128xi32, #tpu.memory_space<hbm>>
      tpu.enqueue_dma source(%arg11 : memref<200x128xi32, #tpu.memory_space<vmem>>) target(%dma_start3A_50 : memref<200x128xi32, #tpu.memory_space<hbm>>) target_semaphore(%arg15 : memref<!tpu.dma_semaphore, #tpu.memory_space<semaphore_mem>>)
      %dma_wait3A_51 = tpu.memref_slice %arg8[%add3A_33] : memref<2000xi32, #tpu.memory_space<vmem>> -> memref<200xi32, #tpu.memory_space<vmem>>
      %dma_wait3A_52 = arith.constant 0 : i32
      %dma_wait3A_53 = arith.constant 0 : i32
      %dma_wait3A_54 = tpu.memref_slice %arg2[%dma_wait3A_52, %dma_wait3A_53] : memref<10000x128xi32, #tpu.memory_space<hbm>> -> memref<10000x128xi32, #tpu.memory_space<hbm>>
      tpu.wait_indirect_dma semaphore(%arg16 : memref<!tpu.dma_semaphore, #tpu.memory_space<semaphore_mem>>) src(%dma_wait3A_54 : memref<10000x128xi32, #tpu.memory_space<hbm>>) dst(%arg12 : memref<200x128xi32, #tpu.memory_space<vmem>>)
      %dma_wait3A_55 = tpu.memref_slice %arg9[%add3A_33] : memref<2000xi32, #tpu.memory_space<vmem>> -> memref<200xi32, #tpu.memory_space<vmem>>
      %dma_wait3A_56 = arith.constant 0 : i32
      %dma_wait3A_57 = arith.constant 0 : i32
      %dma_wait3A_58 = tpu.memref_slice %arg3[%dma_wait3A_56, %dma_wait3A_57] : memref<10000x128xi32, #tpu.memory_space<hbm>> -> memref<10000x128xi32, #tpu.memory_space<hbm>>
      tpu.wait_indirect_dma semaphore(%arg17 : memref<!tpu.dma_semaphore, #tpu.memory_space<semaphore_mem>>) src(%dma_wait3A_58 : memref<10000x128xi32, #tpu.memory_space<hbm>>) dst(%arg13 : memref<200x128xi32, #tpu.memory_space<vmem>>)
      %add3A_59 = arith.addi %mul3A_2, %add3A_33 : i32
      %dma_start3A_60 = arith.constant 0 : i32
      %dma_start3A_61 = tpu.memref_slice %arg6[%add3A_59, %dma_start3A_60] : memref<64000x128xi32, #tpu.memory_space<hbm>> -> memref<200x128xi32, #tpu.memory_space<hbm>>
      %dma_start3A_62 = arith.constant 0 : i32
      %dma_start3A_63 = tpu.memref_slice %arg6[%add3A_59, %dma_start3A_62] : memref<64000x128xi32, #tpu.memory_space<hbm>> -> memref<200x128xi32, #tpu.memory_space<hbm>>
      tpu.enqueue_dma source(%arg12 : memref<200x128xi32, #tpu.memory_space<vmem>>) target(%dma_start3A_63 : memref<200x128xi32, #tpu.memory_space<hbm>>) target_semaphore(%arg16 : memref<!tpu.dma_semaphore, #tpu.memory_space<semaphore_mem>>)
      %add3A_64 = arith.addi %mul3A_2, %add3A_33 : i32
      %dma_start3A_65 = arith.constant 0 : i32
      %dma_start3A_66 = tpu.memref_slice %arg7[%add3A_64, %dma_start3A_65] : memref<64000x128xi32, #tpu.memory_space<hbm>> -> memref<200x128xi32, #tpu.memory_space<hbm>>
      %dma_start3A_67 = arith.constant 0 : i32
      %dma_start3A_68 = tpu.memref_slice %arg7[%add3A_64, %dma_start3A_67] : memref<64000x128xi32, #tpu.memory_space<hbm>> -> memref<200x128xi32, #tpu.memory_space<hbm>>
      tpu.enqueue_dma source(%arg13 : memref<200x128xi32, #tpu.memory_space<vmem>>) target(%dma_start3A_68 : memref<200x128xi32, #tpu.memory_space<hbm>>) target_semaphore(%arg17 : memref<!tpu.dma_semaphore, #tpu.memory_space<semaphore_mem>>)
      %dma_wait3A_69 = arith.constant 0 : i32
      %dma_wait3A_70 = tpu.memref_slice %arg6[%add3A_41, %dma_wait3A_69] : memref<64000x128xi32, #tpu.memory_space<hbm>> -> memref<200x128xi32, #tpu.memory_space<hbm>>
      %dma_wait3A_71 = arith.constant 0 : i32
      %dma_wait3A_72 = tpu.memref_slice %arg6[%add3A_41, %dma_wait3A_71] : memref<64000x128xi32, #tpu.memory_space<hbm>> -> memref<200x128xi32, #tpu.memory_space<hbm>>
      tpu.wait_dma2 semaphore(%arg14 : memref<!tpu.dma_semaphore, #tpu.memory_space<semaphore_mem>>) src(%arg10 : memref<200x128xi32, #tpu.memory_space<vmem>>) dst(%dma_wait3A_72 : memref<200x128xi32, #tpu.memory_space<hbm>>)
      %dma_wait3A_73 = arith.constant 0 : i32
      %dma_wait3A_74 = tpu.memref_slice %arg7[%add3A_46, %dma_wait3A_73] : memref<64000x128xi32, #tpu.memory_space<hbm>> -> memref<200x128xi32, #tpu.memory_space<hbm>>
      %dma_wait3A_75 = arith.constant 0 : i32
      %dma_wait3A_76 = tpu.memref_slice %arg7[%add3A_46, %dma_wait3A_75] : memref<64000x128xi32, #tpu.memory_space<hbm>> -> memref<200x128xi32, #tpu.memory_space<hbm>>
      tpu.wait_dma2 semaphore(%arg15 : memref<!tpu.dma_semaphore, #tpu.memory_space<semaphore_mem>>) src(%arg11 : memref<200x128xi32, #tpu.memory_space<vmem>>) dst(%dma_wait3A_76 : memref<200x128xi32, #tpu.memory_space<hbm>>)
      %add3A_77 = arith.constant 400 : i32
      %add3A_78 = arith.addi %multiple_of3A, %add3A_77 : i32
      %lt3A = arith.constant 2000 : i32
      %lt3A_79 = arith.cmpi slt, %add3A_78, %lt3A : i32
      %convert_element_type3A = arith.extui %lt3A_79 : i1 to i32
      %cond3A = arith.constant 0 : i32
      %cond3A_80 = arith.cmpi ne, %convert_element_type3A, %cond3A : i32
      scf.if %cond3A_80 {
        %add3A_96 = arith.constant 400 : i32
        %add3A_97 = arith.addi %multiple_of3A, %add3A_96 : i32
        %multiple_of3A_98 = tpu.assume_multiple %add3A_97, 8 : i32
        %dma_start3A_99 = tpu.memref_slice %arg8[%multiple_of3A_98] : memref<2000xi32, #tpu.memory_space<vmem>> -> memref<200xi32, #tpu.memory_space<vmem>>
        %dma_start3A_100 = arith.constant 0 : i32
        %dma_start3A_101 = arith.constant 0 : i32
        %dma_start3A_102 = tpu.memref_slice %arg2[%dma_start3A_100, %dma_start3A_101] : memref<10000x128xi32, #tpu.memory_space<hbm>> -> memref<10000x128xi32, #tpu.memory_space<hbm>>
        tpu.enqueue_indirect_dma source(%dma_start3A_102 : memref<10000x128xi32, #tpu.memory_space<hbm>>) target(%arg10 : memref<200x128xi32, #tpu.memory_space<vmem>>) offsets(%dma_start3A_99 : memref<200xi32, #tpu.memory_space<vmem>>) semaphore(%arg14 : memref<!tpu.dma_semaphore, #tpu.memory_space<semaphore_mem>>)
        %dma_start3A_103 = tpu.memref_slice %arg9[%multiple_of3A_98] : memref<2000xi32, #tpu.memory_space<vmem>> -> memref<200xi32, #tpu.memory_space<vmem>>
        %dma_start3A_104 = arith.constant 0 : i32
        %dma_start3A_105 = arith.constant 0 : i32
        %dma_start3A_106 = tpu.memref_slice %arg3[%dma_start3A_104, %dma_start3A_105] : memref<10000x128xi32, #tpu.memory_space<hbm>> -> memref<10000x128xi32, #tpu.memory_space<hbm>>
        tpu.enqueue_indirect_dma source(%dma_start3A_106 : memref<10000x128xi32, #tpu.memory_space<hbm>>) target(%arg11 : memref<200x128xi32, #tpu.memory_space<vmem>>) offsets(%dma_start3A_103 : memref<200xi32, #tpu.memory_space<vmem>>) semaphore(%arg15 : memref<!tpu.dma_semaphore, #tpu.memory_space<semaphore_mem>>)
      } else {
      }
      %dma_wait3A_81 = arith.constant 0 : i32
      %dma_wait3A_82 = tpu.memref_slice %arg6[%add3A_59, %dma_wait3A_81] : memref<64000x128xi32, #tpu.memory_space<hbm>> -> memref<200x128xi32, #tpu.memory_space<hbm>>
      %dma_wait3A_83 = arith.constant 0 : i32
      %dma_wait3A_84 = tpu.memref_slice %arg6[%add3A_59, %dma_wait3A_83] : memref<64000x128xi32, #tpu.memory_space<hbm>> -> memref<200x128xi32, #tpu.memory_space<hbm>>
      tpu.wait_dma2 semaphore(%arg16 : memref<!tpu.dma_semaphore, #tpu.memory_space<semaphore_mem>>) src(%arg12 : memref<200x128xi32, #tpu.memory_space<vmem>>) dst(%dma_wait3A_84 : memref<200x128xi32, #tpu.memory_space<hbm>>)
      %dma_wait3A_85 = arith.constant 0 : i32
      %dma_wait3A_86 = tpu.memref_slice %arg7[%add3A_64, %dma_wait3A_85] : memref<64000x128xi32, #tpu.memory_space<hbm>> -> memref<200x128xi32, #tpu.memory_space<hbm>>
      %dma_wait3A_87 = arith.constant 0 : i32
      %dma_wait3A_88 = tpu.memref_slice %arg7[%add3A_64, %dma_wait3A_87] : memref<64000x128xi32, #tpu.memory_space<hbm>> -> memref<200x128xi32, #tpu.memory_space<hbm>>
      tpu.wait_dma2 semaphore(%arg17 : memref<!tpu.dma_semaphore, #tpu.memory_space<semaphore_mem>>) src(%arg13 : memref<200x128xi32, #tpu.memory_space<vmem>>) dst(%dma_wait3A_88 : memref<200x128xi32, #tpu.memory_space<hbm>>)
      %add3A_89 = arith.constant 400 : i32
      %add3A_90 = arith.addi %add3A_33, %add3A_89 : i32
      %lt3A_91 = arith.constant 2000 : i32
      %lt3A_92 = arith.cmpi slt, %add3A_90, %lt3A_91 : i32
      %convert_element_type3A_93 = arith.extui %lt3A_92 : i1 to i32
      %cond3A_94 = arith.constant 0 : i32
      %cond3A_95 = arith.cmpi ne, %convert_element_type3A_93, %cond3A_94 : i32
      scf.if %cond3A_95 {
        %add3A_96 = arith.constant 400 : i32
        %add3A_97 = arith.addi %add3A_33, %add3A_96 : i32
        %multiple_of3A_98 = tpu.assume_multiple %add3A_97, 8 : i32
        %dma_start3A_99 = tpu.memref_slice %arg8[%multiple_of3A_98] : memref<2000xi32, #tpu.memory_space<vmem>> -> memref<200xi32, #tpu.memory_space<vmem>>
        %dma_start3A_100 = arith.constant 0 : i32
        %dma_start3A_101 = arith.constant 0 : i32
        %dma_start3A_102 = tpu.memref_slice %arg2[%dma_start3A_100, %dma_start3A_101] : memref<10000x128xi32, #tpu.memory_space<hbm>> -> memref<10000x128xi32, #tpu.memory_space<hbm>>
        tpu.enqueue_indirect_dma source(%dma_start3A_102 : memref<10000x128xi32, #tpu.memory_space<hbm>>) target(%arg12 : memref<200x128xi32, #tpu.memory_space<vmem>>) offsets(%dma_start3A_99 : memref<200xi32, #tpu.memory_space<vmem>>) semaphore(%arg16 : memref<!tpu.dma_semaphore, #tpu.memory_space<semaphore_mem>>)
        %dma_start3A_103 = tpu.memref_slice %arg9[%multiple_of3A_98] : memref<2000xi32, #tpu.memory_space<vmem>> -> memref<200xi32, #tpu.memory_space<vmem>>
        %dma_start3A_104 = arith.constant 0 : i32
        %dma_start3A_105 = arith.constant 0 : i32
        %dma_start3A_106 = tpu.memref_slice %arg3[%dma_start3A_104, %dma_start3A_105] : memref<10000x128xi32, #tpu.memory_space<hbm>> -> memref<10000x128xi32, #tpu.memory_space<hbm>>
        tpu.enqueue_indirect_dma source(%dma_start3A_106 : memref<10000x128xi32, #tpu.memory_space<hbm>>) target(%arg13 : memref<200x128xi32, #tpu.memory_space<vmem>>) offsets(%dma_start3A_103 : memref<200xi32, #tpu.memory_space<vmem>>) semaphore(%arg17 : memref<!tpu.dma_semaphore, #tpu.memory_space<semaphore_mem>>)
      } else {
      }
    }
    %scan3A_26 = arith.constant 5 : i32
    return
  }
}

#map = affine_map<(d0, d1) -> (0, 0)>
#map1 = affine_map<(d0, d1) -> (0)>
module attributes {stable_mosaic.version = 14 : i64} {
  func.func @gather(%arg0: i32, %arg1: i32, %arg2: memref<10000x128xi32, #tpu.memory_space<hbm>>, %arg3: memref<10000x128xi32, #tpu.memory_space<hbm>>, %arg4: memref<64000xi32, #tpu.memory_space<hbm>>, %arg5: memref<64000xi32, #tpu.memory_space<hbm>>, %arg6: memref<64000x128xi32, #tpu.memory_space<hbm>>, %arg7: memref<64000x128xi32, #tpu.memory_space<hbm>>, %arg8: memref<2000xi32, #tpu.memory_space<vmem>>, %arg9: memref<2000xi32, #tpu.memory_space<vmem>>, %arg10: memref<200x128xi32, #tpu.memory_space<vmem>>, %arg11: memref<200x128xi32, #tpu.memory_space<vmem>>, %arg12: memref<200x128xi32, #tpu.memory_space<vmem>>, %arg13: memref<200x128xi32, #tpu.memory_space<vmem>>, %arg14: memref<!tpu.dma_semaphore, #tpu.memory_space<semaphore_mem>>, %arg15: memref<!tpu.dma_semaphore, #tpu.memory_space<semaphore_mem>>, %arg16: memref<!tpu.dma_semaphore, #tpu.memory_space<semaphore_mem>>, %arg17: memref<!tpu.dma_semaphore, #tpu.memory_space<semaphore_mem>>) attributes {dimension_semantics = [#tpu.dimension_semantics<core_parallel>, #tpu.dimension_semantics<subcore_parallel>], iteration_bounds = array<i64: 2, 16>, scalar_prefetch = 0 : i64, scratch_operands = 10 : i64, tpu.core_type = #tpu.core_type<sc_vector_subcore>, window_params = [{transform_indices = #map}, {transform_indices = #map}, {transform_indices = #map1}, {transform_indices = #map1}, {transform_indices = #map}, {transform_indices = #map}]} {
    %mul3A = arith.constant 2 : i32
    %mul3A_0 = arith.muli %arg1, %mul3A : i32
    %add3A = arith.addi %mul3A_0, %arg0 : i32
    %mul3A_1 = arith.constant 2000 : i32
    %mul3A_2 = arith.muli %add3A, %mul3A_1 : i32
    "tpu.region"() ({
      %run_scoped3A = tpu.sem_alloc : memref<!tpu.dma_semaphore, #tpu.memory_space<semaphore_mem>>
      %dma_start3A_27 = tpu.memref_slice %arg4[%mul3A_2] : memref<64000xi32, #tpu.memory_space<hbm>> -> memref<2000xi32, #tpu.memory_space<hbm>>
      %dma_start3A_28 = tpu.memref_slice %arg4[%mul3A_2] : memref<64000xi32, #tpu.memory_space<hbm>> -> memref<2000xi32, #tpu.memory_space<hbm>>
      tpu.enqueue_dma source(%dma_start3A_28 : memref<2000xi32, #tpu.memory_space<hbm>>) target(%arg8 : memref<2000xi32, #tpu.memory_space<vmem>>) target_semaphore(%run_scoped3A : memref<!tpu.dma_semaphore, #tpu.memory_space<semaphore_mem>>)
      %dma_wait3A = tpu.memref_slice %arg4[%mul3A_2] : memref<64000xi32, #tpu.memory_space<hbm>> -> memref<2000xi32, #tpu.memory_space<hbm>>
      %dma_wait3A_29 = tpu.memref_slice %arg4[%mul3A_2] : memref<64000xi32, #tpu.memory_space<hbm>> -> memref<2000xi32, #tpu.memory_space<hbm>>
      tpu.wait_dma2 semaphore(%run_scoped3A : memref<!tpu.dma_semaphore, #tpu.memory_space<semaphore_mem>>) src(%dma_wait3A_29 : memref<2000xi32, #tpu.memory_space<hbm>>) dst(%arg8 : memref<2000xi32, #tpu.memory_space<vmem>>)
      tpu.yield
    }) : () -> ()
    "tpu.region"() ({
      %run_scoped3A = tpu.sem_alloc : memref<!tpu.dma_semaphore, #tpu.memory_space<semaphore_mem>>
      %dma_start3A_27 = tpu.memref_slice %arg5[%mul3A_2] : memref<64000xi32, #tpu.memory_space<hbm>> -> memref<2000xi32, #tpu.memory_space<hbm>>
      %dma_start3A_28 = tpu.memref_slice %arg5[%mul3A_2] : memref<64000xi32, #tpu.memory_space<hbm>> -> memref<2000xi32, #tpu.memory_space<hbm>>
      tpu.enqueue_dma source(%dma_start3A_28 : memref<2000xi32, #tpu.memory_space<hbm>>) target(%arg9 : memref<2000xi32, #tpu.memory_space<vmem>>) target_semaphore(%run_scoped3A : memref<!tpu.dma_semaphore, #tpu.memory_space<semaphore_mem>>)
      %dma_wait3A = tpu.memref_slice %arg5[%mul3A_2] : memref<64000xi32, #tpu.memory_space<hbm>> -> memref<2000xi32, #tpu.memory_space<hbm>>
      %dma_wait3A_29 = tpu.memref_slice %arg5[%mul3A_2] : memref<64000xi32, #tpu.memory_space<hbm>> -> memref<2000xi32, #tpu.memory_space<hbm>>
      tpu.wait_dma2 semaphore(%run_scoped3A : memref<!tpu.dma_semaphore, #tpu.memory_space<semaphore_mem>>) src(%dma_wait3A_29 : memref<2000xi32, #tpu.memory_space<hbm>>) dst(%arg9 : memref<2000xi32, #tpu.memory_space<vmem>>)
      tpu.yield
    }) : () -> ()
    %dma_start3A = arith.constant 0 : i32
    %dma_start3A_3 = tpu.memref_slice %arg8[%dma_start3A] : memref<2000xi32, #tpu.memory_space<vmem>> -> memref<200xi32, #tpu.memory_space<vmem>>
    %dma_start3A_4 = arith.constant 0 : i32
    %dma_start3A_5 = arith.constant 0 : i32
    %dma_start3A_6 = tpu.memref_slice %arg2[%dma_start3A_4, %dma_start3A_5] : memref<10000x128xi32, #tpu.memory_space<hbm>> -> memref<10000x128xi32, #tpu.memory_space<hbm>>
    tpu.enqueue_indirect_dma source(%dma_start3A_6 : memref<10000x128xi32, #tpu.memory_space<hbm>>) target(%arg10 : memref<200x128xi32, #tpu.memory_space<vmem>>) offsets(%dma_start3A_3 : memref<200xi32, #tpu.memory_space<vmem>>) semaphore(%arg14 : memref<!tpu.dma_semaphore, #tpu.memory_space<semaphore_mem>>)
    %dma_start3A_7 = arith.constant 0 : i32
    %dma_start3A_8 = tpu.memref_slice %arg9[%dma_start3A_7] : memref<2000xi32, #tpu.memory_space<vmem>> -> memref<200xi32, #tpu.memory_space<vmem>>
    %dma_start3A_9 = arith.constant 0 : i32
    %dma_start3A_10 = arith.constant 0 : i32
    %dma_start3A_11 = tpu.memref_slice %arg3[%dma_start3A_9, %dma_start3A_10] : memref<10000x128xi32, #tpu.memory_space<hbm>> -> memref<10000x128xi32, #tpu.memory_space<hbm>>
    tpu.enqueue_indirect_dma source(%dma_start3A_11 : memref<10000x128xi32, #tpu.memory_space<hbm>>) target(%arg11 : memref<200x128xi32, #tpu.memory_space<vmem>>) offsets(%dma_start3A_8 : memref<200xi32, #tpu.memory_space<vmem>>) semaphore(%arg15 : memref<!tpu.dma_semaphore, #tpu.memory_space<semaphore_mem>>)
    %dma_start3A_12 = arith.constant 200 : i32
    %dma_start3A_13 = tpu.memref_slice %arg8[%dma_start3A_12] : memref<2000xi32, #tpu.memory_space<vmem>> -> memref<200xi32, #tpu.memory_space<vmem>>
    %dma_start3A_14 = arith.constant 0 : i32
    %dma_start3A_15 = arith.constant 0 : i32
    %dma_start3A_16 = tpu.memref_slice %arg2[%dma_start3A_14, %dma_start3A_15] : memref<10000x128xi32, #tpu.memory_space<hbm>> -> memref<10000x128xi32, #tpu.memory_space<hbm>>
    tpu.enqueue_indirect_dma source(%dma_start3A_16 : memref<10000x128xi32, #tpu.memory_space<hbm>>) target(%arg12 : memref<200x128xi32, #tpu.memory_space<vmem>>) offsets(%dma_start3A_13 : memref<200xi32, #tpu.memory_space<vmem>>) semaphore(%arg16 : memref<!tpu.dma_semaphore, #tpu.memory_space<semaphore_mem>>)
    %dma_start3A_17 = arith.constant 200 : i32
    %dma_start3A_18 = tpu.memref_slice %arg9[%dma_start3A_17] : memref<2000xi32, #tpu.memory_space<vmem>> -> memref<200xi32, #tpu.memory_space<vmem>>
    %dma_start3A_19 = arith.constant 0 : i32
    %dma_start3A_20 = arith.constant 0 : i32
    %dma_start3A_21 = tpu.memref_slice %arg3[%dma_start3A_19, %dma_start3A_20] : memref<10000x128xi32, #tpu.memory_space<hbm>> -> memref<10000x128xi32, #tpu.memory_space<hbm>>
    tpu.enqueue_indirect_dma source(%dma_start3A_21 : memref<10000x128xi32, #tpu.memory_space<hbm>>) target(%arg13 : memref<200x128xi32, #tpu.memory_space<vmem>>) offsets(%dma_start3A_18 : memref<200xi32, #tpu.memory_space<vmem>>) semaphore(%arg17 : memref<!tpu.dma_semaphore, #tpu.memory_space<semaphore_mem>>)
    %scan3A = arith.constant 0 : i32
    %scan3A_22 = arith.constant 0 : i32
    %scan3A_23 = arith.constant 5 : i32
    %scan3A_24 = arith.addi %scan3A_22, %scan3A_23 : i32
    %scan3A_25 = arith.constant 1 : i32
    scf.for %scan3A_27 = %scan3A_22 to %scan3A_24 step %scan3A_25  : i32 {
      %mul3A_28 = arith.constant 2 : i32
      %mul3A_29 = arith.muli %mul3A_28, %scan3A_27 : i32
      %mul3A_30 = arith.constant 200 : i32
      %mul3A_31 = arith.muli %mul3A_29, %mul3A_30 : i32
      %multiple_of3A = tpu.assume_multiple %mul3A_31, 8 : i32
      %add3A_32 = arith.constant 200 : i32
      %add3A_33 = arith.addi %multiple_of3A, %add3A_32 : i32
      %dma_wait3A = tpu.memref_slice %arg8[%multiple_of3A] : memref<2000xi32, #tpu.memory_space<vmem>> -> memref<200xi32, #tpu.memory_space<vmem>>
      %dma_wait3A_34 = arith.constant 0 : i32
      %dma_wait3A_35 = arith.constant 0 : i32
      %dma_wait3A_36 = tpu.memref_slice %arg2[%dma_wait3A_34, %dma_wait3A_35] : memref<10000x128xi32, #tpu.memory_space<hbm>> -> memref<10000x128xi32, #tpu.memory_space<hbm>>
      tpu.wait_indirect_dma semaphore(%arg14 : memref<!tpu.dma_semaphore, #tpu.memory_space<semaphore_mem>>) src(%dma_wait3A_36 : memref<10000x128xi32, #tpu.memory_space<hbm>>) dst(%arg10 : memref<200x128xi32, #tpu.memory_space<vmem>>)
      %dma_wait3A_37 = tpu.memref_slice %arg9[%multiple_of3A] : memref<2000xi32, #tpu.memory_space<vmem>> -> memref<200xi32, #tpu.memory_space<vmem>>
      %dma_wait3A_38 = arith.constant 0 : i32
      %dma_wait3A_39 = arith.constant 0 : i32
      %dma_wait3A_40 = tpu.memref_slice %arg3[%dma_wait3A_38, %dma_wait3A_39] : memref<10000x128xi32, #tpu.memory_space<hbm>> -> memref<10000x128xi32, #tpu.memory_space<hbm>>
      tpu.wait_indirect_dma semaphore(%arg15 : memref<!tpu.dma_semaphore, #tpu.memory_space<semaphore_mem>>) src(%dma_wait3A_40 : memref<10000x128xi32, #tpu.memory_space<hbm>>) dst(%arg11 : memref<200x128xi32, #tpu.memory_space<vmem>>)
      %add3A_41 = arith.addi %mul3A_2, %multiple_of3A : i32
      %dma_start3A_42 = arith.constant 0 : i32
      %dma_start3A_43 = tpu.memref_slice %arg6[%add3A_41, %dma_start3A_42] : memref<64000x128xi32, #tpu.memory_space<hbm>> -> memref<200x128xi32, #tpu.memory_space<hbm>>
      %dma_start3A_44 = arith.constant 0 : i32
      %dma_start3A_45 = tpu.memref_slice %arg6[%add3A_41, %dma_start3A_44] : memref<64000x128xi32, #tpu.memory_space<hbm>> -> memref<200x128xi32, #tpu.memory_space<hbm>>
      tpu.enqueue_dma source(%arg10 : memref<200x128xi32, #tpu.memory_space<vmem>>) target(%dma_start3A_45 : memref<200x128xi32, #tpu.memory_space<hbm>>) target_semaphore(%arg14 : memref<!tpu.dma_semaphore, #tpu.memory_space<semaphore_mem>>)
      %add3A_46 = arith.addi %mul3A_2, %multiple_of3A : i32
      %dma_start3A_47 = arith.constant 0 : i32
      %dma_start3A_48 = tpu.memref_slice %arg7[%add3A_46, %dma_start3A_47] : memref<64000x128xi32, #tpu.memory_space<hbm>> -> memref<200x128xi32, #tpu.memory_space<hbm>>
      %dma_start3A_49 = arith.constant 0 : i32
      %dma_start3A_50 = tpu.memref_slice %arg7[%add3A_46, %dma_start3A_49] : memref<64000x128xi32, #tpu.memory_space<hbm>> -> memref<200x128xi32, #tpu.memory_space<hbm>>
      tpu.enqueue_dma source(%arg11 : memref<200x128xi32, #tpu.memory_space<vmem>>) target(%dma_start3A_50 : memref<200x128xi32, #tpu.memory_space<hbm>>) target_semaphore(%arg15 : memref<!tpu.dma_semaphore, #tpu.memory_space<semaphore_mem>>)
      %dma_wait3A_51 = tpu.memref_slice %arg8[%add3A_33] : memref<2000xi32, #tpu.memory_space<vmem>> -> memref<200xi32, #tpu.memory_space<vmem>>
      %dma_wait3A_52 = arith.constant 0 : i32
      %dma_wait3A_53 = arith.constant 0 : i32
      %dma_wait3A_54 = tpu.memref_slice %arg2[%dma_wait3A_52, %dma_wait3A_53] : memref<10000x128xi32, #tpu.memory_space<hbm>> -> memref<10000x128xi32, #tpu.memory_space<hbm>>
      tpu.wait_indirect_dma semaphore(%arg16 : memref<!tpu.dma_semaphore, #tpu.memory_space<semaphore_mem>>) src(%dma_wait3A_54 : memref<10000x128xi32, #tpu.memory_space<hbm>>) dst(%arg12 : memref<200x128xi32, #tpu.memory_space<vmem>>)
      %dma_wait3A_55 = tpu.memref_slice %arg9[%add3A_33] : memref<2000xi32, #tpu.memory_space<vmem>> -> memref<200xi32, #tpu.memory_space<vmem>>
      %dma_wait3A_56 = arith.constant 0 : i32
      %dma_wait3A_57 = arith.constant 0 : i32
      %dma_wait3A_58 = tpu.memref_slice %arg3[%dma_wait3A_56, %dma_wait3A_57] : memref<10000x128xi32, #tpu.memory_space<hbm>> -> memref<10000x128xi32, #tpu.memory_space<hbm>>
      tpu.wait_indirect_dma semaphore(%arg17 : memref<!tpu.dma_semaphore, #tpu.memory_space<semaphore_mem>>) src(%dma_wait3A_58 : memref<10000x128xi32, #tpu.memory_space<hbm>>) dst(%arg13 : memref<200x128xi32, #tpu.memory_space<vmem>>)
      %add3A_59 = arith.addi %mul3A_2, %add3A_33 : i32
      %dma_start3A_60 = arith.constant 0 : i32
      %dma_start3A_61 = tpu.memref_slice %arg6[%add3A_59, %dma_start3A_60] : memref<64000x128xi32, #tpu.memory_space<hbm>> -> memref<200x128xi32, #tpu.memory_space<hbm>>
      %dma_start3A_62 = arith.constant 0 : i32
      %dma_start3A_63 = tpu.memref_slice %arg6[%add3A_59, %dma_start3A_62] : memref<64000x128xi32, #tpu.memory_space<hbm>> -> memref<200x128xi32, #tpu.memory_space<hbm>>
      tpu.enqueue_dma source(%arg12 : memref<200x128xi32, #tpu.memory_space<vmem>>) target(%dma_start3A_63 : memref<200x128xi32, #tpu.memory_space<hbm>>) target_semaphore(%arg16 : memref<!tpu.dma_semaphore, #tpu.memory_space<semaphore_mem>>)
      %add3A_64 = arith.addi %mul3A_2, %add3A_33 : i32
      %dma_start3A_65 = arith.constant 0 : i32
      %dma_start3A_66 = tpu.memref_slice %arg7[%add3A_64, %dma_start3A_65] : memref<64000x128xi32, #tpu.memory_space<hbm>> -> memref<200x128xi32, #tpu.memory_space<hbm>>
      %dma_start3A_67 = arith.constant 0 : i32
      %dma_start3A_68 = tpu.memref_slice %arg7[%add3A_64, %dma_start3A_67] : memref<64000x128xi32, #tpu.memory_space<hbm>> -> memref<200x128xi32, #tpu.memory_space<hbm>>
      tpu.enqueue_dma source(%arg13 : memref<200x128xi32, #tpu.memory_space<vmem>>) target(%dma_start3A_68 : memref<200x128xi32, #tpu.memory_space<hbm>>) target_semaphore(%arg17 : memref<!tpu.dma_semaphore, #tpu.memory_space<semaphore_mem>>)
      %dma_wait3A_69 = arith.constant 0 : i32
      %dma_wait3A_70 = tpu.memref_slice %arg6[%add3A_41, %dma_wait3A_69] : memref<64000x128xi32, #tpu.memory_space<hbm>> -> memref<200x128xi32, #tpu.memory_space<hbm>>
      %dma_wait3A_71 = arith.constant 0 : i32
      %dma_wait3A_72 = tpu.memref_slice %arg6[%add3A_41, %dma_wait3A_71] : memref<64000x128xi32, #tpu.memory_space<hbm>> -> memref<200x128xi32, #tpu.memory_space<hbm>>
      tpu.wait_dma2 semaphore(%arg14 : memref<!tpu.dma_semaphore, #tpu.memory_space<semaphore_mem>>) src(%arg10 : memref<200x128xi32, #tpu.memory_space<vmem>>) dst(%dma_wait3A_72 : memref<200x128xi32, #tpu.memory_space<hbm>>)
      %dma_wait3A_73 = arith.constant 0 : i32
      %dma_wait3A_74 = tpu.memref_slice %arg7[%add3A_46, %dma_wait3A_73] : memref<64000x128xi32, #tpu.memory_space<hbm>> -> memref<200x128xi32, #tpu.memory_space<hbm>>
      %dma_wait3A_75 = arith.constant 0 : i32
      %dma_wait3A_76 = tpu.memref_slice %arg7[%add3A_46, %dma_wait3A_75] : memref<64000x128xi32, #tpu.memory_space<hbm>> -> memref<200x128xi32, #tpu.memory_space<hbm>>
      tpu.wait_dma2 semaphore(%arg15 : memref<!tpu.dma_semaphore, #tpu.memory_space<semaphore_mem>>) src(%arg11 : memref<200x128xi32, #tpu.memory_space<vmem>>) dst(%dma_wait3A_76 : memref<200x128xi32, #tpu.memory_space<hbm>>)
      %add3A_77 = arith.constant 400 : i32
      %add3A_78 = arith.addi %multiple_of3A, %add3A_77 : i32
      %lt3A = arith.constant 2000 : i32
      %lt3A_79 = arith.cmpi slt, %add3A_78, %lt3A : i32
      %convert_element_type3A = arith.extui %lt3A_79 : i1 to i32
      %cond3A = arith.constant 0 : i32
      %cond3A_80 = arith.cmpi ne, %convert_element_type3A, %cond3A : i32
      scf.if %cond3A_80 {
        %add3A_96 = arith.constant 400 : i32
        %add3A_97 = arith.addi %multiple_of3A, %add3A_96 : i32
        %multiple_of3A_98 = tpu.assume_multiple %add3A_97, 8 : i32
        %dma_start3A_99 = tpu.memref_slice %arg8[%multiple_of3A_98] : memref<2000xi32, #tpu.memory_space<vmem>> -> memref<200xi32, #tpu.memory_space<vmem>>
        %dma_start3A_100 = arith.constant 0 : i32
        %dma_start3A_101 = arith.constant 0 : i32
        %dma_start3A_102 = tpu.memref_slice %arg2[%dma_start3A_100, %dma_start3A_101] : memref<10000x128xi32, #tpu.memory_space<hbm>> -> memref<10000x128xi32, #tpu.memory_space<hbm>>
        tpu.enqueue_indirect_dma source(%dma_start3A_102 : memref<10000x128xi32, #tpu.memory_space<hbm>>) target(%arg10 : memref<200x128xi32, #tpu.memory_space<vmem>>) offsets(%dma_start3A_99 : memref<200xi32, #tpu.memory_space<vmem>>) semaphore(%arg14 : memref<!tpu.dma_semaphore, #tpu.memory_space<semaphore_mem>>)
        %dma_start3A_103 = tpu.memref_slice %arg9[%multiple_of3A_98] : memref<2000xi32, #tpu.memory_space<vmem>> -> memref<200xi32, #tpu.memory_space<vmem>>
        %dma_start3A_104 = arith.constant 0 : i32
        %dma_start3A_105 = arith.constant 0 : i32
        %dma_start3A_106 = tpu.memref_slice %arg3[%dma_start3A_104, %dma_start3A_105] : memref<10000x128xi32, #tpu.memory_space<hbm>> -> memref<10000x128xi32, #tpu.memory_space<hbm>>
        tpu.enqueue_indirect_dma source(%dma_start3A_106 : memref<10000x128xi32, #tpu.memory_space<hbm>>) target(%arg11 : memref<200x128xi32, #tpu.memory_space<vmem>>) offsets(%dma_start3A_103 : memref<200xi32, #tpu.memory_space<vmem>>) semaphore(%arg15 : memref<!tpu.dma_semaphore, #tpu.memory_space<semaphore_mem>>)
      } else {
      }
      %dma_wait3A_81 = arith.constant 0 : i32
      %dma_wait3A_82 = tpu.memref_slice %arg6[%add3A_59, %dma_wait3A_81] : memref<64000x128xi32, #tpu.memory_space<hbm>> -> memref<200x128xi32, #tpu.memory_space<hbm>>
      %dma_wait3A_83 = arith.constant 0 : i32
      %dma_wait3A_84 = tpu.memref_slice %arg6[%add3A_59, %dma_wait3A_83] : memref<64000x128xi32, #tpu.memory_space<hbm>> -> memref<200x128xi32, #tpu.memory_space<hbm>>
      tpu.wait_dma2 semaphore(%arg16 : memref<!tpu.dma_semaphore, #tpu.memory_space<semaphore_mem>>) src(%arg12 : memref<200x128xi32, #tpu.memory_space<vmem>>) dst(%dma_wait3A_84 : memref<200x128xi32, #tpu.memory_space<hbm>>)
      %dma_wait3A_85 = arith.constant 0 : i32
      %dma_wait3A_86 = tpu.memref_slice %arg7[%add3A_64, %dma_wait3A_85] : memref<64000x128xi32, #tpu.memory_space<hbm>> -> memref<200x128xi32, #tpu.memory_space<hbm>>
      %dma_wait3A_87 = arith.constant 0 : i32
      %dma_wait3A_88 = tpu.memref_slice %arg7[%add3A_64, %dma_wait3A_87] : memref<64000x128xi32, #tpu.memory_space<hbm>> -> memref<200x128xi32, #tpu.memory_space<hbm>>
      tpu.wait_dma2 semaphore(%arg17 : memref<!tpu.dma_semaphore, #tpu.memory_space<semaphore_mem>>) src(%arg13 : memref<200x128xi32, #tpu.memory_space<vmem>>) dst(%dma_wait3A_88 : memref<200x128xi32, #tpu.memory_space<hbm>>)
      %add3A_89 = arith.constant 400 : i32
      %add3A_90 = arith.addi %add3A_33, %add3A_89 : i32
      %lt3A_91 = arith.constant 2000 : i32
      %lt3A_92 = arith.cmpi slt, %add3A_90, %lt3A_91 : i32
      %convert_element_type3A_93 = arith.extui %lt3A_92 : i1 to i32
      %cond3A_94 = arith.constant 0 : i32
      %cond3A_95 = arith.cmpi ne, %convert_element_type3A_93, %cond3A_94 : i32
      scf.if %cond3A_95 {
        %add3A_96 = arith.constant 400 : i32
        %add3A_97 = arith.addi %add3A_33, %add3A_96 : i32
        %multiple_of3A_98 = tpu.assume_multiple %add3A_97, 8 : i32
        %dma_start3A_99 = tpu.memref_slice %arg8[%multiple_of3A_98] : memref<2000xi32, #tpu.memory_space<vmem>> -> memref<200xi32, #tpu.memory_space<vmem>>
        %dma_start3A_100 = arith.constant 0 : i32
        %dma_start3A_101 = arith.constant 0 : i32
        %dma_start3A_102 = tpu.memref_slice %arg2[%dma_start3A_100, %dma_start3A_101] : memref<10000x128xi32, #tpu.memory_space<hbm>> -> memref<10000x128xi32, #tpu.memory_space<hbm>>
        tpu.enqueue_indirect_dma source(%dma_start3A_102 : memref<10000x128xi32, #tpu.memory_space<hbm>>) target(%arg12 : memref<200x128xi32, #tpu.memory_space<vmem>>) offsets(%dma_start3A_99 : memref<200xi32, #tpu.memory_space<vmem>>) semaphore(%arg16 : memref<!tpu.dma_semaphore, #tpu.memory_space<semaphore_mem>>)
        %dma_start3A_103 = tpu.memref_slice %arg9[%multiple_of3A_98] : memref<2000xi32, #tpu.memory_space<vmem>> -> memref<200xi32, #tpu.memory_space<vmem>>
        %dma_start3A_104 = arith.constant 0 : i32
        %dma_start3A_105 = arith.constant 0 : i32
        %dma_start3A_106 = tpu.memref_slice %arg3[%dma_start3A_104, %dma_start3A_105] : memref<10000x128xi32, #tpu.memory_space<hbm>> -> memref<10000x128xi32, #tpu.memory_space<hbm>>
        tpu.enqueue_indirect_dma source(%dma_start3A_106 : memref<10000x128xi32, #tpu.memory_space<hbm>>) target(%arg13 : memref<200x128xi32, #tpu.memory_space<vmem>>) offsets(%dma_start3A_103 : memref<200xi32, #tpu.memory_space<vmem>>) semaphore(%arg17 : memref<!tpu.dma_semaphore, #tpu.memory_space<semaphore_mem>>)
      } else {
      }
    }
    %scan3A_26 = arith.constant 5 : i32
    return
  }
}

#map = affine_map<(d0, d1) -> (0, 0)>
#map1 = affine_map<(d0, d1) -> (0)>
module attributes {stable_mosaic.version = 14 : i64} {
  func.func @scatter(%arg0: i32, %arg1: i32, %arg2: memref<64000x128xf32, #tpu.memory_space<hbm>>, %arg3: memref<128000xi32, #tpu.memory_space<hbm>>, %arg4: memref<5008x128xf32, #tpu.memory_space<hbm>>, %arg5: memref<10016x128xf32, #tpu.memory_space<hbm>>, %arg6: memref<200xi32, #tpu.memory_space<vmem>>, %arg7: memref<200xi32, #tpu.memory_space<vmem>>, %arg8: memref<200x128xf32, #tpu.memory_space<vmem>>, %arg9: memref<200x128xf32, #tpu.memory_space<vmem>>, %arg10: memref<5008x128xf32, #tpu.memory_space<vmem_shared>>, %arg11: memref<!tpu.dma_semaphore, #tpu.memory_space<semaphore_mem>>, %arg12: memref<!tpu.dma_semaphore, #tpu.memory_space<semaphore_mem>>, %arg13: memref<!tpu.dma_semaphore, #tpu.memory_space<semaphore_mem>>, %arg14: memref<!tpu.dma_semaphore, #tpu.memory_space<semaphore_mem>>) attributes {dimension_semantics = [#tpu.dimension_semantics<core_parallel>, #tpu.dimension_semantics<subcore_parallel>], iteration_bounds = array<i64: 2, 16>, scalar_prefetch = 0 : i64, scratch_operands = 9 : i64, tpu.core_type = #tpu.core_type<sc_vector_subcore>, window_params = [{transform_indices = #map}, {transform_indices = #map1}, {transform_indices = #map}, {transform_indices = #map}]} {
    %mul3A = arith.constant 4000 : i32
    %mul3A_0 = arith.muli %arg1, %mul3A : i32
    %multiple_of3A = tpu.assume_multiple %mul3A_0, 8 : i32
    %mul3A_1 = arith.constant 64000 : i32
    %mul3A_2 = arith.muli %arg0, %mul3A_1 : i32
    %add3A = arith.addi %mul3A_2, %multiple_of3A : i32
    %dma_start3A = tpu.memref_slice %arg3[%add3A] : memref<128000xi32, #tpu.memory_space<hbm>> -> memref<200xi32, #tpu.memory_space<hbm>>
    %dma_start3A_3 = tpu.memref_slice %arg3[%add3A] : memref<128000xi32, #tpu.memory_space<hbm>> -> memref<200xi32, #tpu.memory_space<hbm>>
    tpu.enqueue_dma source(%dma_start3A_3 : memref<200xi32, #tpu.memory_space<hbm>>) target(%arg6 : memref<200xi32, #tpu.memory_space<vmem>>) target_semaphore(%arg11 : memref<!tpu.dma_semaphore, #tpu.memory_space<semaphore_mem>>)
    %dma_start3A_4 = arith.constant 0 : i32
    %dma_start3A_5 = tpu.memref_slice %arg2[%multiple_of3A, %dma_start3A_4] : memref<64000x128xf32, #tpu.memory_space<hbm>> -> memref<200x128xf32, #tpu.memory_space<hbm>>
    %dma_start3A_6 = arith.constant 0 : i32
    %dma_start3A_7 = tpu.memref_slice %arg2[%multiple_of3A, %dma_start3A_6] : memref<64000x128xf32, #tpu.memory_space<hbm>> -> memref<200x128xf32, #tpu.memory_space<hbm>>
    tpu.enqueue_dma source(%dma_start3A_7 : memref<200x128xf32, #tpu.memory_space<hbm>>) target(%arg8 : memref<200x128xf32, #tpu.memory_space<vmem>>) target_semaphore(%arg13 : memref<!tpu.dma_semaphore, #tpu.memory_space<semaphore_mem>>)
    %add3A_8 = arith.constant 200 : i32
    %add3A_9 = arith.addi %mul3A_0, %add3A_8 : i32
    %multiple_of3A_10 = tpu.assume_multiple %add3A_9, 8 : i32
    %mul3A_11 = arith.constant 64000 : i32
    %mul3A_12 = arith.muli %arg0, %mul3A_11 : i32
    %add3A_13 = arith.addi %mul3A_12, %multiple_of3A_10 : i32
    %dma_start3A_14 = tpu.memref_slice %arg3[%add3A_13] : memref<128000xi32, #tpu.memory_space<hbm>> -> memref<200xi32, #tpu.memory_space<hbm>>
    %dma_start3A_15 = tpu.memref_slice %arg3[%add3A_13] : memref<128000xi32, #tpu.memory_space<hbm>> -> memref<200xi32, #tpu.memory_space<hbm>>
    tpu.enqueue_dma source(%dma_start3A_15 : memref<200xi32, #tpu.memory_space<hbm>>) target(%arg7 : memref<200xi32, #tpu.memory_space<vmem>>) target_semaphore(%arg12 : memref<!tpu.dma_semaphore, #tpu.memory_space<semaphore_mem>>)
    %dma_start3A_16 = arith.constant 0 : i32
    %dma_start3A_17 = tpu.memref_slice %arg2[%multiple_of3A_10, %dma_start3A_16] : memref<64000x128xf32, #tpu.memory_space<hbm>> -> memref<200x128xf32, #tpu.memory_space<hbm>>
    %dma_start3A_18 = arith.constant 0 : i32
    %dma_start3A_19 = tpu.memref_slice %arg2[%multiple_of3A_10, %dma_start3A_18] : memref<64000x128xf32, #tpu.memory_space<hbm>> -> memref<200x128xf32, #tpu.memory_space<hbm>>
    tpu.enqueue_dma source(%dma_start3A_19 : memref<200x128xf32, #tpu.memory_space<hbm>>) target(%arg9 : memref<200x128xf32, #tpu.memory_space<vmem>>) target_semaphore(%arg14 : memref<!tpu.dma_semaphore, #tpu.memory_space<semaphore_mem>>)
    %mul3A_20 = arith.constant 312 : i32
    %mul3A_21 = arith.muli %arg1, %mul3A_20 : i32
    %mul3A_22 = arith.constant 312 : i32
    %mul3A_23 = arith.muli %arg1, %mul3A_22 : i32
    "tpu.region"() ({
      %run_scoped3A = tpu.sem_alloc : memref<!tpu.dma_semaphore, #tpu.memory_space<semaphore_mem>>
      %dma_start3A_44 = arith.constant 0 : i32
      %dma_start3A_45 = tpu.memref_slice %arg10[%mul3A_23, %dma_start3A_44] : memref<5008x128xf32, #tpu.memory_space<vmem_shared>> -> memref<312x128xf32, #tpu.memory_space<vmem_shared>>
      %dma_start3A_46 = arith.constant 0 : i32
      %dma_start3A_47 = tpu.memref_slice %arg4[%mul3A_21, %dma_start3A_46] : memref<5008x128xf32, #tpu.memory_space<hbm>> -> memref<312x128xf32, #tpu.memory_space<hbm>>
      tpu.enqueue_dma source(%dma_start3A_47 : memref<312x128xf32, #tpu.memory_space<hbm>>) target(%dma_start3A_45 : memref<312x128xf32, #tpu.memory_space<vmem_shared>>) target_semaphore(%run_scoped3A : memref<!tpu.dma_semaphore, #tpu.memory_space<semaphore_mem>>)
      %dma_wait3A = arith.constant 0 : i32
      %dma_wait3A_48 = tpu.memref_slice %arg10[%mul3A_23, %dma_wait3A] : memref<5008x128xf32, #tpu.memory_space<vmem_shared>> -> memref<312x128xf32, #tpu.memory_space<vmem_shared>>
      %dma_wait3A_49 = arith.constant 0 : i32
      %dma_wait3A_50 = tpu.memref_slice %arg4[%mul3A_21, %dma_wait3A_49] : memref<5008x128xf32, #tpu.memory_space<hbm>> -> memref<312x128xf32, #tpu.memory_space<hbm>>
      tpu.wait_dma2 semaphore(%run_scoped3A : memref<!tpu.dma_semaphore, #tpu.memory_space<semaphore_mem>>) src(%dma_wait3A_50 : memref<312x128xf32, #tpu.memory_space<hbm>>) dst(%dma_wait3A_48 : memref<312x128xf32, #tpu.memory_space<vmem_shared>>)
      tpu.yield
    }) : () -> ()
    %eq3A = arith.constant 0 : i32
    %eq3A_24 = arith.cmpi eq, %arg1, %eq3A : i32
    %convert_element_type3A = arith.extui %eq3A_24 : i1 to i32
    %cond3A = arith.constant 0 : i32
    %cond3A_25 = arith.cmpi ne, %convert_element_type3A, %cond3A : i32
    scf.if %cond3A_25 {
      "tpu.region"() ({
        %run_scoped3A = tpu.sem_alloc : memref<!tpu.dma_semaphore, #tpu.memory_space<semaphore_mem>>
        %dma_start3A_44 = arith.constant 4992 : i32
        %dma_start3A_45 = arith.constant 0 : i32
        %dma_start3A_46 = tpu.memref_slice %arg10[%dma_start3A_44, %dma_start3A_45] : memref<5008x128xf32, #tpu.memory_space<vmem_shared>> -> memref<16x128xf32, #tpu.memory_space<vmem_shared>>
        %dma_start3A_47 = arith.constant 4992 : i32
        %dma_start3A_48 = arith.constant 0 : i32
        %dma_start3A_49 = tpu.memref_slice %arg4[%dma_start3A_47, %dma_start3A_48] : memref<5008x128xf32, #tpu.memory_space<hbm>> -> memref<16x128xf32, #tpu.memory_space<hbm>>
        tpu.enqueue_dma source(%dma_start3A_49 : memref<16x128xf32, #tpu.memory_space<hbm>>) target(%dma_start3A_46 : memref<16x128xf32, #tpu.memory_space<vmem_shared>>) target_semaphore(%run_scoped3A : memref<!tpu.dma_semaphore, #tpu.memory_space<semaphore_mem>>)
        %dma_wait3A = arith.constant 4992 : i32
        %dma_wait3A_50 = arith.constant 0 : i32
        %dma_wait3A_51 = tpu.memref_slice %arg10[%dma_wait3A, %dma_wait3A_50] : memref<5008x128xf32, #tpu.memory_space<vmem_shared>> -> memref<16x128xf32, #tpu.memory_space<vmem_shared>>
        %dma_wait3A_52 = arith.constant 4992 : i32
        %dma_wait3A_53 = arith.constant 0 : i32
        %dma_wait3A_54 = tpu.memref_slice %arg4[%dma_wait3A_52, %dma_wait3A_53] : memref<5008x128xf32, #tpu.memory_space<hbm>> -> memref<16x128xf32, #tpu.memory_space<hbm>>
        tpu.wait_dma2 semaphore(%run_scoped3A : memref<!tpu.dma_semaphore, #tpu.memory_space<semaphore_mem>>) src(%dma_wait3A_54 : memref<16x128xf32, #tpu.memory_space<hbm>>) dst(%dma_wait3A_51 : memref<16x128xf32, #tpu.memory_space<vmem_shared>>)
        tpu.yield
      }) : () -> ()
    } else {
    }
    %barrier3A = arith.constant 0 : index
    tpu.barrier barrier_id(%barrier3A)
    %scan3A = arith.constant 0 : i32
    %scan3A_26 = arith.constant 0 : i32
    %scan3A_27 = arith.constant 10 : i32
    %scan3A_28 = arith.addi %scan3A_26, %scan3A_27 : i32
    %scan3A_29 = arith.constant 1 : i32
    scf.for %scan3A_44 = %scan3A_26 to %scan3A_28 step %scan3A_29  : i32 {
      %mul3A_45 = arith.constant 2 : i32
      %mul3A_46 = arith.muli %mul3A_45, %scan3A_44 : i32
      %mul3A_47 = arith.constant 200 : i32
      %mul3A_48 = arith.muli %mul3A_46, %mul3A_47 : i32
      %add3A_49 = arith.addi %mul3A_0, %mul3A_48 : i32
      %multiple_of3A_50 = tpu.assume_multiple %add3A_49, 8 : i32
      %add3A_51 = arith.constant 200 : i32
      %add3A_52 = arith.addi %multiple_of3A_50, %add3A_51 : i32
      %dma_wait3A = tpu.memref_slice %arg3[%multiple_of3A_50] : memref<128000xi32, #tpu.memory_space<hbm>> -> memref<200xi32, #tpu.memory_space<hbm>>
      %dma_wait3A_53 = tpu.memref_slice %arg3[%multiple_of3A_50] : memref<128000xi32, #tpu.memory_space<hbm>> -> memref<200xi32, #tpu.memory_space<hbm>>
      tpu.wait_dma2 semaphore(%arg11 : memref<!tpu.dma_semaphore, #tpu.memory_space<semaphore_mem>>) src(%dma_wait3A_53 : memref<200xi32, #tpu.memory_space<hbm>>) dst(%arg6 : memref<200xi32, #tpu.memory_space<vmem>>)
      %dma_wait3A_54 = arith.constant 0 : i32
      %dma_wait3A_55 = tpu.memref_slice %arg2[%multiple_of3A_50, %dma_wait3A_54] : memref<64000x128xf32, #tpu.memory_space<hbm>> -> memref<200x128xf32, #tpu.memory_space<hbm>>
      %dma_wait3A_56 = arith.constant 0 : i32
      %dma_wait3A_57 = tpu.memref_slice %arg2[%multiple_of3A_50, %dma_wait3A_56] : memref<64000x128xf32, #tpu.memory_space<hbm>> -> memref<200x128xf32, #tpu.memory_space<hbm>>
      tpu.wait_dma2 semaphore(%arg13 : memref<!tpu.dma_semaphore, #tpu.memory_space<semaphore_mem>>) src(%dma_wait3A_57 : memref<200x128xf32, #tpu.memory_space<hbm>>) dst(%arg8 : memref<200x128xf32, #tpu.memory_space<vmem>>)
      "tpu.region"() ({
        %run_scoped3A = tpu.sem_alloc : memref<!tpu.dma_semaphore, #tpu.memory_space<semaphore_mem>>
        %dma_start3A_81 = arith.constant 0 : i32
        %dma_start3A_82 = arith.constant 0 : i32
        %dma_start3A_83 = tpu.memref_slice %arg10[%dma_start3A_81, %dma_start3A_82] : memref<5008x128xf32, #tpu.memory_space<vmem_shared>> -> memref<5008x128xf32, #tpu.memory_space<vmem_shared>>
        tpu.enqueue_indirect_dma source(%arg8 : memref<200x128xf32, #tpu.memory_space<vmem>>) target(%dma_start3A_83 : memref<5008x128xf32, #tpu.memory_space<vmem_shared>>) offsets(%arg6 : memref<200xi32, #tpu.memory_space<vmem>>) semaphore(%run_scoped3A : memref<!tpu.dma_semaphore, #tpu.memory_space<semaphore_mem>>) {add = true}
        %dma_wait3A_84 = arith.constant 0 : i32
        %dma_wait3A_85 = arith.constant 0 : i32
        %dma_wait3A_86 = tpu.memref_slice %arg10[%dma_wait3A_84, %dma_wait3A_85] : memref<5008x128xf32, #tpu.memory_space<vmem_shared>> -> memref<5008x128xf32, #tpu.memory_space<vmem_shared>>
        tpu.wait_indirect_dma semaphore(%run_scoped3A : memref<!tpu.dma_semaphore, #tpu.memory_space<semaphore_mem>>) src(%arg8 : memref<200x128xf32, #tpu.memory_space<vmem>>) dst(%dma_wait3A_86 : memref<5008x128xf32, #tpu.memory_space<vmem_shared>>)
        tpu.yield
      }) : () -> ()
      %mul3A_58 = arith.constant 2 : i32
      %mul3A_59 = arith.muli %mul3A_58, %scan3A_44 : i32
      %add3A_60 = arith.constant 2 : i32
      %add3A_61 = arith.addi %mul3A_59, %add3A_60 : i32
      %lt3A = arith.constant 20 : i32
      %lt3A_62 = arith.cmpi slt, %add3A_61, %lt3A : i32
      %convert_element_type3A_63 = arith.extui %lt3A_62 : i1 to i32
      %cond3A_64 = arith.constant 0 : i32
      %cond3A_65 = arith.cmpi ne, %convert_element_type3A_63, %cond3A_64 : i32
      scf.if %cond3A_65 {
        %add3A_81 = arith.constant 400 : i32
        %add3A_82 = arith.addi %multiple_of3A_50, %add3A_81 : i32
        %multiple_of3A_83 = tpu.assume_multiple %add3A_82, 8 : i32
        %mul3A_84 = arith.constant 64000 : i32
        %mul3A_85 = arith.muli %arg0, %mul3A_84 : i32
        %add3A_86 = arith.addi %mul3A_85, %multiple_of3A_83 : i32
        %dma_start3A_87 = tpu.memref_slice %arg3[%add3A_86] : memref<128000xi32, #tpu.memory_space<hbm>> -> memref<200xi32, #tpu.memory_space<hbm>>
        %dma_start3A_88 = tpu.memref_slice %arg3[%add3A_86] : memref<128000xi32, #tpu.memory_space<hbm>> -> memref<200xi32, #tpu.memory_space<hbm>>
        tpu.enqueue_dma source(%dma_start3A_88 : memref<200xi32, #tpu.memory_space<hbm>>) target(%arg6 : memref<200xi32, #tpu.memory_space<vmem>>) target_semaphore(%arg11 : memref<!tpu.dma_semaphore, #tpu.memory_space<semaphore_mem>>)
        %dma_start3A_89 = arith.constant 0 : i32
        %dma_start3A_90 = tpu.memref_slice %arg2[%multiple_of3A_83, %dma_start3A_89] : memref<64000x128xf32, #tpu.memory_space<hbm>> -> memref<200x128xf32, #tpu.memory_space<hbm>>
        %dma_start3A_91 = arith.constant 0 : i32
        %dma_start3A_92 = tpu.memref_slice %arg2[%multiple_of3A_83, %dma_start3A_91] : memref<64000x128xf32, #tpu.memory_space<hbm>> -> memref<200x128xf32, #tpu.memory_space<hbm>>
        tpu.enqueue_dma source(%dma_start3A_92 : memref<200x128xf32, #tpu.memory_space<hbm>>) target(%arg8 : memref<200x128xf32, #tpu.memory_space<vmem>>) target_semaphore(%arg13 : memref<!tpu.dma_semaphore, #tpu.memory_space<semaphore_mem>>)
      } else {
      }
      %dma_wait3A_66 = tpu.memref_slice %arg3[%add3A_52] : memref<128000xi32, #tpu.memory_space<hbm>> -> memref<200xi32, #tpu.memory_space<hbm>>
      %dma_wait3A_67 = tpu.memref_slice %arg3[%add3A_52] : memref<128000xi32, #tpu.memory_space<hbm>> -> memref<200xi32, #tpu.memory_space<hbm>>
      tpu.wait_dma2 semaphore(%arg12 : memref<!tpu.dma_semaphore, #tpu.memory_space<semaphore_mem>>) src(%dma_wait3A_67 : memref<200xi32, #tpu.memory_space<hbm>>) dst(%arg7 : memref<200xi32, #tpu.memory_space<vmem>>)
      %dma_wait3A_68 = arith.constant 0 : i32
      %dma_wait3A_69 = tpu.memref_slice %arg2[%add3A_52, %dma_wait3A_68] : memref<64000x128xf32, #tpu.memory_space<hbm>> -> memref<200x128xf32, #tpu.memory_space<hbm>>
      %dma_wait3A_70 = arith.constant 0 : i32
      %dma_wait3A_71 = tpu.memref_slice %arg2[%add3A_52, %dma_wait3A_70] : memref<64000x128xf32, #tpu.memory_space<hbm>> -> memref<200x128xf32, #tpu.memory_space<hbm>>
      tpu.wait_dma2 semaphore(%arg14 : memref<!tpu.dma_semaphore, #tpu.memory_space<semaphore_mem>>) src(%dma_wait3A_71 : memref<200x128xf32, #tpu.memory_space<hbm>>) dst(%arg9 : memref<200x128xf32, #tpu.memory_space<vmem>>)
      "tpu.region"() ({
        %run_scoped3A = tpu.sem_alloc : memref<!tpu.dma_semaphore, #tpu.memory_space<semaphore_mem>>
        %dma_start3A_81 = arith.constant 0 : i32
        %dma_start3A_82 = arith.constant 0 : i32
        %dma_start3A_83 = tpu.memref_slice %arg10[%dma_start3A_81, %dma_start3A_82] : memref<5008x128xf32, #tpu.memory_space<vmem_shared>> -> memref<5008x128xf32, #tpu.memory_space<vmem_shared>>
        tpu.enqueue_indirect_dma source(%arg9 : memref<200x128xf32, #tpu.memory_space<vmem>>) target(%dma_start3A_83 : memref<5008x128xf32, #tpu.memory_space<vmem_shared>>) offsets(%arg7 : memref<200xi32, #tpu.memory_space<vmem>>) semaphore(%run_scoped3A : memref<!tpu.dma_semaphore, #tpu.memory_space<semaphore_mem>>) {add = true}
        %dma_wait3A_84 = arith.constant 0 : i32
        %dma_wait3A_85 = arith.constant 0 : i32
        %dma_wait3A_86 = tpu.memref_slice %arg10[%dma_wait3A_84, %dma_wait3A_85] : memref<5008x128xf32, #tpu.memory_space<vmem_shared>> -> memref<5008x128xf32, #tpu.memory_space<vmem_shared>>
        tpu.wait_indirect_dma semaphore(%run_scoped3A : memref<!tpu.dma_semaphore, #tpu.memory_space<semaphore_mem>>) src(%arg9 : memref<200x128xf32, #tpu.memory_space<vmem>>) dst(%dma_wait3A_86 : memref<5008x128xf32, #tpu.memory_space<vmem_shared>>)
        tpu.yield
      }) : () -> ()
      %mul3A_72 = arith.constant 2 : i32
      %mul3A_73 = arith.muli %mul3A_72, %scan3A_44 : i32
      %add3A_74 = arith.constant 3 : i32
      %add3A_75 = arith.addi %mul3A_73, %add3A_74 : i32
      %lt3A_76 = arith.constant 20 : i32
      %lt3A_77 = arith.cmpi slt, %add3A_75, %lt3A_76 : i32
      %convert_element_type3A_78 = arith.extui %lt3A_77 : i1 to i32
      %cond3A_79 = arith.constant 0 : i32
      %cond3A_80 = arith.cmpi ne, %convert_element_type3A_78, %cond3A_79 : i32
      scf.if %cond3A_80 {
        %add3A_81 = arith.constant 400 : i32
        %add3A_82 = arith.addi %add3A_52, %add3A_81 : i32
        %multiple_of3A_83 = tpu.assume_multiple %add3A_82, 8 : i32
        %mul3A_84 = arith.constant 64000 : i32
        %mul3A_85 = arith.muli %arg0, %mul3A_84 : i32
        %add3A_86 = arith.addi %mul3A_85, %multiple_of3A_83 : i32
        %dma_start3A_87 = tpu.memref_slice %arg3[%add3A_86] : memref<128000xi32, #tpu.memory_space<hbm>> -> memref<200xi32, #tpu.memory_space<hbm>>
        %dma_start3A_88 = tpu.memref_slice %arg3[%add3A_86] : memref<128000xi32, #tpu.memory_space<hbm>> -> memref<200xi32, #tpu.memory_space<hbm>>
        tpu.enqueue_dma source(%dma_start3A_88 : memref<200xi32, #tpu.memory_space<hbm>>) target(%arg7 : memref<200xi32, #tpu.memory_space<vmem>>) target_semaphore(%arg12 : memref<!tpu.dma_semaphore, #tpu.memory_space<semaphore_mem>>)
        %dma_start3A_89 = arith.constant 0 : i32
        %dma_start3A_90 = tpu.memref_slice %arg2[%multiple_of3A_83, %dma_start3A_89] : memref<64000x128xf32, #tpu.memory_space<hbm>> -> memref<200x128xf32, #tpu.memory_space<hbm>>
        %dma_start3A_91 = arith.constant 0 : i32
        %dma_start3A_92 = tpu.memref_slice %arg2[%multiple_of3A_83, %dma_start3A_91] : memref<64000x128xf32, #tpu.memory_space<hbm>> -> memref<200x128xf32, #tpu.memory_space<hbm>>
        tpu.enqueue_dma source(%dma_start3A_92 : memref<200x128xf32, #tpu.memory_space<hbm>>) target(%arg9 : memref<200x128xf32, #tpu.memory_space<vmem>>) target_semaphore(%arg14 : memref<!tpu.dma_semaphore, #tpu.memory_space<semaphore_mem>>)
      } else {
      }
    }
    %scan3A_30 = arith.constant 10 : i32
    %barrier3A_31 = arith.constant 0 : index
    tpu.barrier barrier_id(%barrier3A_31)
    %mul3A_32 = arith.constant 312 : i32
    %mul3A_33 = arith.muli %arg1, %mul3A_32 : i32
    %mul3A_34 = arith.constant 5008 : i32
    %mul3A_35 = arith.muli %arg0, %mul3A_34 : i32
    %mul3A_36 = arith.constant 312 : i32
    %mul3A_37 = arith.muli %arg1, %mul3A_36 : i32
    %add3A_38 = arith.addi %mul3A_35, %mul3A_37 : i32
    "tpu.region"() ({
      %run_scoped3A = tpu.sem_alloc : memref<!tpu.dma_semaphore, #tpu.memory_space<semaphore_mem>>
      %dma_start3A_44 = arith.constant 0 : i32
      %dma_start3A_45 = tpu.memref_slice %arg5[%add3A_38, %dma_start3A_44] : memref<10016x128xf32, #tpu.memory_space<hbm>> -> memref<312x128xf32, #tpu.memory_space<hbm>>
      %dma_start3A_46 = arith.constant 0 : i32
      %dma_start3A_47 = tpu.memref_slice %arg10[%mul3A_33, %dma_start3A_46] : memref<5008x128xf32, #tpu.memory_space<vmem_shared>> -> memref<312x128xf32, #tpu.memory_space<vmem_shared>>
      tpu.enqueue_dma source(%dma_start3A_47 : memref<312x128xf32, #tpu.memory_space<vmem_shared>>) target(%dma_start3A_45 : memref<312x128xf32, #tpu.memory_space<hbm>>) target_semaphore(%run_scoped3A : memref<!tpu.dma_semaphore, #tpu.memory_space<semaphore_mem>>)
      %dma_wait3A = arith.constant 0 : i32
      %dma_wait3A_48 = tpu.memref_slice %arg5[%add3A_38, %dma_wait3A] : memref<10016x128xf32, #tpu.memory_space<hbm>> -> memref<312x128xf32, #tpu.memory_space<hbm>>
      %dma_wait3A_49 = arith.constant 0 : i32
      %dma_wait3A_50 = tpu.memref_slice %arg10[%mul3A_33, %dma_wait3A_49] : memref<5008x128xf32, #tpu.memory_space<vmem_shared>> -> memref<312x128xf32, #tpu.memory_space<vmem_shared>>
      tpu.wait_dma2 semaphore(%run_scoped3A : memref<!tpu.dma_semaphore, #tpu.memory_space<semaphore_mem>>) src(%dma_wait3A_50 : memref<312x128xf32, #tpu.memory_space<vmem_shared>>) dst(%dma_wait3A_48 : memref<312x128xf32, #tpu.memory_space<hbm>>)
      tpu.yield
    }) : () -> ()
    %eq3A_39 = arith.constant 0 : i32
    %eq3A_40 = arith.cmpi eq, %arg1, %eq3A_39 : i32
    %convert_element_type3A_41 = arith.extui %eq3A_40 : i1 to i32
    %cond3A_42 = arith.constant 0 : i32
    %cond3A_43 = arith.cmpi ne, %convert_element_type3A_41, %cond3A_42 : i32
    scf.if %cond3A_43 {
      %mul3A_44 = arith.constant 5008 : i32
      %mul3A_45 = arith.muli %arg0, %mul3A_44 : i32
      %add3A_46 = arith.constant 4992 : i32
      %add3A_47 = arith.addi %mul3A_45, %add3A_46 : i32
      "tpu.region"() ({
        %run_scoped3A = tpu.sem_alloc : memref<!tpu.dma_semaphore, #tpu.memory_space<semaphore_mem>>
        %dma_start3A_48 = arith.constant 0 : i32
        %dma_start3A_49 = tpu.memref_slice %arg5[%add3A_47, %dma_start3A_48] : memref<10016x128xf32, #tpu.memory_space<hbm>> -> memref<16x128xf32, #tpu.memory_space<hbm>>
        %dma_start3A_50 = arith.constant 4992 : i32
        %dma_start3A_51 = arith.constant 0 : i32
        %dma_start3A_52 = tpu.memref_slice %arg10[%dma_start3A_50, %dma_start3A_51] : memref<5008x128xf32, #tpu.memory_space<vmem_shared>> -> memref<16x128xf32, #tpu.memory_space<vmem_shared>>
        tpu.enqueue_dma source(%dma_start3A_52 : memref<16x128xf32, #tpu.memory_space<vmem_shared>>) target(%dma_start3A_49 : memref<16x128xf32, #tpu.memory_space<hbm>>) target_semaphore(%run_scoped3A : memref<!tpu.dma_semaphore, #tpu.memory_space<semaphore_mem>>)
        %dma_wait3A = arith.constant 0 : i32
        %dma_wait3A_53 = tpu.memref_slice %arg5[%add3A_47, %dma_wait3A] : memref<10016x128xf32, #tpu.memory_space<hbm>> -> memref<16x128xf32, #tpu.memory_space<hbm>>
        %dma_wait3A_54 = arith.constant 4992 : i32
        %dma_wait3A_55 = arith.constant 0 : i32
        %dma_wait3A_56 = tpu.memref_slice %arg10[%dma_wait3A_54, %dma_wait3A_55] : memref<5008x128xf32, #tpu.memory_space<vmem_shared>> -> memref<16x128xf32, #tpu.memory_space<vmem_shared>>
        tpu.wait_dma2 semaphore(%run_scoped3A : memref<!tpu.dma_semaphore, #tpu.memory_space<semaphore_mem>>) src(%dma_wait3A_56 : memref<16x128xf32, #tpu.memory_space<vmem_shared>>) dst(%dma_wait3A_53 : memref<16x128xf32, #tpu.memory_space<hbm>>)
        tpu.yield
      }) : () -> ()
    } else {
    }
    return
  }
}

#map = affine_map<(d0, d1) -> (0, 0)>
#map1 = affine_map<(d0, d1) -> (0)>
module attributes {stable_mosaic.version = 14 : i64} {
  func.func @scatter(%arg0: i32, %arg1: i32, %arg2: memref<64000x128xf32, #tpu.memory_space<hbm>>, %arg3: memref<128000xi32, #tpu.memory_space<hbm>>, %arg4: memref<5008x128xf32, #tpu.memory_space<hbm>>, %arg5: memref<10016x128xf32, #tpu.memory_space<hbm>>, %arg6: memref<200xi32, #tpu.memory_space<vmem>>, %arg7: memref<200xi32, #tpu.memory_space<vmem>>, %arg8: memref<200x128xf32, #tpu.memory_space<vmem>>, %arg9: memref<200x128xf32, #tpu.memory_space<vmem>>, %arg10: memref<5008x128xf32, #tpu.memory_space<vmem_shared>>, %arg11: memref<!tpu.dma_semaphore, #tpu.memory_space<semaphore_mem>>, %arg12: memref<!tpu.dma_semaphore, #tpu.memory_space<semaphore_mem>>, %arg13: memref<!tpu.dma_semaphore, #tpu.memory_space<semaphore_mem>>, %arg14: memref<!tpu.dma_semaphore, #tpu.memory_space<semaphore_mem>>) attributes {dimension_semantics = [#tpu.dimension_semantics<core_parallel>, #tpu.dimension_semantics<subcore_parallel>], iteration_bounds = array<i64: 2, 16>, scalar_prefetch = 0 : i64, scratch_operands = 9 : i64, tpu.core_type = #tpu.core_type<sc_vector_subcore>, window_params = [{transform_indices = #map}, {transform_indices = #map1}, {transform_indices = #map}, {transform_indices = #map}]} {
    %mul3A = arith.constant 4000 : i32
    %mul3A_0 = arith.muli %arg1, %mul3A : i32
    %multiple_of3A = tpu.assume_multiple %mul3A_0, 8 : i32
    %mul3A_1 = arith.constant 64000 : i32
    %mul3A_2 = arith.muli %arg0, %mul3A_1 : i32
    %add3A = arith.addi %mul3A_2, %multiple_of3A : i32
    %dma_start3A = tpu.memref_slice %arg3[%add3A] : memref<128000xi32, #tpu.memory_space<hbm>> -> memref<200xi32, #tpu.memory_space<hbm>>
    %dma_start3A_3 = tpu.memref_slice %arg3[%add3A] : memref<128000xi32, #tpu.memory_space<hbm>> -> memref<200xi32, #tpu.memory_space<hbm>>
    tpu.enqueue_dma source(%dma_start3A_3 : memref<200xi32, #tpu.memory_space<hbm>>) target(%arg6 : memref<200xi32, #tpu.memory_space<vmem>>) target_semaphore(%arg11 : memref<!tpu.dma_semaphore, #tpu.memory_space<semaphore_mem>>)
    %dma_start3A_4 = arith.constant 0 : i32
    %dma_start3A_5 = tpu.memref_slice %arg2[%multiple_of3A, %dma_start3A_4] : memref<64000x128xf32, #tpu.memory_space<hbm>> -> memref<200x128xf32, #tpu.memory_space<hbm>>
    %dma_start3A_6 = arith.constant 0 : i32
    %dma_start3A_7 = tpu.memref_slice %arg2[%multiple_of3A, %dma_start3A_6] : memref<64000x128xf32, #tpu.memory_space<hbm>> -> memref<200x128xf32, #tpu.memory_space<hbm>>
    tpu.enqueue_dma source(%dma_start3A_7 : memref<200x128xf32, #tpu.memory_space<hbm>>) target(%arg8 : memref<200x128xf32, #tpu.memory_space<vmem>>) target_semaphore(%arg13 : memref<!tpu.dma_semaphore, #tpu.memory_space<semaphore_mem>>)
    %add3A_8 = arith.constant 200 : i32
    %add3A_9 = arith.addi %mul3A_0, %add3A_8 : i32
    %multiple_of3A_10 = tpu.assume_multiple %add3A_9, 8 : i32
    %mul3A_11 = arith.constant 64000 : i32
    %mul3A_12 = arith.muli %arg0, %mul3A_11 : i32
    %add3A_13 = arith.addi %mul3A_12, %multiple_of3A_10 : i32
    %dma_start3A_14 = tpu.memref_slice %arg3[%add3A_13] : memref<128000xi32, #tpu.memory_space<hbm>> -> memref<200xi32, #tpu.memory_space<hbm>>
    %dma_start3A_15 = tpu.memref_slice %arg3[%add3A_13] : memref<128000xi32, #tpu.memory_space<hbm>> -> memref<200xi32, #tpu.memory_space<hbm>>
    tpu.enqueue_dma source(%dma_start3A_15 : memref<200xi32, #tpu.memory_space<hbm>>) target(%arg7 : memref<200xi32, #tpu.memory_space<vmem>>) target_semaphore(%arg12 : memref<!tpu.dma_semaphore, #tpu.memory_space<semaphore_mem>>)
    %dma_start3A_16 = arith.constant 0 : i32
    %dma_start3A_17 = tpu.memref_slice %arg2[%multiple_of3A_10, %dma_start3A_16] : memref<64000x128xf32, #tpu.memory_space<hbm>> -> memref<200x128xf32, #tpu.memory_space<hbm>>
    %dma_start3A_18 = arith.constant 0 : i32
    %dma_start3A_19 = tpu.memref_slice %arg2[%multiple_of3A_10, %dma_start3A_18] : memref<64000x128xf32, #tpu.memory_space<hbm>> -> memref<200x128xf32, #tpu.memory_space<hbm>>
    tpu.enqueue_dma source(%dma_start3A_19 : memref<200x128xf32, #tpu.memory_space<hbm>>) target(%arg9 : memref<200x128xf32, #tpu.memory_space<vmem>>) target_semaphore(%arg14 : memref<!tpu.dma_semaphore, #tpu.memory_space<semaphore_mem>>)
    %mul3A_20 = arith.constant 312 : i32
    %mul3A_21 = arith.muli %arg1, %mul3A_20 : i32
    %mul3A_22 = arith.constant 312 : i32
    %mul3A_23 = arith.muli %arg1, %mul3A_22 : i32
    "tpu.region"() ({
      %run_scoped3A = tpu.sem_alloc : memref<!tpu.dma_semaphore, #tpu.memory_space<semaphore_mem>>
      %dma_start3A_44 = arith.constant 0 : i32
      %dma_start3A_45 = tpu.memref_slice %arg10[%mul3A_23, %dma_start3A_44] : memref<5008x128xf32, #tpu.memory_space<vmem_shared>> -> memref<312x128xf32, #tpu.memory_space<vmem_shared>>
      %dma_start3A_46 = arith.constant 0 : i32
      %dma_start3A_47 = tpu.memref_slice %arg4[%mul3A_21, %dma_start3A_46] : memref<5008x128xf32, #tpu.memory_space<hbm>> -> memref<312x128xf32, #tpu.memory_space<hbm>>
      tpu.enqueue_dma source(%dma_start3A_47 : memref<312x128xf32, #tpu.memory_space<hbm>>) target(%dma_start3A_45 : memref<312x128xf32, #tpu.memory_space<vmem_shared>>) target_semaphore(%run_scoped3A : memref<!tpu.dma_semaphore, #tpu.memory_space<semaphore_mem>>)
      %dma_wait3A = arith.constant 0 : i32
      %dma_wait3A_48 = tpu.memref_slice %arg10[%mul3A_23, %dma_wait3A] : memref<5008x128xf32, #tpu.memory_space<vmem_shared>> -> memref<312x128xf32, #tpu.memory_space<vmem_shared>>
      %dma_wait3A_49 = arith.constant 0 : i32
      %dma_wait3A_50 = tpu.memref_slice %arg4[%mul3A_21, %dma_wait3A_49] : memref<5008x128xf32, #tpu.memory_space<hbm>> -> memref<312x128xf32, #tpu.memory_space<hbm>>
      tpu.wait_dma2 semaphore(%run_scoped3A : memref<!tpu.dma_semaphore, #tpu.memory_space<semaphore_mem>>) src(%dma_wait3A_50 : memref<312x128xf32, #tpu.memory_space<hbm>>) dst(%dma_wait3A_48 : memref<312x128xf32, #tpu.memory_space<vmem_shared>>)
      tpu.yield
    }) : () -> ()
    %eq3A = arith.constant 0 : i32
    %eq3A_24 = arith.cmpi eq, %arg1, %eq3A : i32
    %convert_element_type3A = arith.extui %eq3A_24 : i1 to i32
    %cond3A = arith.constant 0 : i32
    %cond3A_25 = arith.cmpi ne, %convert_element_type3A, %cond3A : i32
    scf.if %cond3A_25 {
      "tpu.region"() ({
        %run_scoped3A = tpu.sem_alloc : memref<!tpu.dma_semaphore, #tpu.memory_space<semaphore_mem>>
        %dma_start3A_44 = arith.constant 4992 : i32
        %dma_start3A_45 = arith.constant 0 : i32
        %dma_start3A_46 = tpu.memref_slice %arg10[%dma_start3A_44, %dma_start3A_45] : memref<5008x128xf32, #tpu.memory_space<vmem_shared>> -> memref<16x128xf32, #tpu.memory_space<vmem_shared>>
        %dma_start3A_47 = arith.constant 4992 : i32
        %dma_start3A_48 = arith.constant 0 : i32
        %dma_start3A_49 = tpu.memref_slice %arg4[%dma_start3A_47, %dma_start3A_48] : memref<5008x128xf32, #tpu.memory_space<hbm>> -> memref<16x128xf32, #tpu.memory_space<hbm>>
        tpu.enqueue_dma source(%dma_start3A_49 : memref<16x128xf32, #tpu.memory_space<hbm>>) target(%dma_start3A_46 : memref<16x128xf32, #tpu.memory_space<vmem_shared>>) target_semaphore(%run_scoped3A : memref<!tpu.dma_semaphore, #tpu.memory_space<semaphore_mem>>)
        %dma_wait3A = arith.constant 4992 : i32
        %dma_wait3A_50 = arith.constant 0 : i32
        %dma_wait3A_51 = tpu.memref_slice %arg10[%dma_wait3A, %dma_wait3A_50] : memref<5008x128xf32, #tpu.memory_space<vmem_shared>> -> memref<16x128xf32, #tpu.memory_space<vmem_shared>>
        %dma_wait3A_52 = arith.constant 4992 : i32
        %dma_wait3A_53 = arith.constant 0 : i32
        %dma_wait3A_54 = tpu.memref_slice %arg4[%dma_wait3A_52, %dma_wait3A_53] : memref<5008x128xf32, #tpu.memory_space<hbm>> -> memref<16x128xf32, #tpu.memory_space<hbm>>
        tpu.wait_dma2 semaphore(%run_scoped3A : memref<!tpu.dma_semaphore, #tpu.memory_space<semaphore_mem>>) src(%dma_wait3A_54 : memref<16x128xf32, #tpu.memory_space<hbm>>) dst(%dma_wait3A_51 : memref<16x128xf32, #tpu.memory_space<vmem_shared>>)
        tpu.yield
      }) : () -> ()
    } else {
    }
    %barrier3A = arith.constant 0 : index
    tpu.barrier barrier_id(%barrier3A)
    %scan3A = arith.constant 0 : i32
    %scan3A_26 = arith.constant 0 : i32
    %scan3A_27 = arith.constant 10 : i32
    %scan3A_28 = arith.addi %scan3A_26, %scan3A_27 : i32
    %scan3A_29 = arith.constant 1 : i32
    scf.for %scan3A_44 = %scan3A_26 to %scan3A_28 step %scan3A_29  : i32 {
      %mul3A_45 = arith.constant 2 : i32
      %mul3A_46 = arith.muli %mul3A_45, %scan3A_44 : i32
      %mul3A_47 = arith.constant 200 : i32
      %mul3A_48 = arith.muli %mul3A_46, %mul3A_47 : i32
      %add3A_49 = arith.addi %mul3A_0, %mul3A_48 : i32
      %multiple_of3A_50 = tpu.assume_multiple %add3A_49, 8 : i32
      %add3A_51 = arith.constant 200 : i32
      %add3A_52 = arith.addi %multiple_of3A_50, %add3A_51 : i32
      %dma_wait3A = tpu.memref_slice %arg3[%multiple_of3A_50] : memref<128000xi32, #tpu.memory_space<hbm>> -> memref<200xi32, #tpu.memory_space<hbm>>
      %dma_wait3A_53 = tpu.memref_slice %arg3[%multiple_of3A_50] : memref<128000xi32, #tpu.memory_space<hbm>> -> memref<200xi32, #tpu.memory_space<hbm>>
      tpu.wait_dma2 semaphore(%arg11 : memref<!tpu.dma_semaphore, #tpu.memory_space<semaphore_mem>>) src(%dma_wait3A_53 : memref<200xi32, #tpu.memory_space<hbm>>) dst(%arg6 : memref<200xi32, #tpu.memory_space<vmem>>)
      %dma_wait3A_54 = arith.constant 0 : i32
      %dma_wait3A_55 = tpu.memref_slice %arg2[%multiple_of3A_50, %dma_wait3A_54] : memref<64000x128xf32, #tpu.memory_space<hbm>> -> memref<200x128xf32, #tpu.memory_space<hbm>>
      %dma_wait3A_56 = arith.constant 0 : i32
      %dma_wait3A_57 = tpu.memref_slice %arg2[%multiple_of3A_50, %dma_wait3A_56] : memref<64000x128xf32, #tpu.memory_space<hbm>> -> memref<200x128xf32, #tpu.memory_space<hbm>>
      tpu.wait_dma2 semaphore(%arg13 : memref<!tpu.dma_semaphore, #tpu.memory_space<semaphore_mem>>) src(%dma_wait3A_57 : memref<200x128xf32, #tpu.memory_space<hbm>>) dst(%arg8 : memref<200x128xf32, #tpu.memory_space<vmem>>)
      "tpu.region"() ({
        %run_scoped3A = tpu.sem_alloc : memref<!tpu.dma_semaphore, #tpu.memory_space<semaphore_mem>>
        %dma_start3A_81 = arith.constant 0 : i32
        %dma_start3A_82 = arith.constant 0 : i32
        %dma_start3A_83 = tpu.memref_slice %arg10[%dma_start3A_81, %dma_start3A_82] : memref<5008x128xf32, #tpu.memory_space<vmem_shared>> -> memref<5008x128xf32, #tpu.memory_space<vmem_shared>>
        tpu.enqueue_indirect_dma source(%arg8 : memref<200x128xf32, #tpu.memory_space<vmem>>) target(%dma_start3A_83 : memref<5008x128xf32, #tpu.memory_space<vmem_shared>>) offsets(%arg6 : memref<200xi32, #tpu.memory_space<vmem>>) semaphore(%run_scoped3A : memref<!tpu.dma_semaphore, #tpu.memory_space<semaphore_mem>>) {add = true}
        %dma_wait3A_84 = arith.constant 0 : i32
        %dma_wait3A_85 = arith.constant 0 : i32
        %dma_wait3A_86 = tpu.memref_slice %arg10[%dma_wait3A_84, %dma_wait3A_85] : memref<5008x128xf32, #tpu.memory_space<vmem_shared>> -> memref<5008x128xf32, #tpu.memory_space<vmem_shared>>
        tpu.wait_indirect_dma semaphore(%run_scoped3A : memref<!tpu.dma_semaphore, #tpu.memory_space<semaphore_mem>>) src(%arg8 : memref<200x128xf32, #tpu.memory_space<vmem>>) dst(%dma_wait3A_86 : memref<5008x128xf32, #tpu.memory_space<vmem_shared>>)
        tpu.yield
      }) : () -> ()
      %mul3A_58 = arith.constant 2 : i32
      %mul3A_59 = arith.muli %mul3A_58, %scan3A_44 : i32
      %add3A_60 = arith.constant 2 : i32
      %add3A_61 = arith.addi %mul3A_59, %add3A_60 : i32
      %lt3A = arith.constant 20 : i32
      %lt3A_62 = arith.cmpi slt, %add3A_61, %lt3A : i32
      %convert_element_type3A_63 = arith.extui %lt3A_62 : i1 to i32
      %cond3A_64 = arith.constant 0 : i32
      %cond3A_65 = arith.cmpi ne, %convert_element_type3A_63, %cond3A_64 : i32
      scf.if %cond3A_65 {
        %add3A_81 = arith.constant 400 : i32
        %add3A_82 = arith.addi %multiple_of3A_50, %add3A_81 : i32
        %multiple_of3A_83 = tpu.assume_multiple %add3A_82, 8 : i32
        %mul3A_84 = arith.constant 64000 : i32
        %mul3A_85 = arith.muli %arg0, %mul3A_84 : i32
        %add3A_86 = arith.addi %mul3A_85, %multiple_of3A_83 : i32
        %dma_start3A_87 = tpu.memref_slice %arg3[%add3A_86] : memref<128000xi32, #tpu.memory_space<hbm>> -> memref<200xi32, #tpu.memory_space<hbm>>
        %dma_start3A_88 = tpu.memref_slice %arg3[%add3A_86] : memref<128000xi32, #tpu.memory_space<hbm>> -> memref<200xi32, #tpu.memory_space<hbm>>
        tpu.enqueue_dma source(%dma_start3A_88 : memref<200xi32, #tpu.memory_space<hbm>>) target(%arg6 : memref<200xi32, #tpu.memory_space<vmem>>) target_semaphore(%arg11 : memref<!tpu.dma_semaphore, #tpu.memory_space<semaphore_mem>>)
        %dma_start3A_89 = arith.constant 0 : i32
        %dma_start3A_90 = tpu.memref_slice %arg2[%multiple_of3A_83, %dma_start3A_89] : memref<64000x128xf32, #tpu.memory_space<hbm>> -> memref<200x128xf32, #tpu.memory_space<hbm>>
        %dma_start3A_91 = arith.constant 0 : i32
        %dma_start3A_92 = tpu.memref_slice %arg2[%multiple_of3A_83, %dma_start3A_91] : memref<64000x128xf32, #tpu.memory_space<hbm>> -> memref<200x128xf32, #tpu.memory_space<hbm>>
        tpu.enqueue_dma source(%dma_start3A_92 : memref<200x128xf32, #tpu.memory_space<hbm>>) target(%arg8 : memref<200x128xf32, #tpu.memory_space<vmem>>) target_semaphore(%arg13 : memref<!tpu.dma_semaphore, #tpu.memory_space<semaphore_mem>>)
      } else {
      }
      %dma_wait3A_66 = tpu.memref_slice %arg3[%add3A_52] : memref<128000xi32, #tpu.memory_space<hbm>> -> memref<200xi32, #tpu.memory_space<hbm>>
      %dma_wait3A_67 = tpu.memref_slice %arg3[%add3A_52] : memref<128000xi32, #tpu.memory_space<hbm>> -> memref<200xi32, #tpu.memory_space<hbm>>
      tpu.wait_dma2 semaphore(%arg12 : memref<!tpu.dma_semaphore, #tpu.memory_space<semaphore_mem>>) src(%dma_wait3A_67 : memref<200xi32, #tpu.memory_space<hbm>>) dst(%arg7 : memref<200xi32, #tpu.memory_space<vmem>>)
      %dma_wait3A_68 = arith.constant 0 : i32
      %dma_wait3A_69 = tpu.memref_slice %arg2[%add3A_52, %dma_wait3A_68] : memref<64000x128xf32, #tpu.memory_space<hbm>> -> memref<200x128xf32, #tpu.memory_space<hbm>>
      %dma_wait3A_70 = arith.constant 0 : i32
      %dma_wait3A_71 = tpu.memref_slice %arg2[%add3A_52, %dma_wait3A_70] : memref<64000x128xf32, #tpu.memory_space<hbm>> -> memref<200x128xf32, #tpu.memory_space<hbm>>
      tpu.wait_dma2 semaphore(%arg14 : memref<!tpu.dma_semaphore, #tpu.memory_space<semaphore_mem>>) src(%dma_wait3A_71 : memref<200x128xf32, #tpu.memory_space<hbm>>) dst(%arg9 : memref<200x128xf32, #tpu.memory_space<vmem>>)
      "tpu.region"() ({
        %run_scoped3A = tpu.sem_alloc : memref<!tpu.dma_semaphore, #tpu.memory_space<semaphore_mem>>
        %dma_start3A_81 = arith.constant 0 : i32
        %dma_start3A_82 = arith.constant 0 : i32
        %dma_start3A_83 = tpu.memref_slice %arg10[%dma_start3A_81, %dma_start3A_82] : memref<5008x128xf32, #tpu.memory_space<vmem_shared>> -> memref<5008x128xf32, #tpu.memory_space<vmem_shared>>
        tpu.enqueue_indirect_dma source(%arg9 : memref<200x128xf32, #tpu.memory_space<vmem>>) target(%dma_start3A_83 : memref<5008x128xf32, #tpu.memory_space<vmem_shared>>) offsets(%arg7 : memref<200xi32, #tpu.memory_space<vmem>>) semaphore(%run_scoped3A : memref<!tpu.dma_semaphore, #tpu.memory_space<semaphore_mem>>) {add = true}
        %dma_wait3A_84 = arith.constant 0 : i32
        %dma_wait3A_85 = arith.constant 0 : i32
        %dma_wait3A_86 = tpu.memref_slice %arg10[%dma_wait3A_84, %dma_wait3A_85] : memref<5008x128xf32, #tpu.memory_space<vmem_shared>> -> memref<5008x128xf32, #tpu.memory_space<vmem_shared>>
        tpu.wait_indirect_dma semaphore(%run_scoped3A : memref<!tpu.dma_semaphore, #tpu.memory_space<semaphore_mem>>) src(%arg9 : memref<200x128xf32, #tpu.memory_space<vmem>>) dst(%dma_wait3A_86 : memref<5008x128xf32, #tpu.memory_space<vmem_shared>>)
        tpu.yield
      }) : () -> ()
      %mul3A_72 = arith.constant 2 : i32
      %mul3A_73 = arith.muli %mul3A_72, %scan3A_44 : i32
      %add3A_74 = arith.constant 3 : i32
      %add3A_75 = arith.addi %mul3A_73, %add3A_74 : i32
      %lt3A_76 = arith.constant 20 : i32
      %lt3A_77 = arith.cmpi slt, %add3A_75, %lt3A_76 : i32
      %convert_element_type3A_78 = arith.extui %lt3A_77 : i1 to i32
      %cond3A_79 = arith.constant 0 : i32
      %cond3A_80 = arith.cmpi ne, %convert_element_type3A_78, %cond3A_79 : i32
      scf.if %cond3A_80 {
        %add3A_81 = arith.constant 400 : i32
        %add3A_82 = arith.addi %add3A_52, %add3A_81 : i32
        %multiple_of3A_83 = tpu.assume_multiple %add3A_82, 8 : i32
        %mul3A_84 = arith.constant 64000 : i32
        %mul3A_85 = arith.muli %arg0, %mul3A_84 : i32
        %add3A_86 = arith.addi %mul3A_85, %multiple_of3A_83 : i32
        %dma_start3A_87 = tpu.memref_slice %arg3[%add3A_86] : memref<128000xi32, #tpu.memory_space<hbm>> -> memref<200xi32, #tpu.memory_space<hbm>>
        %dma_start3A_88 = tpu.memref_slice %arg3[%add3A_86] : memref<128000xi32, #tpu.memory_space<hbm>> -> memref<200xi32, #tpu.memory_space<hbm>>
        tpu.enqueue_dma source(%dma_start3A_88 : memref<200xi32, #tpu.memory_space<hbm>>) target(%arg7 : memref<200xi32, #tpu.memory_space<vmem>>) target_semaphore(%arg12 : memref<!tpu.dma_semaphore, #tpu.memory_space<semaphore_mem>>)
        %dma_start3A_89 = arith.constant 0 : i32
        %dma_start3A_90 = tpu.memref_slice %arg2[%multiple_of3A_83, %dma_start3A_89] : memref<64000x128xf32, #tpu.memory_space<hbm>> -> memref<200x128xf32, #tpu.memory_space<hbm>>
        %dma_start3A_91 = arith.constant 0 : i32
        %dma_start3A_92 = tpu.memref_slice %arg2[%multiple_of3A_83, %dma_start3A_91] : memref<64000x128xf32, #tpu.memory_space<hbm>> -> memref<200x128xf32, #tpu.memory_space<hbm>>
        tpu.enqueue_dma source(%dma_start3A_92 : memref<200x128xf32, #tpu.memory_space<hbm>>) target(%arg9 : memref<200x128xf32, #tpu.memory_space<vmem>>) target_semaphore(%arg14 : memref<!tpu.dma_semaphore, #tpu.memory_space<semaphore_mem>>)
      } else {
      }
    }
    %scan3A_30 = arith.constant 10 : i32
    %barrier3A_31 = arith.constant 0 : index
    tpu.barrier barrier_id(%barrier3A_31)
    %mul3A_32 = arith.constant 312 : i32
    %mul3A_33 = arith.muli %arg1, %mul3A_32 : i32
    %mul3A_34 = arith.constant 5008 : i32
    %mul3A_35 = arith.muli %arg0, %mul3A_34 : i32
    %mul3A_36 = arith.constant 312 : i32
    %mul3A_37 = arith.muli %arg1, %mul3A_36 : i32
    %add3A_38 = arith.addi %mul3A_35, %mul3A_37 : i32
    "tpu.region"() ({
      %run_scoped3A = tpu.sem_alloc : memref<!tpu.dma_semaphore, #tpu.memory_space<semaphore_mem>>
      %dma_start3A_44 = arith.constant 0 : i32
      %dma_start3A_45 = tpu.memref_slice %arg5[%add3A_38, %dma_start3A_44] : memref<10016x128xf32, #tpu.memory_space<hbm>> -> memref<312x128xf32, #tpu.memory_space<hbm>>
      %dma_start3A_46 = arith.constant 0 : i32
      %dma_start3A_47 = tpu.memref_slice %arg10[%mul3A_33, %dma_start3A_46] : memref<5008x128xf32, #tpu.memory_space<vmem_shared>> -> memref<312x128xf32, #tpu.memory_space<vmem_shared>>
      tpu.enqueue_dma source(%dma_start3A_47 : memref<312x128xf32, #tpu.memory_space<vmem_shared>>) target(%dma_start3A_45 : memref<312x128xf32, #tpu.memory_space<hbm>>) target_semaphore(%run_scoped3A : memref<!tpu.dma_semaphore, #tpu.memory_space<semaphore_mem>>)
      %dma_wait3A = arith.constant 0 : i32
      %dma_wait3A_48 = tpu.memref_slice %arg5[%add3A_38, %dma_wait3A] : memref<10016x128xf32, #tpu.memory_space<hbm>> -> memref<312x128xf32, #tpu.memory_space<hbm>>
      %dma_wait3A_49 = arith.constant 0 : i32
      %dma_wait3A_50 = tpu.memref_slice %arg10[%mul3A_33, %dma_wait3A_49] : memref<5008x128xf32, #tpu.memory_space<vmem_shared>> -> memref<312x128xf32, #tpu.memory_space<vmem_shared>>
      tpu.wait_dma2 semaphore(%run_scoped3A : memref<!tpu.dma_semaphore, #tpu.memory_space<semaphore_mem>>) src(%dma_wait3A_50 : memref<312x128xf32, #tpu.memory_space<vmem_shared>>) dst(%dma_wait3A_48 : memref<312x128xf32, #tpu.memory_space<hbm>>)
      tpu.yield
    }) : () -> ()
    %eq3A_39 = arith.constant 0 : i32
    %eq3A_40 = arith.cmpi eq, %arg1, %eq3A_39 : i32
    %convert_element_type3A_41 = arith.extui %eq3A_40 : i1 to i32
    %cond3A_42 = arith.constant 0 : i32
    %cond3A_43 = arith.cmpi ne, %convert_element_type3A_41, %cond3A_42 : i32
    scf.if %cond3A_43 {
      %mul3A_44 = arith.constant 5008 : i32
      %mul3A_45 = arith.muli %arg0, %mul3A_44 : i32
      %add3A_46 = arith.constant 4992 : i32
      %add3A_47 = arith.addi %mul3A_45, %add3A_46 : i32
      "tpu.region"() ({
        %run_scoped3A = tpu.sem_alloc : memref<!tpu.dma_semaphore, #tpu.memory_space<semaphore_mem>>
        %dma_start3A_48 = arith.constant 0 : i32
        %dma_start3A_49 = tpu.memref_slice %arg5[%add3A_47, %dma_start3A_48] : memref<10016x128xf32, #tpu.memory_space<hbm>> -> memref<16x128xf32, #tpu.memory_space<hbm>>
        %dma_start3A_50 = arith.constant 4992 : i32
        %dma_start3A_51 = arith.constant 0 : i32
        %dma_start3A_52 = tpu.memref_slice %arg10[%dma_start3A_50, %dma_start3A_51] : memref<5008x128xf32, #tpu.memory_space<vmem_shared>> -> memref<16x128xf32, #tpu.memory_space<vmem_shared>>
        tpu.enqueue_dma source(%dma_start3A_52 : memref<16x128xf32, #tpu.memory_space<vmem_shared>>) target(%dma_start3A_49 : memref<16x128xf32, #tpu.memory_space<hbm>>) target_semaphore(%run_scoped3A : memref<!tpu.dma_semaphore, #tpu.memory_space<semaphore_mem>>)
        %dma_wait3A = arith.constant 0 : i32
        %dma_wait3A_53 = tpu.memref_slice %arg5[%add3A_47, %dma_wait3A] : memref<10016x128xf32, #tpu.memory_space<hbm>> -> memref<16x128xf32, #tpu.memory_space<hbm>>
        %dma_wait3A_54 = arith.constant 4992 : i32
        %dma_wait3A_55 = arith.constant 0 : i32
        %dma_wait3A_56 = tpu.memref_slice %arg10[%dma_wait3A_54, %dma_wait3A_55] : memref<5008x128xf32, #tpu.memory_space<vmem_shared>> -> memref<16x128xf32, #tpu.memory_space<vmem_shared>>
        tpu.wait_dma2 semaphore(%run_scoped3A : memref<!tpu.dma_semaphore, #tpu.memory_space<semaphore_mem>>) src(%dma_wait3A_56 : memref<16x128xf32, #tpu.memory_space<vmem_shared>>) dst(%dma_wait3A_53 : memref<16x128xf32, #tpu.memory_space<hbm>>)
        tpu.yield
      }) : () -> ()
    } else {
    }
    return
  }
}

#map = affine_map<(d0, d1) -> (0, 0)>
#map1 = affine_map<(d0, d1) -> (0)>
module attributes {stable_mosaic.version = 14 : i64} {
  func.func @scatter(%arg0: i32, %arg1: i32, %arg2: memref<64000x128xf32, #tpu.memory_space<hbm>>, %arg3: memref<128000xi32, #tpu.memory_space<hbm>>, %arg4: memref<5008x128xf32, #tpu.memory_space<hbm>>, %arg5: memref<10016x128xf32, #tpu.memory_space<hbm>>, %arg6: memref<200xi32, #tpu.memory_space<vmem>>, %arg7: memref<200xi32, #tpu.memory_space<vmem>>, %arg8: memref<200x128xf32, #tpu.memory_space<vmem>>, %arg9: memref<200x128xf32, #tpu.memory_space<vmem>>, %arg10: memref<5008x128xf32, #tpu.memory_space<vmem_shared>>, %arg11: memref<!tpu.dma_semaphore, #tpu.memory_space<semaphore_mem>>, %arg12: memref<!tpu.dma_semaphore, #tpu.memory_space<semaphore_mem>>, %arg13: memref<!tpu.dma_semaphore, #tpu.memory_space<semaphore_mem>>, %arg14: memref<!tpu.dma_semaphore, #tpu.memory_space<semaphore_mem>>) attributes {dimension_semantics = [#tpu.dimension_semantics<core_parallel>, #tpu.dimension_semantics<subcore_parallel>], iteration_bounds = array<i64: 2, 16>, scalar_prefetch = 0 : i64, scratch_operands = 9 : i64, tpu.core_type = #tpu.core_type<sc_vector_subcore>, window_params = [{transform_indices = #map}, {transform_indices = #map1}, {transform_indices = #map}, {transform_indices = #map}]} {
    %mul3A = arith.constant 4000 : i32
    %mul3A_0 = arith.muli %arg1, %mul3A : i32
    %multiple_of3A = tpu.assume_multiple %mul3A_0, 8 : i32
    %mul3A_1 = arith.constant 64000 : i32
    %mul3A_2 = arith.muli %arg0, %mul3A_1 : i32
    %add3A = arith.addi %mul3A_2, %multiple_of3A : i32
    %dma_start3A = tpu.memref_slice %arg3[%add3A] : memref<128000xi32, #tpu.memory_space<hbm>> -> memref<200xi32, #tpu.memory_space<hbm>>
    %dma_start3A_3 = tpu.memref_slice %arg3[%add3A] : memref<128000xi32, #tpu.memory_space<hbm>> -> memref<200xi32, #tpu.memory_space<hbm>>
    tpu.enqueue_dma source(%dma_start3A_3 : memref<200xi32, #tpu.memory_space<hbm>>) target(%arg6 : memref<200xi32, #tpu.memory_space<vmem>>) target_semaphore(%arg11 : memref<!tpu.dma_semaphore, #tpu.memory_space<semaphore_mem>>)
    %dma_start3A_4 = arith.constant 0 : i32
    %dma_start3A_5 = tpu.memref_slice %arg2[%multiple_of3A, %dma_start3A_4] : memref<64000x128xf32, #tpu.memory_space<hbm>> -> memref<200x128xf32, #tpu.memory_space<hbm>>
    %dma_start3A_6 = arith.constant 0 : i32
    %dma_start3A_7 = tpu.memref_slice %arg2[%multiple_of3A, %dma_start3A_6] : memref<64000x128xf32, #tpu.memory_space<hbm>> -> memref<200x128xf32, #tpu.memory_space<hbm>>
    tpu.enqueue_dma source(%dma_start3A_7 : memref<200x128xf32, #tpu.memory_space<hbm>>) target(%arg8 : memref<200x128xf32, #tpu.memory_space<vmem>>) target_semaphore(%arg13 : memref<!tpu.dma_semaphore, #tpu.memory_space<semaphore_mem>>)
    %add3A_8 = arith.constant 200 : i32
    %add3A_9 = arith.addi %mul3A_0, %add3A_8 : i32
    %multiple_of3A_10 = tpu.assume_multiple %add3A_9, 8 : i32
    %mul3A_11 = arith.constant 64000 : i32
    %mul3A_12 = arith.muli %arg0, %mul3A_11 : i32
    %add3A_13 = arith.addi %mul3A_12, %multiple_of3A_10 : i32
    %dma_start3A_14 = tpu.memref_slice %arg3[%add3A_13] : memref<128000xi32, #tpu.memory_space<hbm>> -> memref<200xi32, #tpu.memory_space<hbm>>
    %dma_start3A_15 = tpu.memref_slice %arg3[%add3A_13] : memref<128000xi32, #tpu.memory_space<hbm>> -> memref<200xi32, #tpu.memory_space<hbm>>
    tpu.enqueue_dma source(%dma_start3A_15 : memref<200xi32, #tpu.memory_space<hbm>>) target(%arg7 : memref<200xi32, #tpu.memory_space<vmem>>) target_semaphore(%arg12 : memref<!tpu.dma_semaphore, #tpu.memory_space<semaphore_mem>>)
    %dma_start3A_16 = arith.constant 0 : i32
    %dma_start3A_17 = tpu.memref_slice %arg2[%multiple_of3A_10, %dma_start3A_16] : memref<64000x128xf32, #tpu.memory_space<hbm>> -> memref<200x128xf32, #tpu.memory_space<hbm>>
    %dma_start3A_18 = arith.constant 0 : i32
    %dma_start3A_19 = tpu.memref_slice %arg2[%multiple_of3A_10, %dma_start3A_18] : memref<64000x128xf32, #tpu.memory_space<hbm>> -> memref<200x128xf32, #tpu.memory_space<hbm>>
    tpu.enqueue_dma source(%dma_start3A_19 : memref<200x128xf32, #tpu.memory_space<hbm>>) target(%arg9 : memref<200x128xf32, #tpu.memory_space<vmem>>) target_semaphore(%arg14 : memref<!tpu.dma_semaphore, #tpu.memory_space<semaphore_mem>>)
    %mul3A_20 = arith.constant 312 : i32
    %mul3A_21 = arith.muli %arg1, %mul3A_20 : i32
    %mul3A_22 = arith.constant 312 : i32
    %mul3A_23 = arith.muli %arg1, %mul3A_22 : i32
    "tpu.region"() ({
      %run_scoped3A = tpu.sem_alloc : memref<!tpu.dma_semaphore, #tpu.memory_space<semaphore_mem>>
      %dma_start3A_44 = arith.constant 0 : i32
      %dma_start3A_45 = tpu.memref_slice %arg10[%mul3A_23, %dma_start3A_44] : memref<5008x128xf32, #tpu.memory_space<vmem_shared>> -> memref<312x128xf32, #tpu.memory_space<vmem_shared>>
      %dma_start3A_46 = arith.constant 0 : i32
      %dma_start3A_47 = tpu.memref_slice %arg4[%mul3A_21, %dma_start3A_46] : memref<5008x128xf32, #tpu.memory_space<hbm>> -> memref<312x128xf32, #tpu.memory_space<hbm>>
      tpu.enqueue_dma source(%dma_start3A_47 : memref<312x128xf32, #tpu.memory_space<hbm>>) target(%dma_start3A_45 : memref<312x128xf32, #tpu.memory_space<vmem_shared>>) target_semaphore(%run_scoped3A : memref<!tpu.dma_semaphore, #tpu.memory_space<semaphore_mem>>)
      %dma_wait3A = arith.constant 0 : i32
      %dma_wait3A_48 = tpu.memref_slice %arg10[%mul3A_23, %dma_wait3A] : memref<5008x128xf32, #tpu.memory_space<vmem_shared>> -> memref<312x128xf32, #tpu.memory_space<vmem_shared>>
      %dma_wait3A_49 = arith.constant 0 : i32
      %dma_wait3A_50 = tpu.memref_slice %arg4[%mul3A_21, %dma_wait3A_49] : memref<5008x128xf32, #tpu.memory_space<hbm>> -> memref<312x128xf32, #tpu.memory_space<hbm>>
      tpu.wait_dma2 semaphore(%run_scoped3A : memref<!tpu.dma_semaphore, #tpu.memory_space<semaphore_mem>>) src(%dma_wait3A_50 : memref<312x128xf32, #tpu.memory_space<hbm>>) dst(%dma_wait3A_48 : memref<312x128xf32, #tpu.memory_space<vmem_shared>>)
      tpu.yield
    }) : () -> ()
    %eq3A = arith.constant 0 : i32
    %eq3A_24 = arith.cmpi eq, %arg1, %eq3A : i32
    %convert_element_type3A = arith.extui %eq3A_24 : i1 to i32
    %cond3A = arith.constant 0 : i32
    %cond3A_25 = arith.cmpi ne, %convert_element_type3A, %cond3A : i32
    scf.if %cond3A_25 {
      "tpu.region"() ({
        %run_scoped3A = tpu.sem_alloc : memref<!tpu.dma_semaphore, #tpu.memory_space<semaphore_mem>>
        %dma_start3A_44 = arith.constant 4992 : i32
        %dma_start3A_45 = arith.constant 0 : i32
        %dma_start3A_46 = tpu.memref_slice %arg10[%dma_start3A_44, %dma_start3A_45] : memref<5008x128xf32, #tpu.memory_space<vmem_shared>> -> memref<16x128xf32, #tpu.memory_space<vmem_shared>>
        %dma_start3A_47 = arith.constant 4992 : i32
        %dma_start3A_48 = arith.constant 0 : i32
        %dma_start3A_49 = tpu.memref_slice %arg4[%dma_start3A_47, %dma_start3A_48] : memref<5008x128xf32, #tpu.memory_space<hbm>> -> memref<16x128xf32, #tpu.memory_space<hbm>>
        tpu.enqueue_dma source(%dma_start3A_49 : memref<16x128xf32, #tpu.memory_space<hbm>>) target(%dma_start3A_46 : memref<16x128xf32, #tpu.memory_space<vmem_shared>>) target_semaphore(%run_scoped3A : memref<!tpu.dma_semaphore, #tpu.memory_space<semaphore_mem>>)
        %dma_wait3A = arith.constant 4992 : i32
        %dma_wait3A_50 = arith.constant 0 : i32
        %dma_wait3A_51 = tpu.memref_slice %arg10[%dma_wait3A, %dma_wait3A_50] : memref<5008x128xf32, #tpu.memory_space<vmem_shared>> -> memref<16x128xf32, #tpu.memory_space<vmem_shared>>
        %dma_wait3A_52 = arith.constant 4992 : i32
        %dma_wait3A_53 = arith.constant 0 : i32
        %dma_wait3A_54 = tpu.memref_slice %arg4[%dma_wait3A_52, %dma_wait3A_53] : memref<5008x128xf32, #tpu.memory_space<hbm>> -> memref<16x128xf32, #tpu.memory_space<hbm>>
        tpu.wait_dma2 semaphore(%run_scoped3A : memref<!tpu.dma_semaphore, #tpu.memory_space<semaphore_mem>>) src(%dma_wait3A_54 : memref<16x128xf32, #tpu.memory_space<hbm>>) dst(%dma_wait3A_51 : memref<16x128xf32, #tpu.memory_space<vmem_shared>>)
        tpu.yield
      }) : () -> ()
    } else {
    }
    %barrier3A = arith.constant 0 : index
    tpu.barrier barrier_id(%barrier3A)
    %scan3A = arith.constant 0 : i32
    %scan3A_26 = arith.constant 0 : i32
    %scan3A_27 = arith.constant 10 : i32
    %scan3A_28 = arith.addi %scan3A_26, %scan3A_27 : i32
    %scan3A_29 = arith.constant 1 : i32
    scf.for %scan3A_44 = %scan3A_26 to %scan3A_28 step %scan3A_29  : i32 {
      %mul3A_45 = arith.constant 2 : i32
      %mul3A_46 = arith.muli %mul3A_45, %scan3A_44 : i32
      %mul3A_47 = arith.constant 200 : i32
      %mul3A_48 = arith.muli %mul3A_46, %mul3A_47 : i32
      %add3A_49 = arith.addi %mul3A_0, %mul3A_48 : i32
      %multiple_of3A_50 = tpu.assume_multiple %add3A_49, 8 : i32
      %add3A_51 = arith.constant 200 : i32
      %add3A_52 = arith.addi %multiple_of3A_50, %add3A_51 : i32
      %dma_wait3A = tpu.memref_slice %arg3[%multiple_of3A_50] : memref<128000xi32, #tpu.memory_space<hbm>> -> memref<200xi32, #tpu.memory_space<hbm>>
      %dma_wait3A_53 = tpu.memref_slice %arg3[%multiple_of3A_50] : memref<128000xi32, #tpu.memory_space<hbm>> -> memref<200xi32, #tpu.memory_space<hbm>>
      tpu.wait_dma2 semaphore(%arg11 : memref<!tpu.dma_semaphore, #tpu.memory_space<semaphore_mem>>) src(%dma_wait3A_53 : memref<200xi32, #tpu.memory_space<hbm>>) dst(%arg6 : memref<200xi32, #tpu.memory_space<vmem>>)
      %dma_wait3A_54 = arith.constant 0 : i32
      %dma_wait3A_55 = tpu.memref_slice %arg2[%multiple_of3A_50, %dma_wait3A_54] : memref<64000x128xf32, #tpu.memory_space<hbm>> -> memref<200x128xf32, #tpu.memory_space<hbm>>
      %dma_wait3A_56 = arith.constant 0 : i32
      %dma_wait3A_57 = tpu.memref_slice %arg2[%multiple_of3A_50, %dma_wait3A_56] : memref<64000x128xf32, #tpu.memory_space<hbm>> -> memref<200x128xf32, #tpu.memory_space<hbm>>
      tpu.wait_dma2 semaphore(%arg13 : memref<!tpu.dma_semaphore, #tpu.memory_space<semaphore_mem>>) src(%dma_wait3A_57 : memref<200x128xf32, #tpu.memory_space<hbm>>) dst(%arg8 : memref<200x128xf32, #tpu.memory_space<vmem>>)
      "tpu.region"() ({
        %run_scoped3A = tpu.sem_alloc : memref<!tpu.dma_semaphore, #tpu.memory_space<semaphore_mem>>
        %dma_start3A_81 = arith.constant 0 : i32
        %dma_start3A_82 = arith.constant 0 : i32
        %dma_start3A_83 = tpu.memref_slice %arg10[%dma_start3A_81, %dma_start3A_82] : memref<5008x128xf32, #tpu.memory_space<vmem_shared>> -> memref<5008x128xf32, #tpu.memory_space<vmem_shared>>
        tpu.enqueue_indirect_dma source(%arg8 : memref<200x128xf32, #tpu.memory_space<vmem>>) target(%dma_start3A_83 : memref<5008x128xf32, #tpu.memory_space<vmem_shared>>) offsets(%arg6 : memref<200xi32, #tpu.memory_space<vmem>>) semaphore(%run_scoped3A : memref<!tpu.dma_semaphore, #tpu.memory_space<semaphore_mem>>) {add = true}
        %dma_wait3A_84 = arith.constant 0 : i32
        %dma_wait3A_85 = arith.constant 0 : i32
        %dma_wait3A_86 = tpu.memref_slice %arg10[%dma_wait3A_84, %dma_wait3A_85] : memref<5008x128xf32, #tpu.memory_space<vmem_shared>> -> memref<5008x128xf32, #tpu.memory_space<vmem_shared>>
        tpu.wait_indirect_dma semaphore(%run_scoped3A : memref<!tpu.dma_semaphore, #tpu.memory_space<semaphore_mem>>) src(%arg8 : memref<200x128xf32, #tpu.memory_space<vmem>>) dst(%dma_wait3A_86 : memref<5008x128xf32, #tpu.memory_space<vmem_shared>>)
        tpu.yield
      }) : () -> ()
      %mul3A_58 = arith.constant 2 : i32
      %mul3A_59 = arith.muli %mul3A_58, %scan3A_44 : i32
      %add3A_60 = arith.constant 2 : i32
      %add3A_61 = arith.addi %mul3A_59, %add3A_60 : i32
      %lt3A = arith.constant 20 : i32
      %lt3A_62 = arith.cmpi slt, %add3A_61, %lt3A : i32
      %convert_element_type3A_63 = arith.extui %lt3A_62 : i1 to i32
      %cond3A_64 = arith.constant 0 : i32
      %cond3A_65 = arith.cmpi ne, %convert_element_type3A_63, %cond3A_64 : i32
      scf.if %cond3A_65 {
        %add3A_81 = arith.constant 400 : i32
        %add3A_82 = arith.addi %multiple_of3A_50, %add3A_81 : i32
        %multiple_of3A_83 = tpu.assume_multiple %add3A_82, 8 : i32
        %mul3A_84 = arith.constant 64000 : i32
        %mul3A_85 = arith.muli %arg0, %mul3A_84 : i32
        %add3A_86 = arith.addi %mul3A_85, %multiple_of3A_83 : i32
        %dma_start3A_87 = tpu.memref_slice %arg3[%add3A_86] : memref<128000xi32, #tpu.memory_space<hbm>> -> memref<200xi32, #tpu.memory_space<hbm>>
        %dma_start3A_88 = tpu.memref_slice %arg3[%add3A_86] : memref<128000xi32, #tpu.memory_space<hbm>> -> memref<200xi32, #tpu.memory_space<hbm>>
        tpu.enqueue_dma source(%dma_start3A_88 : memref<200xi32, #tpu.memory_space<hbm>>) target(%arg6 : memref<200xi32, #tpu.memory_space<vmem>>) target_semaphore(%arg11 : memref<!tpu.dma_semaphore, #tpu.memory_space<semaphore_mem>>)
        %dma_start3A_89 = arith.constant 0 : i32
        %dma_start3A_90 = tpu.memref_slice %arg2[%multiple_of3A_83, %dma_start3A_89] : memref<64000x128xf32, #tpu.memory_space<hbm>> -> memref<200x128xf32, #tpu.memory_space<hbm>>
        %dma_start3A_91 = arith.constant 0 : i32
        %dma_start3A_92 = tpu.memref_slice %arg2[%multiple_of3A_83, %dma_start3A_91] : memref<64000x128xf32, #tpu.memory_space<hbm>> -> memref<200x128xf32, #tpu.memory_space<hbm>>
        tpu.enqueue_dma source(%dma_start3A_92 : memref<200x128xf32, #tpu.memory_space<hbm>>) target(%arg8 : memref<200x128xf32, #tpu.memory_space<vmem>>) target_semaphore(%arg13 : memref<!tpu.dma_semaphore, #tpu.memory_space<semaphore_mem>>)
      } else {
      }
      %dma_wait3A_66 = tpu.memref_slice %arg3[%add3A_52] : memref<128000xi32, #tpu.memory_space<hbm>> -> memref<200xi32, #tpu.memory_space<hbm>>
      %dma_wait3A_67 = tpu.memref_slice %arg3[%add3A_52] : memref<128000xi32, #tpu.memory_space<hbm>> -> memref<200xi32, #tpu.memory_space<hbm>>
      tpu.wait_dma2 semaphore(%arg12 : memref<!tpu.dma_semaphore, #tpu.memory_space<semaphore_mem>>) src(%dma_wait3A_67 : memref<200xi32, #tpu.memory_space<hbm>>) dst(%arg7 : memref<200xi32, #tpu.memory_space<vmem>>)
      %dma_wait3A_68 = arith.constant 0 : i32
      %dma_wait3A_69 = tpu.memref_slice %arg2[%add3A_52, %dma_wait3A_68] : memref<64000x128xf32, #tpu.memory_space<hbm>> -> memref<200x128xf32, #tpu.memory_space<hbm>>
      %dma_wait3A_70 = arith.constant 0 : i32
      %dma_wait3A_71 = tpu.memref_slice %arg2[%add3A_52, %dma_wait3A_70] : memref<64000x128xf32, #tpu.memory_space<hbm>> -> memref<200x128xf32, #tpu.memory_space<hbm>>
      tpu.wait_dma2 semaphore(%arg14 : memref<!tpu.dma_semaphore, #tpu.memory_space<semaphore_mem>>) src(%dma_wait3A_71 : memref<200x128xf32, #tpu.memory_space<hbm>>) dst(%arg9 : memref<200x128xf32, #tpu.memory_space<vmem>>)
      "tpu.region"() ({
        %run_scoped3A = tpu.sem_alloc : memref<!tpu.dma_semaphore, #tpu.memory_space<semaphore_mem>>
        %dma_start3A_81 = arith.constant 0 : i32
        %dma_start3A_82 = arith.constant 0 : i32
        %dma_start3A_83 = tpu.memref_slice %arg10[%dma_start3A_81, %dma_start3A_82] : memref<5008x128xf32, #tpu.memory_space<vmem_shared>> -> memref<5008x128xf32, #tpu.memory_space<vmem_shared>>
        tpu.enqueue_indirect_dma source(%arg9 : memref<200x128xf32, #tpu.memory_space<vmem>>) target(%dma_start3A_83 : memref<5008x128xf32, #tpu.memory_space<vmem_shared>>) offsets(%arg7 : memref<200xi32, #tpu.memory_space<vmem>>) semaphore(%run_scoped3A : memref<!tpu.dma_semaphore, #tpu.memory_space<semaphore_mem>>) {add = true}
        %dma_wait3A_84 = arith.constant 0 : i32
        %dma_wait3A_85 = arith.constant 0 : i32
        %dma_wait3A_86 = tpu.memref_slice %arg10[%dma_wait3A_84, %dma_wait3A_85] : memref<5008x128xf32, #tpu.memory_space<vmem_shared>> -> memref<5008x128xf32, #tpu.memory_space<vmem_shared>>
        tpu.wait_indirect_dma semaphore(%run_scoped3A : memref<!tpu.dma_semaphore, #tpu.memory_space<semaphore_mem>>) src(%arg9 : memref<200x128xf32, #tpu.memory_space<vmem>>) dst(%dma_wait3A_86 : memref<5008x128xf32, #tpu.memory_space<vmem_shared>>)
        tpu.yield
      }) : () -> ()
      %mul3A_72 = arith.constant 2 : i32
      %mul3A_73 = arith.muli %mul3A_72, %scan3A_44 : i32
      %add3A_74 = arith.constant 3 : i32
      %add3A_75 = arith.addi %mul3A_73, %add3A_74 : i32
      %lt3A_76 = arith.constant 20 : i32
      %lt3A_77 = arith.cmpi slt, %add3A_75, %lt3A_76 : i32
      %convert_element_type3A_78 = arith.extui %lt3A_77 : i1 to i32
      %cond3A_79 = arith.constant 0 : i32
      %cond3A_80 = arith.cmpi ne, %convert_element_type3A_78, %cond3A_79 : i32
      scf.if %cond3A_80 {
        %add3A_81 = arith.constant 400 : i32
        %add3A_82 = arith.addi %add3A_52, %add3A_81 : i32
        %multiple_of3A_83 = tpu.assume_multiple %add3A_82, 8 : i32
        %mul3A_84 = arith.constant 64000 : i32
        %mul3A_85 = arith.muli %arg0, %mul3A_84 : i32
        %add3A_86 = arith.addi %mul3A_85, %multiple_of3A_83 : i32
        %dma_start3A_87 = tpu.memref_slice %arg3[%add3A_86] : memref<128000xi32, #tpu.memory_space<hbm>> -> memref<200xi32, #tpu.memory_space<hbm>>
        %dma_start3A_88 = tpu.memref_slice %arg3[%add3A_86] : memref<128000xi32, #tpu.memory_space<hbm>> -> memref<200xi32, #tpu.memory_space<hbm>>
        tpu.enqueue_dma source(%dma_start3A_88 : memref<200xi32, #tpu.memory_space<hbm>>) target(%arg7 : memref<200xi32, #tpu.memory_space<vmem>>) target_semaphore(%arg12 : memref<!tpu.dma_semaphore, #tpu.memory_space<semaphore_mem>>)
        %dma_start3A_89 = arith.constant 0 : i32
        %dma_start3A_90 = tpu.memref_slice %arg2[%multiple_of3A_83, %dma_start3A_89] : memref<64000x128xf32, #tpu.memory_space<hbm>> -> memref<200x128xf32, #tpu.memory_space<hbm>>
        %dma_start3A_91 = arith.constant 0 : i32
        %dma_start3A_92 = tpu.memref_slice %arg2[%multiple_of3A_83, %dma_start3A_91] : memref<64000x128xf32, #tpu.memory_space<hbm>> -> memref<200x128xf32, #tpu.memory_space<hbm>>
        tpu.enqueue_dma source(%dma_start3A_92 : memref<200x128xf32, #tpu.memory_space<hbm>>) target(%arg9 : memref<200x128xf32, #tpu.memory_space<vmem>>) target_semaphore(%arg14 : memref<!tpu.dma_semaphore, #tpu.memory_space<semaphore_mem>>)
      } else {
      }
    }
    %scan3A_30 = arith.constant 10 : i32
    %barrier3A_31 = arith.constant 0 : index
    tpu.barrier barrier_id(%barrier3A_31)
    %mul3A_32 = arith.constant 312 : i32
    %mul3A_33 = arith.muli %arg1, %mul3A_32 : i32
    %mul3A_34 = arith.constant 5008 : i32
    %mul3A_35 = arith.muli %arg0, %mul3A_34 : i32
    %mul3A_36 = arith.constant 312 : i32
    %mul3A_37 = arith.muli %arg1, %mul3A_36 : i32
    %add3A_38 = arith.addi %mul3A_35, %mul3A_37 : i32
    "tpu.region"() ({
      %run_scoped3A = tpu.sem_alloc : memref<!tpu.dma_semaphore, #tpu.memory_space<semaphore_mem>>
      %dma_start3A_44 = arith.constant 0 : i32
      %dma_start3A_45 = tpu.memref_slice %arg5[%add3A_38, %dma_start3A_44] : memref<10016x128xf32, #tpu.memory_space<hbm>> -> memref<312x128xf32, #tpu.memory_space<hbm>>
      %dma_start3A_46 = arith.constant 0 : i32
      %dma_start3A_47 = tpu.memref_slice %arg10[%mul3A_33, %dma_start3A_46] : memref<5008x128xf32, #tpu.memory_space<vmem_shared>> -> memref<312x128xf32, #tpu.memory_space<vmem_shared>>
      tpu.enqueue_dma source(%dma_start3A_47 : memref<312x128xf32, #tpu.memory_space<vmem_shared>>) target(%dma_start3A_45 : memref<312x128xf32, #tpu.memory_space<hbm>>) target_semaphore(%run_scoped3A : memref<!tpu.dma_semaphore, #tpu.memory_space<semaphore_mem>>)
      %dma_wait3A = arith.constant 0 : i32
      %dma_wait3A_48 = tpu.memref_slice %arg5[%add3A_38, %dma_wait3A] : memref<10016x128xf32, #tpu.memory_space<hbm>> -> memref<312x128xf32, #tpu.memory_space<hbm>>
      %dma_wait3A_49 = arith.constant 0 : i32
      %dma_wait3A_50 = tpu.memref_slice %arg10[%mul3A_33, %dma_wait3A_49] : memref<5008x128xf32, #tpu.memory_space<vmem_shared>> -> memref<312x128xf32, #tpu.memory_space<vmem_shared>>
      tpu.wait_dma2 semaphore(%run_scoped3A : memref<!tpu.dma_semaphore, #tpu.memory_space<semaphore_mem>>) src(%dma_wait3A_50 : memref<312x128xf32, #tpu.memory_space<vmem_shared>>) dst(%dma_wait3A_48 : memref<312x128xf32, #tpu.memory_space<hbm>>)
      tpu.yield
    }) : () -> ()
    %eq3A_39 = arith.constant 0 : i32
    %eq3A_40 = arith.cmpi eq, %arg1, %eq3A_39 : i32
    %convert_element_type3A_41 = arith.extui %eq3A_40 : i1 to i32
    %cond3A_42 = arith.constant 0 : i32
    %cond3A_43 = arith.cmpi ne, %convert_element_type3A_41, %cond3A_42 : i32
    scf.if %cond3A_43 {
      %mul3A_44 = arith.constant 5008 : i32
      %mul3A_45 = arith.muli %arg0, %mul3A_44 : i32
      %add3A_46 = arith.constant 4992 : i32
      %add3A_47 = arith.addi %mul3A_45, %add3A_46 : i32
      "tpu.region"() ({
        %run_scoped3A = tpu.sem_alloc : memref<!tpu.dma_semaphore, #tpu.memory_space<semaphore_mem>>
        %dma_start3A_48 = arith.constant 0 : i32
        %dma_start3A_49 = tpu.memref_slice %arg5[%add3A_47, %dma_start3A_48] : memref<10016x128xf32, #tpu.memory_space<hbm>> -> memref<16x128xf32, #tpu.memory_space<hbm>>
        %dma_start3A_50 = arith.constant 4992 : i32
        %dma_start3A_51 = arith.constant 0 : i32
        %dma_start3A_52 = tpu.memref_slice %arg10[%dma_start3A_50, %dma_start3A_51] : memref<5008x128xf32, #tpu.memory_space<vmem_shared>> -> memref<16x128xf32, #tpu.memory_space<vmem_shared>>
        tpu.enqueue_dma source(%dma_start3A_52 : memref<16x128xf32, #tpu.memory_space<vmem_shared>>) target(%dma_start3A_49 : memref<16x128xf32, #tpu.memory_space<hbm>>) target_semaphore(%run_scoped3A : memref<!tpu.dma_semaphore, #tpu.memory_space<semaphore_mem>>)
        %dma_wait3A = arith.constant 0 : i32
        %dma_wait3A_53 = tpu.memref_slice %arg5[%add3A_47, %dma_wait3A] : memref<10016x128xf32, #tpu.memory_space<hbm>> -> memref<16x128xf32, #tpu.memory_space<hbm>>
        %dma_wait3A_54 = arith.constant 4992 : i32
        %dma_wait3A_55 = arith.constant 0 : i32
        %dma_wait3A_56 = tpu.memref_slice %arg10[%dma_wait3A_54, %dma_wait3A_55] : memref<5008x128xf32, #tpu.memory_space<vmem_shared>> -> memref<16x128xf32, #tpu.memory_space<vmem_shared>>
        tpu.wait_dma2 semaphore(%run_scoped3A : memref<!tpu.dma_semaphore, #tpu.memory_space<semaphore_mem>>) src(%dma_wait3A_56 : memref<16x128xf32, #tpu.memory_space<vmem_shared>>) dst(%dma_wait3A_53 : memref<16x128xf32, #tpu.memory_space<hbm>>)
        tpu.yield
      }) : () -> ()
    } else {
    }
    return
  }
}

#map = affine_map<(d0, d1) -> (0, 0)>
#map1 = affine_map<(d0, d1) -> (0)>
module attributes {stable_mosaic.version = 14 : i64} {
  func.func @scatter(%arg0: i32, %arg1: i32, %arg2: memref<64000x128xf32, #tpu.memory_space<hbm>>, %arg3: memref<128000xi32, #tpu.memory_space<hbm>>, %arg4: memref<5008x128xf32, #tpu.memory_space<hbm>>, %arg5: memref<10016x128xf32, #tpu.memory_space<hbm>>, %arg6: memref<200xi32, #tpu.memory_space<vmem>>, %arg7: memref<200xi32, #tpu.memory_space<vmem>>, %arg8: memref<200x128xf32, #tpu.memory_space<vmem>>, %arg9: memref<200x128xf32, #tpu.memory_space<vmem>>, %arg10: memref<5008x128xf32, #tpu.memory_space<vmem_shared>>, %arg11: memref<!tpu.dma_semaphore, #tpu.memory_space<semaphore_mem>>, %arg12: memref<!tpu.dma_semaphore, #tpu.memory_space<semaphore_mem>>, %arg13: memref<!tpu.dma_semaphore, #tpu.memory_space<semaphore_mem>>, %arg14: memref<!tpu.dma_semaphore, #tpu.memory_space<semaphore_mem>>) attributes {dimension_semantics = [#tpu.dimension_semantics<core_parallel>, #tpu.dimension_semantics<subcore_parallel>], iteration_bounds = array<i64: 2, 16>, scalar_prefetch = 0 : i64, scratch_operands = 9 : i64, tpu.core_type = #tpu.core_type<sc_vector_subcore>, window_params = [{transform_indices = #map}, {transform_indices = #map1}, {transform_indices = #map}, {transform_indices = #map}]} {
    %mul3A = arith.constant 4000 : i32
    %mul3A_0 = arith.muli %arg1, %mul3A : i32
    %multiple_of3A = tpu.assume_multiple %mul3A_0, 8 : i32
    %mul3A_1 = arith.constant 64000 : i32
    %mul3A_2 = arith.muli %arg0, %mul3A_1 : i32
    %add3A = arith.addi %mul3A_2, %multiple_of3A : i32
    %dma_start3A = tpu.memref_slice %arg3[%add3A] : memref<128000xi32, #tpu.memory_space<hbm>> -> memref<200xi32, #tpu.memory_space<hbm>>
    %dma_start3A_3 = tpu.memref_slice %arg3[%add3A] : memref<128000xi32, #tpu.memory_space<hbm>> -> memref<200xi32, #tpu.memory_space<hbm>>
    tpu.enqueue_dma source(%dma_start3A_3 : memref<200xi32, #tpu.memory_space<hbm>>) target(%arg6 : memref<200xi32, #tpu.memory_space<vmem>>) target_semaphore(%arg11 : memref<!tpu.dma_semaphore, #tpu.memory_space<semaphore_mem>>)
    %dma_start3A_4 = arith.constant 0 : i32
    %dma_start3A_5 = tpu.memref_slice %arg2[%multiple_of3A, %dma_start3A_4] : memref<64000x128xf32, #tpu.memory_space<hbm>> -> memref<200x128xf32, #tpu.memory_space<hbm>>
    %dma_start3A_6 = arith.constant 0 : i32
    %dma_start3A_7 = tpu.memref_slice %arg2[%multiple_of3A, %dma_start3A_6] : memref<64000x128xf32, #tpu.memory_space<hbm>> -> memref<200x128xf32, #tpu.memory_space<hbm>>
    tpu.enqueue_dma source(%dma_start3A_7 : memref<200x128xf32, #tpu.memory_space<hbm>>) target(%arg8 : memref<200x128xf32, #tpu.memory_space<vmem>>) target_semaphore(%arg13 : memref<!tpu.dma_semaphore, #tpu.memory_space<semaphore_mem>>)
    %add3A_8 = arith.constant 200 : i32
    %add3A_9 = arith.addi %mul3A_0, %add3A_8 : i32
    %multiple_of3A_10 = tpu.assume_multiple %add3A_9, 8 : i32
    %mul3A_11 = arith.constant 64000 : i32
    %mul3A_12 = arith.muli %arg0, %mul3A_11 : i32
    %add3A_13 = arith.addi %mul3A_12, %multiple_of3A_10 : i32
    %dma_start3A_14 = tpu.memref_slice %arg3[%add3A_13] : memref<128000xi32, #tpu.memory_space<hbm>> -> memref<200xi32, #tpu.memory_space<hbm>>
    %dma_start3A_15 = tpu.memref_slice %arg3[%add3A_13] : memref<128000xi32, #tpu.memory_space<hbm>> -> memref<200xi32, #tpu.memory_space<hbm>>
    tpu.enqueue_dma source(%dma_start3A_15 : memref<200xi32, #tpu.memory_space<hbm>>) target(%arg7 : memref<200xi32, #tpu.memory_space<vmem>>) target_semaphore(%arg12 : memref<!tpu.dma_semaphore, #tpu.memory_space<semaphore_mem>>)
    %dma_start3A_16 = arith.constant 0 : i32
    %dma_start3A_17 = tpu.memref_slice %arg2[%multiple_of3A_10, %dma_start3A_16] : memref<64000x128xf32, #tpu.memory_space<hbm>> -> memref<200x128xf32, #tpu.memory_space<hbm>>
    %dma_start3A_18 = arith.constant 0 : i32
    %dma_start3A_19 = tpu.memref_slice %arg2[%multiple_of3A_10, %dma_start3A_18] : memref<64000x128xf32, #tpu.memory_space<hbm>> -> memref<200x128xf32, #tpu.memory_space<hbm>>
    tpu.enqueue_dma source(%dma_start3A_19 : memref<200x128xf32, #tpu.memory_space<hbm>>) target(%arg9 : memref<200x128xf32, #tpu.memory_space<vmem>>) target_semaphore(%arg14 : memref<!tpu.dma_semaphore, #tpu.memory_space<semaphore_mem>>)
    %mul3A_20 = arith.constant 312 : i32
    %mul3A_21 = arith.muli %arg1, %mul3A_20 : i32
    %mul3A_22 = arith.constant 312 : i32
    %mul3A_23 = arith.muli %arg1, %mul3A_22 : i32
    "tpu.region"() ({
      %run_scoped3A = tpu.sem_alloc : memref<!tpu.dma_semaphore, #tpu.memory_space<semaphore_mem>>
      %dma_start3A_44 = arith.constant 0 : i32
      %dma_start3A_45 = tpu.memref_slice %arg10[%mul3A_23, %dma_start3A_44] : memref<5008x128xf32, #tpu.memory_space<vmem_shared>> -> memref<312x128xf32, #tpu.memory_space<vmem_shared>>
      %dma_start3A_46 = arith.constant 0 : i32
      %dma_start3A_47 = tpu.memref_slice %arg4[%mul3A_21, %dma_start3A_46] : memref<5008x128xf32, #tpu.memory_space<hbm>> -> memref<312x128xf32, #tpu.memory_space<hbm>>
      tpu.enqueue_dma source(%dma_start3A_47 : memref<312x128xf32, #tpu.memory_space<hbm>>) target(%dma_start3A_45 : memref<312x128xf32, #tpu.memory_space<vmem_shared>>) target_semaphore(%run_scoped3A : memref<!tpu.dma_semaphore, #tpu.memory_space<semaphore_mem>>)
      %dma_wait3A = arith.constant 0 : i32
      %dma_wait3A_48 = tpu.memref_slice %arg10[%mul3A_23, %dma_wait3A] : memref<5008x128xf32, #tpu.memory_space<vmem_shared>> -> memref<312x128xf32, #tpu.memory_space<vmem_shared>>
      %dma_wait3A_49 = arith.constant 0 : i32
      %dma_wait3A_50 = tpu.memref_slice %arg4[%mul3A_21, %dma_wait3A_49] : memref<5008x128xf32, #tpu.memory_space<hbm>> -> memref<312x128xf32, #tpu.memory_space<hbm>>
      tpu.wait_dma2 semaphore(%run_scoped3A : memref<!tpu.dma_semaphore, #tpu.memory_space<semaphore_mem>>) src(%dma_wait3A_50 : memref<312x128xf32, #tpu.memory_space<hbm>>) dst(%dma_wait3A_48 : memref<312x128xf32, #tpu.memory_space<vmem_shared>>)
      tpu.yield
    }) : () -> ()
    %eq3A = arith.constant 0 : i32
    %eq3A_24 = arith.cmpi eq, %arg1, %eq3A : i32
    %convert_element_type3A = arith.extui %eq3A_24 : i1 to i32
    %cond3A = arith.constant 0 : i32
    %cond3A_25 = arith.cmpi ne, %convert_element_type3A, %cond3A : i32
    scf.if %cond3A_25 {
      "tpu.region"() ({
        %run_scoped3A = tpu.sem_alloc : memref<!tpu.dma_semaphore, #tpu.memory_space<semaphore_mem>>
        %dma_start3A_44 = arith.constant 4992 : i32
        %dma_start3A_45 = arith.constant 0 : i32
        %dma_start3A_46 = tpu.memref_slice %arg10[%dma_start3A_44, %dma_start3A_45] : memref<5008x128xf32, #tpu.memory_space<vmem_shared>> -> memref<16x128xf32, #tpu.memory_space<vmem_shared>>
        %dma_start3A_47 = arith.constant 4992 : i32
        %dma_start3A_48 = arith.constant 0 : i32
        %dma_start3A_49 = tpu.memref_slice %arg4[%dma_start3A_47, %dma_start3A_48] : memref<5008x128xf32, #tpu.memory_space<hbm>> -> memref<16x128xf32, #tpu.memory_space<hbm>>
        tpu.enqueue_dma source(%dma_start3A_49 : memref<16x128xf32, #tpu.memory_space<hbm>>) target(%dma_start3A_46 : memref<16x128xf32, #tpu.memory_space<vmem_shared>>) target_semaphore(%run_scoped3A : memref<!tpu.dma_semaphore, #tpu.memory_space<semaphore_mem>>)
        %dma_wait3A = arith.constant 4992 : i32
        %dma_wait3A_50 = arith.constant 0 : i32
        %dma_wait3A_51 = tpu.memref_slice %arg10[%dma_wait3A, %dma_wait3A_50] : memref<5008x128xf32, #tpu.memory_space<vmem_shared>> -> memref<16x128xf32, #tpu.memory_space<vmem_shared>>
        %dma_wait3A_52 = arith.constant 4992 : i32
        %dma_wait3A_53 = arith.constant 0 : i32
        %dma_wait3A_54 = tpu.memref_slice %arg4[%dma_wait3A_52, %dma_wait3A_53] : memref<5008x128xf32, #tpu.memory_space<hbm>> -> memref<16x128xf32, #tpu.memory_space<hbm>>
        tpu.wait_dma2 semaphore(%run_scoped3A : memref<!tpu.dma_semaphore, #tpu.memory_space<semaphore_mem>>) src(%dma_wait3A_54 : memref<16x128xf32, #tpu.memory_space<hbm>>) dst(%dma_wait3A_51 : memref<16x128xf32, #tpu.memory_space<vmem_shared>>)
        tpu.yield
      }) : () -> ()
    } else {
    }
    %barrier3A = arith.constant 0 : index
    tpu.barrier barrier_id(%barrier3A)
    %scan3A = arith.constant 0 : i32
    %scan3A_26 = arith.constant 0 : i32
    %scan3A_27 = arith.constant 10 : i32
    %scan3A_28 = arith.addi %scan3A_26, %scan3A_27 : i32
    %scan3A_29 = arith.constant 1 : i32
    scf.for %scan3A_44 = %scan3A_26 to %scan3A_28 step %scan3A_29  : i32 {
      %mul3A_45 = arith.constant 2 : i32
      %mul3A_46 = arith.muli %mul3A_45, %scan3A_44 : i32
      %mul3A_47 = arith.constant 200 : i32
      %mul3A_48 = arith.muli %mul3A_46, %mul3A_47 : i32
      %add3A_49 = arith.addi %mul3A_0, %mul3A_48 : i32
      %multiple_of3A_50 = tpu.assume_multiple %add3A_49, 8 : i32
      %add3A_51 = arith.constant 200 : i32
      %add3A_52 = arith.addi %multiple_of3A_50, %add3A_51 : i32
      %dma_wait3A = tpu.memref_slice %arg3[%multiple_of3A_50] : memref<128000xi32, #tpu.memory_space<hbm>> -> memref<200xi32, #tpu.memory_space<hbm>>
      %dma_wait3A_53 = tpu.memref_slice %arg3[%multiple_of3A_50] : memref<128000xi32, #tpu.memory_space<hbm>> -> memref<200xi32, #tpu.memory_space<hbm>>
      tpu.wait_dma2 semaphore(%arg11 : memref<!tpu.dma_semaphore, #tpu.memory_space<semaphore_mem>>) src(%dma_wait3A_53 : memref<200xi32, #tpu.memory_space<hbm>>) dst(%arg6 : memref<200xi32, #tpu.memory_space<vmem>>)
      %dma_wait3A_54 = arith.constant 0 : i32
      %dma_wait3A_55 = tpu.memref_slice %arg2[%multiple_of3A_50, %dma_wait3A_54] : memref<64000x128xf32, #tpu.memory_space<hbm>> -> memref<200x128xf32, #tpu.memory_space<hbm>>
      %dma_wait3A_56 = arith.constant 0 : i32
      %dma_wait3A_57 = tpu.memref_slice %arg2[%multiple_of3A_50, %dma_wait3A_56] : memref<64000x128xf32, #tpu.memory_space<hbm>> -> memref<200x128xf32, #tpu.memory_space<hbm>>
      tpu.wait_dma2 semaphore(%arg13 : memref<!tpu.dma_semaphore, #tpu.memory_space<semaphore_mem>>) src(%dma_wait3A_57 : memref<200x128xf32, #tpu.memory_space<hbm>>) dst(%arg8 : memref<200x128xf32, #tpu.memory_space<vmem>>)
      "tpu.region"() ({
        %run_scoped3A = tpu.sem_alloc : memref<!tpu.dma_semaphore, #tpu.memory_space<semaphore_mem>>
        %dma_start3A_81 = arith.constant 0 : i32
        %dma_start3A_82 = arith.constant 0 : i32
        %dma_start3A_83 = tpu.memref_slice %arg10[%dma_start3A_81, %dma_start3A_82] : memref<5008x128xf32, #tpu.memory_space<vmem_shared>> -> memref<5008x128xf32, #tpu.memory_space<vmem_shared>>
        tpu.enqueue_indirect_dma source(%arg8 : memref<200x128xf32, #tpu.memory_space<vmem>>) target(%dma_start3A_83 : memref<5008x128xf32, #tpu.memory_space<vmem_shared>>) offsets(%arg6 : memref<200xi32, #tpu.memory_space<vmem>>) semaphore(%run_scoped3A : memref<!tpu.dma_semaphore, #tpu.memory_space<semaphore_mem>>) {add = true}
        %dma_wait3A_84 = arith.constant 0 : i32
        %dma_wait3A_85 = arith.constant 0 : i32
        %dma_wait3A_86 = tpu.memref_slice %arg10[%dma_wait3A_84, %dma_wait3A_85] : memref<5008x128xf32, #tpu.memory_space<vmem_shared>> -> memref<5008x128xf32, #tpu.memory_space<vmem_shared>>
        tpu.wait_indirect_dma semaphore(%run_scoped3A : memref<!tpu.dma_semaphore, #tpu.memory_space<semaphore_mem>>) src(%arg8 : memref<200x128xf32, #tpu.memory_space<vmem>>) dst(%dma_wait3A_86 : memref<5008x128xf32, #tpu.memory_space<vmem_shared>>)
        tpu.yield
      }) : () -> ()
      %mul3A_58 = arith.constant 2 : i32
      %mul3A_59 = arith.muli %mul3A_58, %scan3A_44 : i32
      %add3A_60 = arith.constant 2 : i32
      %add3A_61 = arith.addi %mul3A_59, %add3A_60 : i32
      %lt3A = arith.constant 20 : i32
      %lt3A_62 = arith.cmpi slt, %add3A_61, %lt3A : i32
      %convert_element_type3A_63 = arith.extui %lt3A_62 : i1 to i32
      %cond3A_64 = arith.constant 0 : i32
      %cond3A_65 = arith.cmpi ne, %convert_element_type3A_63, %cond3A_64 : i32
      scf.if %cond3A_65 {
        %add3A_81 = arith.constant 400 : i32
        %add3A_82 = arith.addi %multiple_of3A_50, %add3A_81 : i32
        %multiple_of3A_83 = tpu.assume_multiple %add3A_82, 8 : i32
        %mul3A_84 = arith.constant 64000 : i32
        %mul3A_85 = arith.muli %arg0, %mul3A_84 : i32
        %add3A_86 = arith.addi %mul3A_85, %multiple_of3A_83 : i32
        %dma_start3A_87 = tpu.memref_slice %arg3[%add3A_86] : memref<128000xi32, #tpu.memory_space<hbm>> -> memref<200xi32, #tpu.memory_space<hbm>>
        %dma_start3A_88 = tpu.memref_slice %arg3[%add3A_86] : memref<128000xi32, #tpu.memory_space<hbm>> -> memref<200xi32, #tpu.memory_space<hbm>>
        tpu.enqueue_dma source(%dma_start3A_88 : memref<200xi32, #tpu.memory_space<hbm>>) target(%arg6 : memref<200xi32, #tpu.memory_space<vmem>>) target_semaphore(%arg11 : memref<!tpu.dma_semaphore, #tpu.memory_space<semaphore_mem>>)
        %dma_start3A_89 = arith.constant 0 : i32
        %dma_start3A_90 = tpu.memref_slice %arg2[%multiple_of3A_83, %dma_start3A_89] : memref<64000x128xf32, #tpu.memory_space<hbm>> -> memref<200x128xf32, #tpu.memory_space<hbm>>
        %dma_start3A_91 = arith.constant 0 : i32
        %dma_start3A_92 = tpu.memref_slice %arg2[%multiple_of3A_83, %dma_start3A_91] : memref<64000x128xf32, #tpu.memory_space<hbm>> -> memref<200x128xf32, #tpu.memory_space<hbm>>
        tpu.enqueue_dma source(%dma_start3A_92 : memref<200x128xf32, #tpu.memory_space<hbm>>) target(%arg8 : memref<200x128xf32, #tpu.memory_space<vmem>>) target_semaphore(%arg13 : memref<!tpu.dma_semaphore, #tpu.memory_space<semaphore_mem>>)
      } else {
      }
      %dma_wait3A_66 = tpu.memref_slice %arg3[%add3A_52] : memref<128000xi32, #tpu.memory_space<hbm>> -> memref<200xi32, #tpu.memory_space<hbm>>
      %dma_wait3A_67 = tpu.memref_slice %arg3[%add3A_52] : memref<128000xi32, #tpu.memory_space<hbm>> -> memref<200xi32, #tpu.memory_space<hbm>>
      tpu.wait_dma2 semaphore(%arg12 : memref<!tpu.dma_semaphore, #tpu.memory_space<semaphore_mem>>) src(%dma_wait3A_67 : memref<200xi32, #tpu.memory_space<hbm>>) dst(%arg7 : memref<200xi32, #tpu.memory_space<vmem>>)
      %dma_wait3A_68 = arith.constant 0 : i32
      %dma_wait3A_69 = tpu.memref_slice %arg2[%add3A_52, %dma_wait3A_68] : memref<64000x128xf32, #tpu.memory_space<hbm>> -> memref<200x128xf32, #tpu.memory_space<hbm>>
      %dma_wait3A_70 = arith.constant 0 : i32
      %dma_wait3A_71 = tpu.memref_slice %arg2[%add3A_52, %dma_wait3A_70] : memref<64000x128xf32, #tpu.memory_space<hbm>> -> memref<200x128xf32, #tpu.memory_space<hbm>>
      tpu.wait_dma2 semaphore(%arg14 : memref<!tpu.dma_semaphore, #tpu.memory_space<semaphore_mem>>) src(%dma_wait3A_71 : memref<200x128xf32, #tpu.memory_space<hbm>>) dst(%arg9 : memref<200x128xf32, #tpu.memory_space<vmem>>)
      "tpu.region"() ({
        %run_scoped3A = tpu.sem_alloc : memref<!tpu.dma_semaphore, #tpu.memory_space<semaphore_mem>>
        %dma_start3A_81 = arith.constant 0 : i32
        %dma_start3A_82 = arith.constant 0 : i32
        %dma_start3A_83 = tpu.memref_slice %arg10[%dma_start3A_81, %dma_start3A_82] : memref<5008x128xf32, #tpu.memory_space<vmem_shared>> -> memref<5008x128xf32, #tpu.memory_space<vmem_shared>>
        tpu.enqueue_indirect_dma source(%arg9 : memref<200x128xf32, #tpu.memory_space<vmem>>) target(%dma_start3A_83 : memref<5008x128xf32, #tpu.memory_space<vmem_shared>>) offsets(%arg7 : memref<200xi32, #tpu.memory_space<vmem>>) semaphore(%run_scoped3A : memref<!tpu.dma_semaphore, #tpu.memory_space<semaphore_mem>>) {add = true}
        %dma_wait3A_84 = arith.constant 0 : i32
        %dma_wait3A_85 = arith.constant 0 : i32
        %dma_wait3A_86 = tpu.memref_slice %arg10[%dma_wait3A_84, %dma_wait3A_85] : memref<5008x128xf32, #tpu.memory_space<vmem_shared>> -> memref<5008x128xf32, #tpu.memory_space<vmem_shared>>
        tpu.wait_indirect_dma semaphore(%run_scoped3A : memref<!tpu.dma_semaphore, #tpu.memory_space<semaphore_mem>>) src(%arg9 : memref<200x128xf32, #tpu.memory_space<vmem>>) dst(%dma_wait3A_86 : memref<5008x128xf32, #tpu.memory_space<vmem_shared>>)
        tpu.yield
      }) : () -> ()
      %mul3A_72 = arith.constant 2 : i32
      %mul3A_73 = arith.muli %mul3A_72, %scan3A_44 : i32
      %add3A_74 = arith.constant 3 : i32
      %add3A_75 = arith.addi %mul3A_73, %add3A_74 : i32
      %lt3A_76 = arith.constant 20 : i32
      %lt3A_77 = arith.cmpi slt, %add3A_75, %lt3A_76 : i32
      %convert_element_type3A_78 = arith.extui %lt3A_77 : i1 to i32
      %cond3A_79 = arith.constant 0 : i32
      %cond3A_80 = arith.cmpi ne, %convert_element_type3A_78, %cond3A_79 : i32
      scf.if %cond3A_80 {
        %add3A_81 = arith.constant 400 : i32
        %add3A_82 = arith.addi %add3A_52, %add3A_81 : i32
        %multiple_of3A_83 = tpu.assume_multiple %add3A_82, 8 : i32
        %mul3A_84 = arith.constant 64000 : i32
        %mul3A_85 = arith.muli %arg0, %mul3A_84 : i32
        %add3A_86 = arith.addi %mul3A_85, %multiple_of3A_83 : i32
        %dma_start3A_87 = tpu.memref_slice %arg3[%add3A_86] : memref<128000xi32, #tpu.memory_space<hbm>> -> memref<200xi32, #tpu.memory_space<hbm>>
        %dma_start3A_88 = tpu.memref_slice %arg3[%add3A_86] : memref<128000xi32, #tpu.memory_space<hbm>> -> memref<200xi32, #tpu.memory_space<hbm>>
        tpu.enqueue_dma source(%dma_start3A_88 : memref<200xi32, #tpu.memory_space<hbm>>) target(%arg7 : memref<200xi32, #tpu.memory_space<vmem>>) target_semaphore(%arg12 : memref<!tpu.dma_semaphore, #tpu.memory_space<semaphore_mem>>)
        %dma_start3A_89 = arith.constant 0 : i32
        %dma_start3A_90 = tpu.memref_slice %arg2[%multiple_of3A_83, %dma_start3A_89] : memref<64000x128xf32, #tpu.memory_space<hbm>> -> memref<200x128xf32, #tpu.memory_space<hbm>>
        %dma_start3A_91 = arith.constant 0 : i32
        %dma_start3A_92 = tpu.memref_slice %arg2[%multiple_of3A_83, %dma_start3A_91] : memref<64000x128xf32, #tpu.memory_space<hbm>> -> memref<200x128xf32, #tpu.memory_space<hbm>>
        tpu.enqueue_dma source(%dma_start3A_92 : memref<200x128xf32, #tpu.memory_space<hbm>>) target(%arg9 : memref<200x128xf32, #tpu.memory_space<vmem>>) target_semaphore(%arg14 : memref<!tpu.dma_semaphore, #tpu.memory_space<semaphore_mem>>)
      } else {
      }
    }
    %scan3A_30 = arith.constant 10 : i32
    %barrier3A_31 = arith.constant 0 : index
    tpu.barrier barrier_id(%barrier3A_31)
    %mul3A_32 = arith.constant 312 : i32
    %mul3A_33 = arith.muli %arg1, %mul3A_32 : i32
    %mul3A_34 = arith.constant 5008 : i32
    %mul3A_35 = arith.muli %arg0, %mul3A_34 : i32
    %mul3A_36 = arith.constant 312 : i32
    %mul3A_37 = arith.muli %arg1, %mul3A_36 : i32
    %add3A_38 = arith.addi %mul3A_35, %mul3A_37 : i32
    "tpu.region"() ({
      %run_scoped3A = tpu.sem_alloc : memref<!tpu.dma_semaphore, #tpu.memory_space<semaphore_mem>>
      %dma_start3A_44 = arith.constant 0 : i32
      %dma_start3A_45 = tpu.memref_slice %arg5[%add3A_38, %dma_start3A_44] : memref<10016x128xf32, #tpu.memory_space<hbm>> -> memref<312x128xf32, #tpu.memory_space<hbm>>
      %dma_start3A_46 = arith.constant 0 : i32
      %dma_start3A_47 = tpu.memref_slice %arg10[%mul3A_33, %dma_start3A_46] : memref<5008x128xf32, #tpu.memory_space<vmem_shared>> -> memref<312x128xf32, #tpu.memory_space<vmem_shared>>
      tpu.enqueue_dma source(%dma_start3A_47 : memref<312x128xf32, #tpu.memory_space<vmem_shared>>) target(%dma_start3A_45 : memref<312x128xf32, #tpu.memory_space<hbm>>) target_semaphore(%run_scoped3A : memref<!tpu.dma_semaphore, #tpu.memory_space<semaphore_mem>>)
      %dma_wait3A = arith.constant 0 : i32
      %dma_wait3A_48 = tpu.memref_slice %arg5[%add3A_38, %dma_wait3A] : memref<10016x128xf32, #tpu.memory_space<hbm>> -> memref<312x128xf32, #tpu.memory_space<hbm>>
      %dma_wait3A_49 = arith.constant 0 : i32
      %dma_wait3A_50 = tpu.memref_slice %arg10[%mul3A_33, %dma_wait3A_49] : memref<5008x128xf32, #tpu.memory_space<vmem_shared>> -> memref<312x128xf32, #tpu.memory_space<vmem_shared>>
      tpu.wait_dma2 semaphore(%run_scoped3A : memref<!tpu.dma_semaphore, #tpu.memory_space<semaphore_mem>>) src(%dma_wait3A_50 : memref<312x128xf32, #tpu.memory_space<vmem_shared>>) dst(%dma_wait3A_48 : memref<312x128xf32, #tpu.memory_space<hbm>>)
      tpu.yield
    }) : () -> ()
    %eq3A_39 = arith.constant 0 : i32
    %eq3A_40 = arith.cmpi eq, %arg1, %eq3A_39 : i32
    %convert_element_type3A_41 = arith.extui %eq3A_40 : i1 to i32
    %cond3A_42 = arith.constant 0 : i32
    %cond3A_43 = arith.cmpi ne, %convert_element_type3A_41, %cond3A_42 : i32
    scf.if %cond3A_43 {
      %mul3A_44 = arith.constant 5008 : i32
      %mul3A_45 = arith.muli %arg0, %mul3A_44 : i32
      %add3A_46 = arith.constant 4992 : i32
      %add3A_47 = arith.addi %mul3A_45, %add3A_46 : i32
      "tpu.region"() ({
        %run_scoped3A = tpu.sem_alloc : memref<!tpu.dma_semaphore, #tpu.memory_space<semaphore_mem>>
        %dma_start3A_48 = arith.constant 0 : i32
        %dma_start3A_49 = tpu.memref_slice %arg5[%add3A_47, %dma_start3A_48] : memref<10016x128xf32, #tpu.memory_space<hbm>> -> memref<16x128xf32, #tpu.memory_space<hbm>>
        %dma_start3A_50 = arith.constant 4992 : i32
        %dma_start3A_51 = arith.constant 0 : i32
        %dma_start3A_52 = tpu.memref_slice %arg10[%dma_start3A_50, %dma_start3A_51] : memref<5008x128xf32, #tpu.memory_space<vmem_shared>> -> memref<16x128xf32, #tpu.memory_space<vmem_shared>>
        tpu.enqueue_dma source(%dma_start3A_52 : memref<16x128xf32, #tpu.memory_space<vmem_shared>>) target(%dma_start3A_49 : memref<16x128xf32, #tpu.memory_space<hbm>>) target_semaphore(%run_scoped3A : memref<!tpu.dma_semaphore, #tpu.memory_space<semaphore_mem>>)
        %dma_wait3A = arith.constant 0 : i32
        %dma_wait3A_53 = tpu.memref_slice %arg5[%add3A_47, %dma_wait3A] : memref<10016x128xf32, #tpu.memory_space<hbm>> -> memref<16x128xf32, #tpu.memory_space<hbm>>
        %dma_wait3A_54 = arith.constant 4992 : i32
        %dma_wait3A_55 = arith.constant 0 : i32
        %dma_wait3A_56 = tpu.memref_slice %arg10[%dma_wait3A_54, %dma_wait3A_55] : memref<5008x128xf32, #tpu.memory_space<vmem_shared>> -> memref<16x128xf32, #tpu.memory_space<vmem_shared>>
        tpu.wait_dma2 semaphore(%run_scoped3A : memref<!tpu.dma_semaphore, #tpu.memory_space<semaphore_mem>>) src(%dma_wait3A_56 : memref<16x128xf32, #tpu.memory_space<vmem_shared>>) dst(%dma_wait3A_53 : memref<16x128xf32, #tpu.memory_space<hbm>>)
        tpu.yield
      }) : () -> ()
    } else {
    }
    return
  }
}

#map = affine_map<(d0, d1) -> (0, 0)>
#map1 = affine_map<(d0, d1) -> (0)>
module attributes {stable_mosaic.version = 14 : i64} {
  func.func @scatter(%arg0: i32, %arg1: i32, %arg2: memref<64000x128xf32, #tpu.memory_space<hbm>>, %arg3: memref<128000xi32, #tpu.memory_space<hbm>>, %arg4: memref<5008x128xf32, #tpu.memory_space<hbm>>, %arg5: memref<10016x128xf32, #tpu.memory_space<hbm>>, %arg6: memref<200xi32, #tpu.memory_space<vmem>>, %arg7: memref<200xi32, #tpu.memory_space<vmem>>, %arg8: memref<200x128xf32, #tpu.memory_space<vmem>>, %arg9: memref<200x128xf32, #tpu.memory_space<vmem>>, %arg10: memref<5008x128xf32, #tpu.memory_space<vmem_shared>>, %arg11: memref<!tpu.dma_semaphore, #tpu.memory_space<semaphore_mem>>, %arg12: memref<!tpu.dma_semaphore, #tpu.memory_space<semaphore_mem>>, %arg13: memref<!tpu.dma_semaphore, #tpu.memory_space<semaphore_mem>>, %arg14: memref<!tpu.dma_semaphore, #tpu.memory_space<semaphore_mem>>) attributes {dimension_semantics = [#tpu.dimension_semantics<core_parallel>, #tpu.dimension_semantics<subcore_parallel>], iteration_bounds = array<i64: 2, 16>, scalar_prefetch = 0 : i64, scratch_operands = 9 : i64, tpu.core_type = #tpu.core_type<sc_vector_subcore>, window_params = [{transform_indices = #map}, {transform_indices = #map1}, {transform_indices = #map}, {transform_indices = #map}]} {
    %mul3A = arith.constant 4000 : i32
    %mul3A_0 = arith.muli %arg1, %mul3A : i32
    %multiple_of3A = tpu.assume_multiple %mul3A_0, 8 : i32
    %mul3A_1 = arith.constant 64000 : i32
    %mul3A_2 = arith.muli %arg0, %mul3A_1 : i32
    %add3A = arith.addi %mul3A_2, %multiple_of3A : i32
    %dma_start3A = tpu.memref_slice %arg3[%add3A] : memref<128000xi32, #tpu.memory_space<hbm>> -> memref<200xi32, #tpu.memory_space<hbm>>
    %dma_start3A_3 = tpu.memref_slice %arg3[%add3A] : memref<128000xi32, #tpu.memory_space<hbm>> -> memref<200xi32, #tpu.memory_space<hbm>>
    tpu.enqueue_dma source(%dma_start3A_3 : memref<200xi32, #tpu.memory_space<hbm>>) target(%arg6 : memref<200xi32, #tpu.memory_space<vmem>>) target_semaphore(%arg11 : memref<!tpu.dma_semaphore, #tpu.memory_space<semaphore_mem>>)
    %dma_start3A_4 = arith.constant 0 : i32
    %dma_start3A_5 = tpu.memref_slice %arg2[%multiple_of3A, %dma_start3A_4] : memref<64000x128xf32, #tpu.memory_space<hbm>> -> memref<200x128xf32, #tpu.memory_space<hbm>>
    %dma_start3A_6 = arith.constant 0 : i32
    %dma_start3A_7 = tpu.memref_slice %arg2[%multiple_of3A, %dma_start3A_6] : memref<64000x128xf32, #tpu.memory_space<hbm>> -> memref<200x128xf32, #tpu.memory_space<hbm>>
    tpu.enqueue_dma source(%dma_start3A_7 : memref<200x128xf32, #tpu.memory_space<hbm>>) target(%arg8 : memref<200x128xf32, #tpu.memory_space<vmem>>) target_semaphore(%arg13 : memref<!tpu.dma_semaphore, #tpu.memory_space<semaphore_mem>>)
    %add3A_8 = arith.constant 200 : i32
    %add3A_9 = arith.addi %mul3A_0, %add3A_8 : i32
    %multiple_of3A_10 = tpu.assume_multiple %add3A_9, 8 : i32
    %mul3A_11 = arith.constant 64000 : i32
    %mul3A_12 = arith.muli %arg0, %mul3A_11 : i32
    %add3A_13 = arith.addi %mul3A_12, %multiple_of3A_10 : i32
    %dma_start3A_14 = tpu.memref_slice %arg3[%add3A_13] : memref<128000xi32, #tpu.memory_space<hbm>> -> memref<200xi32, #tpu.memory_space<hbm>>
    %dma_start3A_15 = tpu.memref_slice %arg3[%add3A_13] : memref<128000xi32, #tpu.memory_space<hbm>> -> memref<200xi32, #tpu.memory_space<hbm>>
    tpu.enqueue_dma source(%dma_start3A_15 : memref<200xi32, #tpu.memory_space<hbm>>) target(%arg7 : memref<200xi32, #tpu.memory_space<vmem>>) target_semaphore(%arg12 : memref<!tpu.dma_semaphore, #tpu.memory_space<semaphore_mem>>)
    %dma_start3A_16 = arith.constant 0 : i32
    %dma_start3A_17 = tpu.memref_slice %arg2[%multiple_of3A_10, %dma_start3A_16] : memref<64000x128xf32, #tpu.memory_space<hbm>> -> memref<200x128xf32, #tpu.memory_space<hbm>>
    %dma_start3A_18 = arith.constant 0 : i32
    %dma_start3A_19 = tpu.memref_slice %arg2[%multiple_of3A_10, %dma_start3A_18] : memref<64000x128xf32, #tpu.memory_space<hbm>> -> memref<200x128xf32, #tpu.memory_space<hbm>>
    tpu.enqueue_dma source(%dma_start3A_19 : memref<200x128xf32, #tpu.memory_space<hbm>>) target(%arg9 : memref<200x128xf32, #tpu.memory_space<vmem>>) target_semaphore(%arg14 : memref<!tpu.dma_semaphore, #tpu.memory_space<semaphore_mem>>)
    %mul3A_20 = arith.constant 312 : i32
    %mul3A_21 = arith.muli %arg1, %mul3A_20 : i32
    %mul3A_22 = arith.constant 312 : i32
    %mul3A_23 = arith.muli %arg1, %mul3A_22 : i32
    "tpu.region"() ({
      %run_scoped3A = tpu.sem_alloc : memref<!tpu.dma_semaphore, #tpu.memory_space<semaphore_mem>>
      %dma_start3A_44 = arith.constant 0 : i32
      %dma_start3A_45 = tpu.memref_slice %arg10[%mul3A_23, %dma_start3A_44] : memref<5008x128xf32, #tpu.memory_space<vmem_shared>> -> memref<312x128xf32, #tpu.memory_space<vmem_shared>>
      %dma_start3A_46 = arith.constant 0 : i32
      %dma_start3A_47 = tpu.memref_slice %arg4[%mul3A_21, %dma_start3A_46] : memref<5008x128xf32, #tpu.memory_space<hbm>> -> memref<312x128xf32, #tpu.memory_space<hbm>>
      tpu.enqueue_dma source(%dma_start3A_47 : memref<312x128xf32, #tpu.memory_space<hbm>>) target(%dma_start3A_45 : memref<312x128xf32, #tpu.memory_space<vmem_shared>>) target_semaphore(%run_scoped3A : memref<!tpu.dma_semaphore, #tpu.memory_space<semaphore_mem>>)
      %dma_wait3A = arith.constant 0 : i32
      %dma_wait3A_48 = tpu.memref_slice %arg10[%mul3A_23, %dma_wait3A] : memref<5008x128xf32, #tpu.memory_space<vmem_shared>> -> memref<312x128xf32, #tpu.memory_space<vmem_shared>>
      %dma_wait3A_49 = arith.constant 0 : i32
      %dma_wait3A_50 = tpu.memref_slice %arg4[%mul3A_21, %dma_wait3A_49] : memref<5008x128xf32, #tpu.memory_space<hbm>> -> memref<312x128xf32, #tpu.memory_space<hbm>>
      tpu.wait_dma2 semaphore(%run_scoped3A : memref<!tpu.dma_semaphore, #tpu.memory_space<semaphore_mem>>) src(%dma_wait3A_50 : memref<312x128xf32, #tpu.memory_space<hbm>>) dst(%dma_wait3A_48 : memref<312x128xf32, #tpu.memory_space<vmem_shared>>)
      tpu.yield
    }) : () -> ()
    %eq3A = arith.constant 0 : i32
    %eq3A_24 = arith.cmpi eq, %arg1, %eq3A : i32
    %convert_element_type3A = arith.extui %eq3A_24 : i1 to i32
    %cond3A = arith.constant 0 : i32
    %cond3A_25 = arith.cmpi ne, %convert_element_type3A, %cond3A : i32
    scf.if %cond3A_25 {
      "tpu.region"() ({
        %run_scoped3A = tpu.sem_alloc : memref<!tpu.dma_semaphore, #tpu.memory_space<semaphore_mem>>
        %dma_start3A_44 = arith.constant 4992 : i32
        %dma_start3A_45 = arith.constant 0 : i32
        %dma_start3A_46 = tpu.memref_slice %arg10[%dma_start3A_44, %dma_start3A_45] : memref<5008x128xf32, #tpu.memory_space<vmem_shared>> -> memref<16x128xf32, #tpu.memory_space<vmem_shared>>
        %dma_start3A_47 = arith.constant 4992 : i32
        %dma_start3A_48 = arith.constant 0 : i32
        %dma_start3A_49 = tpu.memref_slice %arg4[%dma_start3A_47, %dma_start3A_48] : memref<5008x128xf32, #tpu.memory_space<hbm>> -> memref<16x128xf32, #tpu.memory_space<hbm>>
        tpu.enqueue_dma source(%dma_start3A_49 : memref<16x128xf32, #tpu.memory_space<hbm>>) target(%dma_start3A_46 : memref<16x128xf32, #tpu.memory_space<vmem_shared>>) target_semaphore(%run_scoped3A : memref<!tpu.dma_semaphore, #tpu.memory_space<semaphore_mem>>)
        %dma_wait3A = arith.constant 4992 : i32
        %dma_wait3A_50 = arith.constant 0 : i32
        %dma_wait3A_51 = tpu.memref_slice %arg10[%dma_wait3A, %dma_wait3A_50] : memref<5008x128xf32, #tpu.memory_space<vmem_shared>> -> memref<16x128xf32, #tpu.memory_space<vmem_shared>>
        %dma_wait3A_52 = arith.constant 4992 : i32
        %dma_wait3A_53 = arith.constant 0 : i32
        %dma_wait3A_54 = tpu.memref_slice %arg4[%dma_wait3A_52, %dma_wait3A_53] : memref<5008x128xf32, #tpu.memory_space<hbm>> -> memref<16x128xf32, #tpu.memory_space<hbm>>
        tpu.wait_dma2 semaphore(%run_scoped3A : memref<!tpu.dma_semaphore, #tpu.memory_space<semaphore_mem>>) src(%dma_wait3A_54 : memref<16x128xf32, #tpu.memory_space<hbm>>) dst(%dma_wait3A_51 : memref<16x128xf32, #tpu.memory_space<vmem_shared>>)
        tpu.yield
      }) : () -> ()
    } else {
    }
    %barrier3A = arith.constant 0 : index
    tpu.barrier barrier_id(%barrier3A)
    %scan3A = arith.constant 0 : i32
    %scan3A_26 = arith.constant 0 : i32
    %scan3A_27 = arith.constant 10 : i32
    %scan3A_28 = arith.addi %scan3A_26, %scan3A_27 : i32
    %scan3A_29 = arith.constant 1 : i32
    scf.for %scan3A_44 = %scan3A_26 to %scan3A_28 step %scan3A_29  : i32 {
      %mul3A_45 = arith.constant 2 : i32
      %mul3A_46 = arith.muli %mul3A_45, %scan3A_44 : i32
      %mul3A_47 = arith.constant 200 : i32
      %mul3A_48 = arith.muli %mul3A_46, %mul3A_47 : i32
      %add3A_49 = arith.addi %mul3A_0, %mul3A_48 : i32
      %multiple_of3A_50 = tpu.assume_multiple %add3A_49, 8 : i32
      %add3A_51 = arith.constant 200 : i32
      %add3A_52 = arith.addi %multiple_of3A_50, %add3A_51 : i32
      %dma_wait3A = tpu.memref_slice %arg3[%multiple_of3A_50] : memref<128000xi32, #tpu.memory_space<hbm>> -> memref<200xi32, #tpu.memory_space<hbm>>
      %dma_wait3A_53 = tpu.memref_slice %arg3[%multiple_of3A_50] : memref<128000xi32, #tpu.memory_space<hbm>> -> memref<200xi32, #tpu.memory_space<hbm>>
      tpu.wait_dma2 semaphore(%arg11 : memref<!tpu.dma_semaphore, #tpu.memory_space<semaphore_mem>>) src(%dma_wait3A_53 : memref<200xi32, #tpu.memory_space<hbm>>) dst(%arg6 : memref<200xi32, #tpu.memory_space<vmem>>)
      %dma_wait3A_54 = arith.constant 0 : i32
      %dma_wait3A_55 = tpu.memref_slice %arg2[%multiple_of3A_50, %dma_wait3A_54] : memref<64000x128xf32, #tpu.memory_space<hbm>> -> memref<200x128xf32, #tpu.memory_space<hbm>>
      %dma_wait3A_56 = arith.constant 0 : i32
      %dma_wait3A_57 = tpu.memref_slice %arg2[%multiple_of3A_50, %dma_wait3A_56] : memref<64000x128xf32, #tpu.memory_space<hbm>> -> memref<200x128xf32, #tpu.memory_space<hbm>>
      tpu.wait_dma2 semaphore(%arg13 : memref<!tpu.dma_semaphore, #tpu.memory_space<semaphore_mem>>) src(%dma_wait3A_57 : memref<200x128xf32, #tpu.memory_space<hbm>>) dst(%arg8 : memref<200x128xf32, #tpu.memory_space<vmem>>)
      "tpu.region"() ({
        %run_scoped3A = tpu.sem_alloc : memref<!tpu.dma_semaphore, #tpu.memory_space<semaphore_mem>>
        %dma_start3A_81 = arith.constant 0 : i32
        %dma_start3A_82 = arith.constant 0 : i32
        %dma_start3A_83 = tpu.memref_slice %arg10[%dma_start3A_81, %dma_start3A_82] : memref<5008x128xf32, #tpu.memory_space<vmem_shared>> -> memref<5008x128xf32, #tpu.memory_space<vmem_shared>>
        tpu.enqueue_indirect_dma source(%arg8 : memref<200x128xf32, #tpu.memory_space<vmem>>) target(%dma_start3A_83 : memref<5008x128xf32, #tpu.memory_space<vmem_shared>>) offsets(%arg6 : memref<200xi32, #tpu.memory_space<vmem>>) semaphore(%run_scoped3A : memref<!tpu.dma_semaphore, #tpu.memory_space<semaphore_mem>>) {add = true}
        %dma_wait3A_84 = arith.constant 0 : i32
        %dma_wait3A_85 = arith.constant 0 : i32
        %dma_wait3A_86 = tpu.memref_slice %arg10[%dma_wait3A_84, %dma_wait3A_85] : memref<5008x128xf32, #tpu.memory_space<vmem_shared>> -> memref<5008x128xf32, #tpu.memory_space<vmem_shared>>
        tpu.wait_indirect_dma semaphore(%run_scoped3A : memref<!tpu.dma_semaphore, #tpu.memory_space<semaphore_mem>>) src(%arg8 : memref<200x128xf32, #tpu.memory_space<vmem>>) dst(%dma_wait3A_86 : memref<5008x128xf32, #tpu.memory_space<vmem_shared>>)
        tpu.yield
      }) : () -> ()
      %mul3A_58 = arith.constant 2 : i32
      %mul3A_59 = arith.muli %mul3A_58, %scan3A_44 : i32
      %add3A_60 = arith.constant 2 : i32
      %add3A_61 = arith.addi %mul3A_59, %add3A_60 : i32
      %lt3A = arith.constant 20 : i32
      %lt3A_62 = arith.cmpi slt, %add3A_61, %lt3A : i32
      %convert_element_type3A_63 = arith.extui %lt3A_62 : i1 to i32
      %cond3A_64 = arith.constant 0 : i32
      %cond3A_65 = arith.cmpi ne, %convert_element_type3A_63, %cond3A_64 : i32
      scf.if %cond3A_65 {
        %add3A_81 = arith.constant 400 : i32
        %add3A_82 = arith.addi %multiple_of3A_50, %add3A_81 : i32
        %multiple_of3A_83 = tpu.assume_multiple %add3A_82, 8 : i32
        %mul3A_84 = arith.constant 64000 : i32
        %mul3A_85 = arith.muli %arg0, %mul3A_84 : i32
        %add3A_86 = arith.addi %mul3A_85, %multiple_of3A_83 : i32
        %dma_start3A_87 = tpu.memref_slice %arg3[%add3A_86] : memref<128000xi32, #tpu.memory_space<hbm>> -> memref<200xi32, #tpu.memory_space<hbm>>
        %dma_start3A_88 = tpu.memref_slice %arg3[%add3A_86] : memref<128000xi32, #tpu.memory_space<hbm>> -> memref<200xi32, #tpu.memory_space<hbm>>
        tpu.enqueue_dma source(%dma_start3A_88 : memref<200xi32, #tpu.memory_space<hbm>>) target(%arg6 : memref<200xi32, #tpu.memory_space<vmem>>) target_semaphore(%arg11 : memref<!tpu.dma_semaphore, #tpu.memory_space<semaphore_mem>>)
        %dma_start3A_89 = arith.constant 0 : i32
        %dma_start3A_90 = tpu.memref_slice %arg2[%multiple_of3A_83, %dma_start3A_89] : memref<64000x128xf32, #tpu.memory_space<hbm>> -> memref<200x128xf32, #tpu.memory_space<hbm>>
        %dma_start3A_91 = arith.constant 0 : i32
        %dma_start3A_92 = tpu.memref_slice %arg2[%multiple_of3A_83, %dma_start3A_91] : memref<64000x128xf32, #tpu.memory_space<hbm>> -> memref<200x128xf32, #tpu.memory_space<hbm>>
        tpu.enqueue_dma source(%dma_start3A_92 : memref<200x128xf32, #tpu.memory_space<hbm>>) target(%arg8 : memref<200x128xf32, #tpu.memory_space<vmem>>) target_semaphore(%arg13 : memref<!tpu.dma_semaphore, #tpu.memory_space<semaphore_mem>>)
      } else {
      }
      %dma_wait3A_66 = tpu.memref_slice %arg3[%add3A_52] : memref<128000xi32, #tpu.memory_space<hbm>> -> memref<200xi32, #tpu.memory_space<hbm>>
      %dma_wait3A_67 = tpu.memref_slice %arg3[%add3A_52] : memref<128000xi32, #tpu.memory_space<hbm>> -> memref<200xi32, #tpu.memory_space<hbm>>
      tpu.wait_dma2 semaphore(%arg12 : memref<!tpu.dma_semaphore, #tpu.memory_space<semaphore_mem>>) src(%dma_wait3A_67 : memref<200xi32, #tpu.memory_space<hbm>>) dst(%arg7 : memref<200xi32, #tpu.memory_space<vmem>>)
      %dma_wait3A_68 = arith.constant 0 : i32
      %dma_wait3A_69 = tpu.memref_slice %arg2[%add3A_52, %dma_wait3A_68] : memref<64000x128xf32, #tpu.memory_space<hbm>> -> memref<200x128xf32, #tpu.memory_space<hbm>>
      %dma_wait3A_70 = arith.constant 0 : i32
      %dma_wait3A_71 = tpu.memref_slice %arg2[%add3A_52, %dma_wait3A_70] : memref<64000x128xf32, #tpu.memory_space<hbm>> -> memref<200x128xf32, #tpu.memory_space<hbm>>
      tpu.wait_dma2 semaphore(%arg14 : memref<!tpu.dma_semaphore, #tpu.memory_space<semaphore_mem>>) src(%dma_wait3A_71 : memref<200x128xf32, #tpu.memory_space<hbm>>) dst(%arg9 : memref<200x128xf32, #tpu.memory_space<vmem>>)
      "tpu.region"() ({
        %run_scoped3A = tpu.sem_alloc : memref<!tpu.dma_semaphore, #tpu.memory_space<semaphore_mem>>
        %dma_start3A_81 = arith.constant 0 : i32
        %dma_start3A_82 = arith.constant 0 : i32
        %dma_start3A_83 = tpu.memref_slice %arg10[%dma_start3A_81, %dma_start3A_82] : memref<5008x128xf32, #tpu.memory_space<vmem_shared>> -> memref<5008x128xf32, #tpu.memory_space<vmem_shared>>
        tpu.enqueue_indirect_dma source(%arg9 : memref<200x128xf32, #tpu.memory_space<vmem>>) target(%dma_start3A_83 : memref<5008x128xf32, #tpu.memory_space<vmem_shared>>) offsets(%arg7 : memref<200xi32, #tpu.memory_space<vmem>>) semaphore(%run_scoped3A : memref<!tpu.dma_semaphore, #tpu.memory_space<semaphore_mem>>) {add = true}
        %dma_wait3A_84 = arith.constant 0 : i32
        %dma_wait3A_85 = arith.constant 0 : i32
        %dma_wait3A_86 = tpu.memref_slice %arg10[%dma_wait3A_84, %dma_wait3A_85] : memref<5008x128xf32, #tpu.memory_space<vmem_shared>> -> memref<5008x128xf32, #tpu.memory_space<vmem_shared>>
        tpu.wait_indirect_dma semaphore(%run_scoped3A : memref<!tpu.dma_semaphore, #tpu.memory_space<semaphore_mem>>) src(%arg9 : memref<200x128xf32, #tpu.memory_space<vmem>>) dst(%dma_wait3A_86 : memref<5008x128xf32, #tpu.memory_space<vmem_shared>>)
        tpu.yield
      }) : () -> ()
      %mul3A_72 = arith.constant 2 : i32
      %mul3A_73 = arith.muli %mul3A_72, %scan3A_44 : i32
      %add3A_74 = arith.constant 3 : i32
      %add3A_75 = arith.addi %mul3A_73, %add3A_74 : i32
      %lt3A_76 = arith.constant 20 : i32
      %lt3A_77 = arith.cmpi slt, %add3A_75, %lt3A_76 : i32
      %convert_element_type3A_78 = arith.extui %lt3A_77 : i1 to i32
      %cond3A_79 = arith.constant 0 : i32
      %cond3A_80 = arith.cmpi ne, %convert_element_type3A_78, %cond3A_79 : i32
      scf.if %cond3A_80 {
        %add3A_81 = arith.constant 400 : i32
        %add3A_82 = arith.addi %add3A_52, %add3A_81 : i32
        %multiple_of3A_83 = tpu.assume_multiple %add3A_82, 8 : i32
        %mul3A_84 = arith.constant 64000 : i32
        %mul3A_85 = arith.muli %arg0, %mul3A_84 : i32
        %add3A_86 = arith.addi %mul3A_85, %multiple_of3A_83 : i32
        %dma_start3A_87 = tpu.memref_slice %arg3[%add3A_86] : memref<128000xi32, #tpu.memory_space<hbm>> -> memref<200xi32, #tpu.memory_space<hbm>>
        %dma_start3A_88 = tpu.memref_slice %arg3[%add3A_86] : memref<128000xi32, #tpu.memory_space<hbm>> -> memref<200xi32, #tpu.memory_space<hbm>>
        tpu.enqueue_dma source(%dma_start3A_88 : memref<200xi32, #tpu.memory_space<hbm>>) target(%arg7 : memref<200xi32, #tpu.memory_space<vmem>>) target_semaphore(%arg12 : memref<!tpu.dma_semaphore, #tpu.memory_space<semaphore_mem>>)
        %dma_start3A_89 = arith.constant 0 : i32
        %dma_start3A_90 = tpu.memref_slice %arg2[%multiple_of3A_83, %dma_start3A_89] : memref<64000x128xf32, #tpu.memory_space<hbm>> -> memref<200x128xf32, #tpu.memory_space<hbm>>
        %dma_start3A_91 = arith.constant 0 : i32
        %dma_start3A_92 = tpu.memref_slice %arg2[%multiple_of3A_83, %dma_start3A_91] : memref<64000x128xf32, #tpu.memory_space<hbm>> -> memref<200x128xf32, #tpu.memory_space<hbm>>
        tpu.enqueue_dma source(%dma_start3A_92 : memref<200x128xf32, #tpu.memory_space<hbm>>) target(%arg9 : memref<200x128xf32, #tpu.memory_space<vmem>>) target_semaphore(%arg14 : memref<!tpu.dma_semaphore, #tpu.memory_space<semaphore_mem>>)
      } else {
      }
    }
    %scan3A_30 = arith.constant 10 : i32
    %barrier3A_31 = arith.constant 0 : index
    tpu.barrier barrier_id(%barrier3A_31)
    %mul3A_32 = arith.constant 312 : i32
    %mul3A_33 = arith.muli %arg1, %mul3A_32 : i32
    %mul3A_34 = arith.constant 5008 : i32
    %mul3A_35 = arith.muli %arg0, %mul3A_34 : i32
    %mul3A_36 = arith.constant 312 : i32
    %mul3A_37 = arith.muli %arg1, %mul3A_36 : i32
    %add3A_38 = arith.addi %mul3A_35, %mul3A_37 : i32
    "tpu.region"() ({
      %run_scoped3A = tpu.sem_alloc : memref<!tpu.dma_semaphore, #tpu.memory_space<semaphore_mem>>
      %dma_start3A_44 = arith.constant 0 : i32
      %dma_start3A_45 = tpu.memref_slice %arg5[%add3A_38, %dma_start3A_44] : memref<10016x128xf32, #tpu.memory_space<hbm>> -> memref<312x128xf32, #tpu.memory_space<hbm>>
      %dma_start3A_46 = arith.constant 0 : i32
      %dma_start3A_47 = tpu.memref_slice %arg10[%mul3A_33, %dma_start3A_46] : memref<5008x128xf32, #tpu.memory_space<vmem_shared>> -> memref<312x128xf32, #tpu.memory_space<vmem_shared>>
      tpu.enqueue_dma source(%dma_start3A_47 : memref<312x128xf32, #tpu.memory_space<vmem_shared>>) target(%dma_start3A_45 : memref<312x128xf32, #tpu.memory_space<hbm>>) target_semaphore(%run_scoped3A : memref<!tpu.dma_semaphore, #tpu.memory_space<semaphore_mem>>)
      %dma_wait3A = arith.constant 0 : i32
      %dma_wait3A_48 = tpu.memref_slice %arg5[%add3A_38, %dma_wait3A] : memref<10016x128xf32, #tpu.memory_space<hbm>> -> memref<312x128xf32, #tpu.memory_space<hbm>>
      %dma_wait3A_49 = arith.constant 0 : i32
      %dma_wait3A_50 = tpu.memref_slice %arg10[%mul3A_33, %dma_wait3A_49] : memref<5008x128xf32, #tpu.memory_space<vmem_shared>> -> memref<312x128xf32, #tpu.memory_space<vmem_shared>>
      tpu.wait_dma2 semaphore(%run_scoped3A : memref<!tpu.dma_semaphore, #tpu.memory_space<semaphore_mem>>) src(%dma_wait3A_50 : memref<312x128xf32, #tpu.memory_space<vmem_shared>>) dst(%dma_wait3A_48 : memref<312x128xf32, #tpu.memory_space<hbm>>)
      tpu.yield
    }) : () -> ()
    %eq3A_39 = arith.constant 0 : i32
    %eq3A_40 = arith.cmpi eq, %arg1, %eq3A_39 : i32
    %convert_element_type3A_41 = arith.extui %eq3A_40 : i1 to i32
    %cond3A_42 = arith.constant 0 : i32
    %cond3A_43 = arith.cmpi ne, %convert_element_type3A_41, %cond3A_42 : i32
    scf.if %cond3A_43 {
      %mul3A_44 = arith.constant 5008 : i32
      %mul3A_45 = arith.muli %arg0, %mul3A_44 : i32
      %add3A_46 = arith.constant 4992 : i32
      %add3A_47 = arith.addi %mul3A_45, %add3A_46 : i32
      "tpu.region"() ({
        %run_scoped3A = tpu.sem_alloc : memref<!tpu.dma_semaphore, #tpu.memory_space<semaphore_mem>>
        %dma_start3A_48 = arith.constant 0 : i32
        %dma_start3A_49 = tpu.memref_slice %arg5[%add3A_47, %dma_start3A_48] : memref<10016x128xf32, #tpu.memory_space<hbm>> -> memref<16x128xf32, #tpu.memory_space<hbm>>
        %dma_start3A_50 = arith.constant 4992 : i32
        %dma_start3A_51 = arith.constant 0 : i32
        %dma_start3A_52 = tpu.memref_slice %arg10[%dma_start3A_50, %dma_start3A_51] : memref<5008x128xf32, #tpu.memory_space<vmem_shared>> -> memref<16x128xf32, #tpu.memory_space<vmem_shared>>
        tpu.enqueue_dma source(%dma_start3A_52 : memref<16x128xf32, #tpu.memory_space<vmem_shared>>) target(%dma_start3A_49 : memref<16x128xf32, #tpu.memory_space<hbm>>) target_semaphore(%run_scoped3A : memref<!tpu.dma_semaphore, #tpu.memory_space<semaphore_mem>>)
        %dma_wait3A = arith.constant 0 : i32
        %dma_wait3A_53 = tpu.memref_slice %arg5[%add3A_47, %dma_wait3A] : memref<10016x128xf32, #tpu.memory_space<hbm>> -> memref<16x128xf32, #tpu.memory_space<hbm>>
        %dma_wait3A_54 = arith.constant 4992 : i32
        %dma_wait3A_55 = arith.constant 0 : i32
        %dma_wait3A_56 = tpu.memref_slice %arg10[%dma_wait3A_54, %dma_wait3A_55] : memref<5008x128xf32, #tpu.memory_space<vmem_shared>> -> memref<16x128xf32, #tpu.memory_space<vmem_shared>>
        tpu.wait_dma2 semaphore(%run_scoped3A : memref<!tpu.dma_semaphore, #tpu.memory_space<semaphore_mem>>) src(%dma_wait3A_56 : memref<16x128xf32, #tpu.memory_space<vmem_shared>>) dst(%dma_wait3A_53 : memref<16x128xf32, #tpu.memory_space<hbm>>)
        tpu.yield
      }) : () -> ()
    } else {
    }
    return
  }
}

module attributes {stable_mosaic.version = 14 : i64} {
  func.func @_node_pre_body(%arg0: i32, %arg1: memref<2000x128xf32, #tpu.memory_space<vmem>>, %arg2: memref<2000x128xf32, #tpu.memory_space<vmem>>, %arg3: memref<2000x2xf32, #tpu.memory_space<vmem>>, %arg4: memref<2000x2xf32, #tpu.memory_space<vmem>>, %arg5: memref<128x128xf32, #tpu.memory_space<vmem>>, %arg6: memref<1x128xf32, #tpu.memory_space<vmem>>, %arg7: memref<1x128xf32, #tpu.memory_space<vmem>>, %arg8: memref<128x128xf32, #tpu.memory_space<vmem>>, %arg9: memref<128x128xf32, #tpu.memory_space<vmem>>, %arg10: memref<128x128xf32, #tpu.memory_space<vmem>>, %arg11: memref<2x128xf32, #tpu.memory_space<vmem>>, %arg12: memref<2000x128xi32, #tpu.memory_space<vmem>>, %arg13: memref<2000x128xi32, #tpu.memory_space<vmem>>, %arg14: memref<2000x128xf32, #tpu.memory_space<vmem>>) attributes {dimension_semantics = [#tpu.dimension_semantics<arbitrary>], iteration_bounds = array<i64: 5>, scalar_prefetch = 0 : i64, scratch_operands = 0 : i64, tpu.core_type = #tpu.core_type<tc>, window_params = [{transform_indices = @transform_0, window_bounds = array<i64: 2000, 128>}, {transform_indices = @transform_1, window_bounds = array<i64: 2000, 128>}, {transform_indices = @transform_2, window_bounds = array<i64: 2000, 2>}, {transform_indices = @transform_3, window_bounds = array<i64: 2000, 2>}, {pipeline_mode = #tpu.pipeline_mode<synchronous>, transform_indices = @transform_4, window_bounds = array<i64: 128, 128>}, {pipeline_mode = #tpu.pipeline_mode<synchronous>, transform_indices = @transform_5, window_bounds = array<i64: 1, 128>}, {pipeline_mode = #tpu.pipeline_mode<synchronous>, transform_indices = @transform_6, window_bounds = array<i64: 1, 128>}, {pipeline_mode = #tpu.pipeline_mode<synchronous>, transform_indices = @transform_7, window_bounds = array<i64: 128, 128>}, {pipeline_mode = #tpu.pipeline_mode<synchronous>, transform_indices = @transform_8, window_bounds = array<i64: 128, 128>}, {pipeline_mode = #tpu.pipeline_mode<synchronous>, transform_indices = @transform_9, window_bounds = array<i64: 128, 128>}, {pipeline_mode = #tpu.pipeline_mode<synchronous>, transform_indices = @transform_10, window_bounds = array<i64: 2, 128>}, {transform_indices = @transform_11, window_bounds = array<i64: 2000, 128>}, {transform_indices = @transform_12, window_bounds = array<i64: 2000, 128>}, {transform_indices = @transform_13, window_bounds = array<i64: 2000, 128>}]} {
    %get3A = arith.constant 0 : index
    %get3A_0 = arith.constant 0 : index
    %get3A_1 = vector.load %arg1[%get3A, %get3A_0] : memref<2000x128xf32, #tpu.memory_space<vmem>>, vector<2000x128xf32>
    %get3A_2 = arith.constant 0 : index
    %get3A_3 = arith.constant 0 : index
    %get3A_4 = vector.load %arg2[%get3A_2, %get3A_3] : memref<2000x128xf32, #tpu.memory_space<vmem>>, vector<2000x128xf32>
    %get3A_5 = arith.constant 0 : index
    %get3A_6 = arith.constant 0 : index
    %get3A_7 = vector.load %arg5[%get3A_5, %get3A_6] : memref<128x128xf32, #tpu.memory_space<vmem>>, vector<128x128xf32>
    %dot_general3A = arith.constant dense<0.000000e+00> : vector<2000x128xf32>
    %dot_general3A_8 = tpu.matmul %get3A_1, %get3A_7, %dot_general3A {dimension_numbers = #tpu.dot_dimension_numbers<[1], [0], [0], [1], [0, 0, 1, 1], [], []>, transpose_lhs_hint = false} : vector<2000x128xf32>, vector<128x128xf32>, vector<2000x128xf32> -> vector<2000x128xf32>
    %get3A_9 = arith.constant 0 : index
    %get3A_10 = arith.constant 0 : index
    %get3A_11 = vector.load %arg6[%get3A_9, %get3A_10] : memref<1x128xf32, #tpu.memory_space<vmem>>, vector<1x128xf32>
    %get3A_12 = arith.constant 0 : index
    %get3A_13 = arith.constant 0 : index
    %get3A_14 = vector.load %arg7[%get3A_12, %get3A_13] : memref<1x128xf32, #tpu.memory_space<vmem>>, vector<1x128xf32>
    %reduce_sum3A = arith.constant dense<0.000000e+00> : vector<2000xf32>
    %reduce_sum3A_15 = vector.multi_reduction <add>, %dot_general3A_8, %reduce_sum3A [1] : vector<2000x128xf32> to vector<2000xf32>
    %broadcast_in_dim3A = vector.shape_cast %reduce_sum3A_15 : vector<2000xf32> to vector<2000x1xf32>
    %div3A = arith.constant 1.280000e+02 : f32
    %div3A_16 = vector.broadcast %div3A : f32 to vector<2000x1xf32>
    %div3A_17 = arith.divf %broadcast_in_dim3A, %div3A_16 : vector<2000x1xf32>
    %sub3A = vector.broadcast %div3A_17 : vector<2000x1xf32> to vector<2000x128xf32>
    %sub3A_18 = arith.subf %dot_general3A_8, %sub3A : vector<2000x128xf32>
    %integer_pow3A = arith.mulf %sub3A_18, %sub3A_18 : vector<2000x128xf32>
    %reduce_sum3A_19 = arith.constant dense<0.000000e+00> : vector<2000xf32>
    %reduce_sum3A_20 = vector.multi_reduction <add>, %integer_pow3A, %reduce_sum3A_19 [1] : vector<2000x128xf32> to vector<2000xf32>
    %broadcast_in_dim3A_21 = vector.shape_cast %reduce_sum3A_20 : vector<2000xf32> to vector<2000x1xf32>
    %div3A_22 = arith.constant 1.280000e+02 : f32
    %div3A_23 = vector.broadcast %div3A_22 : f32 to vector<2000x1xf32>
    %div3A_24 = arith.divf %broadcast_in_dim3A_21, %div3A_23 : vector<2000x1xf32>
    %sub3A_25 = vector.broadcast %div3A_17 : vector<2000x1xf32> to vector<2000x128xf32>
    %sub3A_26 = arith.subf %dot_general3A_8, %sub3A_25 : vector<2000x128xf32>
    %add3A = arith.constant 9.99999974E-6 : f32
    %add3A_27 = vector.broadcast %add3A : f32 to vector<2000x1xf32>
    %add3A_28 = arith.addf %div3A_24, %add3A_27 : vector<2000x1xf32>
    %rsqrt3A = math.rsqrt %add3A_28 : vector<2000x1xf32>
    %mul3A = vector.broadcast %rsqrt3A : vector<2000x1xf32> to vector<2000x128xf32>
    %mul3A_29 = arith.mulf %sub3A_26, %mul3A : vector<2000x128xf32>
    %mul3A_30 = vector.broadcast %get3A_11 : vector<1x128xf32> to vector<2000x128xf32>
    %mul3A_31 = arith.mulf %mul3A_29, %mul3A_30 : vector<2000x128xf32>
    %add3A_32 = vector.broadcast %get3A_14 : vector<1x128xf32> to vector<2000x128xf32>
    %add3A_33 = arith.addf %mul3A_31, %add3A_32 : vector<2000x128xf32>
    %max3A = arith.constant 0.000000e+00 : f32
    %max3A_34 = vector.broadcast %max3A : f32 to vector<2000x128xf32>
    %max3A_35 = arith.maximumf %add3A_33, %max3A_34 : vector<2000x128xf32>
    %get3A_36 = arith.constant 0 : index
    %get3A_37 = arith.constant 0 : index
    %get3A_38 = vector.load %arg8[%get3A_36, %get3A_37] : memref<128x128xf32, #tpu.memory_space<vmem>>, vector<128x128xf32>
    %dot_general3A_39 = arith.constant dense<0.000000e+00> : vector<2000x128xf32>
    %dot_general3A_40 = tpu.matmul %max3A_35, %get3A_38, %dot_general3A_39 {dimension_numbers = #tpu.dot_dimension_numbers<[1], [0], [0], [1], [0, 0, 1, 1], [], []>, transpose_lhs_hint = false} : vector<2000x128xf32>, vector<128x128xf32>, vector<2000x128xf32> -> vector<2000x128xf32>
    %get3A_41 = arith.constant 0 : index
    %get3A_42 = arith.constant 0 : index
    %get3A_43 = vector.load %arg3[%get3A_41, %get3A_42] : memref<2000x2xf32, #tpu.memory_space<vmem>>, vector<2000x2xf32>
    %get3A_44 = arith.constant 0 : index
    %get3A_45 = arith.constant 0 : index
    %get3A_46 = vector.load %arg11[%get3A_44, %get3A_45] : memref<2x128xf32, #tpu.memory_space<vmem>>, vector<2x128xf32>
    %dot_general3A_47 = arith.constant dense<0.000000e+00> : vector<2000x128xf32>
    %dot_general3A_48 = tpu.matmul %get3A_43, %get3A_46, %dot_general3A_47 {dimension_numbers = #tpu.dot_dimension_numbers<[1], [0], [0], [1], [0, 0, 1, 1], [], []>, transpose_lhs_hint = false} : vector<2000x2xf32>, vector<2x128xf32>, vector<2000x128xf32> -> vector<2000x128xf32>
    %convert_element_type3A = arith.truncf %dot_general3A_40 : vector<2000x128xf32> to vector<2000x128xbf16>
    %convert_element_type3A_49 = arith.extf %convert_element_type3A : vector<2000x128xbf16> to vector<2000x128xf32>
    %bitcast_convert_type3A = tpu.bitcast %convert_element_type3A_49 : vector<2000x128xf32> -> vector<2000x128xi32>
    %convert_element_type3A_50 = arith.truncf %dot_general3A_48 : vector<2000x128xf32> to vector<2000x128xbf16>
    %convert_element_type3A_51 = arith.extf %convert_element_type3A_50 : vector<2000x128xbf16> to vector<2000x128xf32>
    %bitcast_convert_type3A_52 = tpu.bitcast %convert_element_type3A_51 : vector<2000x128xf32> -> vector<2000x128xi32>
    %shift_right_logical3A = arith.constant 16 : i32
    %shift_right_logical3A_53 = vector.broadcast %shift_right_logical3A : i32 to vector<2000x128xi32>
    %shift_right_logical3A_54 = arith.shrui %bitcast_convert_type3A, %shift_right_logical3A_53 : vector<2000x128xi32>
    %or3A = arith.ori %bitcast_convert_type3A_52, %shift_right_logical3A_54 : vector<2000x128xi32>
    %bitcast_convert_type3A_55 = tpu.bitcast %or3A : vector<2000x128xi32> -> vector<2000x128xi32>
    %swap3A = arith.constant 0 : index
    %swap3A_56 = arith.constant 0 : index
    %swap3A_57 = vector.load %arg12[%swap3A, %swap3A_56] : memref<2000x128xi32, #tpu.memory_space<vmem>>, vector<2000x128xi32>
    tpu.vector_store %arg12[%swap3A, %swap3A_56], %bitcast_convert_type3A_55 {strides = array<i32>} : memref<2000x128xi32, #tpu.memory_space<vmem>>, vector<2000x128xi32>,
    %get3A_58 = arith.constant 0 : index
    %get3A_59 = arith.constant 0 : index
    %get3A_60 = vector.load %arg9[%get3A_58, %get3A_59] : memref<128x128xf32, #tpu.memory_space<vmem>>, vector<128x128xf32>
    %dot_general3A_61 = arith.constant dense<0.000000e+00> : vector<2000x128xf32>
    %dot_general3A_62 = tpu.matmul %get3A_4, %get3A_60, %dot_general3A_61 {dimension_numbers = #tpu.dot_dimension_numbers<[1], [0], [0], [1], [0, 0, 1, 1], [], []>, transpose_lhs_hint = false} : vector<2000x128xf32>, vector<128x128xf32>, vector<2000x128xf32> -> vector<2000x128xf32>
    %get3A_63 = arith.constant 0 : index
    %get3A_64 = arith.constant 0 : index
    %get3A_65 = vector.load %arg4[%get3A_63, %get3A_64] : memref<2000x2xf32, #tpu.memory_space<vmem>>, vector<2000x2xf32>
    %get3A_66 = arith.constant 0 : index
    %get3A_67 = arith.constant 0 : index
    %get3A_68 = vector.load %arg11[%get3A_66, %get3A_67] : memref<2x128xf32, #tpu.memory_space<vmem>>, vector<2x128xf32>
    %dot_general3A_69 = arith.constant dense<0.000000e+00> : vector<2000x128xf32>
    %dot_general3A_70 = tpu.matmul %get3A_65, %get3A_68, %dot_general3A_69 {dimension_numbers = #tpu.dot_dimension_numbers<[1], [0], [0], [1], [0, 0, 1, 1], [], []>, transpose_lhs_hint = false} : vector<2000x2xf32>, vector<2x128xf32>, vector<2000x128xf32> -> vector<2000x128xf32>
    %convert_element_type3A_71 = arith.truncf %dot_general3A_62 : vector<2000x128xf32> to vector<2000x128xbf16>
    %convert_element_type3A_72 = arith.extf %convert_element_type3A_71 : vector<2000x128xbf16> to vector<2000x128xf32>
    %bitcast_convert_type3A_73 = tpu.bitcast %convert_element_type3A_72 : vector<2000x128xf32> -> vector<2000x128xi32>
    %convert_element_type3A_74 = arith.truncf %dot_general3A_70 : vector<2000x128xf32> to vector<2000x128xbf16>
    %convert_element_type3A_75 = arith.extf %convert_element_type3A_74 : vector<2000x128xbf16> to vector<2000x128xf32>
    %bitcast_convert_type3A_76 = tpu.bitcast %convert_element_type3A_75 : vector<2000x128xf32> -> vector<2000x128xi32>
    %shift_right_logical3A_77 = arith.constant 16 : i32
    %shift_right_logical3A_78 = vector.broadcast %shift_right_logical3A_77 : i32 to vector<2000x128xi32>
    %shift_right_logical3A_79 = arith.shrui %bitcast_convert_type3A_73, %shift_right_logical3A_78 : vector<2000x128xi32>
    %or3A_80 = arith.ori %bitcast_convert_type3A_76, %shift_right_logical3A_79 : vector<2000x128xi32>
    %bitcast_convert_type3A_81 = tpu.bitcast %or3A_80 : vector<2000x128xi32> -> vector<2000x128xi32>
    %swap3A_82 = arith.constant 0 : index
    %swap3A_83 = arith.constant 0 : index
    %swap3A_84 = vector.load %arg13[%swap3A_82, %swap3A_83] : memref<2000x128xi32, #tpu.memory_space<vmem>>, vector<2000x128xi32>
    tpu.vector_store %arg13[%swap3A_82, %swap3A_83], %bitcast_convert_type3A_81 {strides = array<i32>} : memref<2000x128xi32, #tpu.memory_space<vmem>>, vector<2000x128xi32>,
    %get3A_85 = arith.constant 0 : index
    %get3A_86 = arith.constant 0 : index
    %get3A_87 = vector.load %arg10[%get3A_85, %get3A_86] : memref<128x128xf32, #tpu.memory_space<vmem>>, vector<128x128xf32>
    %dot_general3A_88 = arith.constant dense<0.000000e+00> : vector<2000x128xf32>
    %dot_general3A_89 = tpu.matmul %get3A_1, %get3A_87, %dot_general3A_88 {dimension_numbers = #tpu.dot_dimension_numbers<[1], [0], [0], [1], [0, 0, 1, 1], [], []>, transpose_lhs_hint = false} : vector<2000x128xf32>, vector<128x128xf32>, vector<2000x128xf32> -> vector<2000x128xf32>
    %swap3A_90 = arith.constant 0 : index
    %swap3A_91 = arith.constant 0 : index
    %swap3A_92 = vector.load %arg14[%swap3A_90, %swap3A_91] : memref<2000x128xf32, #tpu.memory_space<vmem>>, vector<2000x128xf32>
    tpu.vector_store %arg14[%swap3A_90, %swap3A_91], %dot_general3A_89 {strides = array<i32>} : memref<2000x128xf32, #tpu.memory_space<vmem>>, vector<2000x128xf32>,
    return
  }
  func.func @transform_0(%arg0: i32) -> (i32, i32) {
    %c0_i32 = arith.constant 0 : i32
    %c0_i32_0 = arith.constant 0 : i32
    return %arg0, %c0_i32 : i32, i32
  }
  func.func @transform_1(%arg0: i32) -> (i32, i32) {
    %c0_i32 = arith.constant 0 : i32
    %c0_i32_0 = arith.constant 0 : i32
    return %arg0, %c0_i32 : i32, i32
  }
  func.func @transform_2(%arg0: i32) -> (i32, i32) {
    %c0_i32 = arith.constant 0 : i32
    %c0_i32_0 = arith.constant 0 : i32
    return %arg0, %c0_i32 : i32, i32
  }
  func.func @transform_3(%arg0: i32) -> (i32, i32) {
    %c0_i32 = arith.constant 0 : i32
    %c0_i32_0 = arith.constant 0 : i32
    return %arg0, %c0_i32 : i32, i32
  }
  func.func @transform_4(%arg0: i32) -> (i32, i32) {
    %c0_i32 = arith.constant 0 : i32
    %c0_i32_0 = arith.constant 0 : i32
    %c0_i32_1 = arith.constant 0 : i32
    return %c0_i32, %c0_i32_0 : i32, i32
  }
  func.func @transform_5(%arg0: i32) -> (i32, i32) {
    %c0_i32 = arith.constant 0 : i32
    %c0_i32_0 = arith.constant 0 : i32
    %c0_i32_1 = arith.constant 0 : i32
    return %c0_i32, %c0_i32_0 : i32, i32
  }
  func.func @transform_6(%arg0: i32) -> (i32, i32) {
    %c0_i32 = arith.constant 0 : i32
    %c0_i32_0 = arith.constant 0 : i32
    %c0_i32_1 = arith.constant 0 : i32
    return %c0_i32, %c0_i32_0 : i32, i32
  }
  func.func @transform_7(%arg0: i32) -> (i32, i32) {
    %c0_i32 = arith.constant 0 : i32
    %c0_i32_0 = arith.constant 0 : i32
    %c0_i32_1 = arith.constant 0 : i32
    return %c0_i32, %c0_i32_0 : i32, i32
  }
  func.func @transform_8(%arg0: i32) -> (i32, i32) {
    %c0_i32 = arith.constant 0 : i32
    %c0_i32_0 = arith.constant 0 : i32
    %c0_i32_1 = arith.constant 0 : i32
    return %c0_i32, %c0_i32_0 : i32, i32
  }
  func.func @transform_9(%arg0: i32) -> (i32, i32) {
    %c0_i32 = arith.constant 0 : i32
    %c0_i32_0 = arith.constant 0 : i32
    %c0_i32_1 = arith.constant 0 : i32
    return %c0_i32, %c0_i32_0 : i32, i32
  }
  func.func @transform_10(%arg0: i32) -> (i32, i32) {
    %c0_i32 = arith.constant 0 : i32
    %c0_i32_0 = arith.constant 0 : i32
    %c0_i32_1 = arith.constant 0 : i32
    return %c0_i32, %c0_i32_0 : i32, i32
  }
  func.func @transform_11(%arg0: i32) -> (i32, i32) {
    %c0_i32 = arith.constant 0 : i32
    %c0_i32_0 = arith.constant 0 : i32
    return %arg0, %c0_i32 : i32, i32
  }
  func.func @transform_12(%arg0: i32) -> (i32, i32) {
    %c0_i32 = arith.constant 0 : i32
    %c0_i32_0 = arith.constant 0 : i32
    return %arg0, %c0_i32 : i32, i32
  }
  func.func @transform_13(%arg0: i32) -> (i32, i32) {
    %c0_i32 = arith.constant 0 : i32
    %c0_i32_0 = arith.constant 0 : i32
    return %arg0, %c0_i32 : i32, i32
  }
}

module attributes {stable_mosaic.version = 14 : i64} {
  func.func @_remap_body(%arg0: memref<500x128xi32, #tpu.memory_space<vmem>>, %arg1: memref<500x128xi32, #tpu.memory_space<vmem>>, %arg2: memref<500x128xi32, #tpu.memory_space<vmem>>) attributes {dimension_semantics = [], scalar_prefetch = 0 : i64, scratch_operands = 0 : i64, tpu.core_type = #tpu.core_type<tc>} {
    %get3A = arith.constant 0 : index
    %get3A_0 = arith.constant 0 : index
    %get3A_1 = vector.load %arg0[%get3A, %get3A_0] : memref<500x128xi32, #tpu.memory_space<vmem>>, vector<500x128xi32>
    %lt3A = arith.constant 5000 : i32
    %lt3A_2 = vector.broadcast %lt3A : i32 to vector<500x128xi32>
    %lt3A_3 = arith.cmpi slt, %get3A_1, %lt3A_2 : vector<500x128xi32>
    %jit3A = arith.constant 5000 : i32
    %broadcast_in_dim3A = vector.broadcast %jit3A : i32 to vector<500x128xi32>
    %select_n3A = arith.select %lt3A_3, %get3A_1, %broadcast_in_dim3A : vector<500x128xi1>, vector<500x128xi32>
    %swap3A = arith.constant 0 : index
    %swap3A_4 = arith.constant 0 : index
    %swap3A_5 = vector.load %arg1[%swap3A, %swap3A_4] : memref<500x128xi32, #tpu.memory_space<vmem>>, vector<500x128xi32>
    tpu.vector_store %arg1[%swap3A, %swap3A_4], %select_n3A {strides = array<i32>} : memref<500x128xi32, #tpu.memory_space<vmem>>, vector<500x128xi32>,
    %ge3A = arith.constant 5000 : i32
    %ge3A_6 = vector.broadcast %ge3A : i32 to vector<500x128xi32>
    %ge3A_7 = arith.cmpi sge, %get3A_1, %ge3A_6 : vector<500x128xi32>
    %sub3A = arith.constant 5000 : i32
    %sub3A_8 = vector.broadcast %sub3A : i32 to vector<500x128xi32>
    %sub3A_9 = arith.subi %get3A_1, %sub3A_8 : vector<500x128xi32>
    %jit3A_10 = arith.constant 5000 : i32
    %broadcast_in_dim3A_11 = vector.broadcast %jit3A_10 : i32 to vector<500x128xi32>
    %select_n3A_12 = arith.select %ge3A_7, %sub3A_9, %broadcast_in_dim3A_11 : vector<500x128xi1>, vector<500x128xi32>
    %swap3A_13 = arith.constant 0 : index
    %swap3A_14 = arith.constant 0 : index
    %swap3A_15 = vector.load %arg2[%swap3A_13, %swap3A_14] : memref<500x128xi32, #tpu.memory_space<vmem>>, vector<500x128xi32>
    tpu.vector_store %arg2[%swap3A_13, %swap3A_14], %select_n3A_12 {strides = array<i32>} : memref<500x128xi32, #tpu.memory_space<vmem>>, vector<500x128xi32>,
    return
  }
}

module attributes {stable_mosaic.version = 14 : i64} {
  func.func @_edge_body(%arg0: i32, %arg1: memref<2000x128xi32, #tpu.memory_space<vmem>>, %arg2: memref<2000x128xi32, #tpu.memory_space<vmem>>, %arg3: memref<1x128xf32, #tpu.memory_space<vmem>>, %arg4: memref<128x128xbf16, #tpu.memory_space<vmem>>, %arg5: memref<1x128xf32, #tpu.memory_space<vmem>>, %arg6: memref<1x128xf32, #tpu.memory_space<vmem>>, %arg7: memref<128x128xbf16, #tpu.memory_space<vmem>>, %arg8: memref<1x128xf32, #tpu.memory_space<vmem>>, %arg9: memref<1x128xf32, #tpu.memory_space<vmem>>, %arg10: memref<128x128xbf16, #tpu.memory_space<vmem>>, %arg11: memref<2000x128xf32, #tpu.memory_space<vmem>>) attributes {dimension_semantics = [#tpu.dimension_semantics<arbitrary>], iteration_bounds = array<i64: 32>, scalar_prefetch = 0 : i64, scratch_operands = 0 : i64, tpu.core_type = #tpu.core_type<tc>, window_params = [{transform_indices = @transform_0, window_bounds = array<i64: 2000, 128>}, {transform_indices = @transform_1, window_bounds = array<i64: 2000, 128>}, {pipeline_mode = #tpu.pipeline_mode<synchronous>, transform_indices = @transform_2, window_bounds = array<i64: 1, 128>}, {pipeline_mode = #tpu.pipeline_mode<synchronous>, transform_indices = @transform_3, window_bounds = array<i64: 128, 128>}, {pipeline_mode = #tpu.pipeline_mode<synchronous>, transform_indices = @transform_4, window_bounds = array<i64: 1, 128>}, {pipeline_mode = #tpu.pipeline_mode<synchronous>, transform_indices = @transform_5, window_bounds = array<i64: 1, 128>}, {pipeline_mode = #tpu.pipeline_mode<synchronous>, transform_indices = @transform_6, window_bounds = array<i64: 128, 128>}, {pipeline_mode = #tpu.pipeline_mode<synchronous>, transform_indices = @transform_7, window_bounds = array<i64: 1, 128>}, {pipeline_mode = #tpu.pipeline_mode<synchronous>, transform_indices = @transform_8, window_bounds = array<i64: 1, 128>}, {pipeline_mode = #tpu.pipeline_mode<synchronous>, transform_indices = @transform_9, window_bounds = array<i64: 128, 128>}, {transform_indices = @transform_10, window_bounds = array<i64: 2000, 128>}]} {
    %get3A = arith.constant 0 : index
    %get3A_0 = arith.constant 0 : index
    %get3A_1 = vector.load %arg1[%get3A, %get3A_0] : memref<2000x128xi32, #tpu.memory_space<vmem>>, vector<2000x128xi32>
    %get3A_2 = arith.constant 0 : index
    %get3A_3 = arith.constant 0 : index
    %get3A_4 = vector.load %arg2[%get3A_2, %get3A_3] : memref<2000x128xi32, #tpu.memory_space<vmem>>, vector<2000x128xi32>
    %and3A = arith.constant -65536 : i32
    %and3A_5 = vector.broadcast %and3A : i32 to vector<2000x128xi32>
    %and3A_6 = arith.andi %get3A_1, %and3A_5 : vector<2000x128xi32>
    %bitcast_convert_type3A = tpu.bitcast %and3A_6 : vector<2000x128xi32> -> vector<2000x128xf32>
    %and3A_7 = arith.constant -65536 : i32
    %and3A_8 = vector.broadcast %and3A_7 : i32 to vector<2000x128xi32>
    %and3A_9 = arith.andi %get3A_4, %and3A_8 : vector<2000x128xi32>
    %bitcast_convert_type3A_10 = tpu.bitcast %and3A_9 : vector<2000x128xi32> -> vector<2000x128xf32>
    %sub3A = arith.subf %bitcast_convert_type3A, %bitcast_convert_type3A_10 : vector<2000x128xf32>
    %get3A_11 = arith.constant 0 : index
    %get3A_12 = arith.constant 0 : index
    %get3A_13 = vector.load %arg3[%get3A_11, %get3A_12] : memref<1x128xf32, #tpu.memory_space<vmem>>, vector<1x128xf32>
    %add3A = vector.broadcast %get3A_13 : vector<1x128xf32> to vector<2000x128xf32>
    %add3A_14 = arith.addf %sub3A, %add3A : vector<2000x128xf32>
    %max3A = arith.constant 0.000000e+00 : f32
    %max3A_15 = vector.broadcast %max3A : f32 to vector<2000x128xf32>
    %max3A_16 = arith.maximumf %add3A_14, %max3A_15 : vector<2000x128xf32>
    %convert_element_type3A = arith.truncf %max3A_16 : vector<2000x128xf32> to vector<2000x128xbf16>
    %get3A_17 = arith.constant 0 : index
    %get3A_18 = arith.constant 0 : index
    %get3A_19 = vector.load %arg4[%get3A_17, %get3A_18] : memref<128x128xbf16, #tpu.memory_space<vmem>>, vector<128x128xbf16>
    %dot_general3A = arith.constant dense<0.000000e+00> : vector<2000x128xf32>
    %dot_general3A_20 = tpu.matmul %convert_element_type3A, %get3A_19, %dot_general3A {dimension_numbers = #tpu.dot_dimension_numbers<[1], [0], [0], [1], [0, 0, 1, 1], [], []>, transpose_lhs_hint = false} : vector<2000x128xbf16>, vector<128x128xbf16>, vector<2000x128xf32> -> vector<2000x128xf32>
    %get3A_21 = arith.constant 0 : index
    %get3A_22 = arith.constant 0 : index
    %get3A_23 = vector.load %arg5[%get3A_21, %get3A_22] : memref<1x128xf32, #tpu.memory_space<vmem>>, vector<1x128xf32>
    %get3A_24 = arith.constant 0 : index
    %get3A_25 = arith.constant 0 : index
    %get3A_26 = vector.load %arg6[%get3A_24, %get3A_25] : memref<1x128xf32, #tpu.memory_space<vmem>>, vector<1x128xf32>
    %reduce_sum3A = arith.constant dense<0.000000e+00> : vector<2000xf32>
    %reduce_sum3A_27 = vector.multi_reduction <add>, %dot_general3A_20, %reduce_sum3A [1] : vector<2000x128xf32> to vector<2000xf32>
    %broadcast_in_dim3A = vector.shape_cast %reduce_sum3A_27 : vector<2000xf32> to vector<2000x1xf32>
    %div3A = arith.constant 1.280000e+02 : f32
    %div3A_28 = vector.broadcast %div3A : f32 to vector<2000x1xf32>
    %div3A_29 = arith.divf %broadcast_in_dim3A, %div3A_28 : vector<2000x1xf32>
    %sub3A_30 = vector.broadcast %div3A_29 : vector<2000x1xf32> to vector<2000x128xf32>
    %sub3A_31 = arith.subf %dot_general3A_20, %sub3A_30 : vector<2000x128xf32>
    %integer_pow3A = arith.mulf %sub3A_31, %sub3A_31 : vector<2000x128xf32>
    %reduce_sum3A_32 = arith.constant dense<0.000000e+00> : vector<2000xf32>
    %reduce_sum3A_33 = vector.multi_reduction <add>, %integer_pow3A, %reduce_sum3A_32 [1] : vector<2000x128xf32> to vector<2000xf32>
    %broadcast_in_dim3A_34 = vector.shape_cast %reduce_sum3A_33 : vector<2000xf32> to vector<2000x1xf32>
    %div3A_35 = arith.constant 1.280000e+02 : f32
    %div3A_36 = vector.broadcast %div3A_35 : f32 to vector<2000x1xf32>
    %div3A_37 = arith.divf %broadcast_in_dim3A_34, %div3A_36 : vector<2000x1xf32>
    %sub3A_38 = vector.broadcast %div3A_29 : vector<2000x1xf32> to vector<2000x128xf32>
    %sub3A_39 = arith.subf %dot_general3A_20, %sub3A_38 : vector<2000x128xf32>
    %add3A_40 = arith.constant 9.99999974E-6 : f32
    %add3A_41 = vector.broadcast %add3A_40 : f32 to vector<2000x1xf32>
    %add3A_42 = arith.addf %div3A_37, %add3A_41 : vector<2000x1xf32>
    %rsqrt3A = math.rsqrt %add3A_42 : vector<2000x1xf32>
    %mul3A = vector.broadcast %rsqrt3A : vector<2000x1xf32> to vector<2000x128xf32>
    %mul3A_43 = arith.mulf %sub3A_39, %mul3A : vector<2000x128xf32>
    %mul3A_44 = vector.broadcast %get3A_23 : vector<1x128xf32> to vector<2000x128xf32>
    %mul3A_45 = arith.mulf %mul3A_43, %mul3A_44 : vector<2000x128xf32>
    %add3A_46 = vector.broadcast %get3A_26 : vector<1x128xf32> to vector<2000x128xf32>
    %add3A_47 = arith.addf %mul3A_45, %add3A_46 : vector<2000x128xf32>
    %max3A_48 = arith.constant 0.000000e+00 : f32
    %max3A_49 = vector.broadcast %max3A_48 : f32 to vector<2000x128xf32>
    %max3A_50 = arith.maximumf %add3A_47, %max3A_49 : vector<2000x128xf32>
    %convert_element_type3A_51 = arith.truncf %max3A_50 : vector<2000x128xf32> to vector<2000x128xbf16>
    %get3A_52 = arith.constant 0 : index
    %get3A_53 = arith.constant 0 : index
    %get3A_54 = vector.load %arg7[%get3A_52, %get3A_53] : memref<128x128xbf16, #tpu.memory_space<vmem>>, vector<128x128xbf16>
    %dot_general3A_55 = arith.constant dense<0.000000e+00> : vector<2000x128xf32>
    %dot_general3A_56 = tpu.matmul %convert_element_type3A_51, %get3A_54, %dot_general3A_55 {dimension_numbers = #tpu.dot_dimension_numbers<[1], [0], [0], [1], [0, 0, 1, 1], [], []>, transpose_lhs_hint = false} : vector<2000x128xbf16>, vector<128x128xbf16>, vector<2000x128xf32> -> vector<2000x128xf32>
    %shift_left3A = arith.constant 16 : i32
    %shift_left3A_57 = vector.broadcast %shift_left3A : i32 to vector<2000x128xi32>
    %shift_left3A_58 = arith.shli %get3A_1, %shift_left3A_57 : vector<2000x128xi32>
    %bitcast_convert_type3A_59 = tpu.bitcast %shift_left3A_58 : vector<2000x128xi32> -> vector<2000x128xf32>
    %add3A_60 = arith.addf %dot_general3A_56, %bitcast_convert_type3A_59 : vector<2000x128xf32>
    %shift_left3A_61 = arith.constant 16 : i32
    %shift_left3A_62 = vector.broadcast %shift_left3A_61 : i32 to vector<2000x128xi32>
    %shift_left3A_63 = arith.shli %get3A_4, %shift_left3A_62 : vector<2000x128xi32>
    %bitcast_convert_type3A_64 = tpu.bitcast %shift_left3A_63 : vector<2000x128xi32> -> vector<2000x128xf32>
    %add3A_65 = arith.addf %add3A_60, %bitcast_convert_type3A_64 : vector<2000x128xf32>
    %get3A_66 = arith.constant 0 : index
    %get3A_67 = arith.constant 0 : index
    %get3A_68 = vector.load %arg8[%get3A_66, %get3A_67] : memref<1x128xf32, #tpu.memory_space<vmem>>, vector<1x128xf32>
    %get3A_69 = arith.constant 0 : index
    %get3A_70 = arith.constant 0 : index
    %get3A_71 = vector.load %arg9[%get3A_69, %get3A_70] : memref<1x128xf32, #tpu.memory_space<vmem>>, vector<1x128xf32>
    %reduce_sum3A_72 = arith.constant dense<0.000000e+00> : vector<2000xf32>
    %reduce_sum3A_73 = vector.multi_reduction <add>, %add3A_65, %reduce_sum3A_72 [1] : vector<2000x128xf32> to vector<2000xf32>
    %broadcast_in_dim3A_74 = vector.shape_cast %reduce_sum3A_73 : vector<2000xf32> to vector<2000x1xf32>
    %div3A_75 = arith.constant 1.280000e+02 : f32
    %div3A_76 = vector.broadcast %div3A_75 : f32 to vector<2000x1xf32>
    %div3A_77 = arith.divf %broadcast_in_dim3A_74, %div3A_76 : vector<2000x1xf32>
    %sub3A_78 = vector.broadcast %div3A_77 : vector<2000x1xf32> to vector<2000x128xf32>
    %sub3A_79 = arith.subf %add3A_65, %sub3A_78 : vector<2000x128xf32>
    %integer_pow3A_80 = arith.mulf %sub3A_79, %sub3A_79 : vector<2000x128xf32>
    %reduce_sum3A_81 = arith.constant dense<0.000000e+00> : vector<2000xf32>
    %reduce_sum3A_82 = vector.multi_reduction <add>, %integer_pow3A_80, %reduce_sum3A_81 [1] : vector<2000x128xf32> to vector<2000xf32>
    %broadcast_in_dim3A_83 = vector.shape_cast %reduce_sum3A_82 : vector<2000xf32> to vector<2000x1xf32>
    %div3A_84 = arith.constant 1.280000e+02 : f32
    %div3A_85 = vector.broadcast %div3A_84 : f32 to vector<2000x1xf32>
    %div3A_86 = arith.divf %broadcast_in_dim3A_83, %div3A_85 : vector<2000x1xf32>
    %sub3A_87 = vector.broadcast %div3A_77 : vector<2000x1xf32> to vector<2000x128xf32>
    %sub3A_88 = arith.subf %add3A_65, %sub3A_87 : vector<2000x128xf32>
    %add3A_89 = arith.constant 9.99999974E-6 : f32
    %add3A_90 = vector.broadcast %add3A_89 : f32 to vector<2000x1xf32>
    %add3A_91 = arith.addf %div3A_86, %add3A_90 : vector<2000x1xf32>
    %rsqrt3A_92 = math.rsqrt %add3A_91 : vector<2000x1xf32>
    %mul3A_93 = vector.broadcast %rsqrt3A_92 : vector<2000x1xf32> to vector<2000x128xf32>
    %mul3A_94 = arith.mulf %sub3A_88, %mul3A_93 : vector<2000x128xf32>
    %mul3A_95 = vector.broadcast %get3A_68 : vector<1x128xf32> to vector<2000x128xf32>
    %mul3A_96 = arith.mulf %mul3A_94, %mul3A_95 : vector<2000x128xf32>
    %add3A_97 = vector.broadcast %get3A_71 : vector<1x128xf32> to vector<2000x128xf32>
    %add3A_98 = arith.addf %mul3A_96, %add3A_97 : vector<2000x128xf32>
    %max3A_99 = arith.constant 0.000000e+00 : f32
    %max3A_100 = vector.broadcast %max3A_99 : f32 to vector<2000x128xf32>
    %max3A_101 = arith.maximumf %add3A_98, %max3A_100 : vector<2000x128xf32>
    %convert_element_type3A_102 = arith.truncf %max3A_101 : vector<2000x128xf32> to vector<2000x128xbf16>
    %get3A_103 = arith.constant 0 : index
    %get3A_104 = arith.constant 0 : index
    %get3A_105 = vector.load %arg10[%get3A_103, %get3A_104] : memref<128x128xbf16, #tpu.memory_space<vmem>>, vector<128x128xbf16>
    %dot_general3A_106 = arith.constant dense<0.000000e+00> : vector<2000x128xf32>
    %dot_general3A_107 = tpu.matmul %convert_element_type3A_102, %get3A_105, %dot_general3A_106 {dimension_numbers = #tpu.dot_dimension_numbers<[1], [0], [0], [1], [0, 0, 1, 1], [], []>, transpose_lhs_hint = false} : vector<2000x128xbf16>, vector<128x128xbf16>, vector<2000x128xf32> -> vector<2000x128xf32>
    %swap3A = arith.constant 0 : index
    %swap3A_108 = arith.constant 0 : index
    %swap3A_109 = vector.load %arg11[%swap3A, %swap3A_108] : memref<2000x128xf32, #tpu.memory_space<vmem>>, vector<2000x128xf32>
    tpu.vector_store %arg11[%swap3A, %swap3A_108], %dot_general3A_107 {strides = array<i32>} : memref<2000x128xf32, #tpu.memory_space<vmem>>, vector<2000x128xf32>,
    return
  }
  func.func @transform_0(%arg0: i32) -> (i32, i32) {
    %c0_i32 = arith.constant 0 : i32
    %c0_i32_0 = arith.constant 0 : i32
    return %arg0, %c0_i32 : i32, i32
  }
  func.func @transform_1(%arg0: i32) -> (i32, i32) {
    %c0_i32 = arith.constant 0 : i32
    %c0_i32_0 = arith.constant 0 : i32
    return %arg0, %c0_i32 : i32, i32
  }
  func.func @transform_2(%arg0: i32) -> (i32, i32) {
    %c0_i32 = arith.constant 0 : i32
    %c0_i32_0 = arith.constant 0 : i32
    %c0_i32_1 = arith.constant 0 : i32
    return %c0_i32, %c0_i32_0 : i32, i32
  }
  func.func @transform_3(%arg0: i32) -> (i32, i32) {
    %c0_i32 = arith.constant 0 : i32
    %c0_i32_0 = arith.constant 0 : i32
    %c0_i32_1 = arith.constant 0 : i32
    return %c0_i32, %c0_i32_0 : i32, i32
  }
  func.func @transform_4(%arg0: i32) -> (i32, i32) {
    %c0_i32 = arith.constant 0 : i32
    %c0_i32_0 = arith.constant 0 : i32
    %c0_i32_1 = arith.constant 0 : i32
    return %c0_i32, %c0_i32_0 : i32, i32
  }
  func.func @transform_5(%arg0: i32) -> (i32, i32) {
    %c0_i32 = arith.constant 0 : i32
    %c0_i32_0 = arith.constant 0 : i32
    %c0_i32_1 = arith.constant 0 : i32
    return %c0_i32, %c0_i32_0 : i32, i32
  }
  func.func @transform_6(%arg0: i32) -> (i32, i32) {
    %c0_i32 = arith.constant 0 : i32
    %c0_i32_0 = arith.constant 0 : i32
    %c0_i32_1 = arith.constant 0 : i32
    return %c0_i32, %c0_i32_0 : i32, i32
  }
  func.func @transform_7(%arg0: i32) -> (i32, i32) {
    %c0_i32 = arith.constant 0 : i32
    %c0_i32_0 = arith.constant 0 : i32
    %c0_i32_1 = arith.constant 0 : i32
    return %c0_i32, %c0_i32_0 : i32, i32
  }
  func.func @transform_8(%arg0: i32) -> (i32, i32) {
    %c0_i32 = arith.constant 0 : i32
    %c0_i32_0 = arith.constant 0 : i32
    %c0_i32_1 = arith.constant 0 : i32
    return %c0_i32, %c0_i32_0 : i32, i32
  }
  func.func @transform_9(%arg0: i32) -> (i32, i32) {
    %c0_i32 = arith.constant 0 : i32
    %c0_i32_0 = arith.constant 0 : i32
    %c0_i32_1 = arith.constant 0 : i32
    return %c0_i32, %c0_i32_0 : i32, i32
  }
  func.func @transform_10(%arg0: i32) -> (i32, i32) {
    %c0_i32 = arith.constant 0 : i32
    %c0_i32_0 = arith.constant 0 : i32
    return %arg0, %c0_i32 : i32, i32
  }
}

module attributes {stable_mosaic.version = 14 : i64} {
  func.func @_final_body(%arg0: i32, %arg1: memref<2000x128xf32, #tpu.memory_space<vmem>>, %arg2: memref<2000x128xf32, #tpu.memory_space<vmem>>, %arg3: memref<2000x128xf32, #tpu.memory_space<vmem>>, %arg4: memref<2000x128xf32, #tpu.memory_space<vmem>>, %arg5: memref<2000x128xf32, #tpu.memory_space<vmem>>, %arg6: memref<2000x128xf32, #tpu.memory_space<vmem>>, %arg7: memref<2000x128xf32, #tpu.memory_space<vmem>>, %arg8: memref<1x128xf32, #tpu.memory_space<vmem>>, %arg9: memref<1x128xf32, #tpu.memory_space<vmem>>, %arg10: memref<128x128xf32, #tpu.memory_space<vmem>>, %arg11: memref<1x128xf32, #tpu.memory_space<vmem>>, %arg12: memref<1x128xf32, #tpu.memory_space<vmem>>, %arg13: memref<2000x128xf32, #tpu.memory_space<vmem>>) attributes {dimension_semantics = [#tpu.dimension_semantics<arbitrary>], iteration_bounds = array<i64: 5>, scalar_prefetch = 0 : i64, scratch_operands = 0 : i64, tpu.core_type = #tpu.core_type<tc>, window_params = [{transform_indices = @transform_0, window_bounds = array<i64: 2000, 128>}, {transform_indices = @transform_1, window_bounds = array<i64: 2000, 128>}, {transform_indices = @transform_2, window_bounds = array<i64: 2000, 128>}, {transform_indices = @transform_3, window_bounds = array<i64: 2000, 128>}, {transform_indices = @transform_4, window_bounds = array<i64: 2000, 128>}, {transform_indices = @transform_5, window_bounds = array<i64: 2000, 128>}, {transform_indices = @transform_6, window_bounds = array<i64: 2000, 128>}, {pipeline_mode = #tpu.pipeline_mode<synchronous>, transform_indices = @transform_7, window_bounds = array<i64: 1, 128>}, {pipeline_mode = #tpu.pipeline_mode<synchronous>, transform_indices = @transform_8, window_bounds = array<i64: 1, 128>}, {pipeline_mode = #tpu.pipeline_mode<synchronous>, transform_indices = @transform_9, window_bounds = array<i64: 128, 128>}, {pipeline_mode = #tpu.pipeline_mode<synchronous>, transform_indices = @transform_10, window_bounds = array<i64: 1, 128>}, {pipeline_mode = #tpu.pipeline_mode<synchronous>, transform_indices = @transform_11, window_bounds = array<i64: 1, 128>}, {transform_indices = @transform_12, window_bounds = array<i64: 2000, 128>}]} {
    %get3A = arith.constant 0 : index
    %get3A_0 = arith.constant 0 : index
    %get3A_1 = vector.load %arg1[%get3A, %get3A_0] : memref<2000x128xf32, #tpu.memory_space<vmem>>, vector<2000x128xf32>
    %get3A_2 = arith.constant 0 : index
    %get3A_3 = arith.constant 0 : index
    %get3A_4 = vector.load %arg2[%get3A_2, %get3A_3] : memref<2000x128xf32, #tpu.memory_space<vmem>>, vector<2000x128xf32>
    %add3A = arith.addf %get3A_1, %get3A_4 : vector<2000x128xf32>
    %get3A_5 = arith.constant 0 : index
    %get3A_6 = arith.constant 0 : index
    %get3A_7 = vector.load %arg3[%get3A_5, %get3A_6] : memref<2000x128xf32, #tpu.memory_space<vmem>>, vector<2000x128xf32>
    %add3A_8 = arith.addf %add3A, %get3A_7 : vector<2000x128xf32>
    %get3A_9 = arith.constant 0 : index
    %get3A_10 = arith.constant 0 : index
    %get3A_11 = vector.load %arg4[%get3A_9, %get3A_10] : memref<2000x128xf32, #tpu.memory_space<vmem>>, vector<2000x128xf32>
    %add3A_12 = arith.addf %add3A_8, %get3A_11 : vector<2000x128xf32>
    %get3A_13 = arith.constant 0 : index
    %get3A_14 = arith.constant 0 : index
    %get3A_15 = vector.load %arg5[%get3A_13, %get3A_14] : memref<2000x128xf32, #tpu.memory_space<vmem>>, vector<2000x128xf32>
    %add3A_16 = arith.addf %add3A_12, %get3A_15 : vector<2000x128xf32>
    %get3A_17 = arith.constant 0 : index
    %get3A_18 = arith.constant 0 : index
    %get3A_19 = vector.load %arg6[%get3A_17, %get3A_18] : memref<2000x128xf32, #tpu.memory_space<vmem>>, vector<2000x128xf32>
    %add3A_20 = arith.addf %add3A_16, %get3A_19 : vector<2000x128xf32>
    %get3A_21 = arith.constant 0 : index
    %get3A_22 = arith.constant 0 : index
    %get3A_23 = vector.load %arg8[%get3A_21, %get3A_22] : memref<1x128xf32, #tpu.memory_space<vmem>>, vector<1x128xf32>
    %get3A_24 = arith.constant 0 : index
    %get3A_25 = arith.constant 0 : index
    %get3A_26 = vector.load %arg9[%get3A_24, %get3A_25] : memref<1x128xf32, #tpu.memory_space<vmem>>, vector<1x128xf32>
    %reduce_sum3A = arith.constant dense<0.000000e+00> : vector<2000xf32>
    %reduce_sum3A_27 = vector.multi_reduction <add>, %add3A_20, %reduce_sum3A [1] : vector<2000x128xf32> to vector<2000xf32>
    %broadcast_in_dim3A = vector.shape_cast %reduce_sum3A_27 : vector<2000xf32> to vector<2000x1xf32>
    %div3A = arith.constant 1.280000e+02 : f32
    %div3A_28 = vector.broadcast %div3A : f32 to vector<2000x1xf32>
    %div3A_29 = arith.divf %broadcast_in_dim3A, %div3A_28 : vector<2000x1xf32>
    %sub3A = vector.broadcast %div3A_29 : vector<2000x1xf32> to vector<2000x128xf32>
    %sub3A_30 = arith.subf %add3A_20, %sub3A : vector<2000x128xf32>
    %integer_pow3A = arith.mulf %sub3A_30, %sub3A_30 : vector<2000x128xf32>
    %reduce_sum3A_31 = arith.constant dense<0.000000e+00> : vector<2000xf32>
    %reduce_sum3A_32 = vector.multi_reduction <add>, %integer_pow3A, %reduce_sum3A_31 [1] : vector<2000x128xf32> to vector<2000xf32>
    %broadcast_in_dim3A_33 = vector.shape_cast %reduce_sum3A_32 : vector<2000xf32> to vector<2000x1xf32>
    %div3A_34 = arith.constant 1.280000e+02 : f32
    %div3A_35 = vector.broadcast %div3A_34 : f32 to vector<2000x1xf32>
    %div3A_36 = arith.divf %broadcast_in_dim3A_33, %div3A_35 : vector<2000x1xf32>
    %sub3A_37 = vector.broadcast %div3A_29 : vector<2000x1xf32> to vector<2000x128xf32>
    %sub3A_38 = arith.subf %add3A_20, %sub3A_37 : vector<2000x128xf32>
    %add3A_39 = arith.constant 9.99999974E-6 : f32
    %add3A_40 = vector.broadcast %add3A_39 : f32 to vector<2000x1xf32>
    %add3A_41 = arith.addf %div3A_36, %add3A_40 : vector<2000x1xf32>
    %rsqrt3A = math.rsqrt %add3A_41 : vector<2000x1xf32>
    %mul3A = vector.broadcast %rsqrt3A : vector<2000x1xf32> to vector<2000x128xf32>
    %mul3A_42 = arith.mulf %sub3A_38, %mul3A : vector<2000x128xf32>
    %mul3A_43 = vector.broadcast %get3A_23 : vector<1x128xf32> to vector<2000x128xf32>
    %mul3A_44 = arith.mulf %mul3A_42, %mul3A_43 : vector<2000x128xf32>
    %add3A_45 = vector.broadcast %get3A_26 : vector<1x128xf32> to vector<2000x128xf32>
    %add3A_46 = arith.addf %mul3A_44, %add3A_45 : vector<2000x128xf32>
    %max3A = arith.constant 0.000000e+00 : f32
    %max3A_47 = vector.broadcast %max3A : f32 to vector<2000x128xf32>
    %max3A_48 = arith.maximumf %add3A_46, %max3A_47 : vector<2000x128xf32>
    %get3A_49 = arith.constant 0 : index
    %get3A_50 = arith.constant 0 : index
    %get3A_51 = vector.load %arg10[%get3A_49, %get3A_50] : memref<128x128xf32, #tpu.memory_space<vmem>>, vector<128x128xf32>
    %dot_general3A = arith.constant dense<0.000000e+00> : vector<2000x128xf32>
    %dot_general3A_52 = tpu.matmul %max3A_48, %get3A_51, %dot_general3A {dimension_numbers = #tpu.dot_dimension_numbers<[1], [0], [0], [1], [0, 0, 1, 1], [], []>, transpose_lhs_hint = false} : vector<2000x128xf32>, vector<128x128xf32>, vector<2000x128xf32> -> vector<2000x128xf32>
    %get3A_53 = arith.constant 0 : index
    %get3A_54 = arith.constant 0 : index
    %get3A_55 = vector.load %arg11[%get3A_53, %get3A_54] : memref<1x128xf32, #tpu.memory_space<vmem>>, vector<1x128xf32>
    %get3A_56 = arith.constant 0 : index
    %get3A_57 = arith.constant 0 : index
    %get3A_58 = vector.load %arg12[%get3A_56, %get3A_57] : memref<1x128xf32, #tpu.memory_space<vmem>>, vector<1x128xf32>
    %reduce_sum3A_59 = arith.constant dense<0.000000e+00> : vector<2000xf32>
    %reduce_sum3A_60 = vector.multi_reduction <add>, %dot_general3A_52, %reduce_sum3A_59 [1] : vector<2000x128xf32> to vector<2000xf32>
    %broadcast_in_dim3A_61 = vector.shape_cast %reduce_sum3A_60 : vector<2000xf32> to vector<2000x1xf32>
    %div3A_62 = arith.constant 1.280000e+02 : f32
    %div3A_63 = vector.broadcast %div3A_62 : f32 to vector<2000x1xf32>
    %div3A_64 = arith.divf %broadcast_in_dim3A_61, %div3A_63 : vector<2000x1xf32>
    %sub3A_65 = vector.broadcast %div3A_64 : vector<2000x1xf32> to vector<2000x128xf32>
    %sub3A_66 = arith.subf %dot_general3A_52, %sub3A_65 : vector<2000x128xf32>
    %integer_pow3A_67 = arith.mulf %sub3A_66, %sub3A_66 : vector<2000x128xf32>
    %reduce_sum3A_68 = arith.constant dense<0.000000e+00> : vector<2000xf32>
    %reduce_sum3A_69 = vector.multi_reduction <add>, %integer_pow3A_67, %reduce_sum3A_68 [1] : vector<2000x128xf32> to vector<2000xf32>
    %broadcast_in_dim3A_70 = vector.shape_cast %reduce_sum3A_69 : vector<2000xf32> to vector<2000x1xf32>
    %div3A_71 = arith.constant 1.280000e+02 : f32
    %div3A_72 = vector.broadcast %div3A_71 : f32 to vector<2000x1xf32>
    %div3A_73 = arith.divf %broadcast_in_dim3A_70, %div3A_72 : vector<2000x1xf32>
    %sub3A_74 = vector.broadcast %div3A_64 : vector<2000x1xf32> to vector<2000x128xf32>
    %sub3A_75 = arith.subf %dot_general3A_52, %sub3A_74 : vector<2000x128xf32>
    %add3A_76 = arith.constant 9.99999974E-6 : f32
    %add3A_77 = vector.broadcast %add3A_76 : f32 to vector<2000x1xf32>
    %add3A_78 = arith.addf %div3A_73, %add3A_77 : vector<2000x1xf32>
    %rsqrt3A_79 = math.rsqrt %add3A_78 : vector<2000x1xf32>
    %mul3A_80 = vector.broadcast %rsqrt3A_79 : vector<2000x1xf32> to vector<2000x128xf32>
    %mul3A_81 = arith.mulf %sub3A_75, %mul3A_80 : vector<2000x128xf32>
    %mul3A_82 = vector.broadcast %get3A_55 : vector<1x128xf32> to vector<2000x128xf32>
    %mul3A_83 = arith.mulf %mul3A_81, %mul3A_82 : vector<2000x128xf32>
    %add3A_84 = vector.broadcast %get3A_58 : vector<1x128xf32> to vector<2000x128xf32>
    %add3A_85 = arith.addf %mul3A_83, %add3A_84 : vector<2000x128xf32>
    %get3A_86 = arith.constant 0 : index
    %get3A_87 = arith.constant 0 : index
    %get3A_88 = vector.load %arg7[%get3A_86, %get3A_87] : memref<2000x128xf32, #tpu.memory_space<vmem>>, vector<2000x128xf32>
    %add3A_89 = arith.addf %add3A_85, %get3A_88 : vector<2000x128xf32>
    %max3A_90 = arith.constant 0.000000e+00 : f32
    %max3A_91 = vector.broadcast %max3A_90 : f32 to vector<2000x128xf32>
    %max3A_92 = arith.maximumf %add3A_89, %max3A_91 : vector<2000x128xf32>
    %swap3A = arith.constant 0 : index
    %swap3A_93 = arith.constant 0 : index
    %swap3A_94 = vector.load %arg13[%swap3A, %swap3A_93] : memref<2000x128xf32, #tpu.memory_space<vmem>>, vector<2000x128xf32>
    tpu.vector_store %arg13[%swap3A, %swap3A_93], %max3A_92 {strides = array<i32>} : memref<2000x128xf32, #tpu.memory_space<vmem>>, vector<2000x128xf32>,
    return
  }
  func.func @transform_0(%arg0: i32) -> (i32, i32) {
    %c0_i32 = arith.constant 0 : i32
    %c0_i32_0 = arith.constant 0 : i32
    return %arg0, %c0_i32 : i32, i32
  }
  func.func @transform_1(%arg0: i32) -> (i32, i32) {
    %c0_i32 = arith.constant 0 : i32
    %c0_i32_0 = arith.constant 0 : i32
    return %arg0, %c0_i32 : i32, i32
  }
  func.func @transform_2(%arg0: i32) -> (i32, i32) {
    %c0_i32 = arith.constant 0 : i32
    %c0_i32_0 = arith.constant 0 : i32
    return %arg0, %c0_i32 : i32, i32
  }
  func.func @transform_3(%arg0: i32) -> (i32, i32) {
    %c0_i32 = arith.constant 0 : i32
    %c0_i32_0 = arith.constant 0 : i32
    return %arg0, %c0_i32 : i32, i32
  }
  func.func @transform_4(%arg0: i32) -> (i32, i32) {
    %c0_i32 = arith.constant 0 : i32
    %c0_i32_0 = arith.constant 0 : i32
    return %arg0, %c0_i32 : i32, i32
  }
  func.func @transform_5(%arg0: i32) -> (i32, i32) {
    %c0_i32 = arith.constant 0 : i32
    %c0_i32_0 = arith.constant 0 : i32
    return %arg0, %c0_i32 : i32, i32
  }
  func.func @transform_6(%arg0: i32) -> (i32, i32) {
    %c0_i32 = arith.constant 0 : i32
    %c0_i32_0 = arith.constant 0 : i32
    return %arg0, %c0_i32 : i32, i32
  }
  func.func @transform_7(%arg0: i32) -> (i32, i32) {
    %c0_i32 = arith.constant 0 : i32
    %c0_i32_0 = arith.constant 0 : i32
    %c0_i32_1 = arith.constant 0 : i32
    return %c0_i32, %c0_i32_0 : i32, i32
  }
  func.func @transform_8(%arg0: i32) -> (i32, i32) {
    %c0_i32 = arith.constant 0 : i32
    %c0_i32_0 = arith.constant 0 : i32
    %c0_i32_1 = arith.constant 0 : i32
    return %c0_i32, %c0_i32_0 : i32, i32
  }
  func.func @transform_9(%arg0: i32) -> (i32, i32) {
    %c0_i32 = arith.constant 0 : i32
    %c0_i32_0 = arith.constant 0 : i32
    %c0_i32_1 = arith.constant 0 : i32
    return %c0_i32, %c0_i32_0 : i32, i32
  }
  func.func @transform_10(%arg0: i32) -> (i32, i32) {
    %c0_i32 = arith.constant 0 : i32
    %c0_i32_0 = arith.constant 0 : i32
    %c0_i32_1 = arith.constant 0 : i32
    return %c0_i32, %c0_i32_0 : i32, i32
  }
  func.func @transform_11(%arg0: i32) -> (i32, i32) {
    %c0_i32 = arith.constant 0 : i32
    %c0_i32_0 = arith.constant 0 : i32
    %c0_i32_1 = arith.constant 0 : i32
    return %c0_i32, %c0_i32_0 : i32, i32
  }
  func.func @transform_12(%arg0: i32) -> (i32, i32) {
    %c0_i32 = arith.constant 0 : i32
    %c0_i32_0 = arith.constant 0 : i32
    return %arg0, %c0_i32 : i32, i32
  }
}

</mosaic_0001>

<sc_bundles>
// kernel: kernel.24.cloned.1.call-start
scs
__scs_entry_jumppad:
0x0: {  	(pc) =	sbr.rel $0x88, $3  }
0x1: {  	(tag) =	ssettag $0x0;
	lr =	simm.s32 $0x1  }
0x2: {  	[smem:$0x3F89] =	sst lr;
	_ =	strace $0xD0000000  }
0x3: {  	_ = 	snop  }
0x4: {  	_ = 	snop  }
0x5: {  	_ = 	snop  }
0x6: {  	_ = 	snop  }
0x7: {  	_ = 	snop  }
__scs_overlays_trampoline_lowered:
0x8: {  	[smem:$0x3F98] =	sst s0  }
0x9: {  	[smem:$0x3F99] =	sst s1  }
0xa: {  	[smem:$0x3F9A] =	sst s2  }
0xb: {  	[smem:$0x3F9B] =	sst s3  }
0xc: {  	[smem:$0x3F9C] =	sst s4  }
0xd: {  	[smem:$0x3F9D] =	sst s5  }
0xe: {  	[smem:$0x3F9E] =	sst s6  }
0xf: {  	[smem:$0x3F9F] =	sst s7  }
0x10: {  	[smem:$0x3FA0] =	sst s8  }
0x11: {  	[smem:$0x3FA1] =	sst s9;
	s0 =	simm.s32 @!p0 $0x0  }
0x12: {  	s1 =	sld [smem:$0x3F87];
	s0 =	simm.s32 @p0 $0x1  }
0x13: {  	[smem:$0x3FA2] =	sst s0;
	s0 =	simm.s32 @!p1 $0x0  }
0x14: {  	s2 =	sld [smem:$0x3F86];
	s0 =	simm.s32 @p1 $0x1  }
0x15: {  	[smem:$0x3FA3] =	sst s0;
	s0 =	simm.s32 @!p2 $0x0  }
0x16: {  	s3 =	sld [smem:$0x3FDB];
	s0 =	simm.s32 @p2 $0x1  }
0x17: {  	s4 =	simm.s32 $0x1BF5;
	[smem:$0x3FA5] =	sst s0  }
0x18: {  	s0 =	sld [smem:$0x3F88];
	_ =	swait.ge [sflag:s4], $0x0  }
0x19: {  	s7 =	sld [smem:$0x3F89]  }
0x1a: {  	s8 =	sadd.s32 $0xFFFFE003, lr  }
0x1b: {  	s9 =	sadd.s32 $0xFFFFFEF7, lr;
	s5 =	simm.s32 $0xFFFFFFFF;
	p2 =	slt.u32 s8, $0xFFFFF086  }
0x1c: {  	p1 =	slt.u32 s9, $0xF7A;
	s5 =	simm.s32 @!p2 $0x0  }
0x1d: {  	s5 =	simm.s32 @p1 $0x1;
	p0 =	seq.s32 s7, s2  }
0x1e: {  	s7 =	smul.u32 @!p0 $0xF7A, s2;
	p2 =	seq.s32 @!p0 s5, $0x0  }
0x1f: {  	s9 =	smul.u32 $0xF7A, s1;
	s8 =	simm.s32 @!p0 $0x1BF5;
	p2 =	por !p2, p0  }
0x20: {  	[sflag:s8] =	ssyncset.s32 @!p0 $0xFFFFF086;
	s6 =	sadd.s32 @!p0 s3, s7;
	s7 =	simm.s32 @!p0 $0x108  }
0x21: {  	s3 =	sadd.s32 s3, s9;
	s6 =	sadd.s32 @!p0 $0x88, s6;
	s7 =	simm.s32 @p2 $0x1082  }
0x22: {  	[simem:s7], [sflag:s8] =	dma.local @!p0 [hbm:s6], $0xF7A  }
0x23: {  	s9 =	sor.u32 $0xD0000000, s2;
	s6 =	simm.s32 $0x108;
	_ =	swait.ge @!p0 [sflag:s8], $0x0  }
0x24: {  	s3 =	sadd.s32 $0x88, s3;
	s6 =	simm.s32 @!p1 $0x1082;
	[sflag:s4] =	ssyncset.s32 $0xFFFFF086  }
0x25: {  	[simem:s6], [sflag:s4] =	dma.local [hbm:s3], $0xF7A  }
0x26: {  	[smem:$0x3F89] =	sst s1;
	(tag) =	ssettag s2;
	_ =	strace s9  }
0x27: {  	s1 =	sld [smem:$0x3F99]  }
0x28: {  	s2 =	sld [smem:$0x3F9A]  }
0x29: {  	s4 =	sld [smem:$0x3F9C]  }
0x2a: {  	p0 =	seq.s32 s5, $0x0;
	s5 =	sld [smem:$0x3F9D]  }
0x2b: {  	s6 =	sld [smem:$0x3F9E]  }
0x2c: {  	s7 =	sld [smem:$0x3F9F]  }
0x2d: {  	s3 =	simm.s32 $0x108;
	s8 =	sld [smem:$0x3FA0]  }
0x2e: {  	s3 =	simm.s32 @!p0 $0x1082;
	s9 =	sld [smem:$0x3FA1]  }
0x2f: {  	lr =	sadd.s32 s0, s3;
	s0 =	sld [smem:$0x3F98]  }
0x30: {  	s3 =	sld [smem:$0x3F9B]  }
0x31: {  	[smem:$0x3FA4] =	sst s10  }
0x32: {  	s10 =	sld [smem:$0x3FA2];
	_ =	sdelay $0x3  }
0x33: {  	p0 =	seq.s32 s10, $0x1;
	s10 =	sld [smem:$0x3FA4];
	_ =	sdelay $0x3  }
0x34: {  	[smem:$0x3FA4] =	sst s10  }
0x35: {  	s10 =	sld [smem:$0x3FA3];
	_ =	sdelay $0x3  }
0x36: {  	p1 =	seq.s32 s10, $0x1;
	s10 =	sld [smem:$0x3FA4];
	_ =	sdelay $0x3  }
0x37: {  	[smem:$0x3FA4] =	sst s10  }
0x38: {  	s10 =	sld [smem:$0x3FA5]  }
0x39: {  	_ = 	snop;
	(pc) =	sbr.ind lr, $3  }
0x3a: {  	_ = 	snop  }
0x3b: {  	_ = 	snop  }
0x3c: {  	p2 =	seq.s32 s10, $0x1;
	s10 =	sld [smem:$0x3FA4]  }
0x3d: {  	_ =	shalt  }
0x3e: {  	_ =	shalt  }
0x3f: {  	_ =	shalt  }
0x40: {  	_ =	shalt  }
0x41: {  	_ =	shalt  }
0x42: {  	_ =	shalt  }
0x43: {  	_ =	shalt  }
0x44: {  	_ =	shalt  }
0x45: {  	_ =	shalt  }
0x46: {  	_ =	shalt  }
0x47: {  	_ =	shalt  }
0x48: {  	_ =	shalt  }
0x49: {  	_ =	shalt  }
0x4a: {  	_ =	shalt  }
0x4b: {  	_ =	shalt  }
0x4c: {  	_ =	shalt  }
0x4d: {  	_ =	shalt  }
0x4e: {  	_ =	shalt  }
0x4f: {  	_ =	shalt  }
0x50: {  	_ =	shalt  }
0x51: {  	_ =	shalt  }
0x52: {  	_ =	shalt  }
0x53: {  	_ =	shalt  }
0x54: {  	_ =	shalt  }
0x55: {  	_ =	shalt  }
0x56: {  	_ =	shalt  }
0x57: {  	_ =	shalt  }
0x58: {  	_ =	shalt  }
0x59: {  	_ =	shalt  }
0x5a: {  	_ =	shalt  }
0x5b: {  	_ =	shalt  }
0x5c: {  	_ =	shalt  }
0x5d: {  	_ =	shalt  }
0x5e: {  	_ =	shalt  }
0x5f: {  	_ =	shalt  }
0x60: {  	_ =	shalt  }
0x61: {  	_ =	shalt  }
0x62: {  	_ =	shalt  }
0x63: {  	_ =	shalt  }
0x64: {  	_ =	shalt  }
0x65: {  	_ =	shalt  }
0x66: {  	_ =	shalt  }
0x67: {  	_ =	shalt  }
0x68: {  	_ =	shalt  }
0x69: {  	_ =	shalt  }
0x6a: {  	_ =	shalt  }
0x6b: {  	_ =	shalt  }
0x6c: {  	_ =	shalt  }
0x6d: {  	_ =	shalt  }
0x6e: {  	_ =	shalt  }
0x6f: {  	_ =	shalt  }
0x70: {  	_ =	shalt  }
0x71: {  	_ =	shalt  }
0x72: {  	_ =	shalt  }
0x73: {  	_ =	shalt  }
0x74: {  	_ =	shalt  }
0x75: {  	_ =	shalt  }
0x76: {  	_ =	shalt  }
0x77: {  	_ =	shalt  }
0x78: {  	_ =	shalt  }
0x79: {  	_ =	shalt  }
0x7a: {  	_ =	shalt  }
0x7b: {  	_ =	shalt  }
0x7c: {  	_ =	shalt  }
0x7d: {  	_ =	shalt  }
0x7e: {  	_ =	shalt  }
0x7f: {  	_ =	shalt  }
0x80: {  	_ =	shalt  }
0x81: {  	_ =	shalt  }
0x82: {  	_ =	shalt  }
0x83: {  	_ =	shalt  }
0x84: {  	_ =	shalt  }
0x85: {  	_ =	shalt  }
0x86: {  	_ =	shalt  }
0x87: {  	_ =	shalt  }
.Lfunc_end0:
.L_simem_size_0:
called_computation_lowered:
.L_overlay_start_0:
0x88: {  	s2 =	sld [smem:$0x3FD9]  }
0x89: {  	s3 =	sld [smem:$0x3FFE];
	_ =	sdelay $0x1  }
0x8a: {  	s1 =	srdreg.scid  }
0x8b: {  	s0 =	sand.u32 $0x1, s1  }
0x8c: {  	s16 =	sshll.u32 s0, $0xA;
	s2 =	sadd.s32 s3, s2  }
0x8d: {  	s2 =	sadd.s32 s2, s16  }
0x8e: {  	[smem:$0x3FB0] =	sst s2  }
0x8f: {  	_ = 	snop  }
0x90: {  	(tm) =	ssettm $0x1  }
0x91: {  	s17 =	sld [smem:$0x3FFB];
	_ =	sdelay $0x3  }
0x92: {  	_ =	strace s17  }
0x93: {  	s2 =	sld [smem:$0x3FFC];
	_ =	sdelay $0x3  }
0x94: {  	_ =	strace s2  }
0x95: {  	s2 =	sld [smem:$0x3FFD];
	_ =	sdelay $0x3  }
0x96: {  	_ =	strace s2  }
0x97: {  	_ =	strace $0x8FFFFFFF  }
0x98: {  	s18 =	sld [smem:$0x3FDB];
	_ =	sdelay $0x1  }
0x99: {  	s19 =	simm.s32 $_scs_section_size  }
0x9a: {  	s4 =	simm.s32 $_size__tile_overlayer_lowered;
	s5 =	simm.s32 $_tile_overlayer_lowered  }
0x9b: {  	s22 =	simm.s32 $0x1BFF;
	s21 =	sshll.u32 s5, $0x1;
	s2 =	sadd.s32 s19, s18  }
0x9c: {  	s6 =	simm.s32 $0x0;
	s20 =	sshll.u32 s4, $0x1;
	s4 =	sadd.s32 s21, s2  }
0x9d: {  	[timem:s6], [sflag:s22] =	dma.local [hbm:s4], s20  }
0x9e: {  	_ =	swait.ge [sflag:s22], s20  }
0x9f: {  	s3 =	ssub.s32 $0x0, s20;
	[sflag:s22] =	ssyncset.done $0x0  }
0xa0: {  	[sflag:s22] =	ssyncadd.s32 s3;
	_ =	sdelay $0x1  }
0xa1: {  	s23 =	simm.s32 $0x1B8B  }
0xa2: {  	_ =	swait.ge [sflag:s23], $0x1  }
0xa3: {  	[sflag:s23] =	ssyncset.done $0x0  }
0xa4: {  	s25 =	simm.s32 $0x1B8E;
	s24 =	sld [smem:$0x3FFE];
	[sflag:s23] =	ssyncadd.s32 $0xFFFFFFFF  }
0xa5: {  	s26 =	simm.s32 $execute0_lowered;
	[smem:$0x3FD2] =	sst s25  }
0xa6: {  	s4 =	sshll.u32 s26, $0x1;
	_ =	strace $0x80000046;
	[dreg:$0x1] =	wrdreg $0xFFFFFFFF  }
0xa7: {  	s28 =	simm.s32 $_size_execute0_lowered;
	s2 =	sadd.s32 s2, s4;
	[dreg:$0x0] =	wrdreg $0x0  }
0xa8: {  	s4 =	sshll.u32 s28, $0x1;
	[dreg:$0x2] =	wrdreg s2  }
0xa9: {  	[dreg:$0x3] =	wrdreg s4  }
0xaa: {  	[dreg:$0x4] =	wrdreg $0xC0  }
0xab: {  	_ =	task [dreg:s6], $0x5FFFF  }
0xac: {  	[dreg:$0x1] =	wrdreg $0xFFFFFFFF  }
0xad: {  	[dreg:$0x0] =	wrdreg $0x60  }
0xae: {  	[dreg:$0x2] =	wrdreg s24  }
0xaf: {  	[dreg:$0x3] =	wrdreg $0x9  }
0xb0: {  	_ =	task.clear_ibuf [dreg:s6], $0x4FFFF;
	_ =	strace $0x90000046  }
0xb1: {  	s29 =	simm.s32 $0x9;
	_ =	strace $0x80000048  }
0xb2: {  	_ =	swait.ge [sflag:s29], $0x1  }
0xb3: {  	[sflag:s29] =	ssyncadd.s32 $0xFFFFFFFF  }
0xb4: {  	_ =	strace $0x90000048  }
0xb5: {  	_ =	sfence  }
0xb6: {  	s30 =	sld [smem:$0x0];
	_ =	sdelay $0x2  }
0xb7: {  	s31 =	sshll.u32 s1, $0xD;
	s1 =	sshrl.u32 s1, $0x2  }
0xb8: {  	s3 =	sand.u32 $0x4000, s31;
	s1 =	sadd.s32 s1, s30  }
0xb9: {  	s0 =	sor.u32 s3, s0;
	s1 =	sshll.u32 s1, $0x11  }
0xba: {  	s0 =	sor.u32 s1, s0  }
0xbb: {  	s0 =	sadd.s32 $0x8F2B, s0  }
0xbc: {  	[sflag:s0] =	ssyncadd.remote.s32 $0x1  }
0xbd: {  	_ =	sfence.sel $0xFFFF  }
0xbe: {  	[dreg:$0x0] =	wrdreg $0xFFFFFFFF;
	(pc) =	sbr.abs _section_cstart, $3  }
0xbf: {  	[dreg:$0x1] =	wrdreg $0xFFFFFFFF  }
0xc0: {  	_ =	task.clear_ibuf [dreg:s6], $0x2FFFF;
	_ =	strace $0x9FFFFFFF  }
0xc1: {  	(tm) =	ssettm $0x7FFFFFFF  }
tec
execute0_lowered:
.L_overlay_start_1:
0x0: {  	(tag) =	ssettag $0x1  }
0x1: {  	s1 =	srdreg.scid  }
0x2: {  	s0 =	stileid.u32;
	s5 =	rddreg [dreg:$0x0]  }
0x3: {  	s2 =	simm.s32 $0x0;
	s17 =	simm.s32 $0x1000;
	s18 =	simm.s32 $0x7400  }
0x4: {  	s19 =	simm.s32 $0xD800;
	s20 =	simm.s32 $0x8C8;
	s21 =	simm.s32 $0x13C00  }
0x5: {  	s22 =	simm.s32 $0x1;
	s23 =	simm.s32 $0x2;
	s24 =	simm.s32 $0x3  }
0x6: {  	s25 =	simm.s32 $0x4;
	s26 =	simm.s32 $0x0;
	s11 =	sand.u32 $0x1, s1  }
0x7: {  	s30 =	sshll.u32 s0, $0x1;
	[smem:$0x7FF] =	sst s2;
	s3 =	sadd.s32 $0x9A00, s5  }
0x8: {  	s12 =	sadd.s32 $0x6BE00, s5;
	s15 =	smul.u32 $0xFA00, s0;
	s6 =	sor.u32 s11, s30  }
0x9: {  	s13 =	sadd.s32 $0x165E00, s5;
	s8 =	ssub.s32 $0x2, s11;
	s4 =	smul.u32 $0x7D0, s6  }
0xa: {  	_ =	strace $0x80000047;
	s9 =	sshrl.u32 s8, $0x1;
	s10 =	smul.u32 $0x7D00, s6  }
0xb: {  	s16 =	smul.u32 $0x7D00, s11;
	s8 =	ssub.s32 s8, s9;
	s7 =	sshrl.u32 s4, $0x3  }
0xc: {  	s4 =	sadd.s32 $0x44C00, s5;
	s31 =	sadd.s32 $0x6400, s10;
	s14 =	sadd.s32 $0x7080, s10  }
0xd: {  	s7 =	sadd.s32 s7, s5;
	s9 =	sadd.s32 s13, s31;
	s10 =	sadd.s32 s12, s14  }
0xe: {  	s11 =	sadd.s32 s13, s14;
	s13 =	sadd.s32 s15, s13;
	s14 =	simm.s32 $0x5  }
0xf: {  	s5 =	sadd.s32 $0x32C00, s7;
	s6 =	sadd.s32 $0x30C00, s7;
	s7 =	smax.u32 s8, $0x1  }
0x10: {  	s8 =	sadd.s32 s12, s31;
	s12 =	sadd.s32 s15, s12;
	s13 =	sadd.s32 s16, s13  }
0x11: {  	s15 =	simm.s32 $0x800;
	s12 =	sadd.s32 s16, s12;
	s16 =	simm.s32 $0xC8  }
.LBB2_1:
0x12: {  	[tilespmem:s2], [sflag:$0x5] =	stream.linear.gather [hbm4b:s5+s2], $0x7D0, $0x38;
	[tilespmem:$0x1A000] =	vst v63  }
0x13: {  	_ =	swait.ge [sflag:s14], $0x7D0  }
0x14: {  	[sflag:s14] =	ssyncset.done $0x0  }
0x15: {  	[sflag:s14] =	ssyncadd.s32 $0xFFFFF830  }
0x16: {  	[tilespmem:s15], [sflag:$0x5] =	stream.linear.gather [hbm4b:s6+s2], $0x7D0, $0x38;
	[tilespmem:$0x1A000] =	vst v63  }
0x17: {  	_ =	swait.ge [sflag:s14], $0x7D0  }
0x18: {  	[sflag:s14] =	ssyncset.done $0x0  }
0x19: {  	[sflag:s14] =	ssyncadd.s32 $0xFFFFF830  }
0x1a: {  	[tilespmem:s17], [sflag:$0x1] =	stream.indirect.gather [hbm4b:s3+s16], $0x80, s2, s16, $0xb8;
	[tilespmem:$0x1A000] =	vst v63  }
0x1b: {  	_ = 	snop  }
0x1c: {  	[tilespmem:s18], [sflag:$0x2] =	stream.indirect.gather [hbm4b:s4+s16], $0x80, s15, s16, $0xb8;
	[tilespmem:$0x1A000] =	vst v63  }
0x1d: {  	_ = 	snop  }
0x1e: {  	[tilespmem:s19], [sflag:$0x3] =	stream.indirect.gather [hbm4b:s3+s16], $0x80, s16, s16, $0xb8;
	[tilespmem:$0x1A000] =	vst v63  }
0x1f: {  	_ = 	snop  }
0x20: {  	[tilespmem:s21], [sflag:$0x4] =	stream.indirect.gather [hbm4b:s4+s16], $0x80, s20, s16, $0xb8;
	[tilespmem:$0x1A000] =	vst v63  }
0x21: {  	_ =	swait.ge [sflag:s22], $0x6400  }
0x22: {  	[sflag:s22] =	ssyncset.done $0x0  }
0x23: {  	[sflag:s22] =	ssyncadd.s32 $0xFFFF9C00  }
0x24: {  	_ =	swait.ge [sflag:s23], $0x6400  }
0x25: {  	[sflag:s23] =	ssyncset.done $0x0  }
0x26: {  	s28 =	sadd.s32 $0x0, s12;
	[sflag:s23] =	ssyncadd.s32 $0xFFFF9C00  }
0x27: {  	[hbm4b:s28+s2] =	stream.linear.scatter [tilespmem:s17], [sflag:$0x1], $0x6400, $0x38;
	[tilespmem:$0x1A000] =	vst v63  }
0x28: {  	s29 =	sadd.s32 $0x0, s13  }
0x29: {  	[hbm4b:s29+s2] =	stream.linear.scatter [tilespmem:s18], [sflag:$0x2], $0x6400, $0x38;
	[tilespmem:$0x1A000] =	vst v63  }
0x2a: {  	_ =	swait.ge [sflag:s24], $0x6400  }
0x2b: {  	[sflag:s24] =	ssyncset.done $0x0  }
0x2c: {  	[sflag:s24] =	ssyncadd.s32 $0xFFFF9C00  }
0x2d: {  	_ =	swait.ge [sflag:s25], $0x6400  }
0x2e: {  	[sflag:s25] =	ssyncset.done $0x0  }
0x2f: {  	s28 =	sadd.s32 $0xC80, s28;
	[sflag:s25] =	ssyncadd.s32 $0xFFFF9C00  }
0x30: {  	[hbm4b:s28+s2] =	stream.linear.scatter [tilespmem:s19], [sflag:$0x3], $0x6400, $0x38;
	[tilespmem:$0x1A000] =	vst v63  }
0x31: {  	s28 =	sadd.s32 $0xC80, s29  }
0x32: {  	[hbm4b:s28+s2] =	stream.linear.scatter [tilespmem:s21], [sflag:$0x4], $0x6400, $0x38;
	[tilespmem:$0x1A000] =	vst v63  }
0x33: {  	_ =	swait.ge [sflag:s22], $0x6400  }
0x34: {  	[sflag:s22] =	ssyncset.done $0x0  }
0x35: {  	[sflag:s22] =	ssyncadd.s32 $0xFFFF9C00  }
0x36: {  	_ =	swait.ge [sflag:s23], $0x6400  }
0x37: {  	[sflag:s23] =	ssyncset.done $0x0  }
0x38: {  	s28 =	simm.s32 $0x190;
	[sflag:s23] =	ssyncadd.s32 $0xFFFF9C00  }
0x39: {  	[tilespmem:s17], [sflag:$0x1] =	stream.indirect.gather [hbm4b:s3+s16], $0x80, s28, s16, $0xb8;
	[tilespmem:$0x1A000] =	vst v63  }
0x3a: {  	s28 =	simm.s32 $0x990  }
0x3b: {  	[tilespmem:s18], [sflag:$0x2] =	stream.indirect.gather [hbm4b:s4+s16], $0x80, s28, s16, $0xb8;
	[tilespmem:$0x1A000] =	vst v63  }
0x3c: {  	_ =	swait.ge [sflag:s24], $0x6400  }
0x3d: {  	[sflag:s24] =	ssyncset.done $0x0  }
0x3e: {  	[sflag:s24] =	ssyncadd.s32 $0xFFFF9C00  }
0x3f: {  	_ =	swait.ge [sflag:s25], $0x6400  }
0x40: {  	[sflag:s25] =	ssyncset.done $0x0  }
0x41: {  	s30 =	simm.s32 $0x3E8;
	s28 =	simm.s32 $0x258;
	[sflag:s25] =	ssyncadd.s32 $0xFFFF9C00  }
0x42: {  	[tilespmem:s19], [sflag:$0x3] =	stream.indirect.gather [hbm4b:s3+s16], $0x80, s28, s16, $0xb8;
	[tilespmem:$0x1A000] =	vst v63  }
0x43: {  	s31 =	simm.s32 $0xBE8;
	s29 =	simm.s32 $0x1900;
	s28 =	simm.s32 $0xA58  }
.LBB2_2:
0x44: {  	[tilespmem:s21], [sflag:$0x4] =	stream.indirect.gather [hbm4b:s4+s16], $0x80, s28, s16, $0xb8;
	[tilespmem:$0x1A000] =	vst v63  }
0x45: {  	s1 =	smov.u32 s29;
	s28 =	smov.u32 s31  }
0x46: {  	p0 =	sne.s32 s29, $0x4B00;
	s29 =	sadd.s32 $0x1900, s29;
	_ =	swait.ge [sflag:s22], $0x6400  }
0x47: {  	[sflag:s22] =	ssyncset.done $0x0  }
0x48: {  	[sflag:s22] =	ssyncadd.s32 $0xFFFF9C00  }
0x49: {  	_ =	swait.ge [sflag:s23], $0x6400  }
0x4a: {  	[sflag:s23] =	ssyncset.done $0x0  }
0x4b: {  	s0 =	sadd.s32 s1, s12;
	[sflag:s23] =	ssyncadd.s32 $0xFFFF9C00  }
0x4c: {  	[hbm4b:s0+s2] =	stream.linear.scatter [tilespmem:s17], [sflag:$0x1], $0x6400, $0x38;
	[tilespmem:$0x1A000] =	vst v63  }
0x4d: {  	s1 =	sadd.s32 s1, s13  }
0x4e: {  	[hbm4b:s1+s2] =	stream.linear.scatter [tilespmem:s18], [sflag:$0x2], $0x6400, $0x38;
	[tilespmem:$0x1A000] =	vst v63  }
0x4f: {  	_ =	swait.ge [sflag:s24], $0x6400  }
0x50: {  	[sflag:s24] =	ssyncset.done $0x0  }
0x51: {  	[sflag:s24] =	ssyncadd.s32 $0xFFFF9C00  }
0x52: {  	_ =	swait.ge [sflag:s25], $0x6400  }
0x53: {  	[sflag:s25] =	ssyncset.done $0x0  }
0x54: {  	s0 =	sadd.s32 $0xC80, s0;
	[sflag:s25] =	ssyncadd.s32 $0xFFFF9C00  }
0x55: {  	[hbm4b:s0+s2] =	stream.linear.scatter [tilespmem:s19], [sflag:$0x3], $0x6400, $0x38;
	[tilespmem:$0x1A000] =	vst v63  }
0x56: {  	s0 =	sadd.s32 $0xC80, s1  }
0x57: {  	[hbm4b:s0+s2] =	stream.linear.scatter [tilespmem:s21], [sflag:$0x4], $0x6400, $0x38;
	[tilespmem:$0x1A000] =	vst v63  }
0x58: {  	_ =	swait.ge [sflag:s22], $0x6400  }
0x59: {  	[sflag:s22] =	ssyncset.done $0x0  }
0x5a: {  	[sflag:s22] =	ssyncadd.s32 $0xFFFF9C00  }
0x5b: {  	_ =	swait.ge [sflag:s23], $0x6400  }
0x5c: {  	[sflag:s23] =	ssyncset.done $0x0  }
0x5d: {  	s0 =	sadd.s32 $0xFFFFFF38, s30;
	[sflag:s23] =	ssyncadd.s32 $0xFFFF9C00  }
0x5e: {  	[tilespmem:s17], [sflag:$0x1] =	stream.indirect.gather [hbm4b:s3+s16], $0x80, s0, s16, $0xb8;
	[tilespmem:$0x1A000] =	vst v63  }
0x5f: {  	s0 =	sadd.s32 $0xFFFFFF38, s31  }
0x60: {  	[tilespmem:s18], [sflag:$0x2] =	stream.indirect.gather [hbm4b:s4+s16], $0x80, s0, s16, $0xb8;
	[tilespmem:$0x1A000] =	vst v63  }
0x61: {  	_ =	swait.ge [sflag:s24], $0x6400  }
0x62: {  	[sflag:s24] =	ssyncset.done $0x0  }
0x63: {  	[sflag:s24] =	ssyncadd.s32 $0xFFFF9C00  }
.Ltmp0:
0x64: {  	_ =	swait.ge [sflag:s25], $0x6400;
	(pc) =	sbr.rel @p0 .LBB2_2-.Ltmp0, $4  }
0x65: {  	[sflag:s25] =	ssyncset.done $0x0  }
0x66: {  	[sflag:s25] =	ssyncadd.s32 $0xFFFF9C00  }
0x67: {  	[tilespmem:s19], [sflag:$0x3] =	stream.indirect.gather [hbm4b:s3+s16], $0x80, s30, s16, $0xb8;
	[tilespmem:$0x1A000] =	vst v63  }
0x68: {  	s31 =	sadd.s32 $0x190, s31;
	s30 =	sadd.s32 $0x190, s30  }
0x69: {  	[tilespmem:s21], [sflag:$0x4] =	stream.indirect.gather [hbm4b:s4+s16], $0x80, s28, s16, $0xb8;
	[tilespmem:$0x1A000] =	vst v63  }
0x6a: {  	_ =	swait.ge [sflag:s22], $0x6400  }
0x6b: {  	[sflag:s22] =	ssyncset.done $0x0  }
0x6c: {  	[sflag:s22] =	ssyncadd.s32 $0xFFFF9C00  }
0x6d: {  	_ =	swait.ge [sflag:s23], $0x6400  }
0x6e: {  	[sflag:s23] =	ssyncset.done $0x0  }
0x6f: {  	[sflag:s23] =	ssyncadd.s32 $0xFFFF9C00  }
0x70: {  	[hbm4b:s8+s2] =	stream.linear.scatter [tilespmem:s17], [sflag:$0x1], $0x6400, $0x38;
	[tilespmem:$0x1A000] =	vst v63  }
0x71: {  	_ = 	snop  }
0x72: {  	[hbm4b:s9+s2] =	stream.linear.scatter [tilespmem:s18], [sflag:$0x2], $0x6400, $0x38;
	[tilespmem:$0x1A000] =	vst v63  }
0x73: {  	_ =	swait.ge [sflag:s24], $0x6400  }
0x74: {  	[sflag:s24] =	ssyncset.done $0x0  }
0x75: {  	[sflag:s24] =	ssyncadd.s32 $0xFFFF9C00  }
0x76: {  	_ =	swait.ge [sflag:s25], $0x6400  }
0x77: {  	[sflag:s25] =	ssyncset.done $0x0  }
0x78: {  	[sflag:s25] =	ssyncadd.s32 $0xFFFF9C00  }
0x79: {  	[hbm4b:s10+s2] =	stream.linear.scatter [tilespmem:s19], [sflag:$0x3], $0x6400, $0x38;
	[tilespmem:$0x1A000] =	vst v63  }
0x7a: {  	_ = 	snop  }
0x7b: {  	[hbm4b:s11+s2] =	stream.linear.scatter [tilespmem:s21], [sflag:$0x4], $0x6400, $0x38;
	[tilespmem:$0x1A000] =	vst v63  }
0x7c: {  	_ =	swait.ge [sflag:s22], $0x6400  }
0x7d: {  	[sflag:s22] =	ssyncset.done $0x0  }
0x7e: {  	[sflag:s22] =	ssyncadd.s32 $0xFFFF9C00  }
0x7f: {  	_ =	swait.ge [sflag:s23], $0x6400  }
0x80: {  	[sflag:s23] =	ssyncset.done $0x0  }
0x81: {  	s26 =	sadd.s32 $0x1, s26;
	[sflag:s23] =	ssyncadd.s32 $0xFFFF9C00  }
0x82: {  	p0 =	sne.s32 s26, s7;
	_ =	swait.ge [sflag:s24], $0x6400  }
.Ltmp1:
0x83: {  	[sflag:s24] =	ssyncset.done $0x0;
	(pc) =	sbr.rel @p0 .LBB2_1-.Ltmp1, $4  }
0x84: {  	[sflag:s24] =	ssyncadd.s32 $0xFFFF9C00  }
0x85: {  	_ =	swait.ge [sflag:s25], $0x6400  }
0x86: {  	[sflag:s25] =	ssyncset.done $0x0  }
0x87: {  	[sflag:s25] =	ssyncadd.s32 $0xFFFF9C00  }
0x88: {  	_ =	sfence.sel $0x180000  }
0x89: {  	[bflag:$0x0] =	sbarrier.arrive $0xFFFF  }
0x8a: {  	_ =	strace $0x90000047  }
0x8b: {  	s0 =	stileid.u32;
	[bflag:$0x2] =	sbarrier.arrive $0xFFFF  }
0x8c: {  	p0 =	sne.s32 s0, $0x0;
	s0 =	rddreg [dreg:$0x1]  }
0x8d: {  	s0 =	sadd.s32 @!p0 $0x100000, s0  }
0x8e: {  	[sflag:s0] =	ssyncadd.tile.s32 @!p0 $0x1;
	_ =	shalt  }
.Lfunc_end2:
_tile_overlayer_lowered:
.L_overlay_start_2:
0x8f: {  	(tag) =	ssettag $0x2  }
0x90: {  	s0 =	rddreg [dreg:$0x0];
	s2 =	stileid.u32  }
0x91: {  	s1 =	rddreg [dreg:$0x1];
	p0 =	sne.s32 s2, $0x0  }
0x92: {  	s3 =	rddreg [dreg:$0x2];
	[bflag:$0x3] =	sbarrier.arrive $0xFFFF;
	s2 =	simm.s32 @!p0 $0x1C05  }
0x93: {  	[timem:s3], [sflag:s2] =	dma.local @!p0 [hbm:s0], s1  }
0x94: {  	s0 =	simm.s32 @!p0 $0x5  }
0x95: {  	_ =	swait.ge @!p0 [sflag:s0], s1  }
0x96: {  	s1 =	ssub.s32 @!p0 $0x0, s1;
	[sflag:s0] =	ssyncset.done @!p0 $0x0  }
0x97: {  	[sflag:s0] =	ssyncadd.s32 @!p0 s1  }
0x98: {  	[bflag:$0x3] =	sbarrier.arrive $0xFFFF  }
0x99: {  	_ =	shalt  }

// kernel: kernel.27.cloned.1.call-start
scs
__scs_entry_jumppad:
0x0: {  	(pc) =	sbr.rel $0x88, $3  }
0x1: {  	(tag) =	ssettag $0x0;
	lr =	simm.s32 $0x1  }
0x2: {  	[smem:$0x3F89] =	sst lr;
	_ =	strace $0xD0000000  }
0x3: {  	_ = 	snop  }
0x4: {  	_ = 	snop  }
0x5: {  	_ = 	snop  }
0x6: {  	_ = 	snop  }
0x7: {  	_ = 	snop  }
__scs_overlays_trampoline_lowered:
0x8: {  	[smem:$0x3F98] =	sst s0  }
0x9: {  	[smem:$0x3F99] =	sst s1  }
0xa: {  	[smem:$0x3F9A] =	sst s2  }
0xb: {  	[smem:$0x3F9B] =	sst s3  }
0xc: {  	[smem:$0x3F9C] =	sst s4  }
0xd: {  	[smem:$0x3F9D] =	sst s5  }
0xe: {  	[smem:$0x3F9E] =	sst s6  }
0xf: {  	[smem:$0x3F9F] =	sst s7  }
0x10: {  	[smem:$0x3FA0] =	sst s8  }
0x11: {  	[smem:$0x3FA1] =	sst s9;
	s0 =	simm.s32 @!p0 $0x0  }
0x12: {  	s1 =	sld [smem:$0x3F87];
	s0 =	simm.s32 @p0 $0x1  }
0x13: {  	[smem:$0x3FA2] =	sst s0;
	s0 =	simm.s32 @!p1 $0x0  }
0x14: {  	s2 =	sld [smem:$0x3F86];
	s0 =	simm.s32 @p1 $0x1  }
0x15: {  	[smem:$0x3FA3] =	sst s0;
	s0 =	simm.s32 @!p2 $0x0  }
0x16: {  	s3 =	sld [smem:$0x3FDB];
	s0 =	simm.s32 @p2 $0x1  }
0x17: {  	s4 =	simm.s32 $0x1BF5;
	[smem:$0x3FA5] =	sst s0  }
0x18: {  	s0 =	sld [smem:$0x3F88];
	_ =	swait.ge [sflag:s4], $0x0  }
0x19: {  	s7 =	sld [smem:$0x3F89]  }
0x1a: {  	s8 =	sadd.s32 $0xFFFFE003, lr  }
0x1b: {  	s9 =	sadd.s32 $0xFFFFFEF7, lr;
	s5 =	simm.s32 $0xFFFFFFFF;
	p2 =	slt.u32 s8, $0xFFFFF086  }
0x1c: {  	p1 =	slt.u32 s9, $0xF7A;
	s5 =	simm.s32 @!p2 $0x0  }
0x1d: {  	s5 =	simm.s32 @p1 $0x1;
	p0 =	seq.s32 s7, s2  }
0x1e: {  	s7 =	smul.u32 @!p0 $0xF7A, s2;
	p2 =	seq.s32 @!p0 s5, $0x0  }
0x1f: {  	s9 =	smul.u32 $0xF7A, s1;
	s8 =	simm.s32 @!p0 $0x1BF5;
	p2 =	por !p2, p0  }
0x20: {  	[sflag:s8] =	ssyncset.s32 @!p0 $0xFFFFF086;
	s6 =	sadd.s32 @!p0 s3, s7;
	s7 =	simm.s32 @!p0 $0x108  }
0x21: {  	s3 =	sadd.s32 s3, s9;
	s6 =	sadd.s32 @!p0 $0x88, s6;
	s7 =	simm.s32 @p2 $0x1082  }
0x22: {  	[simem:s7], [sflag:s8] =	dma.local @!p0 [hbm:s6], $0xF7A  }
0x23: {  	s9 =	sor.u32 $0xD0000000, s2;
	s6 =	simm.s32 $0x108;
	_ =	swait.ge @!p0 [sflag:s8], $0x0  }
0x24: {  	s3 =	sadd.s32 $0x88, s3;
	s6 =	simm.s32 @!p1 $0x1082;
	[sflag:s4] =	ssyncset.s32 $0xFFFFF086  }
0x25: {  	[simem:s6], [sflag:s4] =	dma.local [hbm:s3], $0xF7A  }
0x26: {  	[smem:$0x3F89] =	sst s1;
	(tag) =	ssettag s2;
	_ =	strace s9  }
0x27: {  	s1 =	sld [smem:$0x3F99]  }
0x28: {  	s2 =	sld [smem:$0x3F9A]  }
0x29: {  	s4 =	sld [smem:$0x3F9C]  }
0x2a: {  	p0 =	seq.s32 s5, $0x0;
	s5 =	sld [smem:$0x3F9D]  }
0x2b: {  	s6 =	sld [smem:$0x3F9E]  }
0x2c: {  	s7 =	sld [smem:$0x3F9F]  }
0x2d: {  	s3 =	simm.s32 $0x108;
	s8 =	sld [smem:$0x3FA0]  }
0x2e: {  	s3 =	simm.s32 @!p0 $0x1082;
	s9 =	sld [smem:$0x3FA1]  }
0x2f: {  	lr =	sadd.s32 s0, s3;
	s0 =	sld [smem:$0x3F98]  }
0x30: {  	s3 =	sld [smem:$0x3F9B]  }
0x31: {  	[smem:$0x3FA4] =	sst s10  }
0x32: {  	s10 =	sld [smem:$0x3FA2];
	_ =	sdelay $0x3  }
0x33: {  	p0 =	seq.s32 s10, $0x1;
	s10 =	sld [smem:$0x3FA4];
	_ =	sdelay $0x3  }
0x34: {  	[smem:$0x3FA4] =	sst s10  }
0x35: {  	s10 =	sld [smem:$0x3FA3];
	_ =	sdelay $0x3  }
0x36: {  	p1 =	seq.s32 s10, $0x1;
	s10 =	sld [smem:$0x3FA4];
	_ =	sdelay $0x3  }
0x37: {  	[smem:$0x3FA4] =	sst s10  }
0x38: {  	s10 =	sld [smem:$0x3FA5]  }
0x39: {  	_ = 	snop;
	(pc) =	sbr.ind lr, $3  }
0x3a: {  	_ = 	snop  }
0x3b: {  	_ = 	snop  }
0x3c: {  	p2 =	seq.s32 s10, $0x1;
	s10 =	sld [smem:$0x3FA4]  }
0x3d: {  	_ =	shalt  }
0x3e: {  	_ =	shalt  }
0x3f: {  	_ =	shalt  }
0x40: {  	_ =	shalt  }
0x41: {  	_ =	shalt  }
0x42: {  	_ =	shalt  }
0x43: {  	_ =	shalt  }
0x44: {  	_ =	shalt  }
0x45: {  	_ =	shalt  }
0x46: {  	_ =	shalt  }
0x47: {  	_ =	shalt  }
0x48: {  	_ =	shalt  }
0x49: {  	_ =	shalt  }
0x4a: {  	_ =	shalt  }
0x4b: {  	_ =	shalt  }
0x4c: {  	_ =	shalt  }
0x4d: {  	_ =	shalt  }
0x4e: {  	_ =	shalt  }
0x4f: {  	_ =	shalt  }
0x50: {  	_ =	shalt  }
0x51: {  	_ =	shalt  }
0x52: {  	_ =	shalt  }
0x53: {  	_ =	shalt  }
0x54: {  	_ =	shalt  }
0x55: {  	_ =	shalt  }
0x56: {  	_ =	shalt  }
0x57: {  	_ =	shalt  }
0x58: {  	_ =	shalt  }
0x59: {  	_ =	shalt  }
0x5a: {  	_ =	shalt  }
0x5b: {  	_ =	shalt  }
0x5c: {  	_ =	shalt  }
0x5d: {  	_ =	shalt  }
0x5e: {  	_ =	shalt  }
0x5f: {  	_ =	shalt  }
0x60: {  	_ =	shalt  }
0x61: {  	_ =	shalt  }
0x62: {  	_ =	shalt  }
0x63: {  	_ =	shalt  }
0x64: {  	_ =	shalt  }
0x65: {  	_ =	shalt  }
0x66: {  	_ =	shalt  }
0x67: {  	_ =	shalt  }
0x68: {  	_ =	shalt  }
0x69: {  	_ =	shalt  }
0x6a: {  	_ =	shalt  }
0x6b: {  	_ =	shalt  }
0x6c: {  	_ =	shalt  }
0x6d: {  	_ =	shalt  }
0x6e: {  	_ =	shalt  }
0x6f: {  	_ =	shalt  }
0x70: {  	_ =	shalt  }
0x71: {  	_ =	shalt  }
0x72: {  	_ =	shalt  }
0x73: {  	_ =	shalt  }
0x74: {  	_ =	shalt  }
0x75: {  	_ =	shalt  }
0x76: {  	_ =	shalt  }
0x77: {  	_ =	shalt  }
0x78: {  	_ =	shalt  }
0x79: {  	_ =	shalt  }
0x7a: {  	_ =	shalt  }
0x7b: {  	_ =	shalt  }
0x7c: {  	_ =	shalt  }
0x7d: {  	_ =	shalt  }
0x7e: {  	_ =	shalt  }
0x7f: {  	_ =	shalt  }
0x80: {  	_ =	shalt  }
0x81: {  	_ =	shalt  }
0x82: {  	_ =	shalt  }
0x83: {  	_ =	shalt  }
0x84: {  	_ =	shalt  }
0x85: {  	_ =	shalt  }
0x86: {  	_ =	shalt  }
0x87: {  	_ =	shalt  }
.Lfunc_end0:
.L_simem_size_0:
called_computation.1_lowered:
.L_overlay_start_0:
0x88: {  	s2 =	sld [smem:$0x3FD9]  }
0x89: {  	s3 =	sld [smem:$0x3FFE];
	_ =	sdelay $0x1  }
0x8a: {  	s1 =	srdreg.scid  }
0x8b: {  	s0 =	sand.u32 $0x1, s1  }
0x8c: {  	s17 =	sshll.u32 s0, $0xA;
	s2 =	sadd.s32 s3, s2  }
0x8d: {  	s2 =	sadd.s32 s2, s17  }
0x8e: {  	[smem:$0x3FB0] =	sst s2  }
0x8f: {  	_ = 	snop  }
0x90: {  	(tm) =	ssettm $0x1  }
0x91: {  	s18 =	sld [smem:$0x3FFB];
	_ =	sdelay $0x3  }
0x92: {  	_ =	strace s18  }
0x93: {  	s2 =	sld [smem:$0x3FFC];
	_ =	sdelay $0x3  }
0x94: {  	_ =	strace s2  }
0x95: {  	s2 =	sld [smem:$0x3FFD];
	_ =	sdelay $0x3  }
0x96: {  	_ =	strace s2  }
0x97: {  	_ =	strace $0x8FFFFFFF  }
0x98: {  	s19 =	sld [smem:$0x3FDB];
	_ =	sdelay $0x1  }
0x99: {  	s20 =	simm.s32 $_scs_section_size  }
0x9a: {  	s4 =	simm.s32 $_size__tile_overlayer_lowered;
	s5 =	simm.s32 $_tile_overlayer_lowered  }
0x9b: {  	s6 =	simm.s32 $0x1BFF;
	s21 =	sshll.u32 s5, $0x1;
	s3 =	sadd.s32 s20, s19  }
0x9c: {  	s22 =	simm.s32 $0x0;
	s4 =	sshll.u32 s4, $0x1;
	s5 =	sadd.s32 s21, s3  }
0x9d: {  	[timem:s22], [sflag:s6] =	dma.local [hbm:s5], s4  }
0x9e: {  	_ =	swait.ge [sflag:s6], s4  }
0x9f: {  	s4 =	ssub.s32 $0x0, s4;
	[sflag:s6] =	ssyncset.done $0x0  }
0xa0: {  	[sflag:s6] =	ssyncadd.s32 s4;
	_ =	sdelay $0x1  }
0xa1: {  	s23 =	simm.s32 $0x1B8B  }
0xa2: {  	_ =	swait.ge [sflag:s23], $0x1  }
0xa3: {  	[sflag:s23] =	ssyncset.done $0x0  }
0xa4: {  	[sflag:s23] =	ssyncadd.s32 $0xFFFFFFFF  }
0xa5: {  	s4 =	sld [smem:$0x0]  }
0xa6: {  	s5 =	sand.u32 $0xFFFFFFFE, s1  }
0xa7: {  	p0 =	sne.s32 s1, s5  }
0xa8: {  	s5 =	sshll.u32 @p0 s5, $0xE  }
0xa9: {  	s5 =	sadd.s32 @p0 $0x11B8D, s5;
	s6 =	sshll.u32 @p0 s4, $0x11  }
0xaa: {  	s5 =	sor.u32 @p0 s6, s5  }
0xab: {  	[sflag:s5] =	ssyncadd.remote.s32 @p0 $0x1;
	_ =	sdelay $0x1  }
0xac: {  	s5 =	simm.s32 @p0 $0x1B8D  }
0xad: {  	_ =	swait.eq @p0 [sflag:s5], $0x1  }
0xae: {  	[sflag:s5] =	ssyncadd.s32 @p0 $0xFFFFFFFF  }
0xaf: {  	s6 =	sshll.u32 @!p0 s1, $0xE  }
0xb0: {  	s6 =	sor.u32 @!p0 $0x4000, s6;
	s5 =	simm.s32 @!p0 $0x1B8D  }
0xb1: {  	s4 =	sshll.u32 @!p0 s4, $0x11;
	s6 =	sadd.s32 @!p0 $0x11B8D, s6;
	_ =	swait.eq @!p0 [sflag:s5], $0x1  }
0xb2: {  	s4 =	sor.u32 @!p0 s4, s6;
	[sflag:s5] =	ssyncadd.s32 @!p0 $0xFFFFFFFF  }
0xb3: {  	s25 =	simm.s32 $0x1B8E;
	s24 =	sld [smem:$0x3FFE];
	[sflag:s4] =	ssyncadd.remote.s32 @!p0 $0x1  }
0xb4: {  	s26 =	simm.s32 $execute0_lowered;
	[smem:$0x3FD2] =	sst s25  }
0xb5: {  	s5 =	sshll.u32 s26, $0x1;
	_ =	strace $0x80000055;
	[dreg:$0x1] =	wrdreg $0xFFFFFFFF  }
0xb6: {  	s28 =	simm.s32 $_size_execute0_lowered;
	s3 =	sadd.s32 s3, s5;
	[dreg:$0x0] =	wrdreg $0x0  }
0xb7: {  	s5 =	sshll.u32 s28, $0x1;
	[dreg:$0x2] =	wrdreg s3  }
0xb8: {  	[dreg:$0x3] =	wrdreg s5  }
0xb9: {  	[dreg:$0x4] =	wrdreg $0xC0  }
0xba: {  	_ =	task [dreg:s22], $0x5FFFF  }
0xbb: {  	[dreg:$0x1] =	wrdreg $0xFFFFFFFF  }
0xbc: {  	[dreg:$0x0] =	wrdreg $0x60  }
0xbd: {  	[dreg:$0x2] =	wrdreg s24  }
0xbe: {  	[dreg:$0x3] =	wrdreg $0xCA000  }
0xbf: {  	[dreg:$0x4] =	wrdreg $0x9  }
0xc0: {  	_ =	task.clear_ibuf [dreg:s22], $0x5FFFF;
	_ =	strace $0x90000055  }
0xc1: {  	s29 =	simm.s32 $0x9;
	_ =	strace $0x80000057  }
0xc2: {  	_ =	swait.ge [sflag:s29], $0x1  }
0xc3: {  	[sflag:s29] =	ssyncadd.s32 $0xFFFFFFFF  }
0xc4: {  	_ =	strace $0x90000057  }
0xc5: {  	_ =	sfence  }
0xc6: {  	s30 =	sld [smem:$0x0];
	_ =	sdelay $0x2  }
0xc7: {  	s31 =	sshll.u32 s1, $0xD;
	s1 =	sshrl.u32 s1, $0x2  }
0xc8: {  	s4 =	sand.u32 $0x4000, s31;
	s1 =	sadd.s32 s1, s30  }
0xc9: {  	s0 =	sor.u32 s4, s0;
	s1 =	sshll.u32 s1, $0x11  }
0xca: {  	s0 =	sor.u32 s1, s0  }
0xcb: {  	s0 =	sadd.s32 $0x8F2B, s0  }
0xcc: {  	[sflag:s0] =	ssyncadd.remote.s32 $0x1  }
0xcd: {  	_ =	sfence.sel $0xFFFF  }
0xce: {  	[dreg:$0x0] =	wrdreg $0xFFFFFFFF;
	(pc) =	sbr.abs _section_cstart, $3  }
0xcf: {  	[dreg:$0x1] =	wrdreg $0xFFFFFFFF  }
0xd0: {  	_ =	task.clear_ibuf [dreg:s22], $0x2FFFF;
	_ =	strace $0x9FFFFFFF  }
0xd1: {  	(tm) =	ssettm $0x7FFFFFFF  }
tec
execute0_lowered:
.L_overlay_start_1:
0x0: {  	(tag) =	ssettag $0x1  }
0x1: {  	s0 =	rddreg [dreg:$0x0]  }
0x2: {  	s1 =	rddreg [dreg:$0x1];
	s2 =	simm.s32 $0x0;
	s4 =	stileid.u32  }
0x3: {  	s3 =	srdreg.scid;
	s28 =	simm.s32 $0x4;
	s6 =	smul.u32 $0x1380, s4  }
0x4: {  	s29 =	simm.s32 $0x0;
	[smem:$0x7FF] =	sst s2;
	s5 =	smul.u32 $0xFA0, s4  }
0x5: {  	s7 =	sand.u32 $0x1, s3;
	s8 =	sadd.s32 $0xA33E00, s0;
	s31 =	smul.u32 $0xFA00, s4  }
0x6: {  	s3 =	sadd.s32 $0xA2FE00, s0;
	s13 =	sadd.s32 $0x7F800, s0;
	s19 =	smul.u32 $0x27000, s4  }
0x7: {  	s23 =	sshll.u32 s4, $0x6;
	p0 =	sne.s32 s4, $0x0;
	s10 =	smul.u32 $0xFA00, s7  }
0x8: {  	_ =	strace $0x80000056;
	s9 =	ssub.s32 $0x2, s7;
	s24 =	smul.u32 $0x9C800, s7  }
0x9: {  	s7 =	smul.u32 $0x13900, s7;
	s11 =	sadd.s32 s6, s0;
	s12 =	sshrl.u32 s9, $0x1  }
0xa: {  	s14 =	sadd.s32 $0xC8, s5;
	s20 =	sadd.s32 s8, s31;
	s22 =	sshrl.u32 s19, $0x2  }
0xb: {  	s19 =	simm.s32 $0x200;
	s15 =	ssub.s32 s9, s12;
	s16 =	sadd.s32 s5, s10  }
0xc: {  	s18 =	sadd.s32 s10, s14;
	s21 =	sshll.u32 s14, $0x4;
	s25 =	sadd.s32 $0x6BE00, s11  }
0xd: {  	s10 =	sor.u32 $0x1C05, s23;
	s11 =	sadd.s32 $0x9C000, s1;
	s12 =	sadd.s32 $0x7F600, s0  }
0xe: {  	s26 =	sshrl.u32 s24, $0x3;
	s6 =	sadd.s32 s6, s7;
	s7 =	sadd.s32 $0x2580, s20  }
0xf: {  	s23 =	simm.s32 $0x1;
	s24 =	simm.s32 $0x3;
	s30 =	sshrl.u32 s16, $0x3  }
0x10: {  	s9 =	sshrl.u32 s18, $0x3;
	s8 =	sadd.s32 s8, s21;
	[dreg:$0x7] =	wrdreg s25  }
0x11: {  	s0 =	sadd.s32 s13, s26;
	s13 =	sadd.s32 s13, s6;
	s15 =	smax.u32 s15, $0x1  }
0x12: {  	s18 =	sadd.s32 $0x190, s16;
	s21 =	simm.s32 $0x6600;
	s25 =	simm.s32 $0xC8  }
0x13: {  	s26 =	simm.s32 $0x2;
	s17 =	sadd.s32 s3, s30;
	[dreg:$0x5] =	wrdreg s8  }
0x14: {  	s9 =	sadd.s32 s3, s9;
	s8 =	sadd.s32 s22, s1;
	[dreg:$0x3] =	wrdreg s17  }
0x15: {  	s30 =	sadd.s32 $0x258, s16;
	s14 =	sadd.s32 $0x13800, s0;
	[dreg:$0x4] =	wrdreg s9  }
0x16: {  	s22 =	simm.s32 $0x5;
	[dreg:$0x6] =	wrdreg s8;
	s31 =	sshrl.u32 s30, $0x3  }
0x17: {  	s9 =	smov.u32 s20;
	s20 =	simm.s32 $0x100;
	s17 =	sadd.s32 s31, s3  }
.LBB2_1:
0x18: {  	s0 =	rddreg [dreg:$0x3]  }
0x19: {  	s8 =	rddreg [dreg:$0x4]  }
0x1a: {  	[tilespmem:s2], [sflag:$0x1] =	stream.linear.gather [hbm4b:s0+s2], $0xC8, $0x38;
	[tilespmem:$0x16680] =	vst v63  }
0x1b: {  	s16 =	rddreg [dreg:$0x5]  }
0x1c: {  	[tilespmem:s19], [sflag:$0x3] =	stream.linear.gather [hbm4b:s9+s2], $0x6400, $0x38;
	[tilespmem:$0x16680] =	vst v63  }
0x1d: {  	s4 =	rddreg [dreg:$0x6]  }
0x1e: {  	[tilespmem:s20], [sflag:$0x2] =	stream.linear.gather [hbm4b:s8+s2], $0xC8, $0x38;
	[tilespmem:$0x16680] =	vst v63  }
0x1f: {  	s5 =	rddreg [dreg:$0x7];
	s30 =	sshrl.u32 s4, $0x3  }
0x20: {  	[tilespmem:s21], [sflag:$0x4] =	stream.linear.gather [hbm4b:s16+s2], $0x6400, $0x38;
	[tilespmem:$0x16680] =	vst v63  }
0x21: {  	[spmem:s30], [sflag:s10] =	dma.local [hbm:s5], $0x1380  }
0x22: {  	_ =	swait.ge [sflag:s22], $0x1380  }
0x23: {  	[sflag:s22] =	ssyncset.done $0x0  }
0x24: {  	s31 =	sshrl.u32 @!p0 s11, $0x3;
	s0 =	simm.s32 @!p0 $0x5;
	[sflag:s22] =	ssyncadd.s32 $0xFFFFEC80  }
0x25: {  	[spmem:s31], [sflag:s10] =	dma.local @!p0 [hbm:s12], $0x100  }
0x26: {  	_ =	swait.ge @!p0 [sflag:s0], $0x100  }
0x27: {  	[sflag:s0] =	ssyncset.done @!p0 $0x0  }
0x28: {  	[sflag:s0] =	ssyncadd.s32 @!p0 $0xFFFFFF00  }
0x29: {  	[bflag:$0x0] =	sbarrier.arrive $0xFFFF  }
0x2a: {  	_ =	swait.ge [sflag:s23], $0xC8  }
0x2b: {  	[sflag:s23] =	ssyncset.done $0x0  }
0x2c: {  	[sflag:s23] =	ssyncadd.s32 $0xFFFFFF38  }
0x2d: {  	_ =	swait.ge [sflag:s24], $0x6400  }
0x2e: {  	[sflag:s24] =	ssyncset.done $0x0  }
0x2f: {  	[sflag:s24] =	ssyncadd.s32 $0xFFFF9C00  }
0x30: {  	[spmem:s1] =	stream.indirect.scatter.add.f32 [tilespmem:s19], [sflag:$0x5], $0x80, s2, s25, $0xb8;
	[tilespmem:$0x16680] =	vst v63  }
0x31: {  	_ =	swait.ge [sflag:s22], $0x6400  }
0x32: {  	s6 =	sshrl.u32 s18, $0x3;
	[sflag:s22] =	ssyncset.done $0x0  }
0x33: {  	s0 =	sadd.s32 s3, s6;
	[sflag:s22] =	ssyncadd.s32 $0xFFFF9C00  }
0x34: {  	[tilespmem:s2], [sflag:$0x1] =	stream.linear.gather [hbm4b:s0+s2], $0xC8, $0x38;
	[tilespmem:$0x16680] =	vst v63  }
0x35: {  	s8 =	sadd.s32 $0xFFFFF380, s7  }
0x36: {  	[tilespmem:s19], [sflag:$0x3] =	stream.linear.gather [hbm4b:s8+s2], $0x6400, $0x38;
	[tilespmem:$0x16680] =	vst v63  }
0x37: {  	_ =	swait.ge [sflag:s26], $0xC8  }
0x38: {  	[sflag:s26] =	ssyncset.done $0x0  }
0x39: {  	[sflag:s26] =	ssyncadd.s32 $0xFFFFFF38  }
0x3a: {  	_ =	swait.ge [sflag:s28], $0x6400  }
0x3b: {  	[sflag:s28] =	ssyncset.done $0x0  }
0x3c: {  	[sflag:s28] =	ssyncadd.s32 $0xFFFF9C00  }
0x3d: {  	[spmem:s1] =	stream.indirect.scatter.add.f32 [tilespmem:s21], [sflag:$0x5], $0x80, s20, s25, $0xb8;
	[tilespmem:$0x16680] =	vst v63  }
0x3e: {  	_ =	swait.ge [sflag:s22], $0x6400  }
0x3f: {  	[sflag:s22] =	ssyncset.done $0x0  }
0x40: {  	s4 =	sadd.s32 $0x1900, s7;
	s16 =	sadd.s32 $0x0, s17;
	[sflag:s22] =	ssyncadd.s32 $0xFFFF9C00  }
0x41: {  	[tilespmem:s20], [sflag:$0x2] =	stream.linear.gather [hbm4b:s16+s2], $0xC8, $0x38;
	[tilespmem:$0x16680] =	vst v63  }
0x42: {  	s6 =	sadd.s32 $0x190, s18;
	s0 =	simm.s32 $0x32;
	s16 =	smov.u32 s7  }
.LBB2_2:
0x43: {  	[tilespmem:s21], [sflag:$0x4] =	stream.linear.gather [hbm4b:s16+s2], $0x6400, $0x38;
	[tilespmem:$0x16680] =	vst v63  }
0x44: {  	s8 =	smov.u32 s0;
	s16 =	smov.u32 s4  }
0x45: {  	p1 =	sne.s32 s0, $0x190;
	s0 =	sadd.s32 $0x32, s0;
	_ =	swait.ge [sflag:s23], $0xC8  }
0x46: {  	[sflag:s23] =	ssyncset.done $0x0  }
0x47: {  	[sflag:s23] =	ssyncadd.s32 $0xFFFFFF38  }
0x48: {  	_ =	swait.ge [sflag:s24], $0x6400  }
0x49: {  	[sflag:s24] =	ssyncset.done $0x0  }
0x4a: {  	[sflag:s24] =	ssyncadd.s32 $0xFFFF9C00  }
0x4b: {  	[spmem:s1] =	stream.indirect.scatter.add.f32 [tilespmem:s19], [sflag:$0x5], $0x80, s2, s25, $0xb8;
	[tilespmem:$0x16680] =	vst v63  }
0x4c: {  	_ =	swait.ge [sflag:s22], $0x6400  }
0x4d: {  	s5 =	sshrl.u32 s6, $0x3;
	[sflag:s22] =	ssyncset.done $0x0  }
0x4e: {  	s5 =	sadd.s32 s3, s5;
	[sflag:s22] =	ssyncadd.s32 $0xFFFF9C00  }
0x4f: {  	[tilespmem:s2], [sflag:$0x1] =	stream.linear.gather [hbm4b:s5+s2], $0xC8, $0x38;
	[tilespmem:$0x16680] =	vst v63  }
0x50: {  	s5 =	sadd.s32 $0xFFFFF380, s4  }
0x51: {  	[tilespmem:s19], [sflag:$0x3] =	stream.linear.gather [hbm4b:s5+s2], $0x6400, $0x38;
	[tilespmem:$0x16680] =	vst v63  }
0x52: {  	_ =	swait.ge [sflag:s26], $0xC8  }
0x53: {  	[sflag:s26] =	ssyncset.done $0x0  }
0x54: {  	[sflag:s26] =	ssyncadd.s32 $0xFFFFFF38  }
0x55: {  	_ =	swait.ge [sflag:s28], $0x6400  }
0x56: {  	[sflag:s28] =	ssyncset.done $0x0  }
0x57: {  	[sflag:s28] =	ssyncadd.s32 $0xFFFF9C00  }
0x58: {  	[spmem:s1] =	stream.indirect.scatter.add.f32 [tilespmem:s21], [sflag:$0x5], $0x80, s20, s25, $0xb8;
	[tilespmem:$0x16680] =	vst v63  }
.Ltmp0:
0x59: {  	_ =	swait.ge [sflag:s22], $0x6400;
	(pc) =	sbr.rel @p1 .LBB2_2-.Ltmp0, $4  }
0x5a: {  	[sflag:s22] =	ssyncset.done $0x0  }
0x5b: {  	s5 =	sadd.s32 s8, s17;
	[sflag:s22] =	ssyncadd.s32 $0xFFFF9C00  }
0x5c: {  	[tilespmem:s20], [sflag:$0x2] =	stream.linear.gather [hbm4b:s5+s2], $0xC8, $0x38;
	[tilespmem:$0x16680] =	vst v63  }
0x5d: {  	s6 =	sadd.s32 $0x190, s6;
	s4 =	sadd.s32 $0x1900, s4  }
0x5e: {  	[tilespmem:s21], [sflag:$0x4] =	stream.linear.gather [hbm4b:s16+s2], $0x6400, $0x38;
	[tilespmem:$0x16680] =	vst v63  }
0x5f: {  	_ =	swait.ge [sflag:s23], $0xC8  }
0x60: {  	[sflag:s23] =	ssyncset.done $0x0  }
0x61: {  	[sflag:s23] =	ssyncadd.s32 $0xFFFFFF38  }
0x62: {  	_ =	swait.ge [sflag:s24], $0x6400  }
0x63: {  	[sflag:s24] =	ssyncset.done $0x0  }
0x64: {  	[sflag:s24] =	ssyncadd.s32 $0xFFFF9C00  }
0x65: {  	[spmem:s1] =	stream.indirect.scatter.add.f32 [tilespmem:s19], [sflag:$0x5], $0x80, s2, s25, $0xb8;
	[tilespmem:$0x16680] =	vst v63  }
0x66: {  	_ =	swait.ge [sflag:s22], $0x6400  }
0x67: {  	[sflag:s22] =	ssyncset.done $0x0  }
0x68: {  	[sflag:s22] =	ssyncadd.s32 $0xFFFF9C00  }
0x69: {  	_ =	swait.ge [sflag:s26], $0xC8  }
0x6a: {  	[sflag:s26] =	ssyncset.done $0x0  }
0x6b: {  	[sflag:s26] =	ssyncadd.s32 $0xFFFFFF38  }
0x6c: {  	_ =	swait.ge [sflag:s28], $0x6400  }
0x6d: {  	[sflag:s28] =	ssyncset.done $0x0  }
0x6e: {  	[sflag:s28] =	ssyncadd.s32 $0xFFFF9C00  }
0x6f: {  	[spmem:s1] =	stream.indirect.scatter.add.f32 [tilespmem:s21], [sflag:$0x5], $0x80, s20, s25, $0xb8;
	[tilespmem:$0x16680] =	vst v63  }
0x70: {  	_ =	swait.ge [sflag:s22], $0x6400  }
0x71: {  	[sflag:s22] =	ssyncset.done $0x0  }
0x72: {  	[sflag:s22] =	ssyncadd.s32 $0xFFFF9C00  }
0x73: {  	[bflag:$0x0] =	sbarrier.arrive $0xFFFF  }
0x74: {  	[hbm:s13], [sflag:s10] =	dma.local [spmem:s30], $0x1380  }
0x75: {  	s29 =	sadd.s32 $0x1, s29;
	_ =	swait.ge [sflag:s22], $0x1380  }
0x76: {  	p1 =	sne.s32 s29, s15;
	[sflag:s22] =	ssyncset.done $0x0  }
.Ltmp1:
0x77: {  	s0 =	simm.s32 @!p0 $0x5;
	[sflag:s22] =	ssyncadd.s32 $0xFFFFEC80;
	(pc) =	sbr.rel @p1 .LBB2_1-.Ltmp1, $4  }
0x78: {  	[hbm:s14], [sflag:s10] =	dma.local @!p0 [spmem:s31], $0x100  }
0x79: {  	_ =	swait.ge @!p0 [sflag:s0], $0x100  }
0x7a: {  	[sflag:s0] =	ssyncset.done @!p0 $0x0  }
0x7b: {  	[sflag:s0] =	ssyncadd.s32 @!p0 $0xFFFFFF00  }
0x7c: {  	_ =	sfence.sel $0x180000  }
0x7d: {  	[bflag:$0x0] =	sbarrier.arrive $0xFFFF  }
0x7e: {  	_ =	strace $0x90000056  }
0x7f: {  	[bflag:$0x2] =	sbarrier.arrive $0xFFFF  }
0x80: {  	s0 =	rddreg [dreg:$0x2]  }
0x81: {  	s0 =	sadd.s32 @!p0 $0x100000, s0  }
0x82: {  	[sflag:s0] =	ssyncadd.tile.s32 @!p0 $0x1;
	_ =	shalt  }
.Lfunc_end2:
_tile_overlayer_lowered:
.L_overlay_start_2:
0x83: {  	(tag) =	ssettag $0x2  }
0x84: {  	s0 =	rddreg [dreg:$0x0];
	s2 =	stileid.u32  }
0x85: {  	s1 =	rddreg [dreg:$0x1];
	p0 =	sne.s32 s2, $0x0  }
0x86: {  	s3 =	rddreg [dreg:$0x2];
	[bflag:$0x3] =	sbarrier.arrive $0xFFFF;
	s2 =	simm.s32 @!p0 $0x1C05  }
0x87: {  	[timem:s3], [sflag:s2] =	dma.local @!p0 [hbm:s0], s1  }
0x88: {  	s0 =	simm.s32 @!p0 $0x5  }
0x89: {  	_ =	swait.ge @!p0 [sflag:s0], s1  }
0x8a: {  	s1 =	ssub.s32 @!p0 $0x0, s1;
	[sflag:s0] =	ssyncset.done @!p0 $0x0  }
0x8b: {  	[sflag:s0] =	ssyncadd.s32 @!p0 s1  }
0x8c: {  	[bflag:$0x3] =	sbarrier.arrive $0xFFFF  }
0x8d: {  	_ =	shalt  }

// kernel: kernel.30.cloned.1.call-start
scs
__scs_entry_jumppad:
0x0: {  	(pc) =	sbr.rel $0x88, $3  }
0x1: {  	(tag) =	ssettag $0x0;
	lr =	simm.s32 $0x1  }
0x2: {  	[smem:$0x3F89] =	sst lr;
	_ =	strace $0xD0000000  }
0x3: {  	_ = 	snop  }
0x4: {  	_ = 	snop  }
0x5: {  	_ = 	snop  }
0x6: {  	_ = 	snop  }
0x7: {  	_ = 	snop  }
__scs_overlays_trampoline_lowered:
0x8: {  	[smem:$0x3F98] =	sst s0  }
0x9: {  	[smem:$0x3F99] =	sst s1  }
0xa: {  	[smem:$0x3F9A] =	sst s2  }
0xb: {  	[smem:$0x3F9B] =	sst s3  }
0xc: {  	[smem:$0x3F9C] =	sst s4  }
0xd: {  	[smem:$0x3F9D] =	sst s5  }
0xe: {  	[smem:$0x3F9E] =	sst s6  }
0xf: {  	[smem:$0x3F9F] =	sst s7  }
0x10: {  	[smem:$0x3FA0] =	sst s8  }
0x11: {  	[smem:$0x3FA1] =	sst s9;
	s0 =	simm.s32 @!p0 $0x0  }
0x12: {  	s1 =	sld [smem:$0x3F87];
	s0 =	simm.s32 @p0 $0x1  }
0x13: {  	[smem:$0x3FA2] =	sst s0;
	s0 =	simm.s32 @!p1 $0x0  }
0x14: {  	s2 =	sld [smem:$0x3F86];
	s0 =	simm.s32 @p1 $0x1  }
0x15: {  	[smem:$0x3FA3] =	sst s0;
	s0 =	simm.s32 @!p2 $0x0  }
0x16: {  	s3 =	sld [smem:$0x3FDB];
	s0 =	simm.s32 @p2 $0x1  }
0x17: {  	s4 =	simm.s32 $0x1BF5;
	[smem:$0x3FA5] =	sst s0  }
0x18: {  	s0 =	sld [smem:$0x3F88];
	_ =	swait.ge [sflag:s4], $0x0  }
0x19: {  	s7 =	sld [smem:$0x3F89]  }
0x1a: {  	s8 =	sadd.s32 $0xFFFFE003, lr  }
0x1b: {  	s9 =	sadd.s32 $0xFFFFFEF7, lr;
	s5 =	simm.s32 $0xFFFFFFFF;
	p2 =	slt.u32 s8, $0xFFFFF086  }
0x1c: {  	p1 =	slt.u32 s9, $0xF7A;
	s5 =	simm.s32 @!p2 $0x0  }
0x1d: {  	s5 =	simm.s32 @p1 $0x1;
	p0 =	seq.s32 s7, s2  }
0x1e: {  	s7 =	smul.u32 @!p0 $0xF7A, s2;
	p2 =	seq.s32 @!p0 s5, $0x0  }
0x1f: {  	s9 =	smul.u32 $0xF7A, s1;
	s8 =	simm.s32 @!p0 $0x1BF5;
	p2 =	por !p2, p0  }
0x20: {  	[sflag:s8] =	ssyncset.s32 @!p0 $0xFFFFF086;
	s6 =	sadd.s32 @!p0 s3, s7;
	s7 =	simm.s32 @!p0 $0x108  }
0x21: {  	s3 =	sadd.s32 s3, s9;
	s6 =	sadd.s32 @!p0 $0x88, s6;
	s7 =	simm.s32 @p2 $0x1082  }
0x22: {  	[simem:s7], [sflag:s8] =	dma.local @!p0 [hbm:s6], $0xF7A  }
0x23: {  	s9 =	sor.u32 $0xD0000000, s2;
	s6 =	simm.s32 $0x108;
	_ =	swait.ge @!p0 [sflag:s8], $0x0  }
0x24: {  	s3 =	sadd.s32 $0x88, s3;
	s6 =	simm.s32 @!p1 $0x1082;
	[sflag:s4] =	ssyncset.s32 $0xFFFFF086  }
0x25: {  	[simem:s6], [sflag:s4] =	dma.local [hbm:s3], $0xF7A  }
0x26: {  	[smem:$0x3F89] =	sst s1;
	(tag) =	ssettag s2;
	_ =	strace s9  }
0x27: {  	s1 =	sld [smem:$0x3F99]  }
0x28: {  	s2 =	sld [smem:$0x3F9A]  }
0x29: {  	s4 =	sld [smem:$0x3F9C]  }
0x2a: {  	p0 =	seq.s32 s5, $0x0;
	s5 =	sld [smem:$0x3F9D]  }
0x2b: {  	s6 =	sld [smem:$0x3F9E]  }
0x2c: {  	s7 =	sld [smem:$0x3F9F]  }
0x2d: {  	s3 =	simm.s32 $0x108;
	s8 =	sld [smem:$0x3FA0]  }
0x2e: {  	s3 =	simm.s32 @!p0 $0x1082;
	s9 =	sld [smem:$0x3FA1]  }
0x2f: {  	lr =	sadd.s32 s0, s3;
	s0 =	sld [smem:$0x3F98]  }
0x30: {  	s3 =	sld [smem:$0x3F9B]  }
0x31: {  	[smem:$0x3FA4] =	sst s10  }
0x32: {  	s10 =	sld [smem:$0x3FA2];
	_ =	sdelay $0x3  }
0x33: {  	p0 =	seq.s32 s10, $0x1;
	s10 =	sld [smem:$0x3FA4];
	_ =	sdelay $0x3  }
0x34: {  	[smem:$0x3FA4] =	sst s10  }
0x35: {  	s10 =	sld [smem:$0x3FA3];
	_ =	sdelay $0x3  }
0x36: {  	p1 =	seq.s32 s10, $0x1;
	s10 =	sld [smem:$0x3FA4];
	_ =	sdelay $0x3  }
0x37: {  	[smem:$0x3FA4] =	sst s10  }
0x38: {  	s10 =	sld [smem:$0x3FA5]  }
0x39: {  	_ = 	snop;
	(pc) =	sbr.ind lr, $3  }
0x3a: {  	_ = 	snop  }
0x3b: {  	_ = 	snop  }
0x3c: {  	p2 =	seq.s32 s10, $0x1;
	s10 =	sld [smem:$0x3FA4]  }
0x3d: {  	_ =	shalt  }
0x3e: {  	_ =	shalt  }
0x3f: {  	_ =	shalt  }
0x40: {  	_ =	shalt  }
0x41: {  	_ =	shalt  }
0x42: {  	_ =	shalt  }
0x43: {  	_ =	shalt  }
0x44: {  	_ =	shalt  }
0x45: {  	_ =	shalt  }
0x46: {  	_ =	shalt  }
0x47: {  	_ =	shalt  }
0x48: {  	_ =	shalt  }
0x49: {  	_ =	shalt  }
0x4a: {  	_ =	shalt  }
0x4b: {  	_ =	shalt  }
0x4c: {  	_ =	shalt  }
0x4d: {  	_ =	shalt  }
0x4e: {  	_ =	shalt  }
0x4f: {  	_ =	shalt  }
0x50: {  	_ =	shalt  }
0x51: {  	_ =	shalt  }
0x52: {  	_ =	shalt  }
0x53: {  	_ =	shalt  }
0x54: {  	_ =	shalt  }
0x55: {  	_ =	shalt  }
0x56: {  	_ =	shalt  }
0x57: {  	_ =	shalt  }
0x58: {  	_ =	shalt  }
0x59: {  	_ =	shalt  }
0x5a: {  	_ =	shalt  }
0x5b: {  	_ =	shalt  }
0x5c: {  	_ =	shalt  }
0x5d: {  	_ =	shalt  }
0x5e: {  	_ =	shalt  }
0x5f: {  	_ =	shalt  }
0x60: {  	_ =	shalt  }
0x61: {  	_ =	shalt  }
0x62: {  	_ =	shalt  }
0x63: {  	_ =	shalt  }
0x64: {  	_ =	shalt  }
0x65: {  	_ =	shalt  }
0x66: {  	_ =	shalt  }
0x67: {  	_ =	shalt  }
0x68: {  	_ =	shalt  }
0x69: {  	_ =	shalt  }
0x6a: {  	_ =	shalt  }
0x6b: {  	_ =	shalt  }
0x6c: {  	_ =	shalt  }
0x6d: {  	_ =	shalt  }
0x6e: {  	_ =	shalt  }
0x6f: {  	_ =	shalt  }
0x70: {  	_ =	shalt  }
0x71: {  	_ =	shalt  }
0x72: {  	_ =	shalt  }
0x73: {  	_ =	shalt  }
0x74: {  	_ =	shalt  }
0x75: {  	_ =	shalt  }
0x76: {  	_ =	shalt  }
0x77: {  	_ =	shalt  }
0x78: {  	_ =	shalt  }
0x79: {  	_ =	shalt  }
0x7a: {  	_ =	shalt  }
0x7b: {  	_ =	shalt  }
0x7c: {  	_ =	shalt  }
0x7d: {  	_ =	shalt  }
0x7e: {  	_ =	shalt  }
0x7f: {  	_ =	shalt  }
0x80: {  	_ =	shalt  }
0x81: {  	_ =	shalt  }
0x82: {  	_ =	shalt  }
0x83: {  	_ =	shalt  }
0x84: {  	_ =	shalt  }
0x85: {  	_ =	shalt  }
0x86: {  	_ =	shalt  }
0x87: {  	_ =	shalt  }
.Lfunc_end0:
.L_simem_size_0:
called_computation.2_lowered:
.L_overlay_start_0:
0x88: {  	s2 =	sld [smem:$0x3FD9]  }
0x89: {  	s3 =	sld [smem:$0x3FFE];
	_ =	sdelay $0x1  }
0x8a: {  	s1 =	srdreg.scid  }
0x8b: {  	s0 =	sand.u32 $0x1, s1  }
0x8c: {  	s17 =	sshll.u32 s0, $0xA;
	s2 =	sadd.s32 s3, s2  }
0x8d: {  	s2 =	sadd.s32 s2, s17  }
0x8e: {  	[smem:$0x3FB0] =	sst s2  }
0x8f: {  	_ = 	snop  }
0x90: {  	(tm) =	ssettm $0x1  }
0x91: {  	s18 =	sld [smem:$0x3FFB];
	_ =	sdelay $0x3  }
0x92: {  	_ =	strace s18  }
0x93: {  	s2 =	sld [smem:$0x3FFC];
	_ =	sdelay $0x3  }
0x94: {  	_ =	strace s2  }
0x95: {  	s2 =	sld [smem:$0x3FFD];
	_ =	sdelay $0x3  }
0x96: {  	_ =	strace s2  }
0x97: {  	_ =	strace $0x8FFFFFFF  }
0x98: {  	s19 =	sld [smem:$0x3FDB];
	_ =	sdelay $0x1  }
0x99: {  	s20 =	simm.s32 $_scs_section_size  }
0x9a: {  	s4 =	simm.s32 $_size__tile_overlayer_lowered;
	s5 =	simm.s32 $_tile_overlayer_lowered  }
0x9b: {  	s6 =	simm.s32 $0x1BFF;
	s21 =	sshll.u32 s5, $0x1;
	s3 =	sadd.s32 s20, s19  }
0x9c: {  	s22 =	simm.s32 $0x0;
	s4 =	sshll.u32 s4, $0x1;
	s5 =	sadd.s32 s21, s3  }
0x9d: {  	[timem:s22], [sflag:s6] =	dma.local [hbm:s5], s4  }
0x9e: {  	_ =	swait.ge [sflag:s6], s4  }
0x9f: {  	s4 =	ssub.s32 $0x0, s4;
	[sflag:s6] =	ssyncset.done $0x0  }
0xa0: {  	[sflag:s6] =	ssyncadd.s32 s4;
	_ =	sdelay $0x1  }
0xa1: {  	s23 =	simm.s32 $0x1B8B  }
0xa2: {  	_ =	swait.ge [sflag:s23], $0x1  }
0xa3: {  	[sflag:s23] =	ssyncset.done $0x0  }
0xa4: {  	[sflag:s23] =	ssyncadd.s32 $0xFFFFFFFF  }
0xa5: {  	s4 =	sld [smem:$0x0]  }
0xa6: {  	s5 =	sand.u32 $0xFFFFFFFE, s1  }
0xa7: {  	p0 =	sne.s32 s1, s5  }
0xa8: {  	s5 =	sshll.u32 @p0 s5, $0xE  }
0xa9: {  	s5 =	sadd.s32 @p0 $0x11B8D, s5;
	s6 =	sshll.u32 @p0 s4, $0x11  }
0xaa: {  	s5 =	sor.u32 @p0 s6, s5  }
0xab: {  	[sflag:s5] =	ssyncadd.remote.s32 @p0 $0x1;
	_ =	sdelay $0x1  }
0xac: {  	s5 =	simm.s32 @p0 $0x1B8D  }
0xad: {  	_ =	swait.eq @p0 [sflag:s5], $0x1  }
0xae: {  	[sflag:s5] =	ssyncadd.s32 @p0 $0xFFFFFFFF  }
0xaf: {  	s6 =	sshll.u32 @!p0 s1, $0xE  }
0xb0: {  	s6 =	sor.u32 @!p0 $0x4000, s6;
	s5 =	simm.s32 @!p0 $0x1B8D  }
0xb1: {  	s4 =	sshll.u32 @!p0 s4, $0x11;
	s6 =	sadd.s32 @!p0 $0x11B8D, s6;
	_ =	swait.eq @!p0 [sflag:s5], $0x1  }
0xb2: {  	s4 =	sor.u32 @!p0 s4, s6;
	[sflag:s5] =	ssyncadd.s32 @!p0 $0xFFFFFFFF  }
0xb3: {  	s25 =	simm.s32 $0x1B8E;
	s24 =	sld [smem:$0x3FFE];
	[sflag:s4] =	ssyncadd.remote.s32 @!p0 $0x1  }
0xb4: {  	s26 =	simm.s32 $execute0_lowered;
	[smem:$0x3FD2] =	sst s25  }
0xb5: {  	s5 =	sshll.u32 s26, $0x1;
	_ =	strace $0x80000049;
	[dreg:$0x1] =	wrdreg $0xFFFFFFFF  }
0xb6: {  	s28 =	simm.s32 $_size_execute0_lowered;
	s3 =	sadd.s32 s3, s5;
	[dreg:$0x0] =	wrdreg $0x0  }
0xb7: {  	s5 =	sshll.u32 s28, $0x1;
	[dreg:$0x2] =	wrdreg s3  }
0xb8: {  	[dreg:$0x3] =	wrdreg s5  }
0xb9: {  	[dreg:$0x4] =	wrdreg $0xC0  }
0xba: {  	_ =	task [dreg:s22], $0x5FFFF  }
0xbb: {  	[dreg:$0x1] =	wrdreg $0xFFFFFFFF  }
0xbc: {  	[dreg:$0x0] =	wrdreg $0x60  }
0xbd: {  	[dreg:$0x2] =	wrdreg s24  }
0xbe: {  	[dreg:$0x3] =	wrdreg $0xB  }
0xbf: {  	_ =	task.clear_ibuf [dreg:s22], $0x4FFFF;
	_ =	strace $0x90000049  }
0xc0: {  	s29 =	simm.s32 $0xB;
	_ =	strace $0x8000004B  }
0xc1: {  	_ =	swait.ge [sflag:s29], $0x1  }
0xc2: {  	[sflag:s29] =	ssyncadd.s32 $0xFFFFFFFF  }
0xc3: {  	_ =	strace $0x9000004B  }
0xc4: {  	_ =	sfence  }
0xc5: {  	s30 =	sld [smem:$0x0];
	_ =	sdelay $0x2  }
0xc6: {  	s31 =	sshll.u32 s1, $0xD;
	s1 =	sshrl.u32 s1, $0x2  }
0xc7: {  	s4 =	sand.u32 $0x4000, s31;
	s1 =	sadd.s32 s1, s30  }
0xc8: {  	s0 =	sor.u32 s4, s0;
	s1 =	sshll.u32 s1, $0x11  }
0xc9: {  	s0 =	sor.u32 s1, s0  }
0xca: {  	s0 =	sadd.s32 $0x8F2B, s0  }
0xcb: {  	[sflag:s0] =	ssyncadd.remote.s32 $0x1  }
0xcc: {  	_ =	sfence.sel $0xFFFF  }
0xcd: {  	[dreg:$0x0] =	wrdreg $0xFFFFFFFF;
	(pc) =	sbr.abs _section_cstart, $3  }
0xce: {  	[dreg:$0x1] =	wrdreg $0xFFFFFFFF  }
0xcf: {  	_ =	task.clear_ibuf [dreg:s22], $0x2FFFF;
	_ =	strace $0x9FFFFFFF  }
0xd0: {  	(tm) =	ssettm $0x7FFFFFFF  }
0xd1: {  	_ =	shalt  }
tec
execute0_lowered:
.L_overlay_start_1:
0x0: {  	(tag) =	ssettag $0x1  }
0x1: {  	s1 =	srdreg.scid  }
0x2: {  	s0 =	stileid.u32;
	s5 =	rddreg [dreg:$0x0]  }
0x3: {  	s2 =	simm.s32 $0x0;
	s17 =	simm.s32 $0x1000;
	s18 =	simm.s32 $0x7400  }
0x4: {  	s19 =	simm.s32 $0xD800;
	s20 =	simm.s32 $0x8C8;
	s21 =	simm.s32 $0x13C00  }
0x5: {  	s22 =	simm.s32 $0x1;
	s23 =	simm.s32 $0x2;
	s24 =	simm.s32 $0x3  }
0x6: {  	s25 =	simm.s32 $0x4;
	s26 =	simm.s32 $0x0;
	s11 =	sand.u32 $0x1, s1  }
0x7: {  	s30 =	sshll.u32 s0, $0x1;
	[smem:$0x7FF] =	sst s2;
	s3 =	sadd.s32 $0x9A00, s5  }
0x8: {  	s12 =	sadd.s32 $0x25FE00, s5;
	s15 =	smul.u32 $0xFA00, s0;
	s6 =	sor.u32 s11, s30  }
0x9: {  	s13 =	sadd.s32 $0x359E00, s5;
	s8 =	ssub.s32 $0x2, s11;
	s4 =	smul.u32 $0x7D0, s6  }
0xa: {  	_ =	strace $0x8000004A;
	s9 =	sshrl.u32 s8, $0x1;
	s10 =	smul.u32 $0x7D00, s6  }
0xb: {  	s16 =	smul.u32 $0x7D00, s11;
	s8 =	ssub.s32 s8, s9;
	s7 =	sshrl.u32 s4, $0x3  }
0xc: {  	s4 =	sadd.s32 $0x44C00, s5;
	s31 =	sadd.s32 $0x6400, s10;
	s14 =	sadd.s32 $0x7080, s10  }
0xd: {  	s7 =	sadd.s32 s7, s5;
	s9 =	sadd.s32 s13, s31;
	s10 =	sadd.s32 s12, s14  }
0xe: {  	s11 =	sadd.s32 s13, s14;
	s13 =	sadd.s32 s15, s13;
	s14 =	simm.s32 $0x5  }
0xf: {  	s5 =	sadd.s32 $0x36C00, s7;
	s6 =	sadd.s32 $0x34C00, s7;
	s7 =	smax.u32 s8, $0x1  }
0x10: {  	s8 =	sadd.s32 s12, s31;
	s12 =	sadd.s32 s15, s12;
	s13 =	sadd.s32 s16, s13  }
0x11: {  	s15 =	simm.s32 $0x800;
	s12 =	sadd.s32 s16, s12;
	s16 =	simm.s32 $0xC8  }
.LBB2_1:
0x12: {  	[tilespmem:s2], [sflag:$0x5] =	stream.linear.gather [hbm4b:s5+s2], $0x7D0, $0x38;
	[tilespmem:$0x1A000] =	vst v63  }
0x13: {  	_ =	swait.ge [sflag:s14], $0x7D0  }
0x14: {  	[sflag:s14] =	ssyncset.done $0x0  }
0x15: {  	[sflag:s14] =	ssyncadd.s32 $0xFFFFF830  }
0x16: {  	[tilespmem:s15], [sflag:$0x5] =	stream.linear.gather [hbm4b:s6+s2], $0x7D0, $0x38;
	[tilespmem:$0x1A000] =	vst v63  }
0x17: {  	_ =	swait.ge [sflag:s14], $0x7D0  }
0x18: {  	[sflag:s14] =	ssyncset.done $0x0  }
0x19: {  	[sflag:s14] =	ssyncadd.s32 $0xFFFFF830  }
0x1a: {  	[tilespmem:s17], [sflag:$0x1] =	stream.indirect.gather [hbm4b:s3+s16], $0x80, s2, s16, $0xb8;
	[tilespmem:$0x1A000] =	vst v63  }
0x1b: {  	_ = 	snop  }
0x1c: {  	[tilespmem:s18], [sflag:$0x2] =	stream.indirect.gather [hbm4b:s4+s16], $0x80, s15, s16, $0xb8;
	[tilespmem:$0x1A000] =	vst v63  }
0x1d: {  	_ = 	snop  }
0x1e: {  	[tilespmem:s19], [sflag:$0x3] =	stream.indirect.gather [hbm4b:s3+s16], $0x80, s16, s16, $0xb8;
	[tilespmem:$0x1A000] =	vst v63  }
0x1f: {  	_ = 	snop  }
0x20: {  	[tilespmem:s21], [sflag:$0x4] =	stream.indirect.gather [hbm4b:s4+s16], $0x80, s20, s16, $0xb8;
	[tilespmem:$0x1A000] =	vst v63  }
0x21: {  	_ =	swait.ge [sflag:s22], $0x6400  }
0x22: {  	[sflag:s22] =	ssyncset.done $0x0  }
0x23: {  	[sflag:s22] =	ssyncadd.s32 $0xFFFF9C00  }
0x24: {  	_ =	swait.ge [sflag:s23], $0x6400  }
0x25: {  	[sflag:s23] =	ssyncset.done $0x0  }
0x26: {  	s28 =	sadd.s32 $0x0, s12;
	[sflag:s23] =	ssyncadd.s32 $0xFFFF9C00  }
0x27: {  	[hbm4b:s28+s2] =	stream.linear.scatter [tilespmem:s17], [sflag:$0x1], $0x6400, $0x38;
	[tilespmem:$0x1A000] =	vst v63  }
0x28: {  	s29 =	sadd.s32 $0x0, s13  }
0x29: {  	[hbm4b:s29+s2] =	stream.linear.scatter [tilespmem:s18], [sflag:$0x2], $0x6400, $0x38;
	[tilespmem:$0x1A000] =	vst v63  }
0x2a: {  	_ =	swait.ge [sflag:s24], $0x6400  }
0x2b: {  	[sflag:s24] =	ssyncset.done $0x0  }
0x2c: {  	[sflag:s24] =	ssyncadd.s32 $0xFFFF9C00  }
0x2d: {  	_ =	swait.ge [sflag:s25], $0x6400  }
0x2e: {  	[sflag:s25] =	ssyncset.done $0x0  }
0x2f: {  	s28 =	sadd.s32 $0xC80, s28;
	[sflag:s25] =	ssyncadd.s32 $0xFFFF9C00  }
0x30: {  	[hbm4b:s28+s2] =	stream.linear.scatter [tilespmem:s19], [sflag:$0x3], $0x6400, $0x38;
	[tilespmem:$0x1A000] =	vst v63  }
0x31: {  	s28 =	sadd.s32 $0xC80, s29  }
0x32: {  	[hbm4b:s28+s2] =	stream.linear.scatter [tilespmem:s21], [sflag:$0x4], $0x6400, $0x38;
	[tilespmem:$0x1A000] =	vst v63  }
0x33: {  	_ =	swait.ge [sflag:s22], $0x6400  }
0x34: {  	[sflag:s22] =	ssyncset.done $0x0  }
0x35: {  	[sflag:s22] =	ssyncadd.s32 $0xFFFF9C00  }
0x36: {  	_ =	swait.ge [sflag:s23], $0x6400  }
0x37: {  	[sflag:s23] =	ssyncset.done $0x0  }
0x38: {  	s28 =	simm.s32 $0x190;
	[sflag:s23] =	ssyncadd.s32 $0xFFFF9C00  }
0x39: {  	[tilespmem:s17], [sflag:$0x1] =	stream.indirect.gather [hbm4b:s3+s16], $0x80, s28, s16, $0xb8;
	[tilespmem:$0x1A000] =	vst v63  }
0x3a: {  	s28 =	simm.s32 $0x990  }
0x3b: {  	[tilespmem:s18], [sflag:$0x2] =	stream.indirect.gather [hbm4b:s4+s16], $0x80, s28, s16, $0xb8;
	[tilespmem:$0x1A000] =	vst v63  }
0x3c: {  	_ =	swait.ge [sflag:s24], $0x6400  }
0x3d: {  	[sflag:s24] =	ssyncset.done $0x0  }
0x3e: {  	[sflag:s24] =	ssyncadd.s32 $0xFFFF9C00  }
0x3f: {  	_ =	swait.ge [sflag:s25], $0x6400  }
0x40: {  	[sflag:s25] =	ssyncset.done $0x0  }
0x41: {  	s30 =	simm.s32 $0x3E8;
	s28 =	simm.s32 $0x258;
	[sflag:s25] =	ssyncadd.s32 $0xFFFF9C00  }
0x42: {  	[tilespmem:s19], [sflag:$0x3] =	stream.indirect.gather [hbm4b:s3+s16], $0x80, s28, s16, $0xb8;
	[tilespmem:$0x1A000] =	vst v63  }
0x43: {  	s31 =	simm.s32 $0xBE8;
	s29 =	simm.s32 $0x1900;
	s28 =	simm.s32 $0xA58  }
.LBB2_2:
0x44: {  	[tilespmem:s21], [sflag:$0x4] =	stream.indirect.gather [hbm4b:s4+s16], $0x80, s28, s16, $0xb8;
	[tilespmem:$0x1A000] =	vst v63  }
0x45: {  	s1 =	smov.u32 s29;
	s28 =	smov.u32 s31  }
0x46: {  	p0 =	sne.s32 s29, $0x4B00;
	s29 =	sadd.s32 $0x1900, s29;
	_ =	swait.ge [sflag:s22], $0x6400  }
0x47: {  	[sflag:s22] =	ssyncset.done $0x0  }
0x48: {  	[sflag:s22] =	ssyncadd.s32 $0xFFFF9C00  }
0x49: {  	_ =	swait.ge [sflag:s23], $0x6400  }
0x4a: {  	[sflag:s23] =	ssyncset.done $0x0  }
0x4b: {  	s0 =	sadd.s32 s1, s12;
	[sflag:s23] =	ssyncadd.s32 $0xFFFF9C00  }
0x4c: {  	[hbm4b:s0+s2] =	stream.linear.scatter [tilespmem:s17], [sflag:$0x1], $0x6400, $0x38;
	[tilespmem:$0x1A000] =	vst v63  }
0x4d: {  	s1 =	sadd.s32 s1, s13  }
0x4e: {  	[hbm4b:s1+s2] =	stream.linear.scatter [tilespmem:s18], [sflag:$0x2], $0x6400, $0x38;
	[tilespmem:$0x1A000] =	vst v63  }
0x4f: {  	_ =	swait.ge [sflag:s24], $0x6400  }
0x50: {  	[sflag:s24] =	ssyncset.done $0x0  }
0x51: {  	[sflag:s24] =	ssyncadd.s32 $0xFFFF9C00  }
0x52: {  	_ =	swait.ge [sflag:s25], $0x6400  }
0x53: {  	[sflag:s25] =	ssyncset.done $0x0  }
0x54: {  	s0 =	sadd.s32 $0xC80, s0;
	[sflag:s25] =	ssyncadd.s32 $0xFFFF9C00  }
0x55: {  	[hbm4b:s0+s2] =	stream.linear.scatter [tilespmem:s19], [sflag:$0x3], $0x6400, $0x38;
	[tilespmem:$0x1A000] =	vst v63  }
0x56: {  	s0 =	sadd.s32 $0xC80, s1  }
0x57: {  	[hbm4b:s0+s2] =	stream.linear.scatter [tilespmem:s21], [sflag:$0x4], $0x6400, $0x38;
	[tilespmem:$0x1A000] =	vst v63  }
0x58: {  	_ =	swait.ge [sflag:s22], $0x6400  }
0x59: {  	[sflag:s22] =	ssyncset.done $0x0  }
0x5a: {  	[sflag:s22] =	ssyncadd.s32 $0xFFFF9C00  }
0x5b: {  	_ =	swait.ge [sflag:s23], $0x6400  }
0x5c: {  	[sflag:s23] =	ssyncset.done $0x0  }
0x5d: {  	s0 =	sadd.s32 $0xFFFFFF38, s30;
	[sflag:s23] =	ssyncadd.s32 $0xFFFF9C00  }
0x5e: {  	[tilespmem:s17], [sflag:$0x1] =	stream.indirect.gather [hbm4b:s3+s16], $0x80, s0, s16, $0xb8;
	[tilespmem:$0x1A000] =	vst v63  }
0x5f: {  	s0 =	sadd.s32 $0xFFFFFF38, s31  }
0x60: {  	[tilespmem:s18], [sflag:$0x2] =	stream.indirect.gather [hbm4b:s4+s16], $0x80, s0, s16, $0xb8;
	[tilespmem:$0x1A000] =	vst v63  }
0x61: {  	_ =	swait.ge [sflag:s24], $0x6400  }
0x62: {  	[sflag:s24] =	ssyncset.done $0x0  }
0x63: {  	[sflag:s24] =	ssyncadd.s32 $0xFFFF9C00  }
.Ltmp0:
0x64: {  	_ =	swait.ge [sflag:s25], $0x6400;
	(pc) =	sbr.rel @p0 .LBB2_2-.Ltmp0, $4  }
0x65: {  	[sflag:s25] =	ssyncset.done $0x0  }
0x66: {  	[sflag:s25] =	ssyncadd.s32 $0xFFFF9C00  }
0x67: {  	[tilespmem:s19], [sflag:$0x3] =	stream.indirect.gather [hbm4b:s3+s16], $0x80, s30, s16, $0xb8;
	[tilespmem:$0x1A000] =	vst v63  }
0x68: {  	s31 =	sadd.s32 $0x190, s31;
	s30 =	sadd.s32 $0x190, s30  }
0x69: {  	[tilespmem:s21], [sflag:$0x4] =	stream.indirect.gather [hbm4b:s4+s16], $0x80, s28, s16, $0xb8;
	[tilespmem:$0x1A000] =	vst v63  }
0x6a: {  	_ =	swait.ge [sflag:s22], $0x6400  }
0x6b: {  	[sflag:s22] =	ssyncset.done $0x0  }
0x6c: {  	[sflag:s22] =	ssyncadd.s32 $0xFFFF9C00  }
0x6d: {  	_ =	swait.ge [sflag:s23], $0x6400  }
0x6e: {  	[sflag:s23] =	ssyncset.done $0x0  }
0x6f: {  	[sflag:s23] =	ssyncadd.s32 $0xFFFF9C00  }
0x70: {  	[hbm4b:s8+s2] =	stream.linear.scatter [tilespmem:s17], [sflag:$0x1], $0x6400, $0x38;
	[tilespmem:$0x1A000] =	vst v63  }
0x71: {  	_ = 	snop  }
0x72: {  	[hbm4b:s9+s2] =	stream.linear.scatter [tilespmem:s18], [sflag:$0x2], $0x6400, $0x38;
	[tilespmem:$0x1A000] =	vst v63  }
0x73: {  	_ =	swait.ge [sflag:s24], $0x6400  }
0x74: {  	[sflag:s24] =	ssyncset.done $0x0  }
0x75: {  	[sflag:s24] =	ssyncadd.s32 $0xFFFF9C00  }
0x76: {  	_ =	swait.ge [sflag:s25], $0x6400  }
0x77: {  	[sflag:s25] =	ssyncset.done $0x0  }
0x78: {  	[sflag:s25] =	ssyncadd.s32 $0xFFFF9C00  }
0x79: {  	[hbm4b:s10+s2] =	stream.linear.scatter [tilespmem:s19], [sflag:$0x3], $0x6400, $0x38;
	[tilespmem:$0x1A000] =	vst v63  }
0x7a: {  	_ = 	snop  }
0x7b: {  	[hbm4b:s11+s2] =	stream.linear.scatter [tilespmem:s21], [sflag:$0x4], $0x6400, $0x38;
	[tilespmem:$0x1A000] =	vst v63  }
0x7c: {  	_ =	swait.ge [sflag:s22], $0x6400  }
0x7d: {  	[sflag:s22] =	ssyncset.done $0x0  }
0x7e: {  	[sflag:s22] =	ssyncadd.s32 $0xFFFF9C00  }
0x7f: {  	_ =	swait.ge [sflag:s23], $0x6400  }
0x80: {  	[sflag:s23] =	ssyncset.done $0x0  }
0x81: {  	s26 =	sadd.s32 $0x1, s26;
	[sflag:s23] =	ssyncadd.s32 $0xFFFF9C00  }
0x82: {  	p0 =	sne.s32 s26, s7;
	_ =	swait.ge [sflag:s24], $0x6400  }
.Ltmp1:
0x83: {  	[sflag:s24] =	ssyncset.done $0x0;
	(pc) =	sbr.rel @p0 .LBB2_1-.Ltmp1, $4  }
0x84: {  	[sflag:s24] =	ssyncadd.s32 $0xFFFF9C00  }
0x85: {  	_ =	swait.ge [sflag:s25], $0x6400  }
0x86: {  	[sflag:s25] =	ssyncset.done $0x0  }
0x87: {  	[sflag:s25] =	ssyncadd.s32 $0xFFFF9C00  }
0x88: {  	_ =	sfence.sel $0x180000  }
0x89: {  	[bflag:$0x0] =	sbarrier.arrive $0xFFFF  }
0x8a: {  	_ =	strace $0x9000004A  }
0x8b: {  	s0 =	stileid.u32;
	[bflag:$0x2] =	sbarrier.arrive $0xFFFF  }
0x8c: {  	p0 =	sne.s32 s0, $0x0;
	s0 =	rddreg [dreg:$0x1]  }
0x8d: {  	s0 =	sadd.s32 @!p0 $0x100000, s0  }
0x8e: {  	[sflag:s0] =	ssyncadd.tile.s32 @!p0 $0x1;
	_ =	shalt  }
.Lfunc_end2:
_tile_overlayer_lowered:
.L_overlay_start_2:
0x8f: {  	(tag) =	ssettag $0x2  }
0x90: {  	s0 =	rddreg [dreg:$0x0];
	s2 =	stileid.u32  }
0x91: {  	s1 =	rddreg [dreg:$0x1];
	p0 =	sne.s32 s2, $0x0  }
0x92: {  	s3 =	rddreg [dreg:$0x2];
	[bflag:$0x3] =	sbarrier.arrive $0xFFFF;
	s2 =	simm.s32 @!p0 $0x1C05  }
0x93: {  	[timem:s3], [sflag:s2] =	dma.local @!p0 [hbm:s0], s1  }
0x94: {  	s0 =	simm.s32 @!p0 $0x5  }
0x95: {  	_ =	swait.ge @!p0 [sflag:s0], s1  }
0x96: {  	s1 =	ssub.s32 @!p0 $0x0, s1;
	[sflag:s0] =	ssyncset.done @!p0 $0x0  }
0x97: {  	[sflag:s0] =	ssyncadd.s32 @!p0 s1  }
0x98: {  	[bflag:$0x3] =	sbarrier.arrive $0xFFFF  }
0x99: {  	_ =	shalt  }

// kernel: kernel.33.cloned.1.call-start
scs
__scs_entry_jumppad:
0x0: {  	(pc) =	sbr.rel $0x88, $3  }
0x1: {  	(tag) =	ssettag $0x0;
	lr =	simm.s32 $0x1  }
0x2: {  	[smem:$0x3F89] =	sst lr;
	_ =	strace $0xD0000000  }
0x3: {  	_ = 	snop  }
0x4: {  	_ = 	snop  }
0x5: {  	_ = 	snop  }
0x6: {  	_ = 	snop  }
0x7: {  	_ = 	snop  }
__scs_overlays_trampoline_lowered:
0x8: {  	[smem:$0x3F98] =	sst s0  }
0x9: {  	[smem:$0x3F99] =	sst s1  }
0xa: {  	[smem:$0x3F9A] =	sst s2  }
0xb: {  	[smem:$0x3F9B] =	sst s3  }
0xc: {  	[smem:$0x3F9C] =	sst s4  }
0xd: {  	[smem:$0x3F9D] =	sst s5  }
0xe: {  	[smem:$0x3F9E] =	sst s6  }
0xf: {  	[smem:$0x3F9F] =	sst s7  }
0x10: {  	[smem:$0x3FA0] =	sst s8  }
0x11: {  	[smem:$0x3FA1] =	sst s9;
	s0 =	simm.s32 @!p0 $0x0  }
0x12: {  	s1 =	sld [smem:$0x3F87];
	s0 =	simm.s32 @p0 $0x1  }
0x13: {  	[smem:$0x3FA2] =	sst s0;
	s0 =	simm.s32 @!p1 $0x0  }
0x14: {  	s2 =	sld [smem:$0x3F86];
	s0 =	simm.s32 @p1 $0x1  }
0x15: {  	[smem:$0x3FA3] =	sst s0;
	s0 =	simm.s32 @!p2 $0x0  }
0x16: {  	s3 =	sld [smem:$0x3FDB];
	s0 =	simm.s32 @p2 $0x1  }
0x17: {  	s4 =	simm.s32 $0x1BF5;
	[smem:$0x3FA5] =	sst s0  }
0x18: {  	s0 =	sld [smem:$0x3F88];
	_ =	swait.ge [sflag:s4], $0x0  }
0x19: {  	s7 =	sld [smem:$0x3F89]  }
0x1a: {  	s8 =	sadd.s32 $0xFFFFE003, lr  }
0x1b: {  	s9 =	sadd.s32 $0xFFFFFEF7, lr;
	s5 =	simm.s32 $0xFFFFFFFF;
	p2 =	slt.u32 s8, $0xFFFFF086  }
0x1c: {  	p1 =	slt.u32 s9, $0xF7A;
	s5 =	simm.s32 @!p2 $0x0  }
0x1d: {  	s5 =	simm.s32 @p1 $0x1;
	p0 =	seq.s32 s7, s2  }
0x1e: {  	s7 =	smul.u32 @!p0 $0xF7A, s2;
	p2 =	seq.s32 @!p0 s5, $0x0  }
0x1f: {  	s9 =	smul.u32 $0xF7A, s1;
	s8 =	simm.s32 @!p0 $0x1BF5;
	p2 =	por !p2, p0  }
0x20: {  	[sflag:s8] =	ssyncset.s32 @!p0 $0xFFFFF086;
	s6 =	sadd.s32 @!p0 s3, s7;
	s7 =	simm.s32 @!p0 $0x108  }
0x21: {  	s3 =	sadd.s32 s3, s9;
	s6 =	sadd.s32 @!p0 $0x88, s6;
	s7 =	simm.s32 @p2 $0x1082  }
0x22: {  	[simem:s7], [sflag:s8] =	dma.local @!p0 [hbm:s6], $0xF7A  }
0x23: {  	s9 =	sor.u32 $0xD0000000, s2;
	s6 =	simm.s32 $0x108;
	_ =	swait.ge @!p0 [sflag:s8], $0x0  }
0x24: {  	s3 =	sadd.s32 $0x88, s3;
	s6 =	simm.s32 @!p1 $0x1082;
	[sflag:s4] =	ssyncset.s32 $0xFFFFF086  }
0x25: {  	[simem:s6], [sflag:s4] =	dma.local [hbm:s3], $0xF7A  }
0x26: {  	[smem:$0x3F89] =	sst s1;
	(tag) =	ssettag s2;
	_ =	strace s9  }
0x27: {  	s1 =	sld [smem:$0x3F99]  }
0x28: {  	s2 =	sld [smem:$0x3F9A]  }
0x29: {  	s4 =	sld [smem:$0x3F9C]  }
0x2a: {  	p0 =	seq.s32 s5, $0x0;
	s5 =	sld [smem:$0x3F9D]  }
0x2b: {  	s6 =	sld [smem:$0x3F9E]  }
0x2c: {  	s7 =	sld [smem:$0x3F9F]  }
0x2d: {  	s3 =	simm.s32 $0x108;
	s8 =	sld [smem:$0x3FA0]  }
0x2e: {  	s3 =	simm.s32 @!p0 $0x1082;
	s9 =	sld [smem:$0x3FA1]  }
0x2f: {  	lr =	sadd.s32 s0, s3;
	s0 =	sld [smem:$0x3F98]  }
0x30: {  	s3 =	sld [smem:$0x3F9B]  }
0x31: {  	[smem:$0x3FA4] =	sst s10  }
0x32: {  	s10 =	sld [smem:$0x3FA2];
	_ =	sdelay $0x3  }
0x33: {  	p0 =	seq.s32 s10, $0x1;
	s10 =	sld [smem:$0x3FA4];
	_ =	sdelay $0x3  }
0x34: {  	[smem:$0x3FA4] =	sst s10  }
0x35: {  	s10 =	sld [smem:$0x3FA3];
	_ =	sdelay $0x3  }
0x36: {  	p1 =	seq.s32 s10, $0x1;
	s10 =	sld [smem:$0x3FA4];
	_ =	sdelay $0x3  }
0x37: {  	[smem:$0x3FA4] =	sst s10  }
0x38: {  	s10 =	sld [smem:$0x3FA5]  }
0x39: {  	_ = 	snop;
	(pc) =	sbr.ind lr, $3  }
0x3a: {  	_ = 	snop  }
0x3b: {  	_ = 	snop  }
0x3c: {  	p2 =	seq.s32 s10, $0x1;
	s10 =	sld [smem:$0x3FA4]  }
0x3d: {  	_ =	shalt  }
0x3e: {  	_ =	shalt  }
0x3f: {  	_ =	shalt  }
0x40: {  	_ =	shalt  }
0x41: {  	_ =	shalt  }
0x42: {  	_ =	shalt  }
0x43: {  	_ =	shalt  }
0x44: {  	_ =	shalt  }
0x45: {  	_ =	shalt  }
0x46: {  	_ =	shalt  }
0x47: {  	_ =	shalt  }
0x48: {  	_ =	shalt  }
0x49: {  	_ =	shalt  }
0x4a: {  	_ =	shalt  }
0x4b: {  	_ =	shalt  }
0x4c: {  	_ =	shalt  }
0x4d: {  	_ =	shalt  }
0x4e: {  	_ =	shalt  }
0x4f: {  	_ =	shalt  }
0x50: {  	_ =	shalt  }
0x51: {  	_ =	shalt  }
0x52: {  	_ =	shalt  }
0x53: {  	_ =	shalt  }
0x54: {  	_ =	shalt  }
0x55: {  	_ =	shalt  }
0x56: {  	_ =	shalt  }
0x57: {  	_ =	shalt  }
0x58: {  	_ =	shalt  }
0x59: {  	_ =	shalt  }
0x5a: {  	_ =	shalt  }
0x5b: {  	_ =	shalt  }
0x5c: {  	_ =	shalt  }
0x5d: {  	_ =	shalt  }
0x5e: {  	_ =	shalt  }
0x5f: {  	_ =	shalt  }
0x60: {  	_ =	shalt  }
0x61: {  	_ =	shalt  }
0x62: {  	_ =	shalt  }
0x63: {  	_ =	shalt  }
0x64: {  	_ =	shalt  }
0x65: {  	_ =	shalt  }
0x66: {  	_ =	shalt  }
0x67: {  	_ =	shalt  }
0x68: {  	_ =	shalt  }
0x69: {  	_ =	shalt  }
0x6a: {  	_ =	shalt  }
0x6b: {  	_ =	shalt  }
0x6c: {  	_ =	shalt  }
0x6d: {  	_ =	shalt  }
0x6e: {  	_ =	shalt  }
0x6f: {  	_ =	shalt  }
0x70: {  	_ =	shalt  }
0x71: {  	_ =	shalt  }
0x72: {  	_ =	shalt  }
0x73: {  	_ =	shalt  }
0x74: {  	_ =	shalt  }
0x75: {  	_ =	shalt  }
0x76: {  	_ =	shalt  }
0x77: {  	_ =	shalt  }
0x78: {  	_ =	shalt  }
0x79: {  	_ =	shalt  }
0x7a: {  	_ =	shalt  }
0x7b: {  	_ =	shalt  }
0x7c: {  	_ =	shalt  }
0x7d: {  	_ =	shalt  }
0x7e: {  	_ =	shalt  }
0x7f: {  	_ =	shalt  }
0x80: {  	_ =	shalt  }
0x81: {  	_ =	shalt  }
0x82: {  	_ =	shalt  }
0x83: {  	_ =	shalt  }
0x84: {  	_ =	shalt  }
0x85: {  	_ =	shalt  }
0x86: {  	_ =	shalt  }
0x87: {  	_ =	shalt  }
.Lfunc_end0:
.L_simem_size_0:
called_computation.3_lowered:
.L_overlay_start_0:
0x88: {  	s2 =	sld [smem:$0x3FD9]  }
0x89: {  	s3 =	sld [smem:$0x3FFE];
	_ =	sdelay $0x1  }
0x8a: {  	s1 =	srdreg.scid  }
0x8b: {  	s0 =	sand.u32 $0x1, s1  }
0x8c: {  	s17 =	sshll.u32 s0, $0xA;
	s2 =	sadd.s32 s3, s2  }
0x8d: {  	s2 =	sadd.s32 s2, s17  }
0x8e: {  	[smem:$0x3FB0] =	sst s2  }
0x8f: {  	_ = 	snop  }
0x90: {  	(tm) =	ssettm $0x1  }
0x91: {  	s18 =	sld [smem:$0x3FFB];
	_ =	sdelay $0x3  }
0x92: {  	_ =	strace s18  }
0x93: {  	s2 =	sld [smem:$0x3FFC];
	_ =	sdelay $0x3  }
0x94: {  	_ =	strace s2  }
0x95: {  	s2 =	sld [smem:$0x3FFD];
	_ =	sdelay $0x3  }
0x96: {  	_ =	strace s2  }
0x97: {  	_ =	strace $0x8FFFFFFF  }
0x98: {  	s19 =	sld [smem:$0x3FDB];
	_ =	sdelay $0x1  }
0x99: {  	s20 =	simm.s32 $_scs_section_size  }
0x9a: {  	s4 =	simm.s32 $_size__tile_overlayer_lowered;
	s5 =	simm.s32 $_tile_overlayer_lowered  }
0x9b: {  	s6 =	simm.s32 $0x1BFF;
	s21 =	sshll.u32 s5, $0x1;
	s3 =	sadd.s32 s20, s19  }
0x9c: {  	s22 =	simm.s32 $0x0;
	s4 =	sshll.u32 s4, $0x1;
	s5 =	sadd.s32 s21, s3  }
0x9d: {  	[timem:s22], [sflag:s6] =	dma.local [hbm:s5], s4  }
0x9e: {  	_ =	swait.ge [sflag:s6], s4  }
0x9f: {  	s4 =	ssub.s32 $0x0, s4;
	[sflag:s6] =	ssyncset.done $0x0  }
0xa0: {  	[sflag:s6] =	ssyncadd.s32 s4;
	_ =	sdelay $0x1  }
0xa1: {  	s23 =	simm.s32 $0x1B8B  }
0xa2: {  	_ =	swait.ge [sflag:s23], $0x1  }
0xa3: {  	[sflag:s23] =	ssyncset.done $0x0  }
0xa4: {  	[sflag:s23] =	ssyncadd.s32 $0xFFFFFFFF  }
0xa5: {  	s4 =	sld [smem:$0x0]  }
0xa6: {  	s5 =	sand.u32 $0xFFFFFFFE, s1  }
0xa7: {  	p0 =	sne.s32 s1, s5  }
0xa8: {  	s5 =	sshll.u32 @p0 s5, $0xE  }
0xa9: {  	s5 =	sadd.s32 @p0 $0x11B8D, s5;
	s6 =	sshll.u32 @p0 s4, $0x11  }
0xaa: {  	s5 =	sor.u32 @p0 s6, s5  }
0xab: {  	[sflag:s5] =	ssyncadd.remote.s32 @p0 $0x1;
	_ =	sdelay $0x1  }
0xac: {  	s5 =	simm.s32 @p0 $0x1B8D  }
0xad: {  	_ =	swait.eq @p0 [sflag:s5], $0x1  }
0xae: {  	[sflag:s5] =	ssyncadd.s32 @p0 $0xFFFFFFFF  }
0xaf: {  	s6 =	sshll.u32 @!p0 s1, $0xE  }
0xb0: {  	s6 =	sor.u32 @!p0 $0x4000, s6;
	s5 =	simm.s32 @!p0 $0x1B8D  }
0xb1: {  	s4 =	sshll.u32 @!p0 s4, $0x11;
	s6 =	sadd.s32 @!p0 $0x11B8D, s6;
	_ =	swait.eq @!p0 [sflag:s5], $0x1  }
0xb2: {  	s4 =	sor.u32 @!p0 s4, s6;
	[sflag:s5] =	ssyncadd.s32 @!p0 $0xFFFFFFFF  }
0xb3: {  	s25 =	simm.s32 $0x1B8E;
	s24 =	sld [smem:$0x3FFE];
	[sflag:s4] =	ssyncadd.remote.s32 @!p0 $0x1  }
0xb4: {  	s26 =	simm.s32 $execute0_lowered;
	[smem:$0x3FD2] =	sst s25  }
0xb5: {  	s5 =	sshll.u32 s26, $0x1;
	_ =	strace $0x80000058;
	[dreg:$0x1] =	wrdreg $0xFFFFFFFF  }
0xb6: {  	s28 =	simm.s32 $_size_execute0_lowered;
	s3 =	sadd.s32 s3, s5;
	[dreg:$0x0] =	wrdreg $0x0  }
0xb7: {  	s5 =	sshll.u32 s28, $0x1;
	[dreg:$0x2] =	wrdreg s3  }
0xb8: {  	[dreg:$0x3] =	wrdreg s5  }
0xb9: {  	[dreg:$0x4] =	wrdreg $0xC0  }
0xba: {  	_ =	task [dreg:s22], $0x5FFFF  }
0xbb: {  	[dreg:$0x1] =	wrdreg $0xFFFFFFFF  }
0xbc: {  	[dreg:$0x0] =	wrdreg $0x60  }
0xbd: {  	[dreg:$0x2] =	wrdreg s24  }
0xbe: {  	[dreg:$0x3] =	wrdreg $0xCA000  }
0xbf: {  	[dreg:$0x4] =	wrdreg $0xB  }
0xc0: {  	_ =	task.clear_ibuf [dreg:s22], $0x5FFFF;
	_ =	strace $0x90000058  }
0xc1: {  	s29 =	simm.s32 $0xB;
	_ =	strace $0x8000005A  }
0xc2: {  	_ =	swait.ge [sflag:s29], $0x1  }
0xc3: {  	[sflag:s29] =	ssyncadd.s32 $0xFFFFFFFF  }
0xc4: {  	_ =	strace $0x9000005A  }
0xc5: {  	_ =	sfence  }
0xc6: {  	s30 =	sld [smem:$0x0];
	_ =	sdelay $0x2  }
0xc7: {  	s31 =	sshll.u32 s1, $0xD;
	s1 =	sshrl.u32 s1, $0x2  }
0xc8: {  	s4 =	sand.u32 $0x4000, s31;
	s1 =	sadd.s32 s1, s30  }
0xc9: {  	s0 =	sor.u32 s4, s0;
	s1 =	sshll.u32 s1, $0x11  }
0xca: {  	s0 =	sor.u32 s1, s0  }
0xcb: {  	s0 =	sadd.s32 $0x8F2B, s0  }
0xcc: {  	[sflag:s0] =	ssyncadd.remote.s32 $0x1  }
0xcd: {  	_ =	sfence.sel $0xFFFF  }
0xce: {  	[dreg:$0x0] =	wrdreg $0xFFFFFFFF;
	(pc) =	sbr.abs _section_cstart, $3  }
0xcf: {  	[dreg:$0x1] =	wrdreg $0xFFFFFFFF  }
0xd0: {  	_ =	task.clear_ibuf [dreg:s22], $0x2FFFF;
	_ =	strace $0x9FFFFFFF  }
0xd1: {  	(tm) =	ssettm $0x7FFFFFFF  }
tec
execute0_lowered:
.L_overlay_start_1:
0x0: {  	(tag) =	ssettag $0x1  }
0x1: {  	s0 =	rddreg [dreg:$0x0]  }
0x2: {  	s1 =	rddreg [dreg:$0x1];
	s2 =	simm.s32 $0x0;
	s4 =	stileid.u32  }
0x3: {  	s3 =	srdreg.scid;
	s28 =	simm.s32 $0x4;
	s6 =	smul.u32 $0x1380, s4  }
0x4: {  	s29 =	simm.s32 $0x0;
	[smem:$0x7FF] =	sst s2;
	s5 =	smul.u32 $0xFA0, s4  }
0x5: {  	s7 =	sand.u32 $0x1, s3;
	s8 =	sadd.s32 $0xAAA00, s0;
	s31 =	smul.u32 $0xFA00, s4  }
0x6: {  	s3 =	sadd.s32 $0xA6A00, s0;
	s13 =	sadd.s32 $0x1A4A00, s0;
	s19 =	smul.u32 $0x27000, s4  }
0x7: {  	s23 =	sshll.u32 s4, $0x6;
	p0 =	sne.s32 s4, $0x0;
	s10 =	smul.u32 $0xFA00, s7  }
0x8: {  	_ =	strace $0x80000059;
	s9 =	ssub.s32 $0x2, s7;
	s24 =	smul.u32 $0x9C800, s7  }
0x9: {  	s7 =	smul.u32 $0x13900, s7;
	s11 =	sadd.s32 s6, s0;
	s12 =	sshrl.u32 s9, $0x1  }
0xa: {  	s14 =	sadd.s32 $0xC8, s5;
	s20 =	sadd.s32 s8, s31;
	s22 =	sshrl.u32 s19, $0x2  }
0xb: {  	s19 =	simm.s32 $0x200;
	s15 =	ssub.s32 s9, s12;
	s16 =	sadd.s32 s5, s10  }
0xc: {  	s18 =	sadd.s32 s10, s14;
	s21 =	sshll.u32 s14, $0x4;
	s25 =	sadd.s32 $0x6BE00, s11  }
0xd: {  	s10 =	sor.u32 $0x1C05, s23;
	s11 =	sadd.s32 $0x9C000, s1;
	s12 =	sadd.s32 $0x7F600, s0  }
0xe: {  	s26 =	sshrl.u32 s24, $0x3;
	s6 =	sadd.s32 s6, s7;
	s7 =	sadd.s32 $0x2580, s20  }
0xf: {  	s23 =	simm.s32 $0x1;
	s24 =	simm.s32 $0x3;
	s30 =	sshrl.u32 s16, $0x3  }
0x10: {  	s9 =	sshrl.u32 s18, $0x3;
	s8 =	sadd.s32 s8, s21;
	[dreg:$0x7] =	wrdreg s25  }
0x11: {  	s0 =	sadd.s32 s13, s26;
	s13 =	sadd.s32 s13, s6;
	s15 =	smax.u32 s15, $0x1  }
0x12: {  	s18 =	sadd.s32 $0x190, s16;
	s21 =	simm.s32 $0x6600;
	s25 =	simm.s32 $0xC8  }
0x13: {  	s26 =	simm.s32 $0x2;
	s17 =	sadd.s32 s3, s30;
	[dreg:$0x5] =	wrdreg s8  }
0x14: {  	s9 =	sadd.s32 s3, s9;
	s8 =	sadd.s32 s22, s1;
	[dreg:$0x3] =	wrdreg s17  }
0x15: {  	s30 =	sadd.s32 $0x258, s16;
	s14 =	sadd.s32 $0x13800, s0;
	[dreg:$0x4] =	wrdreg s9  }
0x16: {  	s22 =	simm.s32 $0x5;
	[dreg:$0x6] =	wrdreg s8;
	s31 =	sshrl.u32 s30, $0x3  }
0x17: {  	s9 =	smov.u32 s20;
	s20 =	simm.s32 $0x100;
	s17 =	sadd.s32 s31, s3  }
.LBB2_1:
0x18: {  	s0 =	rddreg [dreg:$0x3]  }
0x19: {  	s8 =	rddreg [dreg:$0x4]  }
0x1a: {  	[tilespmem:s2], [sflag:$0x1] =	stream.linear.gather [hbm4b:s0+s2], $0xC8, $0x38;
	[tilespmem:$0x16680] =	vst v63  }
0x1b: {  	s16 =	rddreg [dreg:$0x5]  }
0x1c: {  	[tilespmem:s19], [sflag:$0x3] =	stream.linear.gather [hbm4b:s9+s2], $0x6400, $0x38;
	[tilespmem:$0x16680] =	vst v63  }
0x1d: {  	s4 =	rddreg [dreg:$0x6]  }
0x1e: {  	[tilespmem:s20], [sflag:$0x2] =	stream.linear.gather [hbm4b:s8+s2], $0xC8, $0x38;
	[tilespmem:$0x16680] =	vst v63  }
0x1f: {  	s5 =	rddreg [dreg:$0x7];
	s30 =	sshrl.u32 s4, $0x3  }
0x20: {  	[tilespmem:s21], [sflag:$0x4] =	stream.linear.gather [hbm4b:s16+s2], $0x6400, $0x38;
	[tilespmem:$0x16680] =	vst v63  }
0x21: {  	[spmem:s30], [sflag:s10] =	dma.local [hbm:s5], $0x1380  }
0x22: {  	_ =	swait.ge [sflag:s22], $0x1380  }
0x23: {  	[sflag:s22] =	ssyncset.done $0x0  }
0x24: {  	s31 =	sshrl.u32 @!p0 s11, $0x3;
	s0 =	simm.s32 @!p0 $0x5;
	[sflag:s22] =	ssyncadd.s32 $0xFFFFEC80  }
0x25: {  	[spmem:s31], [sflag:s10] =	dma.local @!p0 [hbm:s12], $0x100  }
0x26: {  	_ =	swait.ge @!p0 [sflag:s0], $0x100  }
0x27: {  	[sflag:s0] =	ssyncset.done @!p0 $0x0  }
0x28: {  	[sflag:s0] =	ssyncadd.s32 @!p0 $0xFFFFFF00  }
0x29: {  	[bflag:$0x0] =	sbarrier.arrive $0xFFFF  }
0x2a: {  	_ =	swait.ge [sflag:s23], $0xC8  }
0x2b: {  	[sflag:s23] =	ssyncset.done $0x0  }
0x2c: {  	[sflag:s23] =	ssyncadd.s32 $0xFFFFFF38  }
0x2d: {  	_ =	swait.ge [sflag:s24], $0x6400  }
0x2e: {  	[sflag:s24] =	ssyncset.done $0x0  }
0x2f: {  	[sflag:s24] =	ssyncadd.s32 $0xFFFF9C00  }
0x30: {  	[spmem:s1] =	stream.indirect.scatter.add.f32 [tilespmem:s19], [sflag:$0x5], $0x80, s2, s25, $0xb8;
	[tilespmem:$0x16680] =	vst v63  }
0x31: {  	_ =	swait.ge [sflag:s22], $0x6400  }
0x32: {  	s6 =	sshrl.u32 s18, $0x3;
	[sflag:s22] =	ssyncset.done $0x0  }
0x33: {  	s0 =	sadd.s32 s3, s6;
	[sflag:s22] =	ssyncadd.s32 $0xFFFF9C00  }
0x34: {  	[tilespmem:s2], [sflag:$0x1] =	stream.linear.gather [hbm4b:s0+s2], $0xC8, $0x38;
	[tilespmem:$0x16680] =	vst v63  }
0x35: {  	s8 =	sadd.s32 $0xFFFFF380, s7  }
0x36: {  	[tilespmem:s19], [sflag:$0x3] =	stream.linear.gather [hbm4b:s8+s2], $0x6400, $0x38;
	[tilespmem:$0x16680] =	vst v63  }
0x37: {  	_ =	swait.ge [sflag:s26], $0xC8  }
0x38: {  	[sflag:s26] =	ssyncset.done $0x0  }
0x39: {  	[sflag:s26] =	ssyncadd.s32 $0xFFFFFF38  }
0x3a: {  	_ =	swait.ge [sflag:s28], $0x6400  }
0x3b: {  	[sflag:s28] =	ssyncset.done $0x0  }
0x3c: {  	[sflag:s28] =	ssyncadd.s32 $0xFFFF9C00  }
0x3d: {  	[spmem:s1] =	stream.indirect.scatter.add.f32 [tilespmem:s21], [sflag:$0x5], $0x80, s20, s25, $0xb8;
	[tilespmem:$0x16680] =	vst v63  }
0x3e: {  	_ =	swait.ge [sflag:s22], $0x6400  }
0x3f: {  	[sflag:s22] =	ssyncset.done $0x0  }
0x40: {  	s4 =	sadd.s32 $0x1900, s7;
	s16 =	sadd.s32 $0x0, s17;
	[sflag:s22] =	ssyncadd.s32 $0xFFFF9C00  }
0x41: {  	[tilespmem:s20], [sflag:$0x2] =	stream.linear.gather [hbm4b:s16+s2], $0xC8, $0x38;
	[tilespmem:$0x16680] =	vst v63  }
0x42: {  	s6 =	sadd.s32 $0x190, s18;
	s0 =	simm.s32 $0x32;
	s16 =	smov.u32 s7  }
.LBB2_2:
0x43: {  	[tilespmem:s21], [sflag:$0x4] =	stream.linear.gather [hbm4b:s16+s2], $0x6400, $0x38;
	[tilespmem:$0x16680] =	vst v63  }
0x44: {  	s8 =	smov.u32 s0;
	s16 =	smov.u32 s4  }
0x45: {  	p1 =	sne.s32 s0, $0x190;
	s0 =	sadd.s32 $0x32, s0;
	_ =	swait.ge [sflag:s23], $0xC8  }
0x46: {  	[sflag:s23] =	ssyncset.done $0x0  }
0x47: {  	[sflag:s23] =	ssyncadd.s32 $0xFFFFFF38  }
0x48: {  	_ =	swait.ge [sflag:s24], $0x6400  }
0x49: {  	[sflag:s24] =	ssyncset.done $0x0  }
0x4a: {  	[sflag:s24] =	ssyncadd.s32 $0xFFFF9C00  }
0x4b: {  	[spmem:s1] =	stream.indirect.scatter.add.f32 [tilespmem:s19], [sflag:$0x5], $0x80, s2, s25, $0xb8;
	[tilespmem:$0x16680] =	vst v63  }
0x4c: {  	_ =	swait.ge [sflag:s22], $0x6400  }
0x4d: {  	s5 =	sshrl.u32 s6, $0x3;
	[sflag:s22] =	ssyncset.done $0x0  }
0x4e: {  	s5 =	sadd.s32 s3, s5;
	[sflag:s22] =	ssyncadd.s32 $0xFFFF9C00  }
0x4f: {  	[tilespmem:s2], [sflag:$0x1] =	stream.linear.gather [hbm4b:s5+s2], $0xC8, $0x38;
	[tilespmem:$0x16680] =	vst v63  }
0x50: {  	s5 =	sadd.s32 $0xFFFFF380, s4  }
0x51: {  	[tilespmem:s19], [sflag:$0x3] =	stream.linear.gather [hbm4b:s5+s2], $0x6400, $0x38;
	[tilespmem:$0x16680] =	vst v63  }
0x52: {  	_ =	swait.ge [sflag:s26], $0xC8  }
0x53: {  	[sflag:s26] =	ssyncset.done $0x0  }
0x54: {  	[sflag:s26] =	ssyncadd.s32 $0xFFFFFF38  }
0x55: {  	_ =	swait.ge [sflag:s28], $0x6400  }
0x56: {  	[sflag:s28] =	ssyncset.done $0x0  }
0x57: {  	[sflag:s28] =	ssyncadd.s32 $0xFFFF9C00  }
0x58: {  	[spmem:s1] =	stream.indirect.scatter.add.f32 [tilespmem:s21], [sflag:$0x5], $0x80, s20, s25, $0xb8;
	[tilespmem:$0x16680] =	vst v63  }
.Ltmp0:
0x59: {  	_ =	swait.ge [sflag:s22], $0x6400;
	(pc) =	sbr.rel @p1 .LBB2_2-.Ltmp0, $4  }
0x5a: {  	[sflag:s22] =	ssyncset.done $0x0  }
0x5b: {  	s5 =	sadd.s32 s8, s17;
	[sflag:s22] =	ssyncadd.s32 $0xFFFF9C00  }
0x5c: {  	[tilespmem:s20], [sflag:$0x2] =	stream.linear.gather [hbm4b:s5+s2], $0xC8, $0x38;
	[tilespmem:$0x16680] =	vst v63  }
0x5d: {  	s6 =	sadd.s32 $0x190, s6;
	s4 =	sadd.s32 $0x1900, s4  }
0x5e: {  	[tilespmem:s21], [sflag:$0x4] =	stream.linear.gather [hbm4b:s16+s2], $0x6400, $0x38;
	[tilespmem:$0x16680] =	vst v63  }
0x5f: {  	_ =	swait.ge [sflag:s23], $0xC8  }
0x60: {  	[sflag:s23] =	ssyncset.done $0x0  }
0x61: {  	[sflag:s23] =	ssyncadd.s32 $0xFFFFFF38  }
0x62: {  	_ =	swait.ge [sflag:s24], $0x6400  }
0x63: {  	[sflag:s24] =	ssyncset.done $0x0  }
0x64: {  	[sflag:s24] =	ssyncadd.s32 $0xFFFF9C00  }
0x65: {  	[spmem:s1] =	stream.indirect.scatter.add.f32 [tilespmem:s19], [sflag:$0x5], $0x80, s2, s25, $0xb8;
	[tilespmem:$0x16680] =	vst v63  }
0x66: {  	_ =	swait.ge [sflag:s22], $0x6400  }
0x67: {  	[sflag:s22] =	ssyncset.done $0x0  }
0x68: {  	[sflag:s22] =	ssyncadd.s32 $0xFFFF9C00  }
0x69: {  	_ =	swait.ge [sflag:s26], $0xC8  }
0x6a: {  	[sflag:s26] =	ssyncset.done $0x0  }
0x6b: {  	[sflag:s26] =	ssyncadd.s32 $0xFFFFFF38  }
0x6c: {  	_ =	swait.ge [sflag:s28], $0x6400  }
0x6d: {  	[sflag:s28] =	ssyncset.done $0x0  }
0x6e: {  	[sflag:s28] =	ssyncadd.s32 $0xFFFF9C00  }
0x6f: {  	[spmem:s1] =	stream.indirect.scatter.add.f32 [tilespmem:s21], [sflag:$0x5], $0x80, s20, s25, $0xb8;
	[tilespmem:$0x16680] =	vst v63  }
0x70: {  	_ =	swait.ge [sflag:s22], $0x6400  }
0x71: {  	[sflag:s22] =	ssyncset.done $0x0  }
0x72: {  	[sflag:s22] =	ssyncadd.s32 $0xFFFF9C00  }
0x73: {  	[bflag:$0x0] =	sbarrier.arrive $0xFFFF  }
0x74: {  	[hbm:s13], [sflag:s10] =	dma.local [spmem:s30], $0x1380  }
0x75: {  	s29 =	sadd.s32 $0x1, s29;
	_ =	swait.ge [sflag:s22], $0x1380  }
0x76: {  	p1 =	sne.s32 s29, s15;
	[sflag:s22] =	ssyncset.done $0x0  }
.Ltmp1:
0x77: {  	s0 =	simm.s32 @!p0 $0x5;
	[sflag:s22] =	ssyncadd.s32 $0xFFFFEC80;
	(pc) =	sbr.rel @p1 .LBB2_1-.Ltmp1, $4  }
0x78: {  	[hbm:s14], [sflag:s10] =	dma.local @!p0 [spmem:s31], $0x100  }
0x79: {  	_ =	swait.ge @!p0 [sflag:s0], $0x100  }
0x7a: {  	[sflag:s0] =	ssyncset.done @!p0 $0x0  }
0x7b: {  	[sflag:s0] =	ssyncadd.s32 @!p0 $0xFFFFFF00  }
0x7c: {  	_ =	sfence.sel $0x180000  }
0x7d: {  	[bflag:$0x0] =	sbarrier.arrive $0xFFFF  }
0x7e: {  	_ =	strace $0x90000059  }
0x7f: {  	[bflag:$0x2] =	sbarrier.arrive $0xFFFF  }
0x80: {  	s0 =	rddreg [dreg:$0x2]  }
0x81: {  	s0 =	sadd.s32 @!p0 $0x100000, s0  }
0x82: {  	[sflag:s0] =	ssyncadd.tile.s32 @!p0 $0x1;
	_ =	shalt  }
.Lfunc_end2:
_tile_overlayer_lowered:
.L_overlay_start_2:
0x83: {  	(tag) =	ssettag $0x2  }
0x84: {  	s0 =	rddreg [dreg:$0x0];
	s2 =	stileid.u32  }
0x85: {  	s1 =	rddreg [dreg:$0x1];
	p0 =	sne.s32 s2, $0x0  }
0x86: {  	s3 =	rddreg [dreg:$0x2];
	[bflag:$0x3] =	sbarrier.arrive $0xFFFF;
	s2 =	simm.s32 @!p0 $0x1C05  }
0x87: {  	[timem:s3], [sflag:s2] =	dma.local @!p0 [hbm:s0], s1  }
0x88: {  	s0 =	simm.s32 @!p0 $0x5  }
0x89: {  	_ =	swait.ge @!p0 [sflag:s0], s1  }
0x8a: {  	s1 =	ssub.s32 @!p0 $0x0, s1;
	[sflag:s0] =	ssyncset.done @!p0 $0x0  }
0x8b: {  	[sflag:s0] =	ssyncadd.s32 @!p0 s1  }
0x8c: {  	[bflag:$0x3] =	sbarrier.arrive $0xFFFF  }
0x8d: {  	_ =	shalt  }

// kernel: kernel.36.cloned.1.call-start
scs
__scs_entry_jumppad:
0x0: {  	(pc) =	sbr.rel $0x88, $3  }
0x1: {  	(tag) =	ssettag $0x0;
	lr =	simm.s32 $0x1  }
0x2: {  	[smem:$0x3F89] =	sst lr;
	_ =	strace $0xD0000000  }
0x3: {  	_ = 	snop  }
0x4: {  	_ = 	snop  }
0x5: {  	_ = 	snop  }
0x6: {  	_ = 	snop  }
0x7: {  	_ = 	snop  }
__scs_overlays_trampoline_lowered:
0x8: {  	[smem:$0x3F98] =	sst s0  }
0x9: {  	[smem:$0x3F99] =	sst s1  }
0xa: {  	[smem:$0x3F9A] =	sst s2  }
0xb: {  	[smem:$0x3F9B] =	sst s3  }
0xc: {  	[smem:$0x3F9C] =	sst s4  }
0xd: {  	[smem:$0x3F9D] =	sst s5  }
0xe: {  	[smem:$0x3F9E] =	sst s6  }
0xf: {  	[smem:$0x3F9F] =	sst s7  }
0x10: {  	[smem:$0x3FA0] =	sst s8  }
0x11: {  	[smem:$0x3FA1] =	sst s9;
	s0 =	simm.s32 @!p0 $0x0  }
0x12: {  	s1 =	sld [smem:$0x3F87];
	s0 =	simm.s32 @p0 $0x1  }
0x13: {  	[smem:$0x3FA2] =	sst s0;
	s0 =	simm.s32 @!p1 $0x0  }
0x14: {  	s2 =	sld [smem:$0x3F86];
	s0 =	simm.s32 @p1 $0x1  }
0x15: {  	[smem:$0x3FA3] =	sst s0;
	s0 =	simm.s32 @!p2 $0x0  }
0x16: {  	s3 =	sld [smem:$0x3FDB];
	s0 =	simm.s32 @p2 $0x1  }
0x17: {  	s4 =	simm.s32 $0x1BF5;
	[smem:$0x3FA5] =	sst s0  }
0x18: {  	s0 =	sld [smem:$0x3F88];
	_ =	swait.ge [sflag:s4], $0x0  }
0x19: {  	s7 =	sld [smem:$0x3F89]  }
0x1a: {  	s8 =	sadd.s32 $0xFFFFE003, lr  }
0x1b: {  	s9 =	sadd.s32 $0xFFFFFEF7, lr;
	s5 =	simm.s32 $0xFFFFFFFF;
	p2 =	slt.u32 s8, $0xFFFFF086  }
0x1c: {  	p1 =	slt.u32 s9, $0xF7A;
	s5 =	simm.s32 @!p2 $0x0  }
0x1d: {  	s5 =	simm.s32 @p1 $0x1;
	p0 =	seq.s32 s7, s2  }
0x1e: {  	s7 =	smul.u32 @!p0 $0xF7A, s2;
	p2 =	seq.s32 @!p0 s5, $0x0  }
0x1f: {  	s9 =	smul.u32 $0xF7A, s1;
	s8 =	simm.s32 @!p0 $0x1BF5;
	p2 =	por !p2, p0  }
0x20: {  	[sflag:s8] =	ssyncset.s32 @!p0 $0xFFFFF086;
	s6 =	sadd.s32 @!p0 s3, s7;
	s7 =	simm.s32 @!p0 $0x108  }
0x21: {  	s3 =	sadd.s32 s3, s9;
	s6 =	sadd.s32 @!p0 $0x88, s6;
	s7 =	simm.s32 @p2 $0x1082  }
0x22: {  	[simem:s7], [sflag:s8] =	dma.local @!p0 [hbm:s6], $0xF7A  }
0x23: {  	s9 =	sor.u32 $0xD0000000, s2;
	s6 =	simm.s32 $0x108;
	_ =	swait.ge @!p0 [sflag:s8], $0x0  }
0x24: {  	s3 =	sadd.s32 $0x88, s3;
	s6 =	simm.s32 @!p1 $0x1082;
	[sflag:s4] =	ssyncset.s32 $0xFFFFF086  }
0x25: {  	[simem:s6], [sflag:s4] =	dma.local [hbm:s3], $0xF7A  }
0x26: {  	[smem:$0x3F89] =	sst s1;
	(tag) =	ssettag s2;
	_ =	strace s9  }
0x27: {  	s1 =	sld [smem:$0x3F99]  }
0x28: {  	s2 =	sld [smem:$0x3F9A]  }
0x29: {  	s4 =	sld [smem:$0x3F9C]  }
0x2a: {  	p0 =	seq.s32 s5, $0x0;
	s5 =	sld [smem:$0x3F9D]  }
0x2b: {  	s6 =	sld [smem:$0x3F9E]  }
0x2c: {  	s7 =	sld [smem:$0x3F9F]  }
0x2d: {  	s3 =	simm.s32 $0x108;
	s8 =	sld [smem:$0x3FA0]  }
0x2e: {  	s3 =	simm.s32 @!p0 $0x1082;
	s9 =	sld [smem:$0x3FA1]  }
0x2f: {  	lr =	sadd.s32 s0, s3;
	s0 =	sld [smem:$0x3F98]  }
0x30: {  	s3 =	sld [smem:$0x3F9B]  }
0x31: {  	[smem:$0x3FA4] =	sst s10  }
0x32: {  	s10 =	sld [smem:$0x3FA2];
	_ =	sdelay $0x3  }
0x33: {  	p0 =	seq.s32 s10, $0x1;
	s10 =	sld [smem:$0x3FA4];
	_ =	sdelay $0x3  }
0x34: {  	[smem:$0x3FA4] =	sst s10  }
0x35: {  	s10 =	sld [smem:$0x3FA3];
	_ =	sdelay $0x3  }
0x36: {  	p1 =	seq.s32 s10, $0x1;
	s10 =	sld [smem:$0x3FA4];
	_ =	sdelay $0x3  }
0x37: {  	[smem:$0x3FA4] =	sst s10  }
0x38: {  	s10 =	sld [smem:$0x3FA5]  }
0x39: {  	_ = 	snop;
	(pc) =	sbr.ind lr, $3  }
0x3a: {  	_ = 	snop  }
0x3b: {  	_ = 	snop  }
0x3c: {  	p2 =	seq.s32 s10, $0x1;
	s10 =	sld [smem:$0x3FA4]  }
0x3d: {  	_ =	shalt  }
0x3e: {  	_ =	shalt  }
0x3f: {  	_ =	shalt  }
0x40: {  	_ =	shalt  }
0x41: {  	_ =	shalt  }
0x42: {  	_ =	shalt  }
0x43: {  	_ =	shalt  }
0x44: {  	_ =	shalt  }
0x45: {  	_ =	shalt  }
0x46: {  	_ =	shalt  }
0x47: {  	_ =	shalt  }
0x48: {  	_ =	shalt  }
0x49: {  	_ =	shalt  }
0x4a: {  	_ =	shalt  }
0x4b: {  	_ =	shalt  }
0x4c: {  	_ =	shalt  }
0x4d: {  	_ =	shalt  }
0x4e: {  	_ =	shalt  }
0x4f: {  	_ =	shalt  }
0x50: {  	_ =	shalt  }
0x51: {  	_ =	shalt  }
0x52: {  	_ =	shalt  }
0x53: {  	_ =	shalt  }
0x54: {  	_ =	shalt  }
0x55: {  	_ =	shalt  }
0x56: {  	_ =	shalt  }
0x57: {  	_ =	shalt  }
0x58: {  	_ =	shalt  }
0x59: {  	_ =	shalt  }
0x5a: {  	_ =	shalt  }
0x5b: {  	_ =	shalt  }
0x5c: {  	_ =	shalt  }
0x5d: {  	_ =	shalt  }
0x5e: {  	_ =	shalt  }
0x5f: {  	_ =	shalt  }
0x60: {  	_ =	shalt  }
0x61: {  	_ =	shalt  }
0x62: {  	_ =	shalt  }
0x63: {  	_ =	shalt  }
0x64: {  	_ =	shalt  }
0x65: {  	_ =	shalt  }
0x66: {  	_ =	shalt  }
0x67: {  	_ =	shalt  }
0x68: {  	_ =	shalt  }
0x69: {  	_ =	shalt  }
0x6a: {  	_ =	shalt  }
0x6b: {  	_ =	shalt  }
0x6c: {  	_ =	shalt  }
0x6d: {  	_ =	shalt  }
0x6e: {  	_ =	shalt  }
0x6f: {  	_ =	shalt  }
0x70: {  	_ =	shalt  }
0x71: {  	_ =	shalt  }
0x72: {  	_ =	shalt  }
0x73: {  	_ =	shalt  }
0x74: {  	_ =	shalt  }
0x75: {  	_ =	shalt  }
0x76: {  	_ =	shalt  }
0x77: {  	_ =	shalt  }
0x78: {  	_ =	shalt  }
0x79: {  	_ =	shalt  }
0x7a: {  	_ =	shalt  }
0x7b: {  	_ =	shalt  }
0x7c: {  	_ =	shalt  }
0x7d: {  	_ =	shalt  }
0x7e: {  	_ =	shalt  }
0x7f: {  	_ =	shalt  }
0x80: {  	_ =	shalt  }
0x81: {  	_ =	shalt  }
0x82: {  	_ =	shalt  }
0x83: {  	_ =	shalt  }
0x84: {  	_ =	shalt  }
0x85: {  	_ =	shalt  }
0x86: {  	_ =	shalt  }
0x87: {  	_ =	shalt  }
.Lfunc_end0:
.L_simem_size_0:
called_computation.4_lowered:
.L_overlay_start_0:
0x88: {  	s2 =	sld [smem:$0x3FD9]  }
0x89: {  	s3 =	sld [smem:$0x3FFE];
	_ =	sdelay $0x1  }
0x8a: {  	s1 =	srdreg.scid  }
0x8b: {  	s0 =	sand.u32 $0x1, s1  }
0x8c: {  	s17 =	sshll.u32 s0, $0xA;
	s2 =	sadd.s32 s3, s2  }
0x8d: {  	s2 =	sadd.s32 s2, s17  }
0x8e: {  	[smem:$0x3FB0] =	sst s2  }
0x8f: {  	_ = 	snop  }
0x90: {  	(tm) =	ssettm $0x1  }
0x91: {  	s18 =	sld [smem:$0x3FFB];
	_ =	sdelay $0x3  }
0x92: {  	_ =	strace s18  }
0x93: {  	s2 =	sld [smem:$0x3FFC];
	_ =	sdelay $0x3  }
0x94: {  	_ =	strace s2  }
0x95: {  	s2 =	sld [smem:$0x3FFD];
	_ =	sdelay $0x3  }
0x96: {  	_ =	strace s2  }
0x97: {  	_ =	strace $0x8FFFFFFF  }
0x98: {  	s19 =	sld [smem:$0x3FDB];
	_ =	sdelay $0x1  }
0x99: {  	s20 =	simm.s32 $_scs_section_size  }
0x9a: {  	s4 =	simm.s32 $_size__tile_overlayer_lowered;
	s5 =	simm.s32 $_tile_overlayer_lowered  }
0x9b: {  	s6 =	simm.s32 $0x1BFF;
	s21 =	sshll.u32 s5, $0x1;
	s3 =	sadd.s32 s20, s19  }
0x9c: {  	s22 =	simm.s32 $0x0;
	s4 =	sshll.u32 s4, $0x1;
	s5 =	sadd.s32 s21, s3  }
0x9d: {  	[timem:s22], [sflag:s6] =	dma.local [hbm:s5], s4  }
0x9e: {  	_ =	swait.ge [sflag:s6], s4  }
0x9f: {  	s4 =	ssub.s32 $0x0, s4;
	[sflag:s6] =	ssyncset.done $0x0  }
0xa0: {  	[sflag:s6] =	ssyncadd.s32 s4;
	_ =	sdelay $0x1  }
0xa1: {  	s23 =	simm.s32 $0x1B8B  }
0xa2: {  	_ =	swait.ge [sflag:s23], $0x1  }
0xa3: {  	[sflag:s23] =	ssyncset.done $0x0  }
0xa4: {  	[sflag:s23] =	ssyncadd.s32 $0xFFFFFFFF  }
0xa5: {  	s4 =	sld [smem:$0x0]  }
0xa6: {  	s5 =	sand.u32 $0xFFFFFFFE, s1  }
0xa7: {  	p0 =	sne.s32 s1, s5  }
0xa8: {  	s5 =	sshll.u32 @p0 s5, $0xE  }
0xa9: {  	s5 =	sadd.s32 @p0 $0x11B8D, s5;
	s6 =	sshll.u32 @p0 s4, $0x11  }
0xaa: {  	s5 =	sor.u32 @p0 s6, s5  }
0xab: {  	[sflag:s5] =	ssyncadd.remote.s32 @p0 $0x1;
	_ =	sdelay $0x1  }
0xac: {  	s5 =	simm.s32 @p0 $0x1B8D  }
0xad: {  	_ =	swait.eq @p0 [sflag:s5], $0x1  }
0xae: {  	[sflag:s5] =	ssyncadd.s32 @p0 $0xFFFFFFFF  }
0xaf: {  	s6 =	sshll.u32 @!p0 s1, $0xE  }
0xb0: {  	s6 =	sor.u32 @!p0 $0x4000, s6;
	s5 =	simm.s32 @!p0 $0x1B8D  }
0xb1: {  	s4 =	sshll.u32 @!p0 s4, $0x11;
	s6 =	sadd.s32 @!p0 $0x11B8D, s6;
	_ =	swait.eq @!p0 [sflag:s5], $0x1  }
0xb2: {  	s4 =	sor.u32 @!p0 s4, s6;
	[sflag:s5] =	ssyncadd.s32 @!p0 $0xFFFFFFFF  }
0xb3: {  	s25 =	simm.s32 $0x1B8E;
	s24 =	sld [smem:$0x3FFE];
	[sflag:s4] =	ssyncadd.remote.s32 @!p0 $0x1  }
0xb4: {  	s26 =	simm.s32 $execute0_lowered;
	[smem:$0x3FD2] =	sst s25  }
0xb5: {  	s5 =	sshll.u32 s26, $0x1;
	_ =	strace $0x8000004C;
	[dreg:$0x1] =	wrdreg $0xFFFFFFFF  }
0xb6: {  	s28 =	simm.s32 $_size_execute0_lowered;
	s3 =	sadd.s32 s3, s5;
	[dreg:$0x0] =	wrdreg $0x0  }
0xb7: {  	s5 =	sshll.u32 s28, $0x1;
	[dreg:$0x2] =	wrdreg s3  }
0xb8: {  	[dreg:$0x3] =	wrdreg s5  }
0xb9: {  	[dreg:$0x4] =	wrdreg $0xC0  }
0xba: {  	_ =	task [dreg:s22], $0x5FFFF  }
0xbb: {  	[dreg:$0x1] =	wrdreg $0xFFFFFFFF  }
0xbc: {  	[dreg:$0x0] =	wrdreg $0x60  }
0xbd: {  	[dreg:$0x2] =	wrdreg s24  }
0xbe: {  	[dreg:$0x3] =	wrdreg $0xD  }
0xbf: {  	_ =	task.clear_ibuf [dreg:s22], $0x4FFFF;
	_ =	strace $0x9000004C  }
0xc0: {  	s29 =	simm.s32 $0xD;
	_ =	strace $0x8000004E  }
0xc1: {  	_ =	swait.ge [sflag:s29], $0x1  }
0xc2: {  	[sflag:s29] =	ssyncadd.s32 $0xFFFFFFFF  }
0xc3: {  	_ =	strace $0x9000004E  }
0xc4: {  	_ =	sfence  }
0xc5: {  	s30 =	sld [smem:$0x0];
	_ =	sdelay $0x2  }
0xc6: {  	s31 =	sshll.u32 s1, $0xD;
	s1 =	sshrl.u32 s1, $0x2  }
0xc7: {  	s4 =	sand.u32 $0x4000, s31;
	s1 =	sadd.s32 s1, s30  }
0xc8: {  	s0 =	sor.u32 s4, s0;
	s1 =	sshll.u32 s1, $0x11  }
0xc9: {  	s0 =	sor.u32 s1, s0  }
0xca: {  	s0 =	sadd.s32 $0x8F2B, s0  }
0xcb: {  	[sflag:s0] =	ssyncadd.remote.s32 $0x1  }
0xcc: {  	_ =	sfence.sel $0xFFFF  }
0xcd: {  	[dreg:$0x0] =	wrdreg $0xFFFFFFFF;
	(pc) =	sbr.abs _section_cstart, $3  }
0xce: {  	[dreg:$0x1] =	wrdreg $0xFFFFFFFF  }
0xcf: {  	_ =	task.clear_ibuf [dreg:s22], $0x2FFFF;
	_ =	strace $0x9FFFFFFF  }
0xd0: {  	(tm) =	ssettm $0x7FFFFFFF  }
0xd1: {  	_ =	shalt  }
tec
execute0_lowered:
.L_overlay_start_1:
0x0: {  	(tag) =	ssettag $0x1  }
0x1: {  	s1 =	srdreg.scid  }
0x2: {  	s0 =	stileid.u32;
	s5 =	rddreg [dreg:$0x0]  }
0x3: {  	s2 =	simm.s32 $0x0;
	s17 =	simm.s32 $0x1000;
	s18 =	simm.s32 $0x7400  }
0x4: {  	s19 =	simm.s32 $0xD800;
	s20 =	simm.s32 $0x8C8;
	s21 =	simm.s32 $0x13C00  }
0x5: {  	s22 =	simm.s32 $0x1;
	s23 =	simm.s32 $0x2;
	s24 =	simm.s32 $0x3  }
0x6: {  	s25 =	simm.s32 $0x4;
	s26 =	simm.s32 $0x0;
	s11 =	sand.u32 $0x1, s1  }
0x7: {  	s30 =	sshll.u32 s0, $0x1;
	[smem:$0x7FF] =	sst s2;
	s3 =	sadd.s32 $0x9A00, s5  }
0x8: {  	s12 =	sadd.s32 $0x453E00, s5;
	s15 =	smul.u32 $0xFA00, s0;
	s6 =	sor.u32 s11, s30  }
0x9: {  	s13 =	sadd.s32 $0x54DE00, s5;
	s8 =	ssub.s32 $0x2, s11;
	s4 =	smul.u32 $0x7D0, s6  }
0xa: {  	_ =	strace $0x8000004D;
	s9 =	sshrl.u32 s8, $0x1;
	s10 =	smul.u32 $0x7D00, s6  }
0xb: {  	s16 =	smul.u32 $0x7D00, s11;
	s8 =	ssub.s32 s8, s9;
	s7 =	sshrl.u32 s4, $0x3  }
0xc: {  	s4 =	sadd.s32 $0x44C00, s5;
	s31 =	sadd.s32 $0x6400, s10;
	s14 =	sadd.s32 $0x7080, s10  }
0xd: {  	s7 =	sadd.s32 s7, s5;
	s9 =	sadd.s32 s13, s31;
	s10 =	sadd.s32 s12, s14  }
0xe: {  	s11 =	sadd.s32 s13, s14;
	s13 =	sadd.s32 s15, s13;
	s14 =	simm.s32 $0x5  }
0xf: {  	s5 =	sadd.s32 $0x3AC00, s7;
	s6 =	sadd.s32 $0x38C00, s7;
	s7 =	smax.u32 s8, $0x1  }
0x10: {  	s8 =	sadd.s32 s12, s31;
	s12 =	sadd.s32 s15, s12;
	s13 =	sadd.s32 s16, s13  }
0x11: {  	s15 =	simm.s32 $0x800;
	s12 =	sadd.s32 s16, s12;
	s16 =	simm.s32 $0xC8  }
.LBB2_1:
0x12: {  	[tilespmem:s2], [sflag:$0x5] =	stream.linear.gather [hbm4b:s5+s2], $0x7D0, $0x38;
	[tilespmem:$0x1A000] =	vst v63  }
0x13: {  	_ =	swait.ge [sflag:s14], $0x7D0  }
0x14: {  	[sflag:s14] =	ssyncset.done $0x0  }
0x15: {  	[sflag:s14] =	ssyncadd.s32 $0xFFFFF830  }
0x16: {  	[tilespmem:s15], [sflag:$0x5] =	stream.linear.gather [hbm4b:s6+s2], $0x7D0, $0x38;
	[tilespmem:$0x1A000] =	vst v63  }
0x17: {  	_ =	swait.ge [sflag:s14], $0x7D0  }
0x18: {  	[sflag:s14] =	ssyncset.done $0x0  }
0x19: {  	[sflag:s14] =	ssyncadd.s32 $0xFFFFF830  }
0x1a: {  	[tilespmem:s17], [sflag:$0x1] =	stream.indirect.gather [hbm4b:s3+s16], $0x80, s2, s16, $0xb8;
	[tilespmem:$0x1A000] =	vst v63  }
0x1b: {  	_ = 	snop  }
0x1c: {  	[tilespmem:s18], [sflag:$0x2] =	stream.indirect.gather [hbm4b:s4+s16], $0x80, s15, s16, $0xb8;
	[tilespmem:$0x1A000] =	vst v63  }
0x1d: {  	_ = 	snop  }
0x1e: {  	[tilespmem:s19], [sflag:$0x3] =	stream.indirect.gather [hbm4b:s3+s16], $0x80, s16, s16, $0xb8;
	[tilespmem:$0x1A000] =	vst v63  }
0x1f: {  	_ = 	snop  }
0x20: {  	[tilespmem:s21], [sflag:$0x4] =	stream.indirect.gather [hbm4b:s4+s16], $0x80, s20, s16, $0xb8;
	[tilespmem:$0x1A000] =	vst v63  }
0x21: {  	_ =	swait.ge [sflag:s22], $0x6400  }
0x22: {  	[sflag:s22] =	ssyncset.done $0x0  }
0x23: {  	[sflag:s22] =	ssyncadd.s32 $0xFFFF9C00  }
0x24: {  	_ =	swait.ge [sflag:s23], $0x6400  }
0x25: {  	[sflag:s23] =	ssyncset.done $0x0  }
0x26: {  	s28 =	sadd.s32 $0x0, s12;
	[sflag:s23] =	ssyncadd.s32 $0xFFFF9C00  }
0x27: {  	[hbm4b:s28+s2] =	stream.linear.scatter [tilespmem:s17], [sflag:$0x1], $0x6400, $0x38;
	[tilespmem:$0x1A000] =	vst v63  }
0x28: {  	s29 =	sadd.s32 $0x0, s13  }
0x29: {  	[hbm4b:s29+s2] =	stream.linear.scatter [tilespmem:s18], [sflag:$0x2], $0x6400, $0x38;
	[tilespmem:$0x1A000] =	vst v63  }
0x2a: {  	_ =	swait.ge [sflag:s24], $0x6400  }
0x2b: {  	[sflag:s24] =	ssyncset.done $0x0  }
0x2c: {  	[sflag:s24] =	ssyncadd.s32 $0xFFFF9C00  }
0x2d: {  	_ =	swait.ge [sflag:s25], $0x6400  }
0x2e: {  	[sflag:s25] =	ssyncset.done $0x0  }
0x2f: {  	s28 =	sadd.s32 $0xC80, s28;
	[sflag:s25] =	ssyncadd.s32 $0xFFFF9C00  }
0x30: {  	[hbm4b:s28+s2] =	stream.linear.scatter [tilespmem:s19], [sflag:$0x3], $0x6400, $0x38;
	[tilespmem:$0x1A000] =	vst v63  }
0x31: {  	s28 =	sadd.s32 $0xC80, s29  }
0x32: {  	[hbm4b:s28+s2] =	stream.linear.scatter [tilespmem:s21], [sflag:$0x4], $0x6400, $0x38;
	[tilespmem:$0x1A000] =	vst v63  }
0x33: {  	_ =	swait.ge [sflag:s22], $0x6400  }
0x34: {  	[sflag:s22] =	ssyncset.done $0x0  }
0x35: {  	[sflag:s22] =	ssyncadd.s32 $0xFFFF9C00  }
0x36: {  	_ =	swait.ge [sflag:s23], $0x6400  }
0x37: {  	[sflag:s23] =	ssyncset.done $0x0  }
0x38: {  	s28 =	simm.s32 $0x190;
	[sflag:s23] =	ssyncadd.s32 $0xFFFF9C00  }
0x39: {  	[tilespmem:s17], [sflag:$0x1] =	stream.indirect.gather [hbm4b:s3+s16], $0x80, s28, s16, $0xb8;
	[tilespmem:$0x1A000] =	vst v63  }
0x3a: {  	s28 =	simm.s32 $0x990  }
0x3b: {  	[tilespmem:s18], [sflag:$0x2] =	stream.indirect.gather [hbm4b:s4+s16], $0x80, s28, s16, $0xb8;
	[tilespmem:$0x1A000] =	vst v63  }
0x3c: {  	_ =	swait.ge [sflag:s24], $0x6400  }
0x3d: {  	[sflag:s24] =	ssyncset.done $0x0  }
0x3e: {  	[sflag:s24] =	ssyncadd.s32 $0xFFFF9C00  }
0x3f: {  	_ =	swait.ge [sflag:s25], $0x6400  }
0x40: {  	[sflag:s25] =	ssyncset.done $0x0  }
0x41: {  	s30 =	simm.s32 $0x3E8;
	s28 =	simm.s32 $0x258;
	[sflag:s25] =	ssyncadd.s32 $0xFFFF9C00  }
0x42: {  	[tilespmem:s19], [sflag:$0x3] =	stream.indirect.gather [hbm4b:s3+s16], $0x80, s28, s16, $0xb8;
	[tilespmem:$0x1A000] =	vst v63  }
0x43: {  	s31 =	simm.s32 $0xBE8;
	s29 =	simm.s32 $0x1900;
	s28 =	simm.s32 $0xA58  }
.LBB2_2:
0x44: {  	[tilespmem:s21], [sflag:$0x4] =	stream.indirect.gather [hbm4b:s4+s16], $0x80, s28, s16, $0xb8;
	[tilespmem:$0x1A000] =	vst v63  }
0x45: {  	s1 =	smov.u32 s29;
	s28 =	smov.u32 s31  }
0x46: {  	p0 =	sne.s32 s29, $0x4B00;
	s29 =	sadd.s32 $0x1900, s29;
	_ =	swait.ge [sflag:s22], $0x6400  }
0x47: {  	[sflag:s22] =	ssyncset.done $0x0  }
0x48: {  	[sflag:s22] =	ssyncadd.s32 $0xFFFF9C00  }
0x49: {  	_ =	swait.ge [sflag:s23], $0x6400  }
0x4a: {  	[sflag:s23] =	ssyncset.done $0x0  }
0x4b: {  	s0 =	sadd.s32 s1, s12;
	[sflag:s23] =	ssyncadd.s32 $0xFFFF9C00  }
0x4c: {  	[hbm4b:s0+s2] =	stream.linear.scatter [tilespmem:s17], [sflag:$0x1], $0x6400, $0x38;
	[tilespmem:$0x1A000] =	vst v63  }
0x4d: {  	s1 =	sadd.s32 s1, s13  }
0x4e: {  	[hbm4b:s1+s2] =	stream.linear.scatter [tilespmem:s18], [sflag:$0x2], $0x6400, $0x38;
	[tilespmem:$0x1A000] =	vst v63  }
0x4f: {  	_ =	swait.ge [sflag:s24], $0x6400  }
0x50: {  	[sflag:s24] =	ssyncset.done $0x0  }
0x51: {  	[sflag:s24] =	ssyncadd.s32 $0xFFFF9C00  }
0x52: {  	_ =	swait.ge [sflag:s25], $0x6400  }
0x53: {  	[sflag:s25] =	ssyncset.done $0x0  }
0x54: {  	s0 =	sadd.s32 $0xC80, s0;
	[sflag:s25] =	ssyncadd.s32 $0xFFFF9C00  }
0x55: {  	[hbm4b:s0+s2] =	stream.linear.scatter [tilespmem:s19], [sflag:$0x3], $0x6400, $0x38;
	[tilespmem:$0x1A000] =	vst v63  }
0x56: {  	s0 =	sadd.s32 $0xC80, s1  }
0x57: {  	[hbm4b:s0+s2] =	stream.linear.scatter [tilespmem:s21], [sflag:$0x4], $0x6400, $0x38;
	[tilespmem:$0x1A000] =	vst v63  }
0x58: {  	_ =	swait.ge [sflag:s22], $0x6400  }
0x59: {  	[sflag:s22] =	ssyncset.done $0x0  }
0x5a: {  	[sflag:s22] =	ssyncadd.s32 $0xFFFF9C00  }
0x5b: {  	_ =	swait.ge [sflag:s23], $0x6400  }
0x5c: {  	[sflag:s23] =	ssyncset.done $0x0  }
0x5d: {  	s0 =	sadd.s32 $0xFFFFFF38, s30;
	[sflag:s23] =	ssyncadd.s32 $0xFFFF9C00  }
0x5e: {  	[tilespmem:s17], [sflag:$0x1] =	stream.indirect.gather [hbm4b:s3+s16], $0x80, s0, s16, $0xb8;
	[tilespmem:$0x1A000] =	vst v63  }
0x5f: {  	s0 =	sadd.s32 $0xFFFFFF38, s31  }
0x60: {  	[tilespmem:s18], [sflag:$0x2] =	stream.indirect.gather [hbm4b:s4+s16], $0x80, s0, s16, $0xb8;
	[tilespmem:$0x1A000] =	vst v63  }
0x61: {  	_ =	swait.ge [sflag:s24], $0x6400  }
0x62: {  	[sflag:s24] =	ssyncset.done $0x0  }
0x63: {  	[sflag:s24] =	ssyncadd.s32 $0xFFFF9C00  }
.Ltmp0:
0x64: {  	_ =	swait.ge [sflag:s25], $0x6400;
	(pc) =	sbr.rel @p0 .LBB2_2-.Ltmp0, $4  }
0x65: {  	[sflag:s25] =	ssyncset.done $0x0  }
0x66: {  	[sflag:s25] =	ssyncadd.s32 $0xFFFF9C00  }
0x67: {  	[tilespmem:s19], [sflag:$0x3] =	stream.indirect.gather [hbm4b:s3+s16], $0x80, s30, s16, $0xb8;
	[tilespmem:$0x1A000] =	vst v63  }
0x68: {  	s31 =	sadd.s32 $0x190, s31;
	s30 =	sadd.s32 $0x190, s30  }
0x69: {  	[tilespmem:s21], [sflag:$0x4] =	stream.indirect.gather [hbm4b:s4+s16], $0x80, s28, s16, $0xb8;
	[tilespmem:$0x1A000] =	vst v63  }
0x6a: {  	_ =	swait.ge [sflag:s22], $0x6400  }
0x6b: {  	[sflag:s22] =	ssyncset.done $0x0  }
0x6c: {  	[sflag:s22] =	ssyncadd.s32 $0xFFFF9C00  }
0x6d: {  	_ =	swait.ge [sflag:s23], $0x6400  }
0x6e: {  	[sflag:s23] =	ssyncset.done $0x0  }
0x6f: {  	[sflag:s23] =	ssyncadd.s32 $0xFFFF9C00  }
0x70: {  	[hbm4b:s8+s2] =	stream.linear.scatter [tilespmem:s17], [sflag:$0x1], $0x6400, $0x38;
	[tilespmem:$0x1A000] =	vst v63  }
0x71: {  	_ = 	snop  }
0x72: {  	[hbm4b:s9+s2] =	stream.linear.scatter [tilespmem:s18], [sflag:$0x2], $0x6400, $0x38;
	[tilespmem:$0x1A000] =	vst v63  }
0x73: {  	_ =	swait.ge [sflag:s24], $0x6400  }
0x74: {  	[sflag:s24] =	ssyncset.done $0x0  }
0x75: {  	[sflag:s24] =	ssyncadd.s32 $0xFFFF9C00  }
0x76: {  	_ =	swait.ge [sflag:s25], $0x6400  }
0x77: {  	[sflag:s25] =	ssyncset.done $0x0  }
0x78: {  	[sflag:s25] =	ssyncadd.s32 $0xFFFF9C00  }
0x79: {  	[hbm4b:s10+s2] =	stream.linear.scatter [tilespmem:s19], [sflag:$0x3], $0x6400, $0x38;
	[tilespmem:$0x1A000] =	vst v63  }
0x7a: {  	_ = 	snop  }
0x7b: {  	[hbm4b:s11+s2] =	stream.linear.scatter [tilespmem:s21], [sflag:$0x4], $0x6400, $0x38;
	[tilespmem:$0x1A000] =	vst v63  }
0x7c: {  	_ =	swait.ge [sflag:s22], $0x6400  }
0x7d: {  	[sflag:s22] =	ssyncset.done $0x0  }
0x7e: {  	[sflag:s22] =	ssyncadd.s32 $0xFFFF9C00  }
0x7f: {  	_ =	swait.ge [sflag:s23], $0x6400  }
0x80: {  	[sflag:s23] =	ssyncset.done $0x0  }
0x81: {  	s26 =	sadd.s32 $0x1, s26;
	[sflag:s23] =	ssyncadd.s32 $0xFFFF9C00  }
0x82: {  	p0 =	sne.s32 s26, s7;
	_ =	swait.ge [sflag:s24], $0x6400  }
.Ltmp1:
0x83: {  	[sflag:s24] =	ssyncset.done $0x0;
	(pc) =	sbr.rel @p0 .LBB2_1-.Ltmp1, $4  }
0x84: {  	[sflag:s24] =	ssyncadd.s32 $0xFFFF9C00  }
0x85: {  	_ =	swait.ge [sflag:s25], $0x6400  }
0x86: {  	[sflag:s25] =	ssyncset.done $0x0  }
0x87: {  	[sflag:s25] =	ssyncadd.s32 $0xFFFF9C00  }
0x88: {  	_ =	sfence.sel $0x180000  }
0x89: {  	[bflag:$0x0] =	sbarrier.arrive $0xFFFF  }
0x8a: {  	_ =	strace $0x9000004D  }
0x8b: {  	s0 =	stileid.u32;
	[bflag:$0x2] =	sbarrier.arrive $0xFFFF  }
0x8c: {  	p0 =	sne.s32 s0, $0x0;
	s0 =	rddreg [dreg:$0x1]  }
0x8d: {  	s0 =	sadd.s32 @!p0 $0x100000, s0  }
0x8e: {  	[sflag:s0] =	ssyncadd.tile.s32 @!p0 $0x1;
	_ =	shalt  }
.Lfunc_end2:
_tile_overlayer_lowered:
.L_overlay_start_2:
0x8f: {  	(tag) =	ssettag $0x2  }
0x90: {  	s0 =	rddreg [dreg:$0x0];
	s2 =	stileid.u32  }
0x91: {  	s1 =	rddreg [dreg:$0x1];
	p0 =	sne.s32 s2, $0x0  }
0x92: {  	s3 =	rddreg [dreg:$0x2];
	[bflag:$0x3] =	sbarrier.arrive $0xFFFF;
	s2 =	simm.s32 @!p0 $0x1C05  }
0x93: {  	[timem:s3], [sflag:s2] =	dma.local @!p0 [hbm:s0], s1  }
0x94: {  	s0 =	simm.s32 @!p0 $0x5  }
0x95: {  	_ =	swait.ge @!p0 [sflag:s0], s1  }
0x96: {  	s1 =	ssub.s32 @!p0 $0x0, s1;
	[sflag:s0] =	ssyncset.done @!p0 $0x0  }
0x97: {  	[sflag:s0] =	ssyncadd.s32 @!p0 s1  }
0x98: {  	[bflag:$0x3] =	sbarrier.arrive $0xFFFF  }
0x99: {  	_ =	shalt  }

// kernel: kernel.39.cloned.1.call-start
scs
__scs_entry_jumppad:
0x0: {  	(pc) =	sbr.rel $0x88, $3  }
0x1: {  	(tag) =	ssettag $0x0;
	lr =	simm.s32 $0x1  }
0x2: {  	[smem:$0x3F89] =	sst lr;
	_ =	strace $0xD0000000  }
0x3: {  	_ = 	snop  }
0x4: {  	_ = 	snop  }
0x5: {  	_ = 	snop  }
0x6: {  	_ = 	snop  }
0x7: {  	_ = 	snop  }
__scs_overlays_trampoline_lowered:
0x8: {  	[smem:$0x3F98] =	sst s0  }
0x9: {  	[smem:$0x3F99] =	sst s1  }
0xa: {  	[smem:$0x3F9A] =	sst s2  }
0xb: {  	[smem:$0x3F9B] =	sst s3  }
0xc: {  	[smem:$0x3F9C] =	sst s4  }
0xd: {  	[smem:$0x3F9D] =	sst s5  }
0xe: {  	[smem:$0x3F9E] =	sst s6  }
0xf: {  	[smem:$0x3F9F] =	sst s7  }
0x10: {  	[smem:$0x3FA0] =	sst s8  }
0x11: {  	[smem:$0x3FA1] =	sst s9;
	s0 =	simm.s32 @!p0 $0x0  }
0x12: {  	s1 =	sld [smem:$0x3F87];
	s0 =	simm.s32 @p0 $0x1  }
0x13: {  	[smem:$0x3FA2] =	sst s0;
	s0 =	simm.s32 @!p1 $0x0  }
0x14: {  	s2 =	sld [smem:$0x3F86];
	s0 =	simm.s32 @p1 $0x1  }
0x15: {  	[smem:$0x3FA3] =	sst s0;
	s0 =	simm.s32 @!p2 $0x0  }
0x16: {  	s3 =	sld [smem:$0x3FDB];
	s0 =	simm.s32 @p2 $0x1  }
0x17: {  	s4 =	simm.s32 $0x1BF5;
	[smem:$0x3FA5] =	sst s0  }
0x18: {  	s0 =	sld [smem:$0x3F88];
	_ =	swait.ge [sflag:s4], $0x0  }
0x19: {  	s7 =	sld [smem:$0x3F89]  }
0x1a: {  	s8 =	sadd.s32 $0xFFFFE003, lr  }
0x1b: {  	s9 =	sadd.s32 $0xFFFFFEF7, lr;
	s5 =	simm.s32 $0xFFFFFFFF;
	p2 =	slt.u32 s8, $0xFFFFF086  }
0x1c: {  	p1 =	slt.u32 s9, $0xF7A;
	s5 =	simm.s32 @!p2 $0x0  }
0x1d: {  	s5 =	simm.s32 @p1 $0x1;
	p0 =	seq.s32 s7, s2  }
0x1e: {  	s7 =	smul.u32 @!p0 $0xF7A, s2;
	p2 =	seq.s32 @!p0 s5, $0x0  }
0x1f: {  	s9 =	smul.u32 $0xF7A, s1;
	s8 =	simm.s32 @!p0 $0x1BF5;
	p2 =	por !p2, p0  }
0x20: {  	[sflag:s8] =	ssyncset.s32 @!p0 $0xFFFFF086;
	s6 =	sadd.s32 @!p0 s3, s7;
	s7 =	simm.s32 @!p0 $0x108  }
0x21: {  	s3 =	sadd.s32 s3, s9;
	s6 =	sadd.s32 @!p0 $0x88, s6;
	s7 =	simm.s32 @p2 $0x1082  }
0x22: {  	[simem:s7], [sflag:s8] =	dma.local @!p0 [hbm:s6], $0xF7A  }
0x23: {  	s9 =	sor.u32 $0xD0000000, s2;
	s6 =	simm.s32 $0x108;
	_ =	swait.ge @!p0 [sflag:s8], $0x0  }
0x24: {  	s3 =	sadd.s32 $0x88, s3;
	s6 =	simm.s32 @!p1 $0x1082;
	[sflag:s4] =	ssyncset.s32 $0xFFFFF086  }
0x25: {  	[simem:s6], [sflag:s4] =	dma.local [hbm:s3], $0xF7A  }
0x26: {  	[smem:$0x3F89] =	sst s1;
	(tag) =	ssettag s2;
	_ =	strace s9  }
0x27: {  	s1 =	sld [smem:$0x3F99]  }
0x28: {  	s2 =	sld [smem:$0x3F9A]  }
0x29: {  	s4 =	sld [smem:$0x3F9C]  }
0x2a: {  	p0 =	seq.s32 s5, $0x0;
	s5 =	sld [smem:$0x3F9D]  }
0x2b: {  	s6 =	sld [smem:$0x3F9E]  }
0x2c: {  	s7 =	sld [smem:$0x3F9F]  }
0x2d: {  	s3 =	simm.s32 $0x108;
	s8 =	sld [smem:$0x3FA0]  }
0x2e: {  	s3 =	simm.s32 @!p0 $0x1082;
	s9 =	sld [smem:$0x3FA1]  }
0x2f: {  	lr =	sadd.s32 s0, s3;
	s0 =	sld [smem:$0x3F98]  }
0x30: {  	s3 =	sld [smem:$0x3F9B]  }
0x31: {  	[smem:$0x3FA4] =	sst s10  }
0x32: {  	s10 =	sld [smem:$0x3FA2];
	_ =	sdelay $0x3  }
0x33: {  	p0 =	seq.s32 s10, $0x1;
	s10 =	sld [smem:$0x3FA4];
	_ =	sdelay $0x3  }
0x34: {  	[smem:$0x3FA4] =	sst s10  }
0x35: {  	s10 =	sld [smem:$0x3FA3];
	_ =	sdelay $0x3  }
0x36: {  	p1 =	seq.s32 s10, $0x1;
	s10 =	sld [smem:$0x3FA4];
	_ =	sdelay $0x3  }
0x37: {  	[smem:$0x3FA4] =	sst s10  }
0x38: {  	s10 =	sld [smem:$0x3FA5]  }
0x39: {  	_ = 	snop;
	(pc) =	sbr.ind lr, $3  }
0x3a: {  	_ = 	snop  }
0x3b: {  	_ = 	snop  }
0x3c: {  	p2 =	seq.s32 s10, $0x1;
	s10 =	sld [smem:$0x3FA4]  }
0x3d: {  	_ =	shalt  }
0x3e: {  	_ =	shalt  }
0x3f: {  	_ =	shalt  }
0x40: {  	_ =	shalt  }
0x41: {  	_ =	shalt  }
0x42: {  	_ =	shalt  }
0x43: {  	_ =	shalt  }
0x44: {  	_ =	shalt  }
0x45: {  	_ =	shalt  }
0x46: {  	_ =	shalt  }
0x47: {  	_ =	shalt  }
0x48: {  	_ =	shalt  }
0x49: {  	_ =	shalt  }
0x4a: {  	_ =	shalt  }
0x4b: {  	_ =	shalt  }
0x4c: {  	_ =	shalt  }
0x4d: {  	_ =	shalt  }
0x4e: {  	_ =	shalt  }
0x4f: {  	_ =	shalt  }
0x50: {  	_ =	shalt  }
0x51: {  	_ =	shalt  }
0x52: {  	_ =	shalt  }
0x53: {  	_ =	shalt  }
0x54: {  	_ =	shalt  }
0x55: {  	_ =	shalt  }
0x56: {  	_ =	shalt  }
0x57: {  	_ =	shalt  }
0x58: {  	_ =	shalt  }
0x59: {  	_ =	shalt  }
0x5a: {  	_ =	shalt  }
0x5b: {  	_ =	shalt  }
0x5c: {  	_ =	shalt  }
0x5d: {  	_ =	shalt  }
0x5e: {  	_ =	shalt  }
0x5f: {  	_ =	shalt  }
0x60: {  	_ =	shalt  }
0x61: {  	_ =	shalt  }
0x62: {  	_ =	shalt  }
0x63: {  	_ =	shalt  }
0x64: {  	_ =	shalt  }
0x65: {  	_ =	shalt  }
0x66: {  	_ =	shalt  }
0x67: {  	_ =	shalt  }
0x68: {  	_ =	shalt  }
0x69: {  	_ =	shalt  }
0x6a: {  	_ =	shalt  }
0x6b: {  	_ =	shalt  }
0x6c: {  	_ =	shalt  }
0x6d: {  	_ =	shalt  }
0x6e: {  	_ =	shalt  }
0x6f: {  	_ =	shalt  }
0x70: {  	_ =	shalt  }
0x71: {  	_ =	shalt  }
0x72: {  	_ =	shalt  }
0x73: {  	_ =	shalt  }
0x74: {  	_ =	shalt  }
0x75: {  	_ =	shalt  }
0x76: {  	_ =	shalt  }
0x77: {  	_ =	shalt  }
0x78: {  	_ =	shalt  }
0x79: {  	_ =	shalt  }
0x7a: {  	_ =	shalt  }
0x7b: {  	_ =	shalt  }
0x7c: {  	_ =	shalt  }
0x7d: {  	_ =	shalt  }
0x7e: {  	_ =	shalt  }
0x7f: {  	_ =	shalt  }
0x80: {  	_ =	shalt  }
0x81: {  	_ =	shalt  }
0x82: {  	_ =	shalt  }
0x83: {  	_ =	shalt  }
0x84: {  	_ =	shalt  }
0x85: {  	_ =	shalt  }
0x86: {  	_ =	shalt  }
0x87: {  	_ =	shalt  }
.Lfunc_end0:
.L_simem_size_0:
called_computation.5_lowered:
.L_overlay_start_0:
0x88: {  	s2 =	sld [smem:$0x3FD9]  }
0x89: {  	s3 =	sld [smem:$0x3FFE];
	_ =	sdelay $0x1  }
0x8a: {  	s1 =	srdreg.scid  }
0x8b: {  	s0 =	sand.u32 $0x1, s1  }
0x8c: {  	s17 =	sshll.u32 s0, $0xA;
	s2 =	sadd.s32 s3, s2  }
0x8d: {  	s2 =	sadd.s32 s2, s17  }
0x8e: {  	[smem:$0x3FB0] =	sst s2  }
0x8f: {  	_ = 	snop  }
0x90: {  	(tm) =	ssettm $0x1  }
0x91: {  	s18 =	sld [smem:$0x3FFB];
	_ =	sdelay $0x3  }
0x92: {  	_ =	strace s18  }
0x93: {  	s2 =	sld [smem:$0x3FFC];
	_ =	sdelay $0x3  }
0x94: {  	_ =	strace s2  }
0x95: {  	s2 =	sld [smem:$0x3FFD];
	_ =	sdelay $0x3  }
0x96: {  	_ =	strace s2  }
0x97: {  	_ =	strace $0x8FFFFFFF  }
0x98: {  	s19 =	sld [smem:$0x3FDB];
	_ =	sdelay $0x1  }
0x99: {  	s20 =	simm.s32 $_scs_section_size  }
0x9a: {  	s4 =	simm.s32 $_size__tile_overlayer_lowered;
	s5 =	simm.s32 $_tile_overlayer_lowered  }
0x9b: {  	s6 =	simm.s32 $0x1BFF;
	s21 =	sshll.u32 s5, $0x1;
	s3 =	sadd.s32 s20, s19  }
0x9c: {  	s22 =	simm.s32 $0x0;
	s4 =	sshll.u32 s4, $0x1;
	s5 =	sadd.s32 s21, s3  }
0x9d: {  	[timem:s22], [sflag:s6] =	dma.local [hbm:s5], s4  }
0x9e: {  	_ =	swait.ge [sflag:s6], s4  }
0x9f: {  	s4 =	ssub.s32 $0x0, s4;
	[sflag:s6] =	ssyncset.done $0x0  }
0xa0: {  	[sflag:s6] =	ssyncadd.s32 s4;
	_ =	sdelay $0x1  }
0xa1: {  	s23 =	simm.s32 $0x1B8B  }
0xa2: {  	_ =	swait.ge [sflag:s23], $0x1  }
0xa3: {  	[sflag:s23] =	ssyncset.done $0x0  }
0xa4: {  	[sflag:s23] =	ssyncadd.s32 $0xFFFFFFFF  }
0xa5: {  	s4 =	sld [smem:$0x0]  }
0xa6: {  	s5 =	sand.u32 $0xFFFFFFFE, s1  }
0xa7: {  	p0 =	sne.s32 s1, s5  }
0xa8: {  	s5 =	sshll.u32 @p0 s5, $0xE  }
0xa9: {  	s5 =	sadd.s32 @p0 $0x11B8D, s5;
	s6 =	sshll.u32 @p0 s4, $0x11  }
0xaa: {  	s5 =	sor.u32 @p0 s6, s5  }
0xab: {  	[sflag:s5] =	ssyncadd.remote.s32 @p0 $0x1;
	_ =	sdelay $0x1  }
0xac: {  	s5 =	simm.s32 @p0 $0x1B8D  }
0xad: {  	_ =	swait.eq @p0 [sflag:s5], $0x1  }
0xae: {  	[sflag:s5] =	ssyncadd.s32 @p0 $0xFFFFFFFF  }
0xaf: {  	s6 =	sshll.u32 @!p0 s1, $0xE  }
0xb0: {  	s6 =	sor.u32 @!p0 $0x4000, s6;
	s5 =	simm.s32 @!p0 $0x1B8D  }
0xb1: {  	s4 =	sshll.u32 @!p0 s4, $0x11;
	s6 =	sadd.s32 @!p0 $0x11B8D, s6;
	_ =	swait.eq @!p0 [sflag:s5], $0x1  }
0xb2: {  	s4 =	sor.u32 @!p0 s4, s6;
	[sflag:s5] =	ssyncadd.s32 @!p0 $0xFFFFFFFF  }
0xb3: {  	s25 =	simm.s32 $0x1B8E;
	s24 =	sld [smem:$0x3FFE];
	[sflag:s4] =	ssyncadd.remote.s32 @!p0 $0x1  }
0xb4: {  	s26 =	simm.s32 $execute0_lowered;
	[smem:$0x3FD2] =	sst s25  }
0xb5: {  	s5 =	sshll.u32 s26, $0x1;
	_ =	strace $0x8000005B;
	[dreg:$0x1] =	wrdreg $0xFFFFFFFF  }
0xb6: {  	s28 =	simm.s32 $_size_execute0_lowered;
	s3 =	sadd.s32 s3, s5;
	[dreg:$0x0] =	wrdreg $0x0  }
0xb7: {  	s5 =	sshll.u32 s28, $0x1;
	[dreg:$0x2] =	wrdreg s3  }
0xb8: {  	[dreg:$0x3] =	wrdreg s5  }
0xb9: {  	[dreg:$0x4] =	wrdreg $0xC0  }
0xba: {  	_ =	task [dreg:s22], $0x5FFFF  }
0xbb: {  	[dreg:$0x1] =	wrdreg $0xFFFFFFFF  }
0xbc: {  	[dreg:$0x0] =	wrdreg $0x60  }
0xbd: {  	[dreg:$0x2] =	wrdreg s24  }
0xbe: {  	[dreg:$0x3] =	wrdreg $0xCA000  }
0xbf: {  	[dreg:$0x4] =	wrdreg $0xD  }
0xc0: {  	_ =	task.clear_ibuf [dreg:s22], $0x5FFFF;
	_ =	strace $0x9000005B  }
0xc1: {  	s29 =	simm.s32 $0xD;
	_ =	strace $0x8000005D  }
0xc2: {  	_ =	swait.ge [sflag:s29], $0x1  }
0xc3: {  	[sflag:s29] =	ssyncadd.s32 $0xFFFFFFFF  }
0xc4: {  	_ =	strace $0x9000005D  }
0xc5: {  	_ =	sfence  }
0xc6: {  	s30 =	sld [smem:$0x0];
	_ =	sdelay $0x2  }
0xc7: {  	s31 =	sshll.u32 s1, $0xD;
	s1 =	sshrl.u32 s1, $0x2  }
0xc8: {  	s4 =	sand.u32 $0x4000, s31;
	s1 =	sadd.s32 s1, s30  }
0xc9: {  	s0 =	sor.u32 s4, s0;
	s1 =	sshll.u32 s1, $0x11  }
0xca: {  	s0 =	sor.u32 s1, s0  }
0xcb: {  	s0 =	sadd.s32 $0x8F2B, s0  }
0xcc: {  	[sflag:s0] =	ssyncadd.remote.s32 $0x1  }
0xcd: {  	_ =	sfence.sel $0xFFFF  }
0xce: {  	[dreg:$0x0] =	wrdreg $0xFFFFFFFF;
	(pc) =	sbr.abs _section_cstart, $3  }
0xcf: {  	[dreg:$0x1] =	wrdreg $0xFFFFFFFF  }
0xd0: {  	_ =	task.clear_ibuf [dreg:s22], $0x2FFFF;
	_ =	strace $0x9FFFFFFF  }
0xd1: {  	(tm) =	ssettm $0x7FFFFFFF  }
tec
execute0_lowered:
.L_overlay_start_1:
0x0: {  	(tag) =	ssettag $0x1  }
0x1: {  	s0 =	rddreg [dreg:$0x0]  }
0x2: {  	s1 =	rddreg [dreg:$0x1];
	s2 =	simm.s32 $0x0;
	s4 =	stileid.u32  }
0x3: {  	s3 =	srdreg.scid;
	s28 =	simm.s32 $0x4;
	s6 =	smul.u32 $0x1380, s4  }
0x4: {  	s29 =	simm.s32 $0x0;
	[smem:$0x7FF] =	sst s2;
	s5 =	smul.u32 $0xFA0, s4  }
0x5: {  	s7 =	sand.u32 $0x1, s3;
	s8 =	sadd.s32 $0x1CBC00, s0;
	s31 =	smul.u32 $0xFA00, s4  }
0x6: {  	s3 =	sadd.s32 $0x32C00, s0;
	s13 =	sadd.s32 $0x2C5C00, s0;
	s19 =	smul.u32 $0x27000, s4  }
0x7: {  	s23 =	sshll.u32 s4, $0x6;
	p0 =	sne.s32 s4, $0x0;
	s10 =	smul.u32 $0xFA00, s7  }
0x8: {  	_ =	strace $0x8000005C;
	s9 =	ssub.s32 $0x2, s7;
	s24 =	smul.u32 $0x9C800, s7  }
0x9: {  	s7 =	smul.u32 $0x13900, s7;
	s11 =	sadd.s32 s6, s0;
	s12 =	sshrl.u32 s9, $0x1  }
0xa: {  	s14 =	sadd.s32 $0xC8, s5;
	s20 =	sadd.s32 s8, s31;
	s22 =	sshrl.u32 s19, $0x2  }
0xb: {  	s19 =	simm.s32 $0x200;
	s15 =	ssub.s32 s9, s12;
	s16 =	sadd.s32 s5, s10  }
0xc: {  	s18 =	sadd.s32 s10, s14;
	s21 =	sshll.u32 s14, $0x4;
	s25 =	sadd.s32 $0x6BE00, s11  }
0xd: {  	s10 =	sor.u32 $0x1C05, s23;
	s11 =	sadd.s32 $0x9C000, s1;
	s12 =	sadd.s32 $0x7F600, s0  }
0xe: {  	s26 =	sshrl.u32 s24, $0x3;
	s6 =	sadd.s32 s6, s7;
	s7 =	sadd.s32 $0x2580, s20  }
0xf: {  	s23 =	simm.s32 $0x1;
	s24 =	simm.s32 $0x3;
	s30 =	sshrl.u32 s16, $0x3  }
0x10: {  	s9 =	sshrl.u32 s18, $0x3;
	s8 =	sadd.s32 s8, s21;
	[dreg:$0x7] =	wrdreg s25  }
0x11: {  	s0 =	sadd.s32 s13, s26;
	s13 =	sadd.s32 s13, s6;
	s15 =	smax.u32 s15, $0x1  }
0x12: {  	s18 =	sadd.s32 $0x190, s16;
	s21 =	simm.s32 $0x6600;
	s25 =	simm.s32 $0xC8  }
0x13: {  	s26 =	simm.s32 $0x2;
	s17 =	sadd.s32 s3, s30;
	[dreg:$0x5] =	wrdreg s8  }
0x14: {  	s9 =	sadd.s32 s3, s9;
	s8 =	sadd.s32 s22, s1;
	[dreg:$0x3] =	wrdreg s17  }
0x15: {  	s30 =	sadd.s32 $0x258, s16;
	s14 =	sadd.s32 $0x13800, s0;
	[dreg:$0x4] =	wrdreg s9  }
0x16: {  	s22 =	simm.s32 $0x5;
	[dreg:$0x6] =	wrdreg s8;
	s31 =	sshrl.u32 s30, $0x3  }
0x17: {  	s9 =	smov.u32 s20;
	s20 =	simm.s32 $0x100;
	s17 =	sadd.s32 s31, s3  }
.LBB2_1:
0x18: {  	s0 =	rddreg [dreg:$0x3]  }
0x19: {  	s8 =	rddreg [dreg:$0x4]  }
0x1a: {  	[tilespmem:s2], [sflag:$0x1] =	stream.linear.gather [hbm4b:s0+s2], $0xC8, $0x38;
	[tilespmem:$0x16680] =	vst v63  }
0x1b: {  	s16 =	rddreg [dreg:$0x5]  }
0x1c: {  	[tilespmem:s19], [sflag:$0x3] =	stream.linear.gather [hbm4b:s9+s2], $0x6400, $0x38;
	[tilespmem:$0x16680] =	vst v63  }
0x1d: {  	s4 =	rddreg [dreg:$0x6]  }
0x1e: {  	[tilespmem:s20], [sflag:$0x2] =	stream.linear.gather [hbm4b:s8+s2], $0xC8, $0x38;
	[tilespmem:$0x16680] =	vst v63  }
0x1f: {  	s5 =	rddreg [dreg:$0x7];
	s30 =	sshrl.u32 s4, $0x3  }
0x20: {  	[tilespmem:s21], [sflag:$0x4] =	stream.linear.gather [hbm4b:s16+s2], $0x6400, $0x38;
	[tilespmem:$0x16680] =	vst v63  }
0x21: {  	[spmem:s30], [sflag:s10] =	dma.local [hbm:s5], $0x1380  }
0x22: {  	_ =	swait.ge [sflag:s22], $0x1380  }
0x23: {  	[sflag:s22] =	ssyncset.done $0x0  }
0x24: {  	s31 =	sshrl.u32 @!p0 s11, $0x3;
	s0 =	simm.s32 @!p0 $0x5;
	[sflag:s22] =	ssyncadd.s32 $0xFFFFEC80  }
0x25: {  	[spmem:s31], [sflag:s10] =	dma.local @!p0 [hbm:s12], $0x100  }
0x26: {  	_ =	swait.ge @!p0 [sflag:s0], $0x100  }
0x27: {  	[sflag:s0] =	ssyncset.done @!p0 $0x0  }
0x28: {  	[sflag:s0] =	ssyncadd.s32 @!p0 $0xFFFFFF00  }
0x29: {  	[bflag:$0x0] =	sbarrier.arrive $0xFFFF  }
0x2a: {  	_ =	swait.ge [sflag:s23], $0xC8  }
0x2b: {  	[sflag:s23] =	ssyncset.done $0x0  }
0x2c: {  	[sflag:s23] =	ssyncadd.s32 $0xFFFFFF38  }
0x2d: {  	_ =	swait.ge [sflag:s24], $0x6400  }
0x2e: {  	[sflag:s24] =	ssyncset.done $0x0  }
0x2f: {  	[sflag:s24] =	ssyncadd.s32 $0xFFFF9C00  }
0x30: {  	[spmem:s1] =	stream.indirect.scatter.add.f32 [tilespmem:s19], [sflag:$0x5], $0x80, s2, s25, $0xb8;
	[tilespmem:$0x16680] =	vst v63  }
0x31: {  	_ =	swait.ge [sflag:s22], $0x6400  }
0x32: {  	s6 =	sshrl.u32 s18, $0x3;
	[sflag:s22] =	ssyncset.done $0x0  }
0x33: {  	s0 =	sadd.s32 s3, s6;
	[sflag:s22] =	ssyncadd.s32 $0xFFFF9C00  }
0x34: {  	[tilespmem:s2], [sflag:$0x1] =	stream.linear.gather [hbm4b:s0+s2], $0xC8, $0x38;
	[tilespmem:$0x16680] =	vst v63  }
0x35: {  	s8 =	sadd.s32 $0xFFFFF380, s7  }
0x36: {  	[tilespmem:s19], [sflag:$0x3] =	stream.linear.gather [hbm4b:s8+s2], $0x6400, $0x38;
	[tilespmem:$0x16680] =	vst v63  }
0x37: {  	_ =	swait.ge [sflag:s26], $0xC8  }
0x38: {  	[sflag:s26] =	ssyncset.done $0x0  }
0x39: {  	[sflag:s26] =	ssyncadd.s32 $0xFFFFFF38  }
0x3a: {  	_ =	swait.ge [sflag:s28], $0x6400  }
0x3b: {  	[sflag:s28] =	ssyncset.done $0x0  }
0x3c: {  	[sflag:s28] =	ssyncadd.s32 $0xFFFF9C00  }
0x3d: {  	[spmem:s1] =	stream.indirect.scatter.add.f32 [tilespmem:s21], [sflag:$0x5], $0x80, s20, s25, $0xb8;
	[tilespmem:$0x16680] =	vst v63  }
0x3e: {  	_ =	swait.ge [sflag:s22], $0x6400  }
0x3f: {  	[sflag:s22] =	ssyncset.done $0x0  }
0x40: {  	s4 =	sadd.s32 $0x1900, s7;
	s16 =	sadd.s32 $0x0, s17;
	[sflag:s22] =	ssyncadd.s32 $0xFFFF9C00  }
0x41: {  	[tilespmem:s20], [sflag:$0x2] =	stream.linear.gather [hbm4b:s16+s2], $0xC8, $0x38;
	[tilespmem:$0x16680] =	vst v63  }
0x42: {  	s6 =	sadd.s32 $0x190, s18;
	s0 =	simm.s32 $0x32;
	s16 =	smov.u32 s7  }
.LBB2_2:
0x43: {  	[tilespmem:s21], [sflag:$0x4] =	stream.linear.gather [hbm4b:s16+s2], $0x6400, $0x38;
	[tilespmem:$0x16680] =	vst v63  }
0x44: {  	s8 =	smov.u32 s0;
	s16 =	smov.u32 s4  }
0x45: {  	p1 =	sne.s32 s0, $0x190;
	s0 =	sadd.s32 $0x32, s0;
	_ =	swait.ge [sflag:s23], $0xC8  }
0x46: {  	[sflag:s23] =	ssyncset.done $0x0  }
0x47: {  	[sflag:s23] =	ssyncadd.s32 $0xFFFFFF38  }
0x48: {  	_ =	swait.ge [sflag:s24], $0x6400  }
0x49: {  	[sflag:s24] =	ssyncset.done $0x0  }
0x4a: {  	[sflag:s24] =	ssyncadd.s32 $0xFFFF9C00  }
0x4b: {  	[spmem:s1] =	stream.indirect.scatter.add.f32 [tilespmem:s19], [sflag:$0x5], $0x80, s2, s25, $0xb8;
	[tilespmem:$0x16680] =	vst v63  }
0x4c: {  	_ =	swait.ge [sflag:s22], $0x6400  }
0x4d: {  	s5 =	sshrl.u32 s6, $0x3;
	[sflag:s22] =	ssyncset.done $0x0  }
0x4e: {  	s5 =	sadd.s32 s3, s5;
	[sflag:s22] =	ssyncadd.s32 $0xFFFF9C00  }
0x4f: {  	[tilespmem:s2], [sflag:$0x1] =	stream.linear.gather [hbm4b:s5+s2], $0xC8, $0x38;
	[tilespmem:$0x16680] =	vst v63  }
0x50: {  	s5 =	sadd.s32 $0xFFFFF380, s4  }
0x51: {  	[tilespmem:s19], [sflag:$0x3] =	stream.linear.gather [hbm4b:s5+s2], $0x6400, $0x38;
	[tilespmem:$0x16680] =	vst v63  }
0x52: {  	_ =	swait.ge [sflag:s26], $0xC8  }
0x53: {  	[sflag:s26] =	ssyncset.done $0x0  }
0x54: {  	[sflag:s26] =	ssyncadd.s32 $0xFFFFFF38  }
0x55: {  	_ =	swait.ge [sflag:s28], $0x6400  }
0x56: {  	[sflag:s28] =	ssyncset.done $0x0  }
0x57: {  	[sflag:s28] =	ssyncadd.s32 $0xFFFF9C00  }
0x58: {  	[spmem:s1] =	stream.indirect.scatter.add.f32 [tilespmem:s21], [sflag:$0x5], $0x80, s20, s25, $0xb8;
	[tilespmem:$0x16680] =	vst v63  }
.Ltmp0:
0x59: {  	_ =	swait.ge [sflag:s22], $0x6400;
	(pc) =	sbr.rel @p1 .LBB2_2-.Ltmp0, $4  }
0x5a: {  	[sflag:s22] =	ssyncset.done $0x0  }
0x5b: {  	s5 =	sadd.s32 s8, s17;
	[sflag:s22] =	ssyncadd.s32 $0xFFFF9C00  }
0x5c: {  	[tilespmem:s20], [sflag:$0x2] =	stream.linear.gather [hbm4b:s5+s2], $0xC8, $0x38;
	[tilespmem:$0x16680] =	vst v63  }
0x5d: {  	s6 =	sadd.s32 $0x190, s6;
	s4 =	sadd.s32 $0x1900, s4  }
0x5e: {  	[tilespmem:s21], [sflag:$0x4] =	stream.linear.gather [hbm4b:s16+s2], $0x6400, $0x38;
	[tilespmem:$0x16680] =	vst v63  }
0x5f: {  	_ =	swait.ge [sflag:s23], $0xC8  }
0x60: {  	[sflag:s23] =	ssyncset.done $0x0  }
0x61: {  	[sflag:s23] =	ssyncadd.s32 $0xFFFFFF38  }
0x62: {  	_ =	swait.ge [sflag:s24], $0x6400  }
0x63: {  	[sflag:s24] =	ssyncset.done $0x0  }
0x64: {  	[sflag:s24] =	ssyncadd.s32 $0xFFFF9C00  }
0x65: {  	[spmem:s1] =	stream.indirect.scatter.add.f32 [tilespmem:s19], [sflag:$0x5], $0x80, s2, s25, $0xb8;
	[tilespmem:$0x16680] =	vst v63  }
0x66: {  	_ =	swait.ge [sflag:s22], $0x6400  }
0x67: {  	[sflag:s22] =	ssyncset.done $0x0  }
0x68: {  	[sflag:s22] =	ssyncadd.s32 $0xFFFF9C00  }
0x69: {  	_ =	swait.ge [sflag:s26], $0xC8  }
0x6a: {  	[sflag:s26] =	ssyncset.done $0x0  }
0x6b: {  	[sflag:s26] =	ssyncadd.s32 $0xFFFFFF38  }
0x6c: {  	_ =	swait.ge [sflag:s28], $0x6400  }
0x6d: {  	[sflag:s28] =	ssyncset.done $0x0  }
0x6e: {  	[sflag:s28] =	ssyncadd.s32 $0xFFFF9C00  }
0x6f: {  	[spmem:s1] =	stream.indirect.scatter.add.f32 [tilespmem:s21], [sflag:$0x5], $0x80, s20, s25, $0xb8;
	[tilespmem:$0x16680] =	vst v63  }
0x70: {  	_ =	swait.ge [sflag:s22], $0x6400  }
0x71: {  	[sflag:s22] =	ssyncset.done $0x0  }
0x72: {  	[sflag:s22] =	ssyncadd.s32 $0xFFFF9C00  }
0x73: {  	[bflag:$0x0] =	sbarrier.arrive $0xFFFF  }
0x74: {  	[hbm:s13], [sflag:s10] =	dma.local [spmem:s30], $0x1380  }
0x75: {  	s29 =	sadd.s32 $0x1, s29;
	_ =	swait.ge [sflag:s22], $0x1380  }
0x76: {  	p1 =	sne.s32 s29, s15;
	[sflag:s22] =	ssyncset.done $0x0  }
.Ltmp1:
0x77: {  	s0 =	simm.s32 @!p0 $0x5;
	[sflag:s22] =	ssyncadd.s32 $0xFFFFEC80;
	(pc) =	sbr.rel @p1 .LBB2_1-.Ltmp1, $4  }
0x78: {  	[hbm:s14], [sflag:s10] =	dma.local @!p0 [spmem:s31], $0x100  }
0x79: {  	_ =	swait.ge @!p0 [sflag:s0], $0x100  }
0x7a: {  	[sflag:s0] =	ssyncset.done @!p0 $0x0  }
0x7b: {  	[sflag:s0] =	ssyncadd.s32 @!p0 $0xFFFFFF00  }
0x7c: {  	_ =	sfence.sel $0x180000  }
0x7d: {  	[bflag:$0x0] =	sbarrier.arrive $0xFFFF  }
0x7e: {  	_ =	strace $0x9000005C  }
0x7f: {  	[bflag:$0x2] =	sbarrier.arrive $0xFFFF  }
0x80: {  	s0 =	rddreg [dreg:$0x2]  }
0x81: {  	s0 =	sadd.s32 @!p0 $0x100000, s0  }
0x82: {  	[sflag:s0] =	ssyncadd.tile.s32 @!p0 $0x1;
	_ =	shalt  }
.Lfunc_end2:
_tile_overlayer_lowered:
.L_overlay_start_2:
0x83: {  	(tag) =	ssettag $0x2  }
0x84: {  	s0 =	rddreg [dreg:$0x0];
	s2 =	stileid.u32  }
0x85: {  	s1 =	rddreg [dreg:$0x1];
	p0 =	sne.s32 s2, $0x0  }
0x86: {  	s3 =	rddreg [dreg:$0x2];
	[bflag:$0x3] =	sbarrier.arrive $0xFFFF;
	s2 =	simm.s32 @!p0 $0x1C05  }
0x87: {  	[timem:s3], [sflag:s2] =	dma.local @!p0 [hbm:s0], s1  }
0x88: {  	s0 =	simm.s32 @!p0 $0x5  }
0x89: {  	_ =	swait.ge @!p0 [sflag:s0], s1  }
0x8a: {  	s1 =	ssub.s32 @!p0 $0x0, s1;
	[sflag:s0] =	ssyncset.done @!p0 $0x0  }
0x8b: {  	[sflag:s0] =	ssyncadd.s32 @!p0 s1  }
0x8c: {  	[bflag:$0x3] =	sbarrier.arrive $0xFFFF  }
0x8d: {  	_ =	shalt  }

// kernel: kernel.42.cloned.1.call-start
scs
__scs_entry_jumppad:
0x0: {  	(pc) =	sbr.rel $0x88, $3  }
0x1: {  	(tag) =	ssettag $0x0;
	lr =	simm.s32 $0x1  }
0x2: {  	[smem:$0x3F89] =	sst lr;
	_ =	strace $0xD0000000  }
0x3: {  	_ = 	snop  }
0x4: {  	_ = 	snop  }
0x5: {  	_ = 	snop  }
0x6: {  	_ = 	snop  }
0x7: {  	_ = 	snop  }
__scs_overlays_trampoline_lowered:
0x8: {  	[smem:$0x3F98] =	sst s0  }
0x9: {  	[smem:$0x3F99] =	sst s1  }
0xa: {  	[smem:$0x3F9A] =	sst s2  }
0xb: {  	[smem:$0x3F9B] =	sst s3  }
0xc: {  	[smem:$0x3F9C] =	sst s4  }
0xd: {  	[smem:$0x3F9D] =	sst s5  }
0xe: {  	[smem:$0x3F9E] =	sst s6  }
0xf: {  	[smem:$0x3F9F] =	sst s7  }
0x10: {  	[smem:$0x3FA0] =	sst s8  }
0x11: {  	[smem:$0x3FA1] =	sst s9;
	s0 =	simm.s32 @!p0 $0x0  }
0x12: {  	s1 =	sld [smem:$0x3F87];
	s0 =	simm.s32 @p0 $0x1  }
0x13: {  	[smem:$0x3FA2] =	sst s0;
	s0 =	simm.s32 @!p1 $0x0  }
0x14: {  	s2 =	sld [smem:$0x3F86];
	s0 =	simm.s32 @p1 $0x1  }
0x15: {  	[smem:$0x3FA3] =	sst s0;
	s0 =	simm.s32 @!p2 $0x0  }
0x16: {  	s3 =	sld [smem:$0x3FDB];
	s0 =	simm.s32 @p2 $0x1  }
0x17: {  	s4 =	simm.s32 $0x1BF5;
	[smem:$0x3FA5] =	sst s0  }
0x18: {  	s0 =	sld [smem:$0x3F88];
	_ =	swait.ge [sflag:s4], $0x0  }
0x19: {  	s7 =	sld [smem:$0x3F89]  }
0x1a: {  	s8 =	sadd.s32 $0xFFFFE003, lr  }
0x1b: {  	s9 =	sadd.s32 $0xFFFFFEF7, lr;
	s5 =	simm.s32 $0xFFFFFFFF;
	p2 =	slt.u32 s8, $0xFFFFF086  }
0x1c: {  	p1 =	slt.u32 s9, $0xF7A;
	s5 =	simm.s32 @!p2 $0x0  }
0x1d: {  	s5 =	simm.s32 @p1 $0x1;
	p0 =	seq.s32 s7, s2  }
0x1e: {  	s7 =	smul.u32 @!p0 $0xF7A, s2;
	p2 =	seq.s32 @!p0 s5, $0x0  }
0x1f: {  	s9 =	smul.u32 $0xF7A, s1;
	s8 =	simm.s32 @!p0 $0x1BF5;
	p2 =	por !p2, p0  }
0x20: {  	[sflag:s8] =	ssyncset.s32 @!p0 $0xFFFFF086;
	s6 =	sadd.s32 @!p0 s3, s7;
	s7 =	simm.s32 @!p0 $0x108  }
0x21: {  	s3 =	sadd.s32 s3, s9;
	s6 =	sadd.s32 @!p0 $0x88, s6;
	s7 =	simm.s32 @p2 $0x1082  }
0x22: {  	[simem:s7], [sflag:s8] =	dma.local @!p0 [hbm:s6], $0xF7A  }
0x23: {  	s9 =	sor.u32 $0xD0000000, s2;
	s6 =	simm.s32 $0x108;
	_ =	swait.ge @!p0 [sflag:s8], $0x0  }
0x24: {  	s3 =	sadd.s32 $0x88, s3;
	s6 =	simm.s32 @!p1 $0x1082;
	[sflag:s4] =	ssyncset.s32 $0xFFFFF086  }
0x25: {  	[simem:s6], [sflag:s4] =	dma.local [hbm:s3], $0xF7A  }
0x26: {  	[smem:$0x3F89] =	sst s1;
	(tag) =	ssettag s2;
	_ =	strace s9  }
0x27: {  	s1 =	sld [smem:$0x3F99]  }
0x28: {  	s2 =	sld [smem:$0x3F9A]  }
0x29: {  	s4 =	sld [smem:$0x3F9C]  }
0x2a: {  	p0 =	seq.s32 s5, $0x0;
	s5 =	sld [smem:$0x3F9D]  }
0x2b: {  	s6 =	sld [smem:$0x3F9E]  }
0x2c: {  	s7 =	sld [smem:$0x3F9F]  }
0x2d: {  	s3 =	simm.s32 $0x108;
	s8 =	sld [smem:$0x3FA0]  }
0x2e: {  	s3 =	simm.s32 @!p0 $0x1082;
	s9 =	sld [smem:$0x3FA1]  }
0x2f: {  	lr =	sadd.s32 s0, s3;
	s0 =	sld [smem:$0x3F98]  }
0x30: {  	s3 =	sld [smem:$0x3F9B]  }
0x31: {  	[smem:$0x3FA4] =	sst s10  }
0x32: {  	s10 =	sld [smem:$0x3FA2];
	_ =	sdelay $0x3  }
0x33: {  	p0 =	seq.s32 s10, $0x1;
	s10 =	sld [smem:$0x3FA4];
	_ =	sdelay $0x3  }
0x34: {  	[smem:$0x3FA4] =	sst s10  }
0x35: {  	s10 =	sld [smem:$0x3FA3];
	_ =	sdelay $0x3  }
0x36: {  	p1 =	seq.s32 s10, $0x1;
	s10 =	sld [smem:$0x3FA4];
	_ =	sdelay $0x3  }
0x37: {  	[smem:$0x3FA4] =	sst s10  }
0x38: {  	s10 =	sld [smem:$0x3FA5]  }
0x39: {  	_ = 	snop;
	(pc) =	sbr.ind lr, $3  }
0x3a: {  	_ = 	snop  }
0x3b: {  	_ = 	snop  }
0x3c: {  	p2 =	seq.s32 s10, $0x1;
	s10 =	sld [smem:$0x3FA4]  }
0x3d: {  	_ =	shalt  }
0x3e: {  	_ =	shalt  }
0x3f: {  	_ =	shalt  }
0x40: {  	_ =	shalt  }
0x41: {  	_ =	shalt  }
0x42: {  	_ =	shalt  }
0x43: {  	_ =	shalt  }
0x44: {  	_ =	shalt  }
0x45: {  	_ =	shalt  }
0x46: {  	_ =	shalt  }
0x47: {  	_ =	shalt  }
0x48: {  	_ =	shalt  }
0x49: {  	_ =	shalt  }
0x4a: {  	_ =	shalt  }
0x4b: {  	_ =	shalt  }
0x4c: {  	_ =	shalt  }
0x4d: {  	_ =	shalt  }
0x4e: {  	_ =	shalt  }
0x4f: {  	_ =	shalt  }
0x50: {  	_ =	shalt  }
0x51: {  	_ =	shalt  }
0x52: {  	_ =	shalt  }
0x53: {  	_ =	shalt  }
0x54: {  	_ =	shalt  }
0x55: {  	_ =	shalt  }
0x56: {  	_ =	shalt  }
0x57: {  	_ =	shalt  }
0x58: {  	_ =	shalt  }
0x59: {  	_ =	shalt  }
0x5a: {  	_ =	shalt  }
0x5b: {  	_ =	shalt  }
0x5c: {  	_ =	shalt  }
0x5d: {  	_ =	shalt  }
0x5e: {  	_ =	shalt  }
0x5f: {  	_ =	shalt  }
0x60: {  	_ =	shalt  }
0x61: {  	_ =	shalt  }
0x62: {  	_ =	shalt  }
0x63: {  	_ =	shalt  }
0x64: {  	_ =	shalt  }
0x65: {  	_ =	shalt  }
0x66: {  	_ =	shalt  }
0x67: {  	_ =	shalt  }
0x68: {  	_ =	shalt  }
0x69: {  	_ =	shalt  }
0x6a: {  	_ =	shalt  }
0x6b: {  	_ =	shalt  }
0x6c: {  	_ =	shalt  }
0x6d: {  	_ =	shalt  }
0x6e: {  	_ =	shalt  }
0x6f: {  	_ =	shalt  }
0x70: {  	_ =	shalt  }
0x71: {  	_ =	shalt  }
0x72: {  	_ =	shalt  }
0x73: {  	_ =	shalt  }
0x74: {  	_ =	shalt  }
0x75: {  	_ =	shalt  }
0x76: {  	_ =	shalt  }
0x77: {  	_ =	shalt  }
0x78: {  	_ =	shalt  }
0x79: {  	_ =	shalt  }
0x7a: {  	_ =	shalt  }
0x7b: {  	_ =	shalt  }
0x7c: {  	_ =	shalt  }
0x7d: {  	_ =	shalt  }
0x7e: {  	_ =	shalt  }
0x7f: {  	_ =	shalt  }
0x80: {  	_ =	shalt  }
0x81: {  	_ =	shalt  }
0x82: {  	_ =	shalt  }
0x83: {  	_ =	shalt  }
0x84: {  	_ =	shalt  }
0x85: {  	_ =	shalt  }
0x86: {  	_ =	shalt  }
0x87: {  	_ =	shalt  }
.Lfunc_end0:
.L_simem_size_0:
called_computation.6_lowered:
.L_overlay_start_0:
0x88: {  	s2 =	sld [smem:$0x3FD9]  }
0x89: {  	s3 =	sld [smem:$0x3FFE];
	_ =	sdelay $0x1  }
0x8a: {  	s1 =	srdreg.scid  }
0x8b: {  	s0 =	sand.u32 $0x1, s1  }
0x8c: {  	s17 =	sshll.u32 s0, $0xA;
	s2 =	sadd.s32 s3, s2  }
0x8d: {  	s2 =	sadd.s32 s2, s17  }
0x8e: {  	[smem:$0x3FB0] =	sst s2  }
0x8f: {  	_ = 	snop  }
0x90: {  	(tm) =	ssettm $0x1  }
0x91: {  	s18 =	sld [smem:$0x3FFB];
	_ =	sdelay $0x3  }
0x92: {  	_ =	strace s18  }
0x93: {  	s2 =	sld [smem:$0x3FFC];
	_ =	sdelay $0x3  }
0x94: {  	_ =	strace s2  }
0x95: {  	s2 =	sld [smem:$0x3FFD];
	_ =	sdelay $0x3  }
0x96: {  	_ =	strace s2  }
0x97: {  	_ =	strace $0x8FFFFFFF  }
0x98: {  	s19 =	sld [smem:$0x3FDB];
	_ =	sdelay $0x1  }
0x99: {  	s20 =	simm.s32 $_scs_section_size  }
0x9a: {  	s4 =	simm.s32 $_size__tile_overlayer_lowered;
	s5 =	simm.s32 $_tile_overlayer_lowered  }
0x9b: {  	s6 =	simm.s32 $0x1BFF;
	s21 =	sshll.u32 s5, $0x1;
	s3 =	sadd.s32 s20, s19  }
0x9c: {  	s22 =	simm.s32 $0x0;
	s4 =	sshll.u32 s4, $0x1;
	s5 =	sadd.s32 s21, s3  }
0x9d: {  	[timem:s22], [sflag:s6] =	dma.local [hbm:s5], s4  }
0x9e: {  	_ =	swait.ge [sflag:s6], s4  }
0x9f: {  	s4 =	ssub.s32 $0x0, s4;
	[sflag:s6] =	ssyncset.done $0x0  }
0xa0: {  	[sflag:s6] =	ssyncadd.s32 s4;
	_ =	sdelay $0x1  }
0xa1: {  	s23 =	simm.s32 $0x1B8B  }
0xa2: {  	_ =	swait.ge [sflag:s23], $0x1  }
0xa3: {  	[sflag:s23] =	ssyncset.done $0x0  }
0xa4: {  	[sflag:s23] =	ssyncadd.s32 $0xFFFFFFFF  }
0xa5: {  	s4 =	sld [smem:$0x0]  }
0xa6: {  	s5 =	sand.u32 $0xFFFFFFFE, s1  }
0xa7: {  	p0 =	sne.s32 s1, s5  }
0xa8: {  	s5 =	sshll.u32 @p0 s5, $0xE  }
0xa9: {  	s5 =	sadd.s32 @p0 $0x11B8D, s5;
	s6 =	sshll.u32 @p0 s4, $0x11  }
0xaa: {  	s5 =	sor.u32 @p0 s6, s5  }
0xab: {  	[sflag:s5] =	ssyncadd.remote.s32 @p0 $0x1;
	_ =	sdelay $0x1  }
0xac: {  	s5 =	simm.s32 @p0 $0x1B8D  }
0xad: {  	_ =	swait.eq @p0 [sflag:s5], $0x1  }
0xae: {  	[sflag:s5] =	ssyncadd.s32 @p0 $0xFFFFFFFF  }
0xaf: {  	s6 =	sshll.u32 @!p0 s1, $0xE  }
0xb0: {  	s6 =	sor.u32 @!p0 $0x4000, s6;
	s5 =	simm.s32 @!p0 $0x1B8D  }
0xb1: {  	s4 =	sshll.u32 @!p0 s4, $0x11;
	s6 =	sadd.s32 @!p0 $0x11B8D, s6;
	_ =	swait.eq @!p0 [sflag:s5], $0x1  }
0xb2: {  	s4 =	sor.u32 @!p0 s4, s6;
	[sflag:s5] =	ssyncadd.s32 @!p0 $0xFFFFFFFF  }
0xb3: {  	s25 =	simm.s32 $0x1B8E;
	s24 =	sld [smem:$0x3FFE];
	[sflag:s4] =	ssyncadd.remote.s32 @!p0 $0x1  }
0xb4: {  	s26 =	simm.s32 $execute0_lowered;
	[smem:$0x3FD2] =	sst s25  }
0xb5: {  	s5 =	sshll.u32 s26, $0x1;
	_ =	strace $0x8000004F;
	[dreg:$0x1] =	wrdreg $0xFFFFFFFF  }
0xb6: {  	s28 =	simm.s32 $_size_execute0_lowered;
	s3 =	sadd.s32 s3, s5;
	[dreg:$0x0] =	wrdreg $0x0  }
0xb7: {  	s5 =	sshll.u32 s28, $0x1;
	[dreg:$0x2] =	wrdreg s3  }
0xb8: {  	[dreg:$0x3] =	wrdreg s5  }
0xb9: {  	[dreg:$0x4] =	wrdreg $0xC0  }
0xba: {  	_ =	task [dreg:s22], $0x5FFFF  }
0xbb: {  	[dreg:$0x1] =	wrdreg $0xFFFFFFFF  }
0xbc: {  	[dreg:$0x0] =	wrdreg $0x60  }
0xbd: {  	[dreg:$0x2] =	wrdreg s24  }
0xbe: {  	[dreg:$0x3] =	wrdreg $0xC  }
0xbf: {  	_ =	task.clear_ibuf [dreg:s22], $0x4FFFF;
	_ =	strace $0x9000004F  }
0xc0: {  	s29 =	simm.s32 $0xC;
	_ =	strace $0x80000051  }
0xc1: {  	_ =	swait.ge [sflag:s29], $0x1  }
0xc2: {  	[sflag:s29] =	ssyncadd.s32 $0xFFFFFFFF  }
0xc3: {  	_ =	strace $0x90000051  }
0xc4: {  	_ =	sfence  }
0xc5: {  	s30 =	sld [smem:$0x0];
	_ =	sdelay $0x2  }
0xc6: {  	s31 =	sshll.u32 s1, $0xD;
	s1 =	sshrl.u32 s1, $0x2  }
0xc7: {  	s4 =	sand.u32 $0x4000, s31;
	s1 =	sadd.s32 s1, s30  }
0xc8: {  	s0 =	sor.u32 s4, s0;
	s1 =	sshll.u32 s1, $0x11  }
0xc9: {  	s0 =	sor.u32 s1, s0  }
0xca: {  	s0 =	sadd.s32 $0x8F2B, s0  }
0xcb: {  	[sflag:s0] =	ssyncadd.remote.s32 $0x1  }
0xcc: {  	_ =	sfence.sel $0xFFFF  }
0xcd: {  	[dreg:$0x0] =	wrdreg $0xFFFFFFFF;
	(pc) =	sbr.abs _section_cstart, $3  }
0xce: {  	[dreg:$0x1] =	wrdreg $0xFFFFFFFF  }
0xcf: {  	_ =	task.clear_ibuf [dreg:s22], $0x2FFFF;
	_ =	strace $0x9FFFFFFF  }
0xd0: {  	(tm) =	ssettm $0x7FFFFFFF  }
0xd1: {  	_ =	shalt  }
tec
execute0_lowered:
.L_overlay_start_1:
0x0: {  	(tag) =	ssettag $0x1  }
0x1: {  	s1 =	srdreg.scid  }
0x2: {  	s0 =	stileid.u32;
	s5 =	rddreg [dreg:$0x0]  }
0x3: {  	s2 =	simm.s32 $0x0;
	s17 =	simm.s32 $0x1000;
	s18 =	simm.s32 $0x7400  }
0x4: {  	s19 =	simm.s32 $0xD800;
	s20 =	simm.s32 $0x8C8;
	s21 =	simm.s32 $0x13C00  }
0x5: {  	s22 =	simm.s32 $0x1;
	s23 =	simm.s32 $0x2;
	s24 =	simm.s32 $0x3  }
0x6: {  	s25 =	simm.s32 $0x4;
	s26 =	simm.s32 $0x0;
	s11 =	sand.u32 $0x1, s1  }
0x7: {  	s30 =	sshll.u32 s0, $0x1;
	[smem:$0x7FF] =	sst s2;
	s3 =	sadd.s32 $0x9A00, s5  }
0x8: {  	s12 =	sadd.s32 $0x647E00, s5;
	s15 =	smul.u32 $0xFA00, s0;
	s6 =	sor.u32 s11, s30  }
0x9: {  	s13 =	sadd.s32 $0x741E00, s5;
	s8 =	ssub.s32 $0x2, s11;
	s4 =	smul.u32 $0x7D0, s6  }
0xa: {  	_ =	strace $0x80000050;
	s9 =	sshrl.u32 s8, $0x1;
	s10 =	smul.u32 $0x7D00, s6  }
0xb: {  	s16 =	smul.u32 $0x7D00, s11;
	s8 =	ssub.s32 s8, s9;
	s7 =	sshrl.u32 s4, $0x3  }
0xc: {  	s4 =	sadd.s32 $0x44C00, s5;
	s31 =	sadd.s32 $0x6400, s10;
	s14 =	sadd.s32 $0x7080, s10  }
0xd: {  	s7 =	sadd.s32 s7, s5;
	s9 =	sadd.s32 s13, s31;
	s10 =	sadd.s32 s12, s14  }
0xe: {  	s11 =	sadd.s32 s13, s14;
	s13 =	sadd.s32 s15, s13;
	s14 =	simm.s32 $0x5  }
0xf: {  	s5 =	sadd.s32 $0x3EC00, s7;
	s6 =	sadd.s32 $0x3CC00, s7;
	s7 =	smax.u32 s8, $0x1  }
0x10: {  	s8 =	sadd.s32 s12, s31;
	s12 =	sadd.s32 s15, s12;
	s13 =	sadd.s32 s16, s13  }
0x11: {  	s15 =	simm.s32 $0x800;
	s12 =	sadd.s32 s16, s12;
	s16 =	simm.s32 $0xC8  }
.LBB2_1:
0x12: {  	[tilespmem:s2], [sflag:$0x5] =	stream.linear.gather [hbm4b:s5+s2], $0x7D0, $0x38;
	[tilespmem:$0x1A000] =	vst v63  }
0x13: {  	_ =	swait.ge [sflag:s14], $0x7D0  }
0x14: {  	[sflag:s14] =	ssyncset.done $0x0  }
0x15: {  	[sflag:s14] =	ssyncadd.s32 $0xFFFFF830  }
0x16: {  	[tilespmem:s15], [sflag:$0x5] =	stream.linear.gather [hbm4b:s6+s2], $0x7D0, $0x38;
	[tilespmem:$0x1A000] =	vst v63  }
0x17: {  	_ =	swait.ge [sflag:s14], $0x7D0  }
0x18: {  	[sflag:s14] =	ssyncset.done $0x0  }
0x19: {  	[sflag:s14] =	ssyncadd.s32 $0xFFFFF830  }
0x1a: {  	[tilespmem:s17], [sflag:$0x1] =	stream.indirect.gather [hbm4b:s3+s16], $0x80, s2, s16, $0xb8;
	[tilespmem:$0x1A000] =	vst v63  }
0x1b: {  	_ = 	snop  }
0x1c: {  	[tilespmem:s18], [sflag:$0x2] =	stream.indirect.gather [hbm4b:s4+s16], $0x80, s15, s16, $0xb8;
	[tilespmem:$0x1A000] =	vst v63  }
0x1d: {  	_ = 	snop  }
0x1e: {  	[tilespmem:s19], [sflag:$0x3] =	stream.indirect.gather [hbm4b:s3+s16], $0x80, s16, s16, $0xb8;
	[tilespmem:$0x1A000] =	vst v63  }
0x1f: {  	_ = 	snop  }
0x20: {  	[tilespmem:s21], [sflag:$0x4] =	stream.indirect.gather [hbm4b:s4+s16], $0x80, s20, s16, $0xb8;
	[tilespmem:$0x1A000] =	vst v63  }
0x21: {  	_ =	swait.ge [sflag:s22], $0x6400  }
0x22: {  	[sflag:s22] =	ssyncset.done $0x0  }
0x23: {  	[sflag:s22] =	ssyncadd.s32 $0xFFFF9C00  }
0x24: {  	_ =	swait.ge [sflag:s23], $0x6400  }
0x25: {  	[sflag:s23] =	ssyncset.done $0x0  }
0x26: {  	s28 =	sadd.s32 $0x0, s12;
	[sflag:s23] =	ssyncadd.s32 $0xFFFF9C00  }
0x27: {  	[hbm4b:s28+s2] =	stream.linear.scatter [tilespmem:s17], [sflag:$0x1], $0x6400, $0x38;
	[tilespmem:$0x1A000] =	vst v63  }
0x28: {  	s29 =	sadd.s32 $0x0, s13  }
0x29: {  	[hbm4b:s29+s2] =	stream.linear.scatter [tilespmem:s18], [sflag:$0x2], $0x6400, $0x38;
	[tilespmem:$0x1A000] =	vst v63  }
0x2a: {  	_ =	swait.ge [sflag:s24], $0x6400  }
0x2b: {  	[sflag:s24] =	ssyncset.done $0x0  }
0x2c: {  	[sflag:s24] =	ssyncadd.s32 $0xFFFF9C00  }
0x2d: {  	_ =	swait.ge [sflag:s25], $0x6400  }
0x2e: {  	[sflag:s25] =	ssyncset.done $0x0  }
0x2f: {  	s28 =	sadd.s32 $0xC80, s28;
	[sflag:s25] =	ssyncadd.s32 $0xFFFF9C00  }
0x30: {  	[hbm4b:s28+s2] =	stream.linear.scatter [tilespmem:s19], [sflag:$0x3], $0x6400, $0x38;
	[tilespmem:$0x1A000] =	vst v63  }
0x31: {  	s28 =	sadd.s32 $0xC80, s29  }
0x32: {  	[hbm4b:s28+s2] =	stream.linear.scatter [tilespmem:s21], [sflag:$0x4], $0x6400, $0x38;
	[tilespmem:$0x1A000] =	vst v63  }
0x33: {  	_ =	swait.ge [sflag:s22], $0x6400  }
0x34: {  	[sflag:s22] =	ssyncset.done $0x0  }
0x35: {  	[sflag:s22] =	ssyncadd.s32 $0xFFFF9C00  }
0x36: {  	_ =	swait.ge [sflag:s23], $0x6400  }
0x37: {  	[sflag:s23] =	ssyncset.done $0x0  }
0x38: {  	s28 =	simm.s32 $0x190;
	[sflag:s23] =	ssyncadd.s32 $0xFFFF9C00  }
0x39: {  	[tilespmem:s17], [sflag:$0x1] =	stream.indirect.gather [hbm4b:s3+s16], $0x80, s28, s16, $0xb8;
	[tilespmem:$0x1A000] =	vst v63  }
0x3a: {  	s28 =	simm.s32 $0x990  }
0x3b: {  	[tilespmem:s18], [sflag:$0x2] =	stream.indirect.gather [hbm4b:s4+s16], $0x80, s28, s16, $0xb8;
	[tilespmem:$0x1A000] =	vst v63  }
0x3c: {  	_ =	swait.ge [sflag:s24], $0x6400  }
0x3d: {  	[sflag:s24] =	ssyncset.done $0x0  }
0x3e: {  	[sflag:s24] =	ssyncadd.s32 $0xFFFF9C00  }
0x3f: {  	_ =	swait.ge [sflag:s25], $0x6400  }
0x40: {  	[sflag:s25] =	ssyncset.done $0x0  }
0x41: {  	s30 =	simm.s32 $0x3E8;
	s28 =	simm.s32 $0x258;
	[sflag:s25] =	ssyncadd.s32 $0xFFFF9C00  }
0x42: {  	[tilespmem:s19], [sflag:$0x3] =	stream.indirect.gather [hbm4b:s3+s16], $0x80, s28, s16, $0xb8;
	[tilespmem:$0x1A000] =	vst v63  }
0x43: {  	s31 =	simm.s32 $0xBE8;
	s29 =	simm.s32 $0x1900;
	s28 =	simm.s32 $0xA58  }
.LBB2_2:
0x44: {  	[tilespmem:s21], [sflag:$0x4] =	stream.indirect.gather [hbm4b:s4+s16], $0x80, s28, s16, $0xb8;
	[tilespmem:$0x1A000] =	vst v63  }
0x45: {  	s1 =	smov.u32 s29;
	s28 =	smov.u32 s31  }
0x46: {  	p0 =	sne.s32 s29, $0x4B00;
	s29 =	sadd.s32 $0x1900, s29;
	_ =	swait.ge [sflag:s22], $0x6400  }
0x47: {  	[sflag:s22] =	ssyncset.done $0x0  }
0x48: {  	[sflag:s22] =	ssyncadd.s32 $0xFFFF9C00  }
0x49: {  	_ =	swait.ge [sflag:s23], $0x6400  }
0x4a: {  	[sflag:s23] =	ssyncset.done $0x0  }
0x4b: {  	s0 =	sadd.s32 s1, s12;
	[sflag:s23] =	ssyncadd.s32 $0xFFFF9C00  }
0x4c: {  	[hbm4b:s0+s2] =	stream.linear.scatter [tilespmem:s17], [sflag:$0x1], $0x6400, $0x38;
	[tilespmem:$0x1A000] =	vst v63  }
0x4d: {  	s1 =	sadd.s32 s1, s13  }
0x4e: {  	[hbm4b:s1+s2] =	stream.linear.scatter [tilespmem:s18], [sflag:$0x2], $0x6400, $0x38;
	[tilespmem:$0x1A000] =	vst v63  }
0x4f: {  	_ =	swait.ge [sflag:s24], $0x6400  }
0x50: {  	[sflag:s24] =	ssyncset.done $0x0  }
0x51: {  	[sflag:s24] =	ssyncadd.s32 $0xFFFF9C00  }
0x52: {  	_ =	swait.ge [sflag:s25], $0x6400  }
0x53: {  	[sflag:s25] =	ssyncset.done $0x0  }
0x54: {  	s0 =	sadd.s32 $0xC80, s0;
	[sflag:s25] =	ssyncadd.s32 $0xFFFF9C00  }
0x55: {  	[hbm4b:s0+s2] =	stream.linear.scatter [tilespmem:s19], [sflag:$0x3], $0x6400, $0x38;
	[tilespmem:$0x1A000] =	vst v63  }
0x56: {  	s0 =	sadd.s32 $0xC80, s1  }
0x57: {  	[hbm4b:s0+s2] =	stream.linear.scatter [tilespmem:s21], [sflag:$0x4], $0x6400, $0x38;
	[tilespmem:$0x1A000] =	vst v63  }
0x58: {  	_ =	swait.ge [sflag:s22], $0x6400  }
0x59: {  	[sflag:s22] =	ssyncset.done $0x0  }
0x5a: {  	[sflag:s22] =	ssyncadd.s32 $0xFFFF9C00  }
0x5b: {  	_ =	swait.ge [sflag:s23], $0x6400  }
0x5c: {  	[sflag:s23] =	ssyncset.done $0x0  }
0x5d: {  	s0 =	sadd.s32 $0xFFFFFF38, s30;
	[sflag:s23] =	ssyncadd.s32 $0xFFFF9C00  }
0x5e: {  	[tilespmem:s17], [sflag:$0x1] =	stream.indirect.gather [hbm4b:s3+s16], $0x80, s0, s16, $0xb8;
	[tilespmem:$0x1A000] =	vst v63  }
0x5f: {  	s0 =	sadd.s32 $0xFFFFFF38, s31  }
0x60: {  	[tilespmem:s18], [sflag:$0x2] =	stream.indirect.gather [hbm4b:s4+s16], $0x80, s0, s16, $0xb8;
	[tilespmem:$0x1A000] =	vst v63  }
0x61: {  	_ =	swait.ge [sflag:s24], $0x6400  }
0x62: {  	[sflag:s24] =	ssyncset.done $0x0  }
0x63: {  	[sflag:s24] =	ssyncadd.s32 $0xFFFF9C00  }
.Ltmp0:
0x64: {  	_ =	swait.ge [sflag:s25], $0x6400;
	(pc) =	sbr.rel @p0 .LBB2_2-.Ltmp0, $4  }
0x65: {  	[sflag:s25] =	ssyncset.done $0x0  }
0x66: {  	[sflag:s25] =	ssyncadd.s32 $0xFFFF9C00  }
0x67: {  	[tilespmem:s19], [sflag:$0x3] =	stream.indirect.gather [hbm4b:s3+s16], $0x80, s30, s16, $0xb8;
	[tilespmem:$0x1A000] =	vst v63  }
0x68: {  	s31 =	sadd.s32 $0x190, s31;
	s30 =	sadd.s32 $0x190, s30  }
0x69: {  	[tilespmem:s21], [sflag:$0x4] =	stream.indirect.gather [hbm4b:s4+s16], $0x80, s28, s16, $0xb8;
	[tilespmem:$0x1A000] =	vst v63  }
0x6a: {  	_ =	swait.ge [sflag:s22], $0x6400  }
0x6b: {  	[sflag:s22] =	ssyncset.done $0x0  }
0x6c: {  	[sflag:s22] =	ssyncadd.s32 $0xFFFF9C00  }
0x6d: {  	_ =	swait.ge [sflag:s23], $0x6400  }
0x6e: {  	[sflag:s23] =	ssyncset.done $0x0  }
0x6f: {  	[sflag:s23] =	ssyncadd.s32 $0xFFFF9C00  }
0x70: {  	[hbm4b:s8+s2] =	stream.linear.scatter [tilespmem:s17], [sflag:$0x1], $0x6400, $0x38;
	[tilespmem:$0x1A000] =	vst v63  }
0x71: {  	_ = 	snop  }
0x72: {  	[hbm4b:s9+s2] =	stream.linear.scatter [tilespmem:s18], [sflag:$0x2], $0x6400, $0x38;
	[tilespmem:$0x1A000] =	vst v63  }
0x73: {  	_ =	swait.ge [sflag:s24], $0x6400  }
0x74: {  	[sflag:s24] =	ssyncset.done $0x0  }
0x75: {  	[sflag:s24] =	ssyncadd.s32 $0xFFFF9C00  }
0x76: {  	_ =	swait.ge [sflag:s25], $0x6400  }
0x77: {  	[sflag:s25] =	ssyncset.done $0x0  }
0x78: {  	[sflag:s25] =	ssyncadd.s32 $0xFFFF9C00  }
0x79: {  	[hbm4b:s10+s2] =	stream.linear.scatter [tilespmem:s19], [sflag:$0x3], $0x6400, $0x38;
	[tilespmem:$0x1A000] =	vst v63  }
0x7a: {  	_ = 	snop  }
0x7b: {  	[hbm4b:s11+s2] =	stream.linear.scatter [tilespmem:s21], [sflag:$0x4], $0x6400, $0x38;
	[tilespmem:$0x1A000] =	vst v63  }
0x7c: {  	_ =	swait.ge [sflag:s22], $0x6400  }
0x7d: {  	[sflag:s22] =	ssyncset.done $0x0  }
0x7e: {  	[sflag:s22] =	ssyncadd.s32 $0xFFFF9C00  }
0x7f: {  	_ =	swait.ge [sflag:s23], $0x6400  }
0x80: {  	[sflag:s23] =	ssyncset.done $0x0  }
0x81: {  	s26 =	sadd.s32 $0x1, s26;
	[sflag:s23] =	ssyncadd.s32 $0xFFFF9C00  }
0x82: {  	p0 =	sne.s32 s26, s7;
	_ =	swait.ge [sflag:s24], $0x6400  }
.Ltmp1:
0x83: {  	[sflag:s24] =	ssyncset.done $0x0;
	(pc) =	sbr.rel @p0 .LBB2_1-.Ltmp1, $4  }
0x84: {  	[sflag:s24] =	ssyncadd.s32 $0xFFFF9C00  }
0x85: {  	_ =	swait.ge [sflag:s25], $0x6400  }
0x86: {  	[sflag:s25] =	ssyncset.done $0x0  }
0x87: {  	[sflag:s25] =	ssyncadd.s32 $0xFFFF9C00  }
0x88: {  	_ =	sfence.sel $0x180000  }
0x89: {  	[bflag:$0x0] =	sbarrier.arrive $0xFFFF  }
0x8a: {  	_ =	strace $0x90000050  }
0x8b: {  	s0 =	stileid.u32;
	[bflag:$0x2] =	sbarrier.arrive $0xFFFF  }
0x8c: {  	p0 =	sne.s32 s0, $0x0;
	s0 =	rddreg [dreg:$0x1]  }
0x8d: {  	s0 =	sadd.s32 @!p0 $0x100000, s0  }
0x8e: {  	[sflag:s0] =	ssyncadd.tile.s32 @!p0 $0x1;
	_ =	shalt  }
.Lfunc_end2:
_tile_overlayer_lowered:
.L_overlay_start_2:
0x8f: {  	(tag) =	ssettag $0x2  }
0x90: {  	s0 =	rddreg [dreg:$0x0];
	s2 =	stileid.u32  }
0x91: {  	s1 =	rddreg [dreg:$0x1];
	p0 =	sne.s32 s2, $0x0  }
0x92: {  	s3 =	rddreg [dreg:$0x2];
	[bflag:$0x3] =	sbarrier.arrive $0xFFFF;
	s2 =	simm.s32 @!p0 $0x1C05  }
0x93: {  	[timem:s3], [sflag:s2] =	dma.local @!p0 [hbm:s0], s1  }
0x94: {  	s0 =	simm.s32 @!p0 $0x5  }
0x95: {  	_ =	swait.ge @!p0 [sflag:s0], s1  }
0x96: {  	s1 =	ssub.s32 @!p0 $0x0, s1;
	[sflag:s0] =	ssyncset.done @!p0 $0x0  }
0x97: {  	[sflag:s0] =	ssyncadd.s32 @!p0 s1  }
0x98: {  	[bflag:$0x3] =	sbarrier.arrive $0xFFFF  }
0x99: {  	_ =	shalt  }

// kernel: kernel.45.cloned.1.call-start
scs
__scs_entry_jumppad:
0x0: {  	(pc) =	sbr.rel $0x88, $3  }
0x1: {  	(tag) =	ssettag $0x0;
	lr =	simm.s32 $0x1  }
0x2: {  	[smem:$0x3F89] =	sst lr;
	_ =	strace $0xD0000000  }
0x3: {  	_ = 	snop  }
0x4: {  	_ = 	snop  }
0x5: {  	_ = 	snop  }
0x6: {  	_ = 	snop  }
0x7: {  	_ = 	snop  }
__scs_overlays_trampoline_lowered:
0x8: {  	[smem:$0x3F98] =	sst s0  }
0x9: {  	[smem:$0x3F99] =	sst s1  }
0xa: {  	[smem:$0x3F9A] =	sst s2  }
0xb: {  	[smem:$0x3F9B] =	sst s3  }
0xc: {  	[smem:$0x3F9C] =	sst s4  }
0xd: {  	[smem:$0x3F9D] =	sst s5  }
0xe: {  	[smem:$0x3F9E] =	sst s6  }
0xf: {  	[smem:$0x3F9F] =	sst s7  }
0x10: {  	[smem:$0x3FA0] =	sst s8  }
0x11: {  	[smem:$0x3FA1] =	sst s9;
	s0 =	simm.s32 @!p0 $0x0  }
0x12: {  	s1 =	sld [smem:$0x3F87];
	s0 =	simm.s32 @p0 $0x1  }
0x13: {  	[smem:$0x3FA2] =	sst s0;
	s0 =	simm.s32 @!p1 $0x0  }
0x14: {  	s2 =	sld [smem:$0x3F86];
	s0 =	simm.s32 @p1 $0x1  }
0x15: {  	[smem:$0x3FA3] =	sst s0;
	s0 =	simm.s32 @!p2 $0x0  }
0x16: {  	s3 =	sld [smem:$0x3FDB];
	s0 =	simm.s32 @p2 $0x1  }
0x17: {  	s4 =	simm.s32 $0x1BF5;
	[smem:$0x3FA5] =	sst s0  }
0x18: {  	s0 =	sld [smem:$0x3F88];
	_ =	swait.ge [sflag:s4], $0x0  }
0x19: {  	s7 =	sld [smem:$0x3F89]  }
0x1a: {  	s8 =	sadd.s32 $0xFFFFE003, lr  }
0x1b: {  	s9 =	sadd.s32 $0xFFFFFEF7, lr;
	s5 =	simm.s32 $0xFFFFFFFF;
	p2 =	slt.u32 s8, $0xFFFFF086  }
0x1c: {  	p1 =	slt.u32 s9, $0xF7A;
	s5 =	simm.s32 @!p2 $0x0  }
0x1d: {  	s5 =	simm.s32 @p1 $0x1;
	p0 =	seq.s32 s7, s2  }
0x1e: {  	s7 =	smul.u32 @!p0 $0xF7A, s2;
	p2 =	seq.s32 @!p0 s5, $0x0  }
0x1f: {  	s9 =	smul.u32 $0xF7A, s1;
	s8 =	simm.s32 @!p0 $0x1BF5;
	p2 =	por !p2, p0  }
0x20: {  	[sflag:s8] =	ssyncset.s32 @!p0 $0xFFFFF086;
	s6 =	sadd.s32 @!p0 s3, s7;
	s7 =	simm.s32 @!p0 $0x108  }
0x21: {  	s3 =	sadd.s32 s3, s9;
	s6 =	sadd.s32 @!p0 $0x88, s6;
	s7 =	simm.s32 @p2 $0x1082  }
0x22: {  	[simem:s7], [sflag:s8] =	dma.local @!p0 [hbm:s6], $0xF7A  }
0x23: {  	s9 =	sor.u32 $0xD0000000, s2;
	s6 =	simm.s32 $0x108;
	_ =	swait.ge @!p0 [sflag:s8], $0x0  }
0x24: {  	s3 =	sadd.s32 $0x88, s3;
	s6 =	simm.s32 @!p1 $0x1082;
	[sflag:s4] =	ssyncset.s32 $0xFFFFF086  }
0x25: {  	[simem:s6], [sflag:s4] =	dma.local [hbm:s3], $0xF7A  }
0x26: {  	[smem:$0x3F89] =	sst s1;
	(tag) =	ssettag s2;
	_ =	strace s9  }
0x27: {  	s1 =	sld [smem:$0x3F99]  }
0x28: {  	s2 =	sld [smem:$0x3F9A]  }
0x29: {  	s4 =	sld [smem:$0x3F9C]  }
0x2a: {  	p0 =	seq.s32 s5, $0x0;
	s5 =	sld [smem:$0x3F9D]  }
0x2b: {  	s6 =	sld [smem:$0x3F9E]  }
0x2c: {  	s7 =	sld [smem:$0x3F9F]  }
0x2d: {  	s3 =	simm.s32 $0x108;
	s8 =	sld [smem:$0x3FA0]  }
0x2e: {  	s3 =	simm.s32 @!p0 $0x1082;
	s9 =	sld [smem:$0x3FA1]  }
0x2f: {  	lr =	sadd.s32 s0, s3;
	s0 =	sld [smem:$0x3F98]  }
0x30: {  	s3 =	sld [smem:$0x3F9B]  }
0x31: {  	[smem:$0x3FA4] =	sst s10  }
0x32: {  	s10 =	sld [smem:$0x3FA2];
	_ =	sdelay $0x3  }
0x33: {  	p0 =	seq.s32 s10, $0x1;
	s10 =	sld [smem:$0x3FA4];
	_ =	sdelay $0x3  }
0x34: {  	[smem:$0x3FA4] =	sst s10  }
0x35: {  	s10 =	sld [smem:$0x3FA3];
	_ =	sdelay $0x3  }
0x36: {  	p1 =	seq.s32 s10, $0x1;
	s10 =	sld [smem:$0x3FA4];
	_ =	sdelay $0x3  }
0x37: {  	[smem:$0x3FA4] =	sst s10  }
0x38: {  	s10 =	sld [smem:$0x3FA5]  }
0x39: {  	_ = 	snop;
	(pc) =	sbr.ind lr, $3  }
0x3a: {  	_ = 	snop  }
0x3b: {  	_ = 	snop  }
0x3c: {  	p2 =	seq.s32 s10, $0x1;
	s10 =	sld [smem:$0x3FA4]  }
0x3d: {  	_ =	shalt  }
0x3e: {  	_ =	shalt  }
0x3f: {  	_ =	shalt  }
0x40: {  	_ =	shalt  }
0x41: {  	_ =	shalt  }
0x42: {  	_ =	shalt  }
0x43: {  	_ =	shalt  }
0x44: {  	_ =	shalt  }
0x45: {  	_ =	shalt  }
0x46: {  	_ =	shalt  }
0x47: {  	_ =	shalt  }
0x48: {  	_ =	shalt  }
0x49: {  	_ =	shalt  }
0x4a: {  	_ =	shalt  }
0x4b: {  	_ =	shalt  }
0x4c: {  	_ =	shalt  }
0x4d: {  	_ =	shalt  }
0x4e: {  	_ =	shalt  }
0x4f: {  	_ =	shalt  }
0x50: {  	_ =	shalt  }
0x51: {  	_ =	shalt  }
0x52: {  	_ =	shalt  }
0x53: {  	_ =	shalt  }
0x54: {  	_ =	shalt  }
0x55: {  	_ =	shalt  }
0x56: {  	_ =	shalt  }
0x57: {  	_ =	shalt  }
0x58: {  	_ =	shalt  }
0x59: {  	_ =	shalt  }
0x5a: {  	_ =	shalt  }
0x5b: {  	_ =	shalt  }
0x5c: {  	_ =	shalt  }
0x5d: {  	_ =	shalt  }
0x5e: {  	_ =	shalt  }
0x5f: {  	_ =	shalt  }
0x60: {  	_ =	shalt  }
0x61: {  	_ =	shalt  }
0x62: {  	_ =	shalt  }
0x63: {  	_ =	shalt  }
0x64: {  	_ =	shalt  }
0x65: {  	_ =	shalt  }
0x66: {  	_ =	shalt  }
0x67: {  	_ =	shalt  }
0x68: {  	_ =	shalt  }
0x69: {  	_ =	shalt  }
0x6a: {  	_ =	shalt  }
0x6b: {  	_ =	shalt  }
0x6c: {  	_ =	shalt  }
0x6d: {  	_ =	shalt  }
0x6e: {  	_ =	shalt  }
0x6f: {  	_ =	shalt  }
0x70: {  	_ =	shalt  }
0x71: {  	_ =	shalt  }
0x72: {  	_ =	shalt  }
0x73: {  	_ =	shalt  }
0x74: {  	_ =	shalt  }
0x75: {  	_ =	shalt  }
0x76: {  	_ =	shalt  }
0x77: {  	_ =	shalt  }
0x78: {  	_ =	shalt  }
0x79: {  	_ =	shalt  }
0x7a: {  	_ =	shalt  }
0x7b: {  	_ =	shalt  }
0x7c: {  	_ =	shalt  }
0x7d: {  	_ =	shalt  }
0x7e: {  	_ =	shalt  }
0x7f: {  	_ =	shalt  }
0x80: {  	_ =	shalt  }
0x81: {  	_ =	shalt  }
0x82: {  	_ =	shalt  }
0x83: {  	_ =	shalt  }
0x84: {  	_ =	shalt  }
0x85: {  	_ =	shalt  }
0x86: {  	_ =	shalt  }
0x87: {  	_ =	shalt  }
.Lfunc_end0:
.L_simem_size_0:
called_computation.7_lowered:
.L_overlay_start_0:
0x88: {  	s2 =	sld [smem:$0x3FD9]  }
0x89: {  	s3 =	sld [smem:$0x3FFE];
	_ =	sdelay $0x1  }
0x8a: {  	s1 =	srdreg.scid  }
0x8b: {  	s0 =	sand.u32 $0x1, s1  }
0x8c: {  	s17 =	sshll.u32 s0, $0xA;
	s2 =	sadd.s32 s3, s2  }
0x8d: {  	s2 =	sadd.s32 s2, s17  }
0x8e: {  	[smem:$0x3FB0] =	sst s2  }
0x8f: {  	_ = 	snop  }
0x90: {  	(tm) =	ssettm $0x1  }
0x91: {  	s18 =	sld [smem:$0x3FFB];
	_ =	sdelay $0x3  }
0x92: {  	_ =	strace s18  }
0x93: {  	s2 =	sld [smem:$0x3FFC];
	_ =	sdelay $0x3  }
0x94: {  	_ =	strace s2  }
0x95: {  	s2 =	sld [smem:$0x3FFD];
	_ =	sdelay $0x3  }
0x96: {  	_ =	strace s2  }
0x97: {  	_ =	strace $0x8FFFFFFF  }
0x98: {  	s19 =	sld [smem:$0x3FDB];
	_ =	sdelay $0x1  }
0x99: {  	s20 =	simm.s32 $_scs_section_size  }
0x9a: {  	s4 =	simm.s32 $_size__tile_overlayer_lowered;
	s5 =	simm.s32 $_tile_overlayer_lowered  }
0x9b: {  	s6 =	simm.s32 $0x1BFF;
	s21 =	sshll.u32 s5, $0x1;
	s3 =	sadd.s32 s20, s19  }
0x9c: {  	s22 =	simm.s32 $0x0;
	s4 =	sshll.u32 s4, $0x1;
	s5 =	sadd.s32 s21, s3  }
0x9d: {  	[timem:s22], [sflag:s6] =	dma.local [hbm:s5], s4  }
0x9e: {  	_ =	swait.ge [sflag:s6], s4  }
0x9f: {  	s4 =	ssub.s32 $0x0, s4;
	[sflag:s6] =	ssyncset.done $0x0  }
0xa0: {  	[sflag:s6] =	ssyncadd.s32 s4;
	_ =	sdelay $0x1  }
0xa1: {  	s23 =	simm.s32 $0x1B8B  }
0xa2: {  	_ =	swait.ge [sflag:s23], $0x1  }
0xa3: {  	[sflag:s23] =	ssyncset.done $0x0  }
0xa4: {  	[sflag:s23] =	ssyncadd.s32 $0xFFFFFFFF  }
0xa5: {  	s4 =	sld [smem:$0x0]  }
0xa6: {  	s5 =	sand.u32 $0xFFFFFFFE, s1  }
0xa7: {  	p0 =	sne.s32 s1, s5  }
0xa8: {  	s5 =	sshll.u32 @p0 s5, $0xE  }
0xa9: {  	s5 =	sadd.s32 @p0 $0x11B8D, s5;
	s6 =	sshll.u32 @p0 s4, $0x11  }
0xaa: {  	s5 =	sor.u32 @p0 s6, s5  }
0xab: {  	[sflag:s5] =	ssyncadd.remote.s32 @p0 $0x1;
	_ =	sdelay $0x1  }
0xac: {  	s5 =	simm.s32 @p0 $0x1B8D  }
0xad: {  	_ =	swait.eq @p0 [sflag:s5], $0x1  }
0xae: {  	[sflag:s5] =	ssyncadd.s32 @p0 $0xFFFFFFFF  }
0xaf: {  	s6 =	sshll.u32 @!p0 s1, $0xE  }
0xb0: {  	s6 =	sor.u32 @!p0 $0x4000, s6;
	s5 =	simm.s32 @!p0 $0x1B8D  }
0xb1: {  	s4 =	sshll.u32 @!p0 s4, $0x11;
	s6 =	sadd.s32 @!p0 $0x11B8D, s6;
	_ =	swait.eq @!p0 [sflag:s5], $0x1  }
0xb2: {  	s4 =	sor.u32 @!p0 s4, s6;
	[sflag:s5] =	ssyncadd.s32 @!p0 $0xFFFFFFFF  }
0xb3: {  	s25 =	simm.s32 $0x1B8E;
	s24 =	sld [smem:$0x3FFE];
	[sflag:s4] =	ssyncadd.remote.s32 @!p0 $0x1  }
0xb4: {  	s26 =	simm.s32 $execute0_lowered;
	[smem:$0x3FD2] =	sst s25  }
0xb5: {  	s5 =	sshll.u32 s26, $0x1;
	_ =	strace $0x8000005E;
	[dreg:$0x1] =	wrdreg $0xFFFFFFFF  }
0xb6: {  	s28 =	simm.s32 $_size_execute0_lowered;
	s3 =	sadd.s32 s3, s5;
	[dreg:$0x0] =	wrdreg $0x0  }
0xb7: {  	s5 =	sshll.u32 s28, $0x1;
	[dreg:$0x2] =	wrdreg s3  }
0xb8: {  	[dreg:$0x3] =	wrdreg s5  }
0xb9: {  	[dreg:$0x4] =	wrdreg $0xC0  }
0xba: {  	_ =	task [dreg:s22], $0x5FFFF  }
0xbb: {  	[dreg:$0x1] =	wrdreg $0xFFFFFFFF  }
0xbc: {  	[dreg:$0x0] =	wrdreg $0x60  }
0xbd: {  	[dreg:$0x2] =	wrdreg s24  }
0xbe: {  	[dreg:$0x3] =	wrdreg $0xCA000  }
0xbf: {  	[dreg:$0x4] =	wrdreg $0xC  }
0xc0: {  	_ =	task.clear_ibuf [dreg:s22], $0x5FFFF;
	_ =	strace $0x9000005E  }
0xc1: {  	s29 =	simm.s32 $0xC;
	_ =	strace $0x80000060  }
0xc2: {  	_ =	swait.ge [sflag:s29], $0x1  }
0xc3: {  	[sflag:s29] =	ssyncadd.s32 $0xFFFFFFFF  }
0xc4: {  	_ =	strace $0x90000060  }
0xc5: {  	_ =	sfence  }
0xc6: {  	s30 =	sld [smem:$0x0];
	_ =	sdelay $0x2  }
0xc7: {  	s31 =	sshll.u32 s1, $0xD;
	s1 =	sshrl.u32 s1, $0x2  }
0xc8: {  	s4 =	sand.u32 $0x4000, s31;
	s1 =	sadd.s32 s1, s30  }
0xc9: {  	s0 =	sor.u32 s4, s0;
	s1 =	sshll.u32 s1, $0x11  }
0xca: {  	s0 =	sor.u32 s1, s0  }
0xcb: {  	s0 =	sadd.s32 $0x8F2B, s0  }
0xcc: {  	[sflag:s0] =	ssyncadd.remote.s32 $0x1  }
0xcd: {  	_ =	sfence.sel $0xFFFF  }
0xce: {  	[dreg:$0x0] =	wrdreg $0xFFFFFFFF;
	(pc) =	sbr.abs _section_cstart, $3  }
0xcf: {  	[dreg:$0x1] =	wrdreg $0xFFFFFFFF  }
0xd0: {  	_ =	task.clear_ibuf [dreg:s22], $0x2FFFF;
	_ =	strace $0x9FFFFFFF  }
0xd1: {  	(tm) =	ssettm $0x7FFFFFFF  }
tec
execute0_lowered:
.L_overlay_start_1:
0x0: {  	(tag) =	ssettag $0x1  }
0x1: {  	s0 =	rddreg [dreg:$0x0]  }
0x2: {  	s1 =	rddreg [dreg:$0x1];
	s2 =	simm.s32 $0x0;
	s4 =	stileid.u32  }
0x3: {  	s3 =	srdreg.scid;
	s28 =	simm.s32 $0x4;
	s6 =	smul.u32 $0x1380, s4  }
0x4: {  	s29 =	simm.s32 $0x0;
	[smem:$0x7FF] =	sst s2;
	s5 =	smul.u32 $0xFA0, s4  }
0x5: {  	s7 =	sand.u32 $0x1, s3;
	s8 =	sadd.s32 $0x2ECE00, s0;
	s31 =	smul.u32 $0xFA00, s4  }
0x6: {  	s3 =	sadd.s32 $0x36C00, s0;
	s13 =	sadd.s32 $0x3E6E00, s0;
	s19 =	smul.u32 $0x27000, s4  }
0x7: {  	s23 =	sshll.u32 s4, $0x6;
	p0 =	sne.s32 s4, $0x0;
	s10 =	smul.u32 $0xFA00, s7  }
0x8: {  	_ =	strace $0x8000005F;
	s9 =	ssub.s32 $0x2, s7;
	s24 =	smul.u32 $0x9C800, s7  }
0x9: {  	s7 =	smul.u32 $0x13900, s7;
	s11 =	sadd.s32 s6, s0;
	s12 =	sshrl.u32 s9, $0x1  }
0xa: {  	s14 =	sadd.s32 $0xC8, s5;
	s20 =	sadd.s32 s8, s31;
	s22 =	sshrl.u32 s19, $0x2  }
0xb: {  	s19 =	simm.s32 $0x200;
	s15 =	ssub.s32 s9, s12;
	s16 =	sadd.s32 s5, s10  }
0xc: {  	s18 =	sadd.s32 s10, s14;
	s21 =	sshll.u32 s14, $0x4;
	s25 =	sadd.s32 $0x6BE00, s11  }
0xd: {  	s10 =	sor.u32 $0x1C05, s23;
	s11 =	sadd.s32 $0x9C000, s1;
	s12 =	sadd.s32 $0x7F600, s0  }
0xe: {  	s26 =	sshrl.u32 s24, $0x3;
	s6 =	sadd.s32 s6, s7;
	s7 =	sadd.s32 $0x2580, s20  }
0xf: {  	s23 =	simm.s32 $0x1;
	s24 =	simm.s32 $0x3;
	s30 =	sshrl.u32 s16, $0x3  }
0x10: {  	s9 =	sshrl.u32 s18, $0x3;
	s8 =	sadd.s32 s8, s21;
	[dreg:$0x7] =	wrdreg s25  }
0x11: {  	s0 =	sadd.s32 s13, s26;
	s13 =	sadd.s32 s13, s6;
	s15 =	smax.u32 s15, $0x1  }
0x12: {  	s18 =	sadd.s32 $0x190, s16;
	s21 =	simm.s32 $0x6600;
	s25 =	simm.s32 $0xC8  }
0x13: {  	s26 =	simm.s32 $0x2;
	s17 =	sadd.s32 s3, s30;
	[dreg:$0x5] =	wrdreg s8  }
0x14: {  	s9 =	sadd.s32 s3, s9;
	s8 =	sadd.s32 s22, s1;
	[dreg:$0x3] =	wrdreg s17  }
0x15: {  	s30 =	sadd.s32 $0x258, s16;
	s14 =	sadd.s32 $0x13800, s0;
	[dreg:$0x4] =	wrdreg s9  }
0x16: {  	s22 =	simm.s32 $0x5;
	[dreg:$0x6] =	wrdreg s8;
	s31 =	sshrl.u32 s30, $0x3  }
0x17: {  	s9 =	smov.u32 s20;
	s20 =	simm.s32 $0x100;
	s17 =	sadd.s32 s31, s3  }
.LBB2_1:
0x18: {  	s0 =	rddreg [dreg:$0x3]  }
0x19: {  	s8 =	rddreg [dreg:$0x4]  }
0x1a: {  	[tilespmem:s2], [sflag:$0x1] =	stream.linear.gather [hbm4b:s0+s2], $0xC8, $0x38;
	[tilespmem:$0x16680] =	vst v63  }
0x1b: {  	s16 =	rddreg [dreg:$0x5]  }
0x1c: {  	[tilespmem:s19], [sflag:$0x3] =	stream.linear.gather [hbm4b:s9+s2], $0x6400, $0x38;
	[tilespmem:$0x16680] =	vst v63  }
0x1d: {  	s4 =	rddreg [dreg:$0x6]  }
0x1e: {  	[tilespmem:s20], [sflag:$0x2] =	stream.linear.gather [hbm4b:s8+s2], $0xC8, $0x38;
	[tilespmem:$0x16680] =	vst v63  }
0x1f: {  	s5 =	rddreg [dreg:$0x7];
	s30 =	sshrl.u32 s4, $0x3  }
0x20: {  	[tilespmem:s21], [sflag:$0x4] =	stream.linear.gather [hbm4b:s16+s2], $0x6400, $0x38;
	[tilespmem:$0x16680] =	vst v63  }
0x21: {  	[spmem:s30], [sflag:s10] =	dma.local [hbm:s5], $0x1380  }
0x22: {  	_ =	swait.ge [sflag:s22], $0x1380  }
0x23: {  	[sflag:s22] =	ssyncset.done $0x0  }
0x24: {  	s31 =	sshrl.u32 @!p0 s11, $0x3;
	s0 =	simm.s32 @!p0 $0x5;
	[sflag:s22] =	ssyncadd.s32 $0xFFFFEC80  }
0x25: {  	[spmem:s31], [sflag:s10] =	dma.local @!p0 [hbm:s12], $0x100  }
0x26: {  	_ =	swait.ge @!p0 [sflag:s0], $0x100  }
0x27: {  	[sflag:s0] =	ssyncset.done @!p0 $0x0  }
0x28: {  	[sflag:s0] =	ssyncadd.s32 @!p0 $0xFFFFFF00  }
0x29: {  	[bflag:$0x0] =	sbarrier.arrive $0xFFFF  }
0x2a: {  	_ =	swait.ge [sflag:s23], $0xC8  }
0x2b: {  	[sflag:s23] =	ssyncset.done $0x0  }
0x2c: {  	[sflag:s23] =	ssyncadd.s32 $0xFFFFFF38  }
0x2d: {  	_ =	swait.ge [sflag:s24], $0x6400  }
0x2e: {  	[sflag:s24] =	ssyncset.done $0x0  }
0x2f: {  	[sflag:s24] =	ssyncadd.s32 $0xFFFF9C00  }
0x30: {  	[spmem:s1] =	stream.indirect.scatter.add.f32 [tilespmem:s19], [sflag:$0x5], $0x80, s2, s25, $0xb8;
	[tilespmem:$0x16680] =	vst v63  }
0x31: {  	_ =	swait.ge [sflag:s22], $0x6400  }
0x32: {  	s6 =	sshrl.u32 s18, $0x3;
	[sflag:s22] =	ssyncset.done $0x0  }
0x33: {  	s0 =	sadd.s32 s3, s6;
	[sflag:s22] =	ssyncadd.s32 $0xFFFF9C00  }
0x34: {  	[tilespmem:s2], [sflag:$0x1] =	stream.linear.gather [hbm4b:s0+s2], $0xC8, $0x38;
	[tilespmem:$0x16680] =	vst v63  }
0x35: {  	s8 =	sadd.s32 $0xFFFFF380, s7  }
0x36: {  	[tilespmem:s19], [sflag:$0x3] =	stream.linear.gather [hbm4b:s8+s2], $0x6400, $0x38;
	[tilespmem:$0x16680] =	vst v63  }
0x37: {  	_ =	swait.ge [sflag:s26], $0xC8  }
0x38: {  	[sflag:s26] =	ssyncset.done $0x0  }
0x39: {  	[sflag:s26] =	ssyncadd.s32 $0xFFFFFF38  }
0x3a: {  	_ =	swait.ge [sflag:s28], $0x6400  }
0x3b: {  	[sflag:s28] =	ssyncset.done $0x0  }
0x3c: {  	[sflag:s28] =	ssyncadd.s32 $0xFFFF9C00  }
0x3d: {  	[spmem:s1] =	stream.indirect.scatter.add.f32 [tilespmem:s21], [sflag:$0x5], $0x80, s20, s25, $0xb8;
	[tilespmem:$0x16680] =	vst v63  }
0x3e: {  	_ =	swait.ge [sflag:s22], $0x6400  }
0x3f: {  	[sflag:s22] =	ssyncset.done $0x0  }
0x40: {  	s4 =	sadd.s32 $0x1900, s7;
	s16 =	sadd.s32 $0x0, s17;
	[sflag:s22] =	ssyncadd.s32 $0xFFFF9C00  }
0x41: {  	[tilespmem:s20], [sflag:$0x2] =	stream.linear.gather [hbm4b:s16+s2], $0xC8, $0x38;
	[tilespmem:$0x16680] =	vst v63  }
0x42: {  	s6 =	sadd.s32 $0x190, s18;
	s0 =	simm.s32 $0x32;
	s16 =	smov.u32 s7  }
.LBB2_2:
0x43: {  	[tilespmem:s21], [sflag:$0x4] =	stream.linear.gather [hbm4b:s16+s2], $0x6400, $0x38;
	[tilespmem:$0x16680] =	vst v63  }
0x44: {  	s8 =	smov.u32 s0;
	s16 =	smov.u32 s4  }
0x45: {  	p1 =	sne.s32 s0, $0x190;
	s0 =	sadd.s32 $0x32, s0;
	_ =	swait.ge [sflag:s23], $0xC8  }
0x46: {  	[sflag:s23] =	ssyncset.done $0x0  }
0x47: {  	[sflag:s23] =	ssyncadd.s32 $0xFFFFFF38  }
0x48: {  	_ =	swait.ge [sflag:s24], $0x6400  }
0x49: {  	[sflag:s24] =	ssyncset.done $0x0  }
0x4a: {  	[sflag:s24] =	ssyncadd.s32 $0xFFFF9C00  }
0x4b: {  	[spmem:s1] =	stream.indirect.scatter.add.f32 [tilespmem:s19], [sflag:$0x5], $0x80, s2, s25, $0xb8;
	[tilespmem:$0x16680] =	vst v63  }
0x4c: {  	_ =	swait.ge [sflag:s22], $0x6400  }
0x4d: {  	s5 =	sshrl.u32 s6, $0x3;
	[sflag:s22] =	ssyncset.done $0x0  }
0x4e: {  	s5 =	sadd.s32 s3, s5;
	[sflag:s22] =	ssyncadd.s32 $0xFFFF9C00  }
0x4f: {  	[tilespmem:s2], [sflag:$0x1] =	stream.linear.gather [hbm4b:s5+s2], $0xC8, $0x38;
	[tilespmem:$0x16680] =	vst v63  }
0x50: {  	s5 =	sadd.s32 $0xFFFFF380, s4  }
0x51: {  	[tilespmem:s19], [sflag:$0x3] =	stream.linear.gather [hbm4b:s5+s2], $0x6400, $0x38;
	[tilespmem:$0x16680] =	vst v63  }
0x52: {  	_ =	swait.ge [sflag:s26], $0xC8  }
0x53: {  	[sflag:s26] =	ssyncset.done $0x0  }
0x54: {  	[sflag:s26] =	ssyncadd.s32 $0xFFFFFF38  }
0x55: {  	_ =	swait.ge [sflag:s28], $0x6400  }
0x56: {  	[sflag:s28] =	ssyncset.done $0x0  }
0x57: {  	[sflag:s28] =	ssyncadd.s32 $0xFFFF9C00  }
0x58: {  	[spmem:s1] =	stream.indirect.scatter.add.f32 [tilespmem:s21], [sflag:$0x5], $0x80, s20, s25, $0xb8;
	[tilespmem:$0x16680] =	vst v63  }
.Ltmp0:
0x59: {  	_ =	swait.ge [sflag:s22], $0x6400;
	(pc) =	sbr.rel @p1 .LBB2_2-.Ltmp0, $4  }
0x5a: {  	[sflag:s22] =	ssyncset.done $0x0  }
0x5b: {  	s5 =	sadd.s32 s8, s17;
	[sflag:s22] =	ssyncadd.s32 $0xFFFF9C00  }
0x5c: {  	[tilespmem:s20], [sflag:$0x2] =	stream.linear.gather [hbm4b:s5+s2], $0xC8, $0x38;
	[tilespmem:$0x16680] =	vst v63  }
0x5d: {  	s6 =	sadd.s32 $0x190, s6;
	s4 =	sadd.s32 $0x1900, s4  }
0x5e: {  	[tilespmem:s21], [sflag:$0x4] =	stream.linear.gather [hbm4b:s16+s2], $0x6400, $0x38;
	[tilespmem:$0x16680] =	vst v63  }
0x5f: {  	_ =	swait.ge [sflag:s23], $0xC8  }
0x60: {  	[sflag:s23] =	ssyncset.done $0x0  }
0x61: {  	[sflag:s23] =	ssyncadd.s32 $0xFFFFFF38  }
0x62: {  	_ =	swait.ge [sflag:s24], $0x6400  }
0x63: {  	[sflag:s24] =	ssyncset.done $0x0  }
0x64: {  	[sflag:s24] =	ssyncadd.s32 $0xFFFF9C00  }
0x65: {  	[spmem:s1] =	stream.indirect.scatter.add.f32 [tilespmem:s19], [sflag:$0x5], $0x80, s2, s25, $0xb8;
	[tilespmem:$0x16680] =	vst v63  }
0x66: {  	_ =	swait.ge [sflag:s22], $0x6400  }
0x67: {  	[sflag:s22] =	ssyncset.done $0x0  }
0x68: {  	[sflag:s22] =	ssyncadd.s32 $0xFFFF9C00  }
0x69: {  	_ =	swait.ge [sflag:s26], $0xC8  }
0x6a: {  	[sflag:s26] =	ssyncset.done $0x0  }
0x6b: {  	[sflag:s26] =	ssyncadd.s32 $0xFFFFFF38  }
0x6c: {  	_ =	swait.ge [sflag:s28], $0x6400  }
0x6d: {  	[sflag:s28] =	ssyncset.done $0x0  }
0x6e: {  	[sflag:s28] =	ssyncadd.s32 $0xFFFF9C00  }
0x6f: {  	[spmem:s1] =	stream.indirect.scatter.add.f32 [tilespmem:s21], [sflag:$0x5], $0x80, s20, s25, $0xb8;
	[tilespmem:$0x16680] =	vst v63  }
0x70: {  	_ =	swait.ge [sflag:s22], $0x6400  }
0x71: {  	[sflag:s22] =	ssyncset.done $0x0  }
0x72: {  	[sflag:s22] =	ssyncadd.s32 $0xFFFF9C00  }
0x73: {  	[bflag:$0x0] =	sbarrier.arrive $0xFFFF  }
0x74: {  	[hbm:s13], [sflag:s10] =	dma.local [spmem:s30], $0x1380  }
0x75: {  	s29 =	sadd.s32 $0x1, s29;
	_ =	swait.ge [sflag:s22], $0x1380  }
0x76: {  	p1 =	sne.s32 s29, s15;
	[sflag:s22] =	ssyncset.done $0x0  }
.Ltmp1:
0x77: {  	s0 =	simm.s32 @!p0 $0x5;
	[sflag:s22] =	ssyncadd.s32 $0xFFFFEC80;
	(pc) =	sbr.rel @p1 .LBB2_1-.Ltmp1, $4  }
0x78: {  	[hbm:s14], [sflag:s10] =	dma.local @!p0 [spmem:s31], $0x100  }
0x79: {  	_ =	swait.ge @!p0 [sflag:s0], $0x100  }
0x7a: {  	[sflag:s0] =	ssyncset.done @!p0 $0x0  }
0x7b: {  	[sflag:s0] =	ssyncadd.s32 @!p0 $0xFFFFFF00  }
0x7c: {  	_ =	sfence.sel $0x180000  }
0x7d: {  	[bflag:$0x0] =	sbarrier.arrive $0xFFFF  }
0x7e: {  	_ =	strace $0x9000005F  }
0x7f: {  	[bflag:$0x2] =	sbarrier.arrive $0xFFFF  }
0x80: {  	s0 =	rddreg [dreg:$0x2]  }
0x81: {  	s0 =	sadd.s32 @!p0 $0x100000, s0  }
0x82: {  	[sflag:s0] =	ssyncadd.tile.s32 @!p0 $0x1;
	_ =	shalt  }
.Lfunc_end2:
_tile_overlayer_lowered:
.L_overlay_start_2:
0x83: {  	(tag) =	ssettag $0x2  }
0x84: {  	s0 =	rddreg [dreg:$0x0];
	s2 =	stileid.u32  }
0x85: {  	s1 =	rddreg [dreg:$0x1];
	p0 =	sne.s32 s2, $0x0  }
0x86: {  	s3 =	rddreg [dreg:$0x2];
	[bflag:$0x3] =	sbarrier.arrive $0xFFFF;
	s2 =	simm.s32 @!p0 $0x1C05  }
0x87: {  	[timem:s3], [sflag:s2] =	dma.local @!p0 [hbm:s0], s1  }
0x88: {  	s0 =	simm.s32 @!p0 $0x5  }
0x89: {  	_ =	swait.ge @!p0 [sflag:s0], s1  }
0x8a: {  	s1 =	ssub.s32 @!p0 $0x0, s1;
	[sflag:s0] =	ssyncset.done @!p0 $0x0  }
0x8b: {  	[sflag:s0] =	ssyncadd.s32 @!p0 s1  }
0x8c: {  	[bflag:$0x3] =	sbarrier.arrive $0xFFFF  }
0x8d: {  	_ =	shalt  }

// kernel: kernel.48.cloned.1.call-start
scs
__scs_entry_jumppad:
0x0: {  	(pc) =	sbr.rel $0x88, $3  }
0x1: {  	(tag) =	ssettag $0x0;
	lr =	simm.s32 $0x1  }
0x2: {  	[smem:$0x3F89] =	sst lr;
	_ =	strace $0xD0000000  }
0x3: {  	_ = 	snop  }
0x4: {  	_ = 	snop  }
0x5: {  	_ = 	snop  }
0x6: {  	_ = 	snop  }
0x7: {  	_ = 	snop  }
__scs_overlays_trampoline_lowered:
0x8: {  	[smem:$0x3F98] =	sst s0  }
0x9: {  	[smem:$0x3F99] =	sst s1  }
0xa: {  	[smem:$0x3F9A] =	sst s2  }
0xb: {  	[smem:$0x3F9B] =	sst s3  }
0xc: {  	[smem:$0x3F9C] =	sst s4  }
0xd: {  	[smem:$0x3F9D] =	sst s5  }
0xe: {  	[smem:$0x3F9E] =	sst s6  }
0xf: {  	[smem:$0x3F9F] =	sst s7  }
0x10: {  	[smem:$0x3FA0] =	sst s8  }
0x11: {  	[smem:$0x3FA1] =	sst s9;
	s0 =	simm.s32 @!p0 $0x0  }
0x12: {  	s1 =	sld [smem:$0x3F87];
	s0 =	simm.s32 @p0 $0x1  }
0x13: {  	[smem:$0x3FA2] =	sst s0;
	s0 =	simm.s32 @!p1 $0x0  }
0x14: {  	s2 =	sld [smem:$0x3F86];
	s0 =	simm.s32 @p1 $0x1  }
0x15: {  	[smem:$0x3FA3] =	sst s0;
	s0 =	simm.s32 @!p2 $0x0  }
0x16: {  	s3 =	sld [smem:$0x3FDB];
	s0 =	simm.s32 @p2 $0x1  }
0x17: {  	s4 =	simm.s32 $0x1BF5;
	[smem:$0x3FA5] =	sst s0  }
0x18: {  	s0 =	sld [smem:$0x3F88];
	_ =	swait.ge [sflag:s4], $0x0  }
0x19: {  	s7 =	sld [smem:$0x3F89]  }
0x1a: {  	s8 =	sadd.s32 $0xFFFFE003, lr  }
0x1b: {  	s9 =	sadd.s32 $0xFFFFFEF7, lr;
	s5 =	simm.s32 $0xFFFFFFFF;
	p2 =	slt.u32 s8, $0xFFFFF086  }
0x1c: {  	p1 =	slt.u32 s9, $0xF7A;
	s5 =	simm.s32 @!p2 $0x0  }
0x1d: {  	s5 =	simm.s32 @p1 $0x1;
	p0 =	seq.s32 s7, s2  }
0x1e: {  	s7 =	smul.u32 @!p0 $0xF7A, s2;
	p2 =	seq.s32 @!p0 s5, $0x0  }
0x1f: {  	s9 =	smul.u32 $0xF7A, s1;
	s8 =	simm.s32 @!p0 $0x1BF5;
	p2 =	por !p2, p0  }
0x20: {  	[sflag:s8] =	ssyncset.s32 @!p0 $0xFFFFF086;
	s6 =	sadd.s32 @!p0 s3, s7;
	s7 =	simm.s32 @!p0 $0x108  }
0x21: {  	s3 =	sadd.s32 s3, s9;
	s6 =	sadd.s32 @!p0 $0x88, s6;
	s7 =	simm.s32 @p2 $0x1082  }
0x22: {  	[simem:s7], [sflag:s8] =	dma.local @!p0 [hbm:s6], $0xF7A  }
0x23: {  	s9 =	sor.u32 $0xD0000000, s2;
	s6 =	simm.s32 $0x108;
	_ =	swait.ge @!p0 [sflag:s8], $0x0  }
0x24: {  	s3 =	sadd.s32 $0x88, s3;
	s6 =	simm.s32 @!p1 $0x1082;
	[sflag:s4] =	ssyncset.s32 $0xFFFFF086  }
0x25: {  	[simem:s6], [sflag:s4] =	dma.local [hbm:s3], $0xF7A  }
0x26: {  	[smem:$0x3F89] =	sst s1;
	(tag) =	ssettag s2;
	_ =	strace s9  }
0x27: {  	s1 =	sld [smem:$0x3F99]  }
0x28: {  	s2 =	sld [smem:$0x3F9A]  }
0x29: {  	s4 =	sld [smem:$0x3F9C]  }
0x2a: {  	p0 =	seq.s32 s5, $0x0;
	s5 =	sld [smem:$0x3F9D]  }
0x2b: {  	s6 =	sld [smem:$0x3F9E]  }
0x2c: {  	s7 =	sld [smem:$0x3F9F]  }
0x2d: {  	s3 =	simm.s32 $0x108;
	s8 =	sld [smem:$0x3FA0]  }
0x2e: {  	s3 =	simm.s32 @!p0 $0x1082;
	s9 =	sld [smem:$0x3FA1]  }
0x2f: {  	lr =	sadd.s32 s0, s3;
	s0 =	sld [smem:$0x3F98]  }
0x30: {  	s3 =	sld [smem:$0x3F9B]  }
0x31: {  	[smem:$0x3FA4] =	sst s10  }
0x32: {  	s10 =	sld [smem:$0x3FA2];
	_ =	sdelay $0x3  }
0x33: {  	p0 =	seq.s32 s10, $0x1;
	s10 =	sld [smem:$0x3FA4];
	_ =	sdelay $0x3  }
0x34: {  	[smem:$0x3FA4] =	sst s10  }
0x35: {  	s10 =	sld [smem:$0x3FA3];
	_ =	sdelay $0x3  }
0x36: {  	p1 =	seq.s32 s10, $0x1;
	s10 =	sld [smem:$0x3FA4];
	_ =	sdelay $0x3  }
0x37: {  	[smem:$0x3FA4] =	sst s10  }
0x38: {  	s10 =	sld [smem:$0x3FA5]  }
0x39: {  	_ = 	snop;
	(pc) =	sbr.ind lr, $3  }
0x3a: {  	_ = 	snop  }
0x3b: {  	_ = 	snop  }
0x3c: {  	p2 =	seq.s32 s10, $0x1;
	s10 =	sld [smem:$0x3FA4]  }
0x3d: {  	_ =	shalt  }
0x3e: {  	_ =	shalt  }
0x3f: {  	_ =	shalt  }
0x40: {  	_ =	shalt  }
0x41: {  	_ =	shalt  }
0x42: {  	_ =	shalt  }
0x43: {  	_ =	shalt  }
0x44: {  	_ =	shalt  }
0x45: {  	_ =	shalt  }
0x46: {  	_ =	shalt  }
0x47: {  	_ =	shalt  }
0x48: {  	_ =	shalt  }
0x49: {  	_ =	shalt  }
0x4a: {  	_ =	shalt  }
0x4b: {  	_ =	shalt  }
0x4c: {  	_ =	shalt  }
0x4d: {  	_ =	shalt  }
0x4e: {  	_ =	shalt  }
0x4f: {  	_ =	shalt  }
0x50: {  	_ =	shalt  }
0x51: {  	_ =	shalt  }
0x52: {  	_ =	shalt  }
0x53: {  	_ =	shalt  }
0x54: {  	_ =	shalt  }
0x55: {  	_ =	shalt  }
0x56: {  	_ =	shalt  }
0x57: {  	_ =	shalt  }
0x58: {  	_ =	shalt  }
0x59: {  	_ =	shalt  }
0x5a: {  	_ =	shalt  }
0x5b: {  	_ =	shalt  }
0x5c: {  	_ =	shalt  }
0x5d: {  	_ =	shalt  }
0x5e: {  	_ =	shalt  }
0x5f: {  	_ =	shalt  }
0x60: {  	_ =	shalt  }
0x61: {  	_ =	shalt  }
0x62: {  	_ =	shalt  }
0x63: {  	_ =	shalt  }
0x64: {  	_ =	shalt  }
0x65: {  	_ =	shalt  }
0x66: {  	_ =	shalt  }
0x67: {  	_ =	shalt  }
0x68: {  	_ =	shalt  }
0x69: {  	_ =	shalt  }
0x6a: {  	_ =	shalt  }
0x6b: {  	_ =	shalt  }
0x6c: {  	_ =	shalt  }
0x6d: {  	_ =	shalt  }
0x6e: {  	_ =	shalt  }
0x6f: {  	_ =	shalt  }
0x70: {  	_ =	shalt  }
0x71: {  	_ =	shalt  }
0x72: {  	_ =	shalt  }
0x73: {  	_ =	shalt  }
0x74: {  	_ =	shalt  }
0x75: {  	_ =	shalt  }
0x76: {  	_ =	shalt  }
0x77: {  	_ =	shalt  }
0x78: {  	_ =	shalt  }
0x79: {  	_ =	shalt  }
0x7a: {  	_ =	shalt  }
0x7b: {  	_ =	shalt  }
0x7c: {  	_ =	shalt  }
0x7d: {  	_ =	shalt  }
0x7e: {  	_ =	shalt  }
0x7f: {  	_ =	shalt  }
0x80: {  	_ =	shalt  }
0x81: {  	_ =	shalt  }
0x82: {  	_ =	shalt  }
0x83: {  	_ =	shalt  }
0x84: {  	_ =	shalt  }
0x85: {  	_ =	shalt  }
0x86: {  	_ =	shalt  }
0x87: {  	_ =	shalt  }
.Lfunc_end0:
.L_simem_size_0:
called_computation.8_lowered:
.L_overlay_start_0:
0x88: {  	s2 =	sld [smem:$0x3FD9]  }
0x89: {  	s3 =	sld [smem:$0x3FFE];
	_ =	sdelay $0x1  }
0x8a: {  	s1 =	srdreg.scid  }
0x8b: {  	s0 =	sand.u32 $0x1, s1  }
0x8c: {  	s17 =	sshll.u32 s0, $0xA;
	s2 =	sadd.s32 s3, s2  }
0x8d: {  	s2 =	sadd.s32 s2, s17  }
0x8e: {  	[smem:$0x3FB0] =	sst s2  }
0x8f: {  	_ = 	snop  }
0x90: {  	(tm) =	ssettm $0x1  }
0x91: {  	s18 =	sld [smem:$0x3FFB];
	_ =	sdelay $0x3  }
0x92: {  	_ =	strace s18  }
0x93: {  	s2 =	sld [smem:$0x3FFC];
	_ =	sdelay $0x3  }
0x94: {  	_ =	strace s2  }
0x95: {  	s2 =	sld [smem:$0x3FFD];
	_ =	sdelay $0x3  }
0x96: {  	_ =	strace s2  }
0x97: {  	_ =	strace $0x8FFFFFFF  }
0x98: {  	s19 =	sld [smem:$0x3FDB];
	_ =	sdelay $0x1  }
0x99: {  	s20 =	simm.s32 $_scs_section_size  }
0x9a: {  	s4 =	simm.s32 $_size__tile_overlayer_lowered;
	s5 =	simm.s32 $_tile_overlayer_lowered  }
0x9b: {  	s6 =	simm.s32 $0x1BFF;
	s21 =	sshll.u32 s5, $0x1;
	s3 =	sadd.s32 s20, s19  }
0x9c: {  	s22 =	simm.s32 $0x0;
	s4 =	sshll.u32 s4, $0x1;
	s5 =	sadd.s32 s21, s3  }
0x9d: {  	[timem:s22], [sflag:s6] =	dma.local [hbm:s5], s4  }
0x9e: {  	_ =	swait.ge [sflag:s6], s4  }
0x9f: {  	s4 =	ssub.s32 $0x0, s4;
	[sflag:s6] =	ssyncset.done $0x0  }
0xa0: {  	[sflag:s6] =	ssyncadd.s32 s4;
	_ =	sdelay $0x1  }
0xa1: {  	s23 =	simm.s32 $0x1B8B  }
0xa2: {  	_ =	swait.ge [sflag:s23], $0x1  }
0xa3: {  	[sflag:s23] =	ssyncset.done $0x0  }
0xa4: {  	[sflag:s23] =	ssyncadd.s32 $0xFFFFFFFF  }
0xa5: {  	s4 =	sld [smem:$0x0]  }
0xa6: {  	s5 =	sand.u32 $0xFFFFFFFE, s1  }
0xa7: {  	p0 =	sne.s32 s1, s5  }
0xa8: {  	s5 =	sshll.u32 @p0 s5, $0xE  }
0xa9: {  	s5 =	sadd.s32 @p0 $0x11B8D, s5;
	s6 =	sshll.u32 @p0 s4, $0x11  }
0xaa: {  	s5 =	sor.u32 @p0 s6, s5  }
0xab: {  	[sflag:s5] =	ssyncadd.remote.s32 @p0 $0x1;
	_ =	sdelay $0x1  }
0xac: {  	s5 =	simm.s32 @p0 $0x1B8D  }
0xad: {  	_ =	swait.eq @p0 [sflag:s5], $0x1  }
0xae: {  	[sflag:s5] =	ssyncadd.s32 @p0 $0xFFFFFFFF  }
0xaf: {  	s6 =	sshll.u32 @!p0 s1, $0xE  }
0xb0: {  	s6 =	sor.u32 @!p0 $0x4000, s6;
	s5 =	simm.s32 @!p0 $0x1B8D  }
0xb1: {  	s4 =	sshll.u32 @!p0 s4, $0x11;
	s6 =	sadd.s32 @!p0 $0x11B8D, s6;
	_ =	swait.eq @!p0 [sflag:s5], $0x1  }
0xb2: {  	s4 =	sor.u32 @!p0 s4, s6;
	[sflag:s5] =	ssyncadd.s32 @!p0 $0xFFFFFFFF  }
0xb3: {  	s25 =	simm.s32 $0x1B8E;
	s24 =	sld [smem:$0x3FFE];
	[sflag:s4] =	ssyncadd.remote.s32 @!p0 $0x1  }
0xb4: {  	s26 =	simm.s32 $execute0_lowered;
	[smem:$0x3FD2] =	sst s25  }
0xb5: {  	s5 =	sshll.u32 s26, $0x1;
	_ =	strace $0x80000052;
	[dreg:$0x1] =	wrdreg $0xFFFFFFFF  }
0xb6: {  	s28 =	simm.s32 $_size_execute0_lowered;
	s3 =	sadd.s32 s3, s5;
	[dreg:$0x0] =	wrdreg $0x0  }
0xb7: {  	s5 =	sshll.u32 s28, $0x1;
	[dreg:$0x2] =	wrdreg s3  }
0xb8: {  	[dreg:$0x3] =	wrdreg s5  }
0xb9: {  	[dreg:$0x4] =	wrdreg $0xC0  }
0xba: {  	_ =	task [dreg:s22], $0x5FFFF  }
0xbb: {  	[dreg:$0x1] =	wrdreg $0xFFFFFFFF  }
0xbc: {  	[dreg:$0x0] =	wrdreg $0x60  }
0xbd: {  	[dreg:$0x2] =	wrdreg s24  }
0xbe: {  	[dreg:$0x3] =	wrdreg $0xA  }
0xbf: {  	_ =	task.clear_ibuf [dreg:s22], $0x4FFFF;
	_ =	strace $0x90000052  }
0xc0: {  	s29 =	simm.s32 $0xA;
	_ =	strace $0x80000054  }
0xc1: {  	_ =	swait.ge [sflag:s29], $0x1  }
0xc2: {  	[sflag:s29] =	ssyncadd.s32 $0xFFFFFFFF  }
0xc3: {  	_ =	strace $0x90000054  }
0xc4: {  	_ =	sfence  }
0xc5: {  	s30 =	sld [smem:$0x0];
	_ =	sdelay $0x2  }
0xc6: {  	s31 =	sshll.u32 s1, $0xD;
	s1 =	sshrl.u32 s1, $0x2  }
0xc7: {  	s4 =	sand.u32 $0x4000, s31;
	s1 =	sadd.s32 s1, s30  }
0xc8: {  	s0 =	sor.u32 s4, s0;
	s1 =	sshll.u32 s1, $0x11  }
0xc9: {  	s0 =	sor.u32 s1, s0  }
0xca: {  	s0 =	sadd.s32 $0x8F2B, s0  }
0xcb: {  	[sflag:s0] =	ssyncadd.remote.s32 $0x1  }
0xcc: {  	_ =	sfence.sel $0xFFFF  }
0xcd: {  	[dreg:$0x0] =	wrdreg $0xFFFFFFFF;
	(pc) =	sbr.abs _section_cstart, $3  }
0xce: {  	[dreg:$0x1] =	wrdreg $0xFFFFFFFF  }
0xcf: {  	_ =	task.clear_ibuf [dreg:s22], $0x2FFFF;
	_ =	strace $0x9FFFFFFF  }
0xd0: {  	(tm) =	ssettm $0x7FFFFFFF  }
0xd1: {  	_ =	shalt  }
tec
execute0_lowered:
.L_overlay_start_1:
0x0: {  	(tag) =	ssettag $0x1  }
0x1: {  	s1 =	srdreg.scid  }
0x2: {  	s0 =	stileid.u32;
	s5 =	rddreg [dreg:$0x0]  }
0x3: {  	s2 =	simm.s32 $0x0;
	s17 =	simm.s32 $0x1000;
	s18 =	simm.s32 $0x7400  }
0x4: {  	s19 =	simm.s32 $0xD800;
	s20 =	simm.s32 $0x8C8;
	s21 =	simm.s32 $0x13C00  }
0x5: {  	s22 =	simm.s32 $0x1;
	s23 =	simm.s32 $0x2;
	s24 =	simm.s32 $0x3  }
0x6: {  	s25 =	simm.s32 $0x4;
	s26 =	simm.s32 $0x0;
	s11 =	sand.u32 $0x1, s1  }
0x7: {  	s30 =	sshll.u32 s0, $0x1;
	[smem:$0x7FF] =	sst s2;
	s3 =	sadd.s32 $0x9A00, s5  }
0x8: {  	s12 =	sadd.s32 $0x83BE00, s5;
	s15 =	smul.u32 $0xFA00, s0;
	s6 =	sor.u32 s11, s30  }
0x9: {  	s13 =	sadd.s32 $0x935E00, s5;
	s8 =	ssub.s32 $0x2, s11;
	s4 =	smul.u32 $0x7D0, s6  }
0xa: {  	_ =	strace $0x80000053;
	s9 =	sshrl.u32 s8, $0x1;
	s10 =	smul.u32 $0x7D00, s6  }
0xb: {  	s16 =	smul.u32 $0x7D00, s11;
	s8 =	ssub.s32 s8, s9;
	s7 =	sshrl.u32 s4, $0x3  }
0xc: {  	s4 =	sadd.s32 $0x44C00, s5;
	s31 =	sadd.s32 $0x6400, s10;
	s14 =	sadd.s32 $0x7080, s10  }
0xd: {  	s7 =	sadd.s32 s7, s5;
	s9 =	sadd.s32 s13, s31;
	s10 =	sadd.s32 s12, s14  }
0xe: {  	s11 =	sadd.s32 s13, s14;
	s13 =	sadd.s32 s15, s13;
	s14 =	simm.s32 $0x5  }
0xf: {  	s5 =	sadd.s32 $0x42C00, s7;
	s6 =	sadd.s32 $0x40C00, s7;
	s7 =	smax.u32 s8, $0x1  }
0x10: {  	s8 =	sadd.s32 s12, s31;
	s12 =	sadd.s32 s15, s12;
	s13 =	sadd.s32 s16, s13  }
0x11: {  	s15 =	simm.s32 $0x800;
	s12 =	sadd.s32 s16, s12;
	s16 =	simm.s32 $0xC8  }
.LBB2_1:
0x12: {  	[tilespmem:s2], [sflag:$0x5] =	stream.linear.gather [hbm4b:s5+s2], $0x7D0, $0x38;
	[tilespmem:$0x1A000] =	vst v63  }
0x13: {  	_ =	swait.ge [sflag:s14], $0x7D0  }
0x14: {  	[sflag:s14] =	ssyncset.done $0x0  }
0x15: {  	[sflag:s14] =	ssyncadd.s32 $0xFFFFF830  }
0x16: {  	[tilespmem:s15], [sflag:$0x5] =	stream.linear.gather [hbm4b:s6+s2], $0x7D0, $0x38;
	[tilespmem:$0x1A000] =	vst v63  }
0x17: {  	_ =	swait.ge [sflag:s14], $0x7D0  }
0x18: {  	[sflag:s14] =	ssyncset.done $0x0  }
0x19: {  	[sflag:s14] =	ssyncadd.s32 $0xFFFFF830  }
0x1a: {  	[tilespmem:s17], [sflag:$0x1] =	stream.indirect.gather [hbm4b:s3+s16], $0x80, s2, s16, $0xb8;
	[tilespmem:$0x1A000] =	vst v63  }
0x1b: {  	_ = 	snop  }
0x1c: {  	[tilespmem:s18], [sflag:$0x2] =	stream.indirect.gather [hbm4b:s4+s16], $0x80, s15, s16, $0xb8;
	[tilespmem:$0x1A000] =	vst v63  }
0x1d: {  	_ = 	snop  }
0x1e: {  	[tilespmem:s19], [sflag:$0x3] =	stream.indirect.gather [hbm4b:s3+s16], $0x80, s16, s16, $0xb8;
	[tilespmem:$0x1A000] =	vst v63  }
0x1f: {  	_ = 	snop  }
0x20: {  	[tilespmem:s21], [sflag:$0x4] =	stream.indirect.gather [hbm4b:s4+s16], $0x80, s20, s16, $0xb8;
	[tilespmem:$0x1A000] =	vst v63  }
0x21: {  	_ =	swait.ge [sflag:s22], $0x6400  }
0x22: {  	[sflag:s22] =	ssyncset.done $0x0  }
0x23: {  	[sflag:s22] =	ssyncadd.s32 $0xFFFF9C00  }
0x24: {  	_ =	swait.ge [sflag:s23], $0x6400  }
0x25: {  	[sflag:s23] =	ssyncset.done $0x0  }
0x26: {  	s28 =	sadd.s32 $0x0, s12;
	[sflag:s23] =	ssyncadd.s32 $0xFFFF9C00  }
0x27: {  	[hbm4b:s28+s2] =	stream.linear.scatter [tilespmem:s17], [sflag:$0x1], $0x6400, $0x38;
	[tilespmem:$0x1A000] =	vst v63  }
0x28: {  	s29 =	sadd.s32 $0x0, s13  }
0x29: {  	[hbm4b:s29+s2] =	stream.linear.scatter [tilespmem:s18], [sflag:$0x2], $0x6400, $0x38;
	[tilespmem:$0x1A000] =	vst v63  }
0x2a: {  	_ =	swait.ge [sflag:s24], $0x6400  }
0x2b: {  	[sflag:s24] =	ssyncset.done $0x0  }
0x2c: {  	[sflag:s24] =	ssyncadd.s32 $0xFFFF9C00  }
0x2d: {  	_ =	swait.ge [sflag:s25], $0x6400  }
0x2e: {  	[sflag:s25] =	ssyncset.done $0x0  }
0x2f: {  	s28 =	sadd.s32 $0xC80, s28;
	[sflag:s25] =	ssyncadd.s32 $0xFFFF9C00  }
0x30: {  	[hbm4b:s28+s2] =	stream.linear.scatter [tilespmem:s19], [sflag:$0x3], $0x6400, $0x38;
	[tilespmem:$0x1A000] =	vst v63  }
0x31: {  	s28 =	sadd.s32 $0xC80, s29  }
0x32: {  	[hbm4b:s28+s2] =	stream.linear.scatter [tilespmem:s21], [sflag:$0x4], $0x6400, $0x38;
	[tilespmem:$0x1A000] =	vst v63  }
0x33: {  	_ =	swait.ge [sflag:s22], $0x6400  }
0x34: {  	[sflag:s22] =	ssyncset.done $0x0  }
0x35: {  	[sflag:s22] =	ssyncadd.s32 $0xFFFF9C00  }
0x36: {  	_ =	swait.ge [sflag:s23], $0x6400  }
0x37: {  	[sflag:s23] =	ssyncset.done $0x0  }
0x38: {  	s28 =	simm.s32 $0x190;
	[sflag:s23] =	ssyncadd.s32 $0xFFFF9C00  }
0x39: {  	[tilespmem:s17], [sflag:$0x1] =	stream.indirect.gather [hbm4b:s3+s16], $0x80, s28, s16, $0xb8;
	[tilespmem:$0x1A000] =	vst v63  }
0x3a: {  	s28 =	simm.s32 $0x990  }
0x3b: {  	[tilespmem:s18], [sflag:$0x2] =	stream.indirect.gather [hbm4b:s4+s16], $0x80, s28, s16, $0xb8;
	[tilespmem:$0x1A000] =	vst v63  }
0x3c: {  	_ =	swait.ge [sflag:s24], $0x6400  }
0x3d: {  	[sflag:s24] =	ssyncset.done $0x0  }
0x3e: {  	[sflag:s24] =	ssyncadd.s32 $0xFFFF9C00  }
0x3f: {  	_ =	swait.ge [sflag:s25], $0x6400  }
0x40: {  	[sflag:s25] =	ssyncset.done $0x0  }
0x41: {  	s30 =	simm.s32 $0x3E8;
	s28 =	simm.s32 $0x258;
	[sflag:s25] =	ssyncadd.s32 $0xFFFF9C00  }
0x42: {  	[tilespmem:s19], [sflag:$0x3] =	stream.indirect.gather [hbm4b:s3+s16], $0x80, s28, s16, $0xb8;
	[tilespmem:$0x1A000] =	vst v63  }
0x43: {  	s31 =	simm.s32 $0xBE8;
	s29 =	simm.s32 $0x1900;
	s28 =	simm.s32 $0xA58  }
.LBB2_2:
0x44: {  	[tilespmem:s21], [sflag:$0x4] =	stream.indirect.gather [hbm4b:s4+s16], $0x80, s28, s16, $0xb8;
	[tilespmem:$0x1A000] =	vst v63  }
0x45: {  	s1 =	smov.u32 s29;
	s28 =	smov.u32 s31  }
0x46: {  	p0 =	sne.s32 s29, $0x4B00;
	s29 =	sadd.s32 $0x1900, s29;
	_ =	swait.ge [sflag:s22], $0x6400  }
0x47: {  	[sflag:s22] =	ssyncset.done $0x0  }
0x48: {  	[sflag:s22] =	ssyncadd.s32 $0xFFFF9C00  }
0x49: {  	_ =	swait.ge [sflag:s23], $0x6400  }
0x4a: {  	[sflag:s23] =	ssyncset.done $0x0  }
0x4b: {  	s0 =	sadd.s32 s1, s12;
	[sflag:s23] =	ssyncadd.s32 $0xFFFF9C00  }
0x4c: {  	[hbm4b:s0+s2] =	stream.linear.scatter [tilespmem:s17], [sflag:$0x1], $0x6400, $0x38;
	[tilespmem:$0x1A000] =	vst v63  }
0x4d: {  	s1 =	sadd.s32 s1, s13  }
0x4e: {  	[hbm4b:s1+s2] =	stream.linear.scatter [tilespmem:s18], [sflag:$0x2], $0x6400, $0x38;
	[tilespmem:$0x1A000] =	vst v63  }
0x4f: {  	_ =	swait.ge [sflag:s24], $0x6400  }
0x50: {  	[sflag:s24] =	ssyncset.done $0x0  }
0x51: {  	[sflag:s24] =	ssyncadd.s32 $0xFFFF9C00  }
0x52: {  	_ =	swait.ge [sflag:s25], $0x6400  }
0x53: {  	[sflag:s25] =	ssyncset.done $0x0  }
0x54: {  	s0 =	sadd.s32 $0xC80, s0;
	[sflag:s25] =	ssyncadd.s32 $0xFFFF9C00  }
0x55: {  	[hbm4b:s0+s2] =	stream.linear.scatter [tilespmem:s19], [sflag:$0x3], $0x6400, $0x38;
	[tilespmem:$0x1A000] =	vst v63  }
0x56: {  	s0 =	sadd.s32 $0xC80, s1  }
0x57: {  	[hbm4b:s0+s2] =	stream.linear.scatter [tilespmem:s21], [sflag:$0x4], $0x6400, $0x38;
	[tilespmem:$0x1A000] =	vst v63  }
0x58: {  	_ =	swait.ge [sflag:s22], $0x6400  }
0x59: {  	[sflag:s22] =	ssyncset.done $0x0  }
0x5a: {  	[sflag:s22] =	ssyncadd.s32 $0xFFFF9C00  }
0x5b: {  	_ =	swait.ge [sflag:s23], $0x6400  }
0x5c: {  	[sflag:s23] =	ssyncset.done $0x0  }
0x5d: {  	s0 =	sadd.s32 $0xFFFFFF38, s30;
	[sflag:s23] =	ssyncadd.s32 $0xFFFF9C00  }
0x5e: {  	[tilespmem:s17], [sflag:$0x1] =	stream.indirect.gather [hbm4b:s3+s16], $0x80, s0, s16, $0xb8;
	[tilespmem:$0x1A000] =	vst v63  }
0x5f: {  	s0 =	sadd.s32 $0xFFFFFF38, s31  }
0x60: {  	[tilespmem:s18], [sflag:$0x2] =	stream.indirect.gather [hbm4b:s4+s16], $0x80, s0, s16, $0xb8;
	[tilespmem:$0x1A000] =	vst v63  }
0x61: {  	_ =	swait.ge [sflag:s24], $0x6400  }
0x62: {  	[sflag:s24] =	ssyncset.done $0x0  }
0x63: {  	[sflag:s24] =	ssyncadd.s32 $0xFFFF9C00  }
.Ltmp0:
0x64: {  	_ =	swait.ge [sflag:s25], $0x6400;
	(pc) =	sbr.rel @p0 .LBB2_2-.Ltmp0, $4  }
0x65: {  	[sflag:s25] =	ssyncset.done $0x0  }
0x66: {  	[sflag:s25] =	ssyncadd.s32 $0xFFFF9C00  }
0x67: {  	[tilespmem:s19], [sflag:$0x3] =	stream.indirect.gather [hbm4b:s3+s16], $0x80, s30, s16, $0xb8;
	[tilespmem:$0x1A000] =	vst v63  }
0x68: {  	s31 =	sadd.s32 $0x190, s31;
	s30 =	sadd.s32 $0x190, s30  }
0x69: {  	[tilespmem:s21], [sflag:$0x4] =	stream.indirect.gather [hbm4b:s4+s16], $0x80, s28, s16, $0xb8;
	[tilespmem:$0x1A000] =	vst v63  }
0x6a: {  	_ =	swait.ge [sflag:s22], $0x6400  }
0x6b: {  	[sflag:s22] =	ssyncset.done $0x0  }
0x6c: {  	[sflag:s22] =	ssyncadd.s32 $0xFFFF9C00  }
0x6d: {  	_ =	swait.ge [sflag:s23], $0x6400  }
0x6e: {  	[sflag:s23] =	ssyncset.done $0x0  }
0x6f: {  	[sflag:s23] =	ssyncadd.s32 $0xFFFF9C00  }
0x70: {  	[hbm4b:s8+s2] =	stream.linear.scatter [tilespmem:s17], [sflag:$0x1], $0x6400, $0x38;
	[tilespmem:$0x1A000] =	vst v63  }
0x71: {  	_ = 	snop  }
0x72: {  	[hbm4b:s9+s2] =	stream.linear.scatter [tilespmem:s18], [sflag:$0x2], $0x6400, $0x38;
	[tilespmem:$0x1A000] =	vst v63  }
0x73: {  	_ =	swait.ge [sflag:s24], $0x6400  }
0x74: {  	[sflag:s24] =	ssyncset.done $0x0  }
0x75: {  	[sflag:s24] =	ssyncadd.s32 $0xFFFF9C00  }
0x76: {  	_ =	swait.ge [sflag:s25], $0x6400  }
0x77: {  	[sflag:s25] =	ssyncset.done $0x0  }
0x78: {  	[sflag:s25] =	ssyncadd.s32 $0xFFFF9C00  }
0x79: {  	[hbm4b:s10+s2] =	stream.linear.scatter [tilespmem:s19], [sflag:$0x3], $0x6400, $0x38;
	[tilespmem:$0x1A000] =	vst v63  }
0x7a: {  	_ = 	snop  }
0x7b: {  	[hbm4b:s11+s2] =	stream.linear.scatter [tilespmem:s21], [sflag:$0x4], $0x6400, $0x38;
	[tilespmem:$0x1A000] =	vst v63  }
0x7c: {  	_ =	swait.ge [sflag:s22], $0x6400  }
0x7d: {  	[sflag:s22] =	ssyncset.done $0x0  }
0x7e: {  	[sflag:s22] =	ssyncadd.s32 $0xFFFF9C00  }
0x7f: {  	_ =	swait.ge [sflag:s23], $0x6400  }
0x80: {  	[sflag:s23] =	ssyncset.done $0x0  }
0x81: {  	s26 =	sadd.s32 $0x1, s26;
	[sflag:s23] =	ssyncadd.s32 $0xFFFF9C00  }
0x82: {  	p0 =	sne.s32 s26, s7;
	_ =	swait.ge [sflag:s24], $0x6400  }
.Ltmp1:
0x83: {  	[sflag:s24] =	ssyncset.done $0x0;
	(pc) =	sbr.rel @p0 .LBB2_1-.Ltmp1, $4  }
0x84: {  	[sflag:s24] =	ssyncadd.s32 $0xFFFF9C00  }
0x85: {  	_ =	swait.ge [sflag:s25], $0x6400  }
0x86: {  	[sflag:s25] =	ssyncset.done $0x0  }
0x87: {  	[sflag:s25] =	ssyncadd.s32 $0xFFFF9C00  }
0x88: {  	_ =	sfence.sel $0x180000  }
0x89: {  	[bflag:$0x0] =	sbarrier.arrive $0xFFFF  }
0x8a: {  	_ =	strace $0x90000053  }
0x8b: {  	s0 =	stileid.u32;
	[bflag:$0x2] =	sbarrier.arrive $0xFFFF  }
0x8c: {  	p0 =	sne.s32 s0, $0x0;
	s0 =	rddreg [dreg:$0x1]  }
0x8d: {  	s0 =	sadd.s32 @!p0 $0x100000, s0  }
0x8e: {  	[sflag:s0] =	ssyncadd.tile.s32 @!p0 $0x1;
	_ =	shalt  }
.Lfunc_end2:
_tile_overlayer_lowered:
.L_overlay_start_2:
0x8f: {  	(tag) =	ssettag $0x2  }
0x90: {  	s0 =	rddreg [dreg:$0x0];
	s2 =	stileid.u32  }
0x91: {  	s1 =	rddreg [dreg:$0x1];
	p0 =	sne.s32 s2, $0x0  }
0x92: {  	s3 =	rddreg [dreg:$0x2];
	[bflag:$0x3] =	sbarrier.arrive $0xFFFF;
	s2 =	simm.s32 @!p0 $0x1C05  }
0x93: {  	[timem:s3], [sflag:s2] =	dma.local @!p0 [hbm:s0], s1  }
0x94: {  	s0 =	simm.s32 @!p0 $0x5  }
0x95: {  	_ =	swait.ge @!p0 [sflag:s0], s1  }
0x96: {  	s1 =	ssub.s32 @!p0 $0x0, s1;
	[sflag:s0] =	ssyncset.done @!p0 $0x0  }
0x97: {  	[sflag:s0] =	ssyncadd.s32 @!p0 s1  }
0x98: {  	[bflag:$0x3] =	sbarrier.arrive $0xFFFF  }
0x99: {  	_ =	shalt  }

// kernel: kernel.51.cloned.1.call-start
scs
__scs_entry_jumppad:
0x0: {  	(pc) =	sbr.rel $0x88, $3  }
0x1: {  	(tag) =	ssettag $0x0;
	lr =	simm.s32 $0x1  }
0x2: {  	[smem:$0x3F89] =	sst lr;
	_ =	strace $0xD0000000  }
0x3: {  	_ = 	snop  }
0x4: {  	_ = 	snop  }
0x5: {  	_ = 	snop  }
0x6: {  	_ = 	snop  }
0x7: {  	_ = 	snop  }
__scs_overlays_trampoline_lowered:
0x8: {  	[smem:$0x3F98] =	sst s0  }
0x9: {  	[smem:$0x3F99] =	sst s1  }
0xa: {  	[smem:$0x3F9A] =	sst s2  }
0xb: {  	[smem:$0x3F9B] =	sst s3  }
0xc: {  	[smem:$0x3F9C] =	sst s4  }
0xd: {  	[smem:$0x3F9D] =	sst s5  }
0xe: {  	[smem:$0x3F9E] =	sst s6  }
0xf: {  	[smem:$0x3F9F] =	sst s7  }
0x10: {  	[smem:$0x3FA0] =	sst s8  }
0x11: {  	[smem:$0x3FA1] =	sst s9;
	s0 =	simm.s32 @!p0 $0x0  }
0x12: {  	s1 =	sld [smem:$0x3F87];
	s0 =	simm.s32 @p0 $0x1  }
0x13: {  	[smem:$0x3FA2] =	sst s0;
	s0 =	simm.s32 @!p1 $0x0  }
0x14: {  	s2 =	sld [smem:$0x3F86];
	s0 =	simm.s32 @p1 $0x1  }
0x15: {  	[smem:$0x3FA3] =	sst s0;
	s0 =	simm.s32 @!p2 $0x0  }
0x16: {  	s3 =	sld [smem:$0x3FDB];
	s0 =	simm.s32 @p2 $0x1  }
0x17: {  	s4 =	simm.s32 $0x1BF5;
	[smem:$0x3FA5] =	sst s0  }
0x18: {  	s0 =	sld [smem:$0x3F88];
	_ =	swait.ge [sflag:s4], $0x0  }
0x19: {  	s7 =	sld [smem:$0x3F89]  }
0x1a: {  	s8 =	sadd.s32 $0xFFFFE003, lr  }
0x1b: {  	s9 =	sadd.s32 $0xFFFFFEF7, lr;
	s5 =	simm.s32 $0xFFFFFFFF;
	p2 =	slt.u32 s8, $0xFFFFF086  }
0x1c: {  	p1 =	slt.u32 s9, $0xF7A;
	s5 =	simm.s32 @!p2 $0x0  }
0x1d: {  	s5 =	simm.s32 @p1 $0x1;
	p0 =	seq.s32 s7, s2  }
0x1e: {  	s7 =	smul.u32 @!p0 $0xF7A, s2;
	p2 =	seq.s32 @!p0 s5, $0x0  }
0x1f: {  	s9 =	smul.u32 $0xF7A, s1;
	s8 =	simm.s32 @!p0 $0x1BF5;
	p2 =	por !p2, p0  }
0x20: {  	[sflag:s8] =	ssyncset.s32 @!p0 $0xFFFFF086;
	s6 =	sadd.s32 @!p0 s3, s7;
	s7 =	simm.s32 @!p0 $0x108  }
0x21: {  	s3 =	sadd.s32 s3, s9;
	s6 =	sadd.s32 @!p0 $0x88, s6;
	s7 =	simm.s32 @p2 $0x1082  }
0x22: {  	[simem:s7], [sflag:s8] =	dma.local @!p0 [hbm:s6], $0xF7A  }
0x23: {  	s9 =	sor.u32 $0xD0000000, s2;
	s6 =	simm.s32 $0x108;
	_ =	swait.ge @!p0 [sflag:s8], $0x0  }
0x24: {  	s3 =	sadd.s32 $0x88, s3;
	s6 =	simm.s32 @!p1 $0x1082;
	[sflag:s4] =	ssyncset.s32 $0xFFFFF086  }
0x25: {  	[simem:s6], [sflag:s4] =	dma.local [hbm:s3], $0xF7A  }
0x26: {  	[smem:$0x3F89] =	sst s1;
	(tag) =	ssettag s2;
	_ =	strace s9  }
0x27: {  	s1 =	sld [smem:$0x3F99]  }
0x28: {  	s2 =	sld [smem:$0x3F9A]  }
0x29: {  	s4 =	sld [smem:$0x3F9C]  }
0x2a: {  	p0 =	seq.s32 s5, $0x0;
	s5 =	sld [smem:$0x3F9D]  }
0x2b: {  	s6 =	sld [smem:$0x3F9E]  }
0x2c: {  	s7 =	sld [smem:$0x3F9F]  }
0x2d: {  	s3 =	simm.s32 $0x108;
	s8 =	sld [smem:$0x3FA0]  }
0x2e: {  	s3 =	simm.s32 @!p0 $0x1082;
	s9 =	sld [smem:$0x3FA1]  }
0x2f: {  	lr =	sadd.s32 s0, s3;
	s0 =	sld [smem:$0x3F98]  }
0x30: {  	s3 =	sld [smem:$0x3F9B]  }
0x31: {  	[smem:$0x3FA4] =	sst s10  }
0x32: {  	s10 =	sld [smem:$0x3FA2];
	_ =	sdelay $0x3  }
0x33: {  	p0 =	seq.s32 s10, $0x1;
	s10 =	sld [smem:$0x3FA4];
	_ =	sdelay $0x3  }
0x34: {  	[smem:$0x3FA4] =	sst s10  }
0x35: {  	s10 =	sld [smem:$0x3FA3];
	_ =	sdelay $0x3  }
0x36: {  	p1 =	seq.s32 s10, $0x1;
	s10 =	sld [smem:$0x3FA4];
	_ =	sdelay $0x3  }
0x37: {  	[smem:$0x3FA4] =	sst s10  }
0x38: {  	s10 =	sld [smem:$0x3FA5]  }
0x39: {  	_ = 	snop;
	(pc) =	sbr.ind lr, $3  }
0x3a: {  	_ = 	snop  }
0x3b: {  	_ = 	snop  }
0x3c: {  	p2 =	seq.s32 s10, $0x1;
	s10 =	sld [smem:$0x3FA4]  }
0x3d: {  	_ =	shalt  }
0x3e: {  	_ =	shalt  }
0x3f: {  	_ =	shalt  }
0x40: {  	_ =	shalt  }
0x41: {  	_ =	shalt  }
0x42: {  	_ =	shalt  }
0x43: {  	_ =	shalt  }
0x44: {  	_ =	shalt  }
0x45: {  	_ =	shalt  }
0x46: {  	_ =	shalt  }
0x47: {  	_ =	shalt  }
0x48: {  	_ =	shalt  }
0x49: {  	_ =	shalt  }
0x4a: {  	_ =	shalt  }
0x4b: {  	_ =	shalt  }
0x4c: {  	_ =	shalt  }
0x4d: {  	_ =	shalt  }
0x4e: {  	_ =	shalt  }
0x4f: {  	_ =	shalt  }
0x50: {  	_ =	shalt  }
0x51: {  	_ =	shalt  }
0x52: {  	_ =	shalt  }
0x53: {  	_ =	shalt  }
0x54: {  	_ =	shalt  }
0x55: {  	_ =	shalt  }
0x56: {  	_ =	shalt  }
0x57: {  	_ =	shalt  }
0x58: {  	_ =	shalt  }
0x59: {  	_ =	shalt  }
0x5a: {  	_ =	shalt  }
0x5b: {  	_ =	shalt  }
0x5c: {  	_ =	shalt  }
0x5d: {  	_ =	shalt  }
0x5e: {  	_ =	shalt  }
0x5f: {  	_ =	shalt  }
0x60: {  	_ =	shalt  }
0x61: {  	_ =	shalt  }
0x62: {  	_ =	shalt  }
0x63: {  	_ =	shalt  }
0x64: {  	_ =	shalt  }
0x65: {  	_ =	shalt  }
0x66: {  	_ =	shalt  }
0x67: {  	_ =	shalt  }
0x68: {  	_ =	shalt  }
0x69: {  	_ =	shalt  }
0x6a: {  	_ =	shalt  }
0x6b: {  	_ =	shalt  }
0x6c: {  	_ =	shalt  }
0x6d: {  	_ =	shalt  }
0x6e: {  	_ =	shalt  }
0x6f: {  	_ =	shalt  }
0x70: {  	_ =	shalt  }
0x71: {  	_ =	shalt  }
0x72: {  	_ =	shalt  }
0x73: {  	_ =	shalt  }
0x74: {  	_ =	shalt  }
0x75: {  	_ =	shalt  }
0x76: {  	_ =	shalt  }
0x77: {  	_ =	shalt  }
0x78: {  	_ =	shalt  }
0x79: {  	_ =	shalt  }
0x7a: {  	_ =	shalt  }
0x7b: {  	_ =	shalt  }
0x7c: {  	_ =	shalt  }
0x7d: {  	_ =	shalt  }
0x7e: {  	_ =	shalt  }
0x7f: {  	_ =	shalt  }
0x80: {  	_ =	shalt  }
0x81: {  	_ =	shalt  }
0x82: {  	_ =	shalt  }
0x83: {  	_ =	shalt  }
0x84: {  	_ =	shalt  }
0x85: {  	_ =	shalt  }
0x86: {  	_ =	shalt  }
0x87: {  	_ =	shalt  }
.Lfunc_end0:
.L_simem_size_0:
called_computation.9_lowered:
.L_overlay_start_0:
0x88: {  	s2 =	sld [smem:$0x3FD9]  }
0x89: {  	s3 =	sld [smem:$0x3FFE];
	_ =	sdelay $0x1  }
0x8a: {  	s1 =	srdreg.scid  }
0x8b: {  	s0 =	sand.u32 $0x1, s1  }
0x8c: {  	s17 =	sshll.u32 s0, $0xA;
	s2 =	sadd.s32 s3, s2  }
0x8d: {  	s2 =	sadd.s32 s2, s17  }
0x8e: {  	[smem:$0x3FB0] =	sst s2  }
0x8f: {  	_ = 	snop  }
0x90: {  	(tm) =	ssettm $0x1  }
0x91: {  	s18 =	sld [smem:$0x3FFB];
	_ =	sdelay $0x3  }
0x92: {  	_ =	strace s18  }
0x93: {  	s2 =	sld [smem:$0x3FFC];
	_ =	sdelay $0x3  }
0x94: {  	_ =	strace s2  }
0x95: {  	s2 =	sld [smem:$0x3FFD];
	_ =	sdelay $0x3  }
0x96: {  	_ =	strace s2  }
0x97: {  	_ =	strace $0x8FFFFFFF  }
0x98: {  	s19 =	sld [smem:$0x3FDB];
	_ =	sdelay $0x1  }
0x99: {  	s20 =	simm.s32 $_scs_section_size  }
0x9a: {  	s4 =	simm.s32 $_size__tile_overlayer_lowered;
	s5 =	simm.s32 $_tile_overlayer_lowered  }
0x9b: {  	s6 =	simm.s32 $0x1BFF;
	s21 =	sshll.u32 s5, $0x1;
	s3 =	sadd.s32 s20, s19  }
0x9c: {  	s22 =	simm.s32 $0x0;
	s4 =	sshll.u32 s4, $0x1;
	s5 =	sadd.s32 s21, s3  }
0x9d: {  	[timem:s22], [sflag:s6] =	dma.local [hbm:s5], s4  }
0x9e: {  	_ =	swait.ge [sflag:s6], s4  }
0x9f: {  	s4 =	ssub.s32 $0x0, s4;
	[sflag:s6] =	ssyncset.done $0x0  }
0xa0: {  	[sflag:s6] =	ssyncadd.s32 s4;
	_ =	sdelay $0x1  }
0xa1: {  	s23 =	simm.s32 $0x1B8B  }
0xa2: {  	_ =	swait.ge [sflag:s23], $0x1  }
0xa3: {  	[sflag:s23] =	ssyncset.done $0x0  }
0xa4: {  	[sflag:s23] =	ssyncadd.s32 $0xFFFFFFFF  }
0xa5: {  	s4 =	sld [smem:$0x0]  }
0xa6: {  	s5 =	sand.u32 $0xFFFFFFFE, s1  }
0xa7: {  	p0 =	sne.s32 s1, s5  }
0xa8: {  	s5 =	sshll.u32 @p0 s5, $0xE  }
0xa9: {  	s5 =	sadd.s32 @p0 $0x11B8D, s5;
	s6 =	sshll.u32 @p0 s4, $0x11  }
0xaa: {  	s5 =	sor.u32 @p0 s6, s5  }
0xab: {  	[sflag:s5] =	ssyncadd.remote.s32 @p0 $0x1;
	_ =	sdelay $0x1  }
0xac: {  	s5 =	simm.s32 @p0 $0x1B8D  }
0xad: {  	_ =	swait.eq @p0 [sflag:s5], $0x1  }
0xae: {  	[sflag:s5] =	ssyncadd.s32 @p0 $0xFFFFFFFF  }
0xaf: {  	s6 =	sshll.u32 @!p0 s1, $0xE  }
0xb0: {  	s6 =	sor.u32 @!p0 $0x4000, s6;
	s5 =	simm.s32 @!p0 $0x1B8D  }
0xb1: {  	s4 =	sshll.u32 @!p0 s4, $0x11;
	s6 =	sadd.s32 @!p0 $0x11B8D, s6;
	_ =	swait.eq @!p0 [sflag:s5], $0x1  }
0xb2: {  	s4 =	sor.u32 @!p0 s4, s6;
	[sflag:s5] =	ssyncadd.s32 @!p0 $0xFFFFFFFF  }
0xb3: {  	s25 =	simm.s32 $0x1B8E;
	s24 =	sld [smem:$0x3FFE];
	[sflag:s4] =	ssyncadd.remote.s32 @!p0 $0x1  }
0xb4: {  	s26 =	simm.s32 $execute0_lowered;
	[smem:$0x3FD2] =	sst s25  }
0xb5: {  	s5 =	sshll.u32 s26, $0x1;
	_ =	strace $0x80000061;
	[dreg:$0x1] =	wrdreg $0xFFFFFFFF  }
0xb6: {  	s28 =	simm.s32 $_size_execute0_lowered;
	s3 =	sadd.s32 s3, s5;
	[dreg:$0x0] =	wrdreg $0x0  }
0xb7: {  	s5 =	sshll.u32 s28, $0x1;
	[dreg:$0x2] =	wrdreg s3  }
0xb8: {  	[dreg:$0x3] =	wrdreg s5  }
0xb9: {  	[dreg:$0x4] =	wrdreg $0xC0  }
0xba: {  	_ =	task [dreg:s22], $0x5FFFF  }
0xbb: {  	[dreg:$0x1] =	wrdreg $0xFFFFFFFF  }
0xbc: {  	[dreg:$0x0] =	wrdreg $0x60  }
0xbd: {  	[dreg:$0x2] =	wrdreg s24  }
0xbe: {  	[dreg:$0x3] =	wrdreg $0xCA000  }
0xbf: {  	[dreg:$0x4] =	wrdreg $0xA  }
0xc0: {  	_ =	task.clear_ibuf [dreg:s22], $0x5FFFF;
	_ =	strace $0x90000061  }
0xc1: {  	s29 =	simm.s32 $0xA;
	_ =	strace $0x80000063  }
0xc2: {  	_ =	swait.ge [sflag:s29], $0x1  }
0xc3: {  	[sflag:s29] =	ssyncadd.s32 $0xFFFFFFFF  }
0xc4: {  	_ =	strace $0x90000063  }
0xc5: {  	_ =	sfence  }
0xc6: {  	s30 =	sld [smem:$0x0];
	_ =	sdelay $0x2  }
0xc7: {  	s31 =	sshll.u32 s1, $0xD;
	s1 =	sshrl.u32 s1, $0x2  }
0xc8: {  	s4 =	sand.u32 $0x4000, s31;
	s1 =	sadd.s32 s1, s30  }
0xc9: {  	s0 =	sor.u32 s4, s0;
	s1 =	sshll.u32 s1, $0x11  }
0xca: {  	s0 =	sor.u32 s1, s0  }
0xcb: {  	s0 =	sadd.s32 $0x8F2B, s0  }
0xcc: {  	[sflag:s0] =	ssyncadd.remote.s32 $0x1  }
0xcd: {  	_ =	sfence.sel $0xFFFF  }
0xce: {  	[dreg:$0x0] =	wrdreg $0xFFFFFFFF;
	(pc) =	sbr.abs _section_cstart, $3  }
0xcf: {  	[dreg:$0x1] =	wrdreg $0xFFFFFFFF  }
0xd0: {  	_ =	task.clear_ibuf [dreg:s22], $0x2FFFF;
	_ =	strace $0x9FFFFFFF  }
0xd1: {  	(tm) =	ssettm $0x7FFFFFFF  }
tec
execute0_lowered:
.L_overlay_start_1:
0x0: {  	(tag) =	ssettag $0x1  }
0x1: {  	s0 =	rddreg [dreg:$0x0]  }
0x2: {  	s1 =	rddreg [dreg:$0x1];
	s2 =	simm.s32 $0x0;
	s4 =	stileid.u32  }
0x3: {  	s3 =	srdreg.scid;
	s28 =	simm.s32 $0x4;
	s6 =	smul.u32 $0x1380, s4  }
0x4: {  	s29 =	simm.s32 $0x0;
	[smem:$0x7FF] =	sst s2;
	s5 =	smul.u32 $0xFA0, s4  }
0x5: {  	s7 =	sand.u32 $0x1, s3;
	s8 =	sadd.s32 $0x40E000, s0;
	s31 =	smul.u32 $0xFA00, s4  }
0x6: {  	s3 =	sadd.s32 $0x3AC00, s0;
	s13 =	sadd.s32 $0x9A00, s0;
	s19 =	smul.u32 $0x27000, s4  }
0x7: {  	s23 =	sshll.u32 s4, $0x6;
	p0 =	sne.s32 s4, $0x0;
	s10 =	smul.u32 $0xFA00, s7  }
0x8: {  	_ =	strace $0x80000062;
	s9 =	ssub.s32 $0x2, s7;
	s24 =	smul.u32 $0x9C800, s7  }
0x9: {  	s7 =	smul.u32 $0x13900, s7;
	s11 =	sadd.s32 s6, s0;
	s12 =	sshrl.u32 s9, $0x1  }
0xa: {  	s14 =	sadd.s32 $0xC8, s5;
	s20 =	sadd.s32 s8, s31;
	s22 =	sshrl.u32 s19, $0x2  }
0xb: {  	s19 =	simm.s32 $0x200;
	s15 =	ssub.s32 s9, s12;
	s16 =	sadd.s32 s5, s10  }
0xc: {  	s18 =	sadd.s32 s10, s14;
	s21 =	sshll.u32 s14, $0x4;
	s25 =	sadd.s32 $0x6BE00, s11  }
0xd: {  	s10 =	sor.u32 $0x1C05, s23;
	s11 =	sadd.s32 $0x9C000, s1;
	s12 =	sadd.s32 $0x7F600, s0  }
0xe: {  	s26 =	sshrl.u32 s24, $0x3;
	s6 =	sadd.s32 s6, s7;
	s7 =	sadd.s32 $0x2580, s20  }
0xf: {  	s23 =	simm.s32 $0x1;
	s24 =	simm.s32 $0x3;
	s30 =	sshrl.u32 s16, $0x3  }
0x10: {  	s9 =	sshrl.u32 s18, $0x3;
	s8 =	sadd.s32 s8, s21;
	[dreg:$0x7] =	wrdreg s25  }
0x11: {  	s0 =	sadd.s32 s13, s26;
	s13 =	sadd.s32 s13, s6;
	s15 =	smax.u32 s15, $0x1  }
0x12: {  	s18 =	sadd.s32 $0x190, s16;
	s21 =	simm.s32 $0x6600;
	s25 =	simm.s32 $0xC8  }
0x13: {  	s26 =	simm.s32 $0x2;
	s17 =	sadd.s32 s3, s30;
	[dreg:$0x5] =	wrdreg s8  }
0x14: {  	s9 =	sadd.s32 s3, s9;
	s8 =	sadd.s32 s22, s1;
	[dreg:$0x3] =	wrdreg s17  }
0x15: {  	s30 =	sadd.s32 $0x258, s16;
	s14 =	sadd.s32 $0x13800, s0;
	[dreg:$0x4] =	wrdreg s9  }
0x16: {  	s22 =	simm.s32 $0x5;
	[dreg:$0x6] =	wrdreg s8;
	s31 =	sshrl.u32 s30, $0x3  }
0x17: {  	s9 =	smov.u32 s20;
	s20 =	simm.s32 $0x100;
	s17 =	sadd.s32 s31, s3  }
.LBB2_1:
0x18: {  	s0 =	rddreg [dreg:$0x3]  }
0x19: {  	s8 =	rddreg [dreg:$0x4]  }
0x1a: {  	[tilespmem:s2], [sflag:$0x1] =	stream.linear.gather [hbm4b:s0+s2], $0xC8, $0x38;
	[tilespmem:$0x16680] =	vst v63  }
0x1b: {  	s16 =	rddreg [dreg:$0x5]  }
0x1c: {  	[tilespmem:s19], [sflag:$0x3] =	stream.linear.gather [hbm4b:s9+s2], $0x6400, $0x38;
	[tilespmem:$0x16680] =	vst v63  }
0x1d: {  	s4 =	rddreg [dreg:$0x6]  }
0x1e: {  	[tilespmem:s20], [sflag:$0x2] =	stream.linear.gather [hbm4b:s8+s2], $0xC8, $0x38;
	[tilespmem:$0x16680] =	vst v63  }
0x1f: {  	s5 =	rddreg [dreg:$0x7];
	s30 =	sshrl.u32 s4, $0x3  }
0x20: {  	[tilespmem:s21], [sflag:$0x4] =	stream.linear.gather [hbm4b:s16+s2], $0x6400, $0x38;
	[tilespmem:$0x16680] =	vst v63  }
0x21: {  	[spmem:s30], [sflag:s10] =	dma.local [hbm:s5], $0x1380  }
0x22: {  	_ =	swait.ge [sflag:s22], $0x1380  }
0x23: {  	[sflag:s22] =	ssyncset.done $0x0  }
0x24: {  	s31 =	sshrl.u32 @!p0 s11, $0x3;
	s0 =	simm.s32 @!p0 $0x5;
	[sflag:s22] =	ssyncadd.s32 $0xFFFFEC80  }
0x25: {  	[spmem:s31], [sflag:s10] =	dma.local @!p0 [hbm:s12], $0x100  }
0x26: {  	_ =	swait.ge @!p0 [sflag:s0], $0x100  }
0x27: {  	[sflag:s0] =	ssyncset.done @!p0 $0x0  }
0x28: {  	[sflag:s0] =	ssyncadd.s32 @!p0 $0xFFFFFF00  }
0x29: {  	[bflag:$0x0] =	sbarrier.arrive $0xFFFF  }
0x2a: {  	_ =	swait.ge [sflag:s23], $0xC8  }
0x2b: {  	[sflag:s23] =	ssyncset.done $0x0  }
0x2c: {  	[sflag:s23] =	ssyncadd.s32 $0xFFFFFF38  }
0x2d: {  	_ =	swait.ge [sflag:s24], $0x6400  }
0x2e: {  	[sflag:s24] =	ssyncset.done $0x0  }
0x2f: {  	[sflag:s24] =	ssyncadd.s32 $0xFFFF9C00  }
0x30: {  	[spmem:s1] =	stream.indirect.scatter.add.f32 [tilespmem:s19], [sflag:$0x5], $0x80, s2, s25, $0xb8;
	[tilespmem:$0x16680] =	vst v63  }
0x31: {  	_ =	swait.ge [sflag:s22], $0x6400  }
0x32: {  	s6 =	sshrl.u32 s18, $0x3;
	[sflag:s22] =	ssyncset.done $0x0  }
0x33: {  	s0 =	sadd.s32 s3, s6;
	[sflag:s22] =	ssyncadd.s32 $0xFFFF9C00  }
0x34: {  	[tilespmem:s2], [sflag:$0x1] =	stream.linear.gather [hbm4b:s0+s2], $0xC8, $0x38;
	[tilespmem:$0x16680] =	vst v63  }
0x35: {  	s8 =	sadd.s32 $0xFFFFF380, s7  }
0x36: {  	[tilespmem:s19], [sflag:$0x3] =	stream.linear.gather [hbm4b:s8+s2], $0x6400, $0x38;
	[tilespmem:$0x16680] =	vst v63  }
0x37: {  	_ =	swait.ge [sflag:s26], $0xC8  }
0x38: {  	[sflag:s26] =	ssyncset.done $0x0  }
0x39: {  	[sflag:s26] =	ssyncadd.s32 $0xFFFFFF38  }
0x3a: {  	_ =	swait.ge [sflag:s28], $0x6400  }
0x3b: {  	[sflag:s28] =	ssyncset.done $0x0  }
0x3c: {  	[sflag:s28] =	ssyncadd.s32 $0xFFFF9C00  }
0x3d: {  	[spmem:s1] =	stream.indirect.scatter.add.f32 [tilespmem:s21], [sflag:$0x5], $0x80, s20, s25, $0xb8;
	[tilespmem:$0x16680] =	vst v63  }
0x3e: {  	_ =	swait.ge [sflag:s22], $0x6400  }
0x3f: {  	[sflag:s22] =	ssyncset.done $0x0  }
0x40: {  	s4 =	sadd.s32 $0x1900, s7;
	s16 =	sadd.s32 $0x0, s17;
	[sflag:s22] =	ssyncadd.s32 $0xFFFF9C00  }
0x41: {  	[tilespmem:s20], [sflag:$0x2] =	stream.linear.gather [hbm4b:s16+s2], $0xC8, $0x38;
	[tilespmem:$0x16680] =	vst v63  }
0x42: {  	s6 =	sadd.s32 $0x190, s18;
	s0 =	simm.s32 $0x32;
	s16 =	smov.u32 s7  }
.LBB2_2:
0x43: {  	[tilespmem:s21], [sflag:$0x4] =	stream.linear.gather [hbm4b:s16+s2], $0x6400, $0x38;
	[tilespmem:$0x16680] =	vst v63  }
0x44: {  	s8 =	smov.u32 s0;
	s16 =	smov.u32 s4  }
0x45: {  	p1 =	sne.s32 s0, $0x190;
	s0 =	sadd.s32 $0x32, s0;
	_ =	swait.ge [sflag:s23], $0xC8  }
0x46: {  	[sflag:s23] =	ssyncset.done $0x0  }
0x47: {  	[sflag:s23] =	ssyncadd.s32 $0xFFFFFF38  }
0x48: {  	_ =	swait.ge [sflag:s24], $0x6400  }
0x49: {  	[sflag:s24] =	ssyncset.done $0x0  }
0x4a: {  	[sflag:s24] =	ssyncadd.s32 $0xFFFF9C00  }
0x4b: {  	[spmem:s1] =	stream.indirect.scatter.add.f32 [tilespmem:s19], [sflag:$0x5], $0x80, s2, s25, $0xb8;
	[tilespmem:$0x16680] =	vst v63  }
0x4c: {  	_ =	swait.ge [sflag:s22], $0x6400  }
0x4d: {  	s5 =	sshrl.u32 s6, $0x3;
	[sflag:s22] =	ssyncset.done $0x0  }
0x4e: {  	s5 =	sadd.s32 s3, s5;
	[sflag:s22] =	ssyncadd.s32 $0xFFFF9C00  }
0x4f: {  	[tilespmem:s2], [sflag:$0x1] =	stream.linear.gather [hbm4b:s5+s2], $0xC8, $0x38;
	[tilespmem:$0x16680] =	vst v63  }
0x50: {  	s5 =	sadd.s32 $0xFFFFF380, s4  }
0x51: {  	[tilespmem:s19], [sflag:$0x3] =	stream.linear.gather [hbm4b:s5+s2], $0x6400, $0x38;
	[tilespmem:$0x16680] =	vst v63  }
0x52: {  	_ =	swait.ge [sflag:s26], $0xC8  }
0x53: {  	[sflag:s26] =	ssyncset.done $0x0  }
0x54: {  	[sflag:s26] =	ssyncadd.s32 $0xFFFFFF38  }
0x55: {  	_ =	swait.ge [sflag:s28], $0x6400  }
0x56: {  	[sflag:s28] =	ssyncset.done $0x0  }
0x57: {  	[sflag:s28] =	ssyncadd.s32 $0xFFFF9C00  }
0x58: {  	[spmem:s1] =	stream.indirect.scatter.add.f32 [tilespmem:s21], [sflag:$0x5], $0x80, s20, s25, $0xb8;
	[tilespmem:$0x16680] =	vst v63  }
.Ltmp0:
0x59: {  	_ =	swait.ge [sflag:s22], $0x6400;
	(pc) =	sbr.rel @p1 .LBB2_2-.Ltmp0, $4  }
0x5a: {  	[sflag:s22] =	ssyncset.done $0x0  }
0x5b: {  	s5 =	sadd.s32 s8, s17;
	[sflag:s22] =	ssyncadd.s32 $0xFFFF9C00  }
0x5c: {  	[tilespmem:s20], [sflag:$0x2] =	stream.linear.gather [hbm4b:s5+s2], $0xC8, $0x38;
	[tilespmem:$0x16680] =	vst v63  }
0x5d: {  	s6 =	sadd.s32 $0x190, s6;
	s4 =	sadd.s32 $0x1900, s4  }
0x5e: {  	[tilespmem:s21], [sflag:$0x4] =	stream.linear.gather [hbm4b:s16+s2], $0x6400, $0x38;
	[tilespmem:$0x16680] =	vst v63  }
0x5f: {  	_ =	swait.ge [sflag:s23], $0xC8  }
0x60: {  	[sflag:s23] =	ssyncset.done $0x0  }
0x61: {  	[sflag:s23] =	ssyncadd.s32 $0xFFFFFF38  }
0x62: {  	_ =	swait.ge [sflag:s24], $0x6400  }
0x63: {  	[sflag:s24] =	ssyncset.done $0x0  }
0x64: {  	[sflag:s24] =	ssyncadd.s32 $0xFFFF9C00  }
0x65: {  	[spmem:s1] =	stream.indirect.scatter.add.f32 [tilespmem:s19], [sflag:$0x5], $0x80, s2, s25, $0xb8;
	[tilespmem:$0x16680] =	vst v63  }
0x66: {  	_ =	swait.ge [sflag:s22], $0x6400  }
0x67: {  	[sflag:s22] =	ssyncset.done $0x0  }
0x68: {  	[sflag:s22] =	ssyncadd.s32 $0xFFFF9C00  }
0x69: {  	_ =	swait.ge [sflag:s26], $0xC8  }
0x6a: {  	[sflag:s26] =	ssyncset.done $0x0  }
0x6b: {  	[sflag:s26] =	ssyncadd.s32 $0xFFFFFF38  }
0x6c: {  	_ =	swait.ge [sflag:s28], $0x6400  }
0x6d: {  	[sflag:s28] =	ssyncset.done $0x0  }
0x6e: {  	[sflag:s28] =	ssyncadd.s32 $0xFFFF9C00  }
0x6f: {  	[spmem:s1] =	stream.indirect.scatter.add.f32 [tilespmem:s21], [sflag:$0x5], $0x80, s20, s25, $0xb8;
	[tilespmem:$0x16680] =	vst v63  }
0x70: {  	_ =	swait.ge [sflag:s22], $0x6400  }
0x71: {  	[sflag:s22] =	ssyncset.done $0x0  }
0x72: {  	[sflag:s22] =	ssyncadd.s32 $0xFFFF9C00  }
0x73: {  	[bflag:$0x0] =	sbarrier.arrive $0xFFFF  }
0x74: {  	[hbm:s13], [sflag:s10] =	dma.local [spmem:s30], $0x1380  }
0x75: {  	s29 =	sadd.s32 $0x1, s29;
	_ =	swait.ge [sflag:s22], $0x1380  }
0x76: {  	p1 =	sne.s32 s29, s15;
	[sflag:s22] =	ssyncset.done $0x0  }
.Ltmp1:
0x77: {  	s0 =	simm.s32 @!p0 $0x5;
	[sflag:s22] =	ssyncadd.s32 $0xFFFFEC80;
	(pc) =	sbr.rel @p1 .LBB2_1-.Ltmp1, $4  }
0x78: {  	[hbm:s14], [sflag:s10] =	dma.local @!p0 [spmem:s31], $0x100  }
0x79: {  	_ =	swait.ge @!p0 [sflag:s0], $0x100  }
0x7a: {  	[sflag:s0] =	ssyncset.done @!p0 $0x0  }
0x7b: {  	[sflag:s0] =	ssyncadd.s32 @!p0 $0xFFFFFF00  }
0x7c: {  	_ =	sfence.sel $0x180000  }
0x7d: {  	[bflag:$0x0] =	sbarrier.arrive $0xFFFF  }
0x7e: {  	_ =	strace $0x90000062  }
0x7f: {  	[bflag:$0x2] =	sbarrier.arrive $0xFFFF  }
0x80: {  	s0 =	rddreg [dreg:$0x2]  }
0x81: {  	s0 =	sadd.s32 @!p0 $0x100000, s0  }
0x82: {  	[sflag:s0] =	ssyncadd.tile.s32 @!p0 $0x1;
	_ =	shalt  }
.Lfunc_end2:
_tile_overlayer_lowered:
.L_overlay_start_2:
0x83: {  	(tag) =	ssettag $0x2  }
0x84: {  	s0 =	rddreg [dreg:$0x0];
	s2 =	stileid.u32  }
0x85: {  	s1 =	rddreg [dreg:$0x1];
	p0 =	sne.s32 s2, $0x0  }
0x86: {  	s3 =	rddreg [dreg:$0x2];
	[bflag:$0x3] =	sbarrier.arrive $0xFFFF;
	s2 =	simm.s32 @!p0 $0x1C05  }
0x87: {  	[timem:s3], [sflag:s2] =	dma.local @!p0 [hbm:s0], s1  }
0x88: {  	s0 =	simm.s32 @!p0 $0x5  }
0x89: {  	_ =	swait.ge @!p0 [sflag:s0], s1  }
0x8a: {  	s1 =	ssub.s32 @!p0 $0x0, s1;
	[sflag:s0] =	ssyncset.done @!p0 $0x0  }
0x8b: {  	[sflag:s0] =	ssyncadd.s32 @!p0 s1  }
0x8c: {  	[bflag:$0x3] =	sbarrier.arrive $0xFFFF  }
0x8d: {  	_ =	shalt  }

</sc_bundles>
